<compile_context>
chip_gen: v7x
topology: tpu7x:2x2x1
jax: 0.10.2.dev20260603
libtpu: 0.0.44.dev20260713+nightly
codegen_flags: <defaults>
</compile_context>

<pallas_src>
import functools

import jax
import jax.numpy as jnp
from jax import lax
from jax.experimental import pallas as pl
from jax.experimental.pallas import tpu as pltpu
from jax.experimental.pallas import tpu_sc as plsc

N = 10000
E = 320000
F = 128
H = 256
NG = 64
AD = 32

NC = 2
NS = 16
NW = NC * NS
K = 128
NB = 80
NBH = NB // 2
EPWP = NB * K
PADW = EPWP - E // NW
NPAD = 10240
ZDEG = NPAD // NS
RPS = NPAD // NS
RB = 1000
NSTEP = N // RB

_mesh = plsc.VectorSubcoreMesh(core_axis_name="c", subcore_axis_name="s")


@functools.partial(
    pl.kernel,
    out_type=jax.ShapeDtypeStruct((NC, NPAD), jnp.float32),
    mesh=_mesh,
    scratch_types=[
        pltpu.VMEM((NB, K), jnp.int32),
        pltpu.VMEM((128,), jnp.float32),
        pltpu.VMEM((ZDEG,), jnp.float32),
        pltpu.VMEM_SHARED((NPAD,), jnp.float32),
    ],
)
def _deg_kernel(dst_hbm, out_hbm, idx_v, ones_v, zb_v, acc_sh):
    c = lax.axis_index("c")
    s = lax.axis_index("s")
    w = c * NS + s
    for i in range(8):
        ones_v[pl.ds(i * 16, 16)] = jnp.ones((16,), jnp.float32)
    for i in range(ZDEG // 16):
        zb_v[pl.ds(i * 16, 16)] = jnp.zeros((16,), jnp.float32)
    pltpu.sync_copy(dst_hbm.at[w], idx_v)
    pltpu.sync_copy(zb_v, acc_sh.at[pl.ds(s * ZDEG, ZDEG)])
    plsc.subcore_barrier()

    def body(j, carry):
        pltpu.sync_copy(ones_v, acc_sh.at[idx_v.at[j]], add=True)
        return carry

    lax.fori_loop(0, NB, body, 0)
    plsc.subcore_barrier()
    pltpu.sync_copy(acc_sh.at[pl.ds(s * ZDEG, ZDEG)],
                    out_hbm.at[c, pl.ds(s * ZDEG, ZDEG)])


def _make_spmv(ch_count):
    @functools.partial(
        pl.kernel,
        out_type=jax.ShapeDtypeStruct((ch_count, NC, NPAD, F), jnp.float32),
        mesh=_mesh,
        scratch_types=[
            pltpu.VMEM((NBH, K), jnp.int32),
            pltpu.VMEM((NBH, K), jnp.int32),
            pltpu.VMEM((2, K, F), jnp.float32),
            pltpu.VMEM_SHARED((NPAD, F), jnp.float32),
            pltpu.SemaphoreType.DMA,
            pltpu.SemaphoreType.DMA,
        ],
    )
    def _spmv(table_hbm, src_hbm, dst_hbm, zeros_hbm, out_hbm,
              src_v, dst_v, rows_v, acc_sh, sem0, sem1):
        c = lax.axis_index("c")
        s = lax.axis_index("s")
        w = c * NS + s
        sems = (sem0, sem1)

        for ch in range(ch_count):
            tab = table_hbm.at[ch]

            def gather(j, b):
                return pltpu.make_async_copy(tab.at[src_v.at[j]],
                                             rows_v.at[b], sems[b])

            pltpu.sync_copy(zeros_hbm.at[pl.ds(s * RPS, RPS)],
                            acc_sh.at[pl.ds(s * RPS, RPS)])
            plsc.subcore_barrier()

            for half in range(2):
                pltpu.sync_copy(src_hbm.at[w, pl.ds(half * NBH, NBH)], src_v)
                pltpu.sync_copy(dst_hbm.at[w, pl.ds(half * NBH, NBH)], dst_v)
                gather(0, 0).start()
                gather(1, 1).start()

                def body(i, carry):
                    j0 = 2 * i
                    gather(j0, 0).wait()
                    pltpu.sync_copy(rows_v.at[0], acc_sh.at[dst_v.at[j0]],
                                    add=True)

                    @pl.when(j0 + 2 < NBH)
                    def _():
                        gather(j0 + 2, 0).start()

                    gather(j0 + 1, 1).wait()
                    pltpu.sync_copy(rows_v.at[1], acc_sh.at[dst_v.at[j0 + 1]],
                                    add=True)

                    @pl.when(j0 + 3 < NBH)
                    def _():
                        gather(j0 + 3, 1).start()

                    return carry

                lax.fori_loop(0, NBH // 2, body, 0)
            plsc.subcore_barrier()
            pltpu.sync_copy(acc_sh.at[pl.ds(s * RPS, RPS)],
                            out_hbm.at[ch, c, pl.ds(s * RPS, RPS)])

    return _spmv


_spmv1 = _make_spmv(1)
_spmv4 = _make_spmv(4)


def _prescale_body(deg_ref, x_ref, xs_ref, dinv_ref):
    deg = deg_ref[0] + deg_ref[1] + 1.0
    dinv = lax.rsqrt(deg)
    dinv_ref[...] = dinv
    xs_ref[...] = x_ref[...] * dinv[:N]


_prescale = pl.pallas_call(
    _prescale_body,
    out_shape=(
        jax.ShapeDtypeStruct((N, F), jnp.float32),
        jax.ShapeDtypeStruct((NPAD, 1), jnp.float32),
    ),
)


def _layer1_body(dinv_ref, u_ref, xs_ref, w1a_ref, b1a_ref, w2a_ref, b2a_ref,
                 ct_ref):
    dinv = dinv_ref[...]
    y = (u_ref[0] + u_ref[1] + xs_ref[...]) * dinv
    h1 = jnp.maximum(
        jnp.dot(y, w1a_ref[...], preferred_element_type=jnp.float32)
        + b1a_ref[...], 0.0) * dinv
    h2 = jnp.maximum(
        jnp.dot(y, w2a_ref[...], preferred_element_type=jnp.float32)
        + b2a_ref[...], 0.0) * dinv
    ct_ref[0] = h1[:, :F]
    ct_ref[1] = h1[:, F:]
    ct_ref[2] = h2[:, :F]
    ct_ref[3] = h2[:, F:]


_layer1 = pl.pallas_call(
    _layer1_body,
    grid=(NSTEP,),
    in_specs=[
        pl.BlockSpec((RB, 1), lambda i: (i, 0)),
        pl.BlockSpec((NC, RB, F), lambda i: (0, i, 0)),
        pl.BlockSpec((RB, F), lambda i: (i, 0)),
        pl.BlockSpec((F, H), lambda i: (0, 0)),
        pl.BlockSpec((1, H), lambda i: (0, 0)),
        pl.BlockSpec((F, H), lambda i: (0, 0)),
        pl.BlockSpec((1, H), lambda i: (0, 0)),
    ],
    out_specs=pl.BlockSpec((4, RB, F), lambda i: (0, i, 0)),
    out_shape=jax.ShapeDtypeStruct((4, N, F), jnp.float32),
)


def _heads_body(dinv_ref, v_ref, ct_ref, batch_ref, action_ref,
                w1b_ref, b1b_ref, fw1_ref, fb1_ref,
                w2b_ref, b2b_ref, fw2_ref, fb2_ref,
                q1_ref, q2_ref, g1_acc, g2_acc, cnt_acc):
    i = pl.program_id(0)
    dinv = dinv_ref[...]
    pm = (batch_ref[...] == lax.broadcasted_iota(jnp.int32, (1, NG), 1)
          ).astype(jnp.float32)

    def z_head(v_a, v_b, ct_a, ct_b, w_ref, b_ref):
        v = jnp.concatenate([v_a[0] + v_a[1], v_b[0] + v_b[1]], axis=1)
        cc = jnp.concatenate([ct_a, ct_b], axis=1)
        y2 = (v + cc) * dinv
        return jnp.maximum(
            jnp.dot(y2, w_ref[...], preferred_element_type=jnp.float32)
            + b_ref[...], 0.0)

    z1 = z_head(v_ref[0], v_ref[1], ct_ref[0], ct_ref[1], w1b_ref, b1b_ref)
    z2 = z_head(v_ref[2], v_ref[3], ct_ref[2], ct_ref[3], w2b_ref, b2b_ref)

    dn = (((0,), (0,)), ((), ()))
    g1 = lax.dot_general(pm, z1, dn, preferred_element_type=jnp.float32)
    g2 = lax.dot_general(pm, z2, dn, preferred_element_type=jnp.float32)
    cnt = lax.dot_general(pm, jnp.ones((RB, 1), jnp.float32), dn,
                          preferred_element_type=jnp.float32)

    @pl.when(i == 0)
    def _init():
        g1_acc[...] = jnp.zeros_like(g1_acc)
        g2_acc[...] = jnp.zeros_like(g2_acc)
        cnt_acc[...] = jnp.zeros_like(cnt_acc)

    g1_acc[...] += g1
    g2_acc[...] += g2
    cnt_acc[...] += cnt

    @pl.when(i == NSTEP - 1)
    def _fin():
        inv_cnt = 1.0 / jnp.maximum(cnt_acc[...], 1.0)
        g1m = g1_acc[...] * inv_cnt
        g2m = g2_acc[...] * inv_cnt
        act = action_ref[...]
        q1_ref[...] = (jnp.dot(g1m, fw1_ref[:H, :],
                               preferred_element_type=jnp.float32)
                       + jnp.dot(act, fw1_ref[H:, :],
                                 preferred_element_type=jnp.float32)
                       + fb1_ref[...])
        q2_ref[...] = (jnp.dot(g2m, fw2_ref[:H, :],
                               preferred_element_type=jnp.float32)
                       + jnp.dot(act, fw2_ref[H:, :],
                                 preferred_element_type=jnp.float32)
                       + fb2_ref[...])


_heads = pl.pallas_call(
    _heads_body,
    grid=(NSTEP,),
    in_specs=[
        pl.BlockSpec((RB, 1), lambda i: (i, 0)),
        pl.BlockSpec((4, NC, RB, F), lambda i: (0, 0, i, 0)),
        pl.BlockSpec((4, RB, F), lambda i: (0, i, 0)),
        pl.BlockSpec((RB, 1), lambda i: (i, 0)),
        pl.BlockSpec((NG, AD), lambda i: (0, 0)),
        pl.BlockSpec((H, H), lambda i: (0, 0)),
        pl.BlockSpec((1, H), lambda i: (0, 0)),
        pl.BlockSpec((H + AD, 1), lambda i: (0, 0)),
        pl.BlockSpec((1, 1), lambda i: (0, 0)),
        pl.BlockSpec((H, H), lambda i: (0, 0)),
        pl.BlockSpec((1, H), lambda i: (0, 0)),
        pl.BlockSpec((H + AD, 1), lambda i: (0, 0)),
        pl.BlockSpec((1, 1), lambda i: (0, 0)),
    ],
    out_specs=(
        pl.BlockSpec((NG, 1), lambda i: (0, 0)),
        pl.BlockSpec((NG, 1), lambda i: (0, 0)),
    ),
    out_shape=(
        jax.ShapeDtypeStruct((NG, 1), jnp.float32),
        jax.ShapeDtypeStruct((NG, 1), jnp.float32),
    ),
    scratch_shapes=[
        pltpu.VMEM((NG, H), jnp.float32),
        pltpu.VMEM((NG, H), jnp.float32),
        pltpu.VMEM((NG, 1), jnp.float32),
    ],
)


def kernel(x, edge_index, batch, action, W1a, b1a, W1b, b1b, fcW1, fcb1,
           W2a, b2a, W2b, b2b, fcW2, fcb2):
    pad_src = jnp.broadcast_to(
        (jnp.arange(PADW, dtype=jnp.int32) * 41) % N, (NW, PADW))
    pad_dst = jnp.broadcast_to(
        N + jnp.arange(PADW, dtype=jnp.int32) % (NPAD - N), (NW, PADW))
    src = jnp.concatenate(
        [edge_index[0].astype(jnp.int32).reshape(NW, E // NW), pad_src],
        axis=1).reshape(NW, NB, K)
    dst = jnp.concatenate(
        [edge_index[1].astype(jnp.int32).reshape(NW, E // NW), pad_dst],
        axis=1).reshape(NW, NB, K)
    batch_col = batch.astype(jnp.int32).reshape(N, 1)
    zeros = jnp.zeros((NPAD, F), jnp.float32)

    deg2 = _deg_kernel(dst)
    xs, dinv = _prescale(deg2.reshape(NC, NPAD, 1), x)
    u = _spmv1(xs.reshape(1, N, F), src, dst, zeros)
    ct = _layer1(dinv, u[0], xs, W1a, b1a.reshape(1, H),
                 W2a, b2a.reshape(1, H))
    v = _spmv4(ct, src, dst, zeros)
    q1, q2 = _heads(dinv, v, ct, batch_col, action,
                    W1b, b1b.reshape(1, H), fcW1, fcb1.reshape(1, 1),
                    W2b, b2b.reshape(1, H), fcW2, fcb2.reshape(1, 1))
    return (q1, q2)

# --- scband reference (transcript-rebuilt; emitter-appended) ---
"""Pipeline reference for scband-gnncritic-7301444403653 (READ-ONLY COPY).

The authoritative reference and input builder live on the scoring server;
editing this copy changes nothing except your own understanding.
"""

import jax, jax.numpy as jnp
import numpy as np

N_NODES = 10000
N_EDGES = 320000
NODE_FEAT_DIM = 128
HIDDEN_DIM = 256
ACTION_DIM = 32
NUM_GRAPHS = 64


def setup_inputs(seed: int = 0) -> dict:
    key = jax.random.key(seed)
    ks = jax.random.split(key, 20)
    x = jax.random.normal(ks[0], (N_NODES, NODE_FEAT_DIM), dtype=jnp.float32)
    edge_index = jax.random.randint(ks[1], (2, N_EDGES), 0, N_NODES, dtype=jnp.int64)
    batch = jnp.sort(jax.random.randint(ks[2], (N_NODES,), 0, NUM_GRAPHS, dtype=jnp.int64))
    action = jax.random.normal(ks[3], (NUM_GRAPHS, ACTION_DIM), dtype=jnp.float32)
    def glorot(k, shape):
        fan_in, fan_out = shape[0], shape[1]
        scale = jnp.sqrt(6.0 / (fan_in + fan_out))
        return jax.random.uniform(k, shape, jnp.float32, -scale, scale)
    params = {
        'W1a': glorot(ks[4], (NODE_FEAT_DIM, HIDDEN_DIM)), 'b1a': jnp.zeros((HIDDEN_DIM,), jnp.float32),
        'W1b': glorot(ks[5], (HIDDEN_DIM, HIDDEN_DIM)),    'b1b': jnp.zeros((HIDDEN_DIM,), jnp.float32),
        'fcW1': glorot(ks[6], (HIDDEN_DIM + ACTION_DIM, 1)), 'fcb1': jnp.zeros((1,), jnp.float32),
        'W2a': glorot(ks[7], (NODE_FEAT_DIM, HIDDEN_DIM)), 'b2a': jnp.zeros((HIDDEN_DIM,), jnp.float32),
        'W2b': glorot(ks[8], (HIDDEN_DIM, HIDDEN_DIM)),    'b2b': jnp.zeros((HIDDEN_DIM,), jnp.float32),
        'fcW2': glorot(ks[9], (HIDDEN_DIM + ACTION_DIM, 1)), 'fcb2': jnp.zeros((1,), jnp.float32),
    }
    out = {'x': x, 'edge_index': edge_index, 'batch': batch, 'action': action}
    out.update(params)
    return out


def _gcn_conv(x, edge_index, W, b):
    # PyG GCNConv: add self-loops, symmetric normalization D^-1/2 A D^-1/2, then X W + b
    n = x.shape[0]
    loop = jnp.arange(n, dtype=edge_index.dtype)
    src = jnp.concatenate([edge_index[0], loop])
    dst = jnp.concatenate([edge_index[1], loop])
    deg = jax.ops.segment_sum(jnp.ones_like(dst, dtype=jnp.float32), dst, num_segments=n)
    deg_inv_sqrt = jnp.where(deg > 0, deg ** -0.5, 0.0)
    norm = deg_inv_sqrt[src] * deg_inv_sqrt[dst]
    h = x @ W
    msg = h[src] * norm[:, None]
    out = jax.ops.segment_sum(msg, dst, num_segments=n)
    return out + b


def _global_mean_pool(x, batch, num_graphs):
    sums = jax.ops.segment_sum(x, batch, num_segments=num_graphs)
    cnt = jax.ops.segment_sum(jnp.ones((x.shape[0],), jnp.float32), batch, num_segments=num_graphs)
    return sums / jnp.clip(cnt, 1.0)[:, None]


def reference(x, edge_index, batch, action, W1a, b1a, W1b, b1b, fcW1, fcb1, W2a, b2a, W2b, b2b, fcW2, fcb2):
    num_graphs = action.shape[0]
    # Q1 head
    x1 = jax.nn.relu(_gcn_conv(x, edge_index, W1a, b1a))
    x1 = jax.nn.relu(_gcn_conv(x1, edge_index, W1b, b1b))
    g1 = _global_mean_pool(x1, batch, num_graphs)
    q1 = jnp.concatenate([g1, action], axis=-1) @ fcW1 + fcb1
    # Q2 head
    x2 = jax.nn.relu(_gcn_conv(x, edge_index, W2a, b2a))
    x2 = jax.nn.relu(_gcn_conv(x2, edge_index, W2b, b2b))
    g2 = _global_mean_pool(x2, batch, num_graphs)
    q2 = jnp.concatenate([g2, action], axis=-1) @ fcW2 + fcb2
    return (q1, q2)

if __name__ == "__main__":
    import jax
    _d = setup_inputs()
    print(jax.jit(kernel)(*tuple(_d.values())))

</pallas_src>

<mosaic_0001>
#map = affine_map<(d0, d1) -> (0, 0, 0)>
#map1 = affine_map<(d0, d1) -> (0, 0)>
#map2 = affine_map<(d0, d1) -> (0, 0, 0, 0)>
module attributes {stable_mosaic.version = 14 : i64} {
  func.func @_spmv(%arg0: i32, %arg1: i32, %arg2: memref<4x10000x128xf32, #tpu.memory_space<hbm>>, %arg3: memref<32x80x128xi32, #tpu.memory_space<hbm>>, %arg4: memref<32x80x128xi32, #tpu.memory_space<hbm>>, %arg5: memref<10240x128xf32, #tpu.memory_space<hbm>>, %arg6: memref<4x2x10240x128xf32, #tpu.memory_space<hbm>>, %arg7: memref<40x128xi32, #tpu.memory_space<vmem>>, %arg8: memref<40x128xi32, #tpu.memory_space<vmem>>, %arg9: memref<2x128x128xf32, #tpu.memory_space<vmem>>, %arg10: memref<10240x128xf32, #tpu.memory_space<vmem_shared>>, %arg11: memref<!tpu.dma_semaphore, #tpu.memory_space<semaphore_mem>>, %arg12: memref<!tpu.dma_semaphore, #tpu.memory_space<semaphore_mem>>) attributes {dimension_semantics = [#tpu.dimension_semantics<core_parallel>, #tpu.dimension_semantics<subcore_parallel>], iteration_bounds = array<i64: 2, 16>, scalar_prefetch = 0 : i64, scratch_operands = 6 : i64, tpu.core_type = #tpu.core_type<sc_vector_subcore>, window_params = [{transform_indices = #map}, {transform_indices = #map}, {transform_indices = #map}, {transform_indices = #map1}, {transform_indices = #map2}]} {
    %mul3A = arith.constant 16 : i32
    %mul3A_0 = arith.muli %arg0, %mul3A : i32
    %add3A = arith.addi %mul3A_0, %arg1 : i32
    %mul3A_1 = arith.constant 640 : i32
    %mul3A_2 = arith.muli %arg1, %mul3A_1 : i32
    %mul3A_3 = arith.constant 640 : i32
    %mul3A_4 = arith.muli %arg1, %mul3A_3 : i32
    "tpu.region"() ({
      %run_scoped3A_369 = tpu.sem_alloc : memref<!tpu.dma_semaphore, #tpu.memory_space<semaphore_mem>>
      %dma_start3A_370 = arith.constant 0 : i32
      %dma_start3A_371 = tpu.memref_slice %arg10[%mul3A_4, %dma_start3A_370] : memref<10240x128xf32, #tpu.memory_space<vmem_shared>> -> memref<640x128xf32, #tpu.memory_space<vmem_shared>>
      %dma_start3A_372 = arith.constant 0 : i32
      %dma_start3A_373 = tpu.memref_slice %arg5[%mul3A_2, %dma_start3A_372] : memref<10240x128xf32, #tpu.memory_space<hbm>> -> memref<640x128xf32, #tpu.memory_space<hbm>>
      tpu.enqueue_dma source(%dma_start3A_373 : memref<640x128xf32, #tpu.memory_space<hbm>>) target(%dma_start3A_371 : memref<640x128xf32, #tpu.memory_space<vmem_shared>>) target_semaphore(%run_scoped3A_369 : memref<!tpu.dma_semaphore, #tpu.memory_space<semaphore_mem>>)
      %dma_wait3A = arith.constant 0 : i32
      %dma_wait3A_374 = tpu.memref_slice %arg10[%mul3A_4, %dma_wait3A] : memref<10240x128xf32, #tpu.memory_space<vmem_shared>> -> memref<640x128xf32, #tpu.memory_space<vmem_shared>>
      %dma_wait3A_375 = arith.constant 0 : i32
      %dma_wait3A_376 = tpu.memref_slice %arg5[%mul3A_2, %dma_wait3A_375] : memref<10240x128xf32, #tpu.memory_space<hbm>> -> memref<640x128xf32, #tpu.memory_space<hbm>>
      tpu.wait_dma2 semaphore(%run_scoped3A_369 : memref<!tpu.dma_semaphore, #tpu.memory_space<semaphore_mem>>) src(%dma_wait3A_376 : memref<640x128xf32, #tpu.memory_space<hbm>>) dst(%dma_wait3A_374 : memref<640x128xf32, #tpu.memory_space<vmem_shared>>)
      tpu.yield
    }) : () -> ()
    %barrier3A = arith.constant 0 : index
    tpu.barrier barrier_id(%barrier3A)
    "tpu.region"() ({
      %run_scoped3A_369 = tpu.sem_alloc : memref<!tpu.dma_semaphore, #tpu.memory_space<semaphore_mem>>
      %dma_start3A_370 = arith.constant 0 : i32
      %dma_start3A_371 = arith.constant 0 : i32
      %dma_start3A_372 = tpu.memref_slice %arg3[%add3A, %dma_start3A_370, %dma_start3A_371] : memref<32x80x128xi32, #tpu.memory_space<hbm>> -> memref<1x40x128xi32, #tpu.memory_space<hbm>>
      %dma_start3A_373 = tpu.memref_squeeze %dma_start3A_372 : memref<1x40x128xi32, #tpu.memory_space<hbm>> -> memref<40x128xi32, #tpu.memory_space<hbm>>
      %dma_start3A_374 = arith.constant 0 : i32
      %dma_start3A_375 = arith.constant 0 : i32
      %dma_start3A_376 = tpu.memref_slice %arg3[%add3A, %dma_start3A_374, %dma_start3A_375] : memref<32x80x128xi32, #tpu.memory_space<hbm>> -> memref<1x40x128xi32, #tpu.memory_space<hbm>>
      %dma_start3A_377 = tpu.memref_squeeze %dma_start3A_376 : memref<1x40x128xi32, #tpu.memory_space<hbm>> -> memref<40x128xi32, #tpu.memory_space<hbm>>
      tpu.enqueue_dma source(%dma_start3A_377 : memref<40x128xi32, #tpu.memory_space<hbm>>) target(%arg7 : memref<40x128xi32, #tpu.memory_space<vmem>>) target_semaphore(%run_scoped3A_369 : memref<!tpu.dma_semaphore, #tpu.memory_space<semaphore_mem>>)
      %dma_wait3A = arith.constant 0 : i32
      %dma_wait3A_378 = arith.constant 0 : i32
      %dma_wait3A_379 = tpu.memref_slice %arg3[%add3A, %dma_wait3A, %dma_wait3A_378] : memref<32x80x128xi32, #tpu.memory_space<hbm>> -> memref<1x40x128xi32, #tpu.memory_space<hbm>>
      %dma_wait3A_380 = tpu.memref_squeeze %dma_wait3A_379 : memref<1x40x128xi32, #tpu.memory_space<hbm>> -> memref<40x128xi32, #tpu.memory_space<hbm>>
      %dma_wait3A_381 = arith.constant 0 : i32
      %dma_wait3A_382 = arith.constant 0 : i32
      %dma_wait3A_383 = tpu.memref_slice %arg3[%add3A, %dma_wait3A_381, %dma_wait3A_382] : memref<32x80x128xi32, #tpu.memory_space<hbm>> -> memref<1x40x128xi32, #tpu.memory_space<hbm>>
      %dma_wait3A_384 = tpu.memref_squeeze %dma_wait3A_383 : memref<1x40x128xi32, #tpu.memory_space<hbm>> -> memref<40x128xi32, #tpu.memory_space<hbm>>
      tpu.wait_dma2 semaphore(%run_scoped3A_369 : memref<!tpu.dma_semaphore, #tpu.memory_space<semaphore_mem>>) src(%dma_wait3A_384 : memref<40x128xi32, #tpu.memory_space<hbm>>) dst(%arg7 : memref<40x128xi32, #tpu.memory_space<vmem>>)
      tpu.yield
    }) : () -> ()
    "tpu.region"() ({
      %run_scoped3A_369 = tpu.sem_alloc : memref<!tpu.dma_semaphore, #tpu.memory_space<semaphore_mem>>
      %dma_start3A_370 = arith.constant 0 : i32
      %dma_start3A_371 = arith.constant 0 : i32
      %dma_start3A_372 = tpu.memref_slice %arg4[%add3A, %dma_start3A_370, %dma_start3A_371] : memref<32x80x128xi32, #tpu.memory_space<hbm>> -> memref<1x40x128xi32, #tpu.memory_space<hbm>>
      %dma_start3A_373 = tpu.memref_squeeze %dma_start3A_372 : memref<1x40x128xi32, #tpu.memory_space<hbm>> -> memref<40x128xi32, #tpu.memory_space<hbm>>
      %dma_start3A_374 = arith.constant 0 : i32
      %dma_start3A_375 = arith.constant 0 : i32
      %dma_start3A_376 = tpu.memref_slice %arg4[%add3A, %dma_start3A_374, %dma_start3A_375] : memref<32x80x128xi32, #tpu.memory_space<hbm>> -> memref<1x40x128xi32, #tpu.memory_space<hbm>>
      %dma_start3A_377 = tpu.memref_squeeze %dma_start3A_376 : memref<1x40x128xi32, #tpu.memory_space<hbm>> -> memref<40x128xi32, #tpu.memory_space<hbm>>
      tpu.enqueue_dma source(%dma_start3A_377 : memref<40x128xi32, #tpu.memory_space<hbm>>) target(%arg8 : memref<40x128xi32, #tpu.memory_space<vmem>>) target_semaphore(%run_scoped3A_369 : memref<!tpu.dma_semaphore, #tpu.memory_space<semaphore_mem>>)
      %dma_wait3A = arith.constant 0 : i32
      %dma_wait3A_378 = arith.constant 0 : i32
      %dma_wait3A_379 = tpu.memref_slice %arg4[%add3A, %dma_wait3A, %dma_wait3A_378] : memref<32x80x128xi32, #tpu.memory_space<hbm>> -> memref<1x40x128xi32, #tpu.memory_space<hbm>>
      %dma_wait3A_380 = tpu.memref_squeeze %dma_wait3A_379 : memref<1x40x128xi32, #tpu.memory_space<hbm>> -> memref<40x128xi32, #tpu.memory_space<hbm>>
      %dma_wait3A_381 = arith.constant 0 : i32
      %dma_wait3A_382 = arith.constant 0 : i32
      %dma_wait3A_383 = tpu.memref_slice %arg4[%add3A, %dma_wait3A_381, %dma_wait3A_382] : memref<32x80x128xi32, #tpu.memory_space<hbm>> -> memref<1x40x128xi32, #tpu.memory_space<hbm>>
      %dma_wait3A_384 = tpu.memref_squeeze %dma_wait3A_383 : memref<1x40x128xi32, #tpu.memory_space<hbm>> -> memref<40x128xi32, #tpu.memory_space<hbm>>
      tpu.wait_dma2 semaphore(%run_scoped3A_369 : memref<!tpu.dma_semaphore, #tpu.memory_space<semaphore_mem>>) src(%dma_wait3A_384 : memref<40x128xi32, #tpu.memory_space<hbm>>) dst(%arg8 : memref<40x128xi32, #tpu.memory_space<vmem>>)
      tpu.yield
    }) : () -> ()
    %dma_start3A = arith.constant 0 : i32
    %dma_start3A_5 = arith.constant 0 : i32
    %dma_start3A_6 = arith.constant 0 : i32
    %dma_start3A_7 = arith.constant 0 : i32
    %dma_start3A_8 = arith.constant 0 : i32
    %dma_start3A_9 = tpu.memref_slice %arg9[%dma_start3A_6, %dma_start3A_7, %dma_start3A_8] : memref<2x128x128xf32, #tpu.memory_space<vmem>> -> memref<1x128x128xf32, #tpu.memory_space<vmem>>
    %dma_start3A_10 = tpu.memref_squeeze %dma_start3A_9 : memref<1x128x128xf32, #tpu.memory_space<vmem>> -> memref<128x128xf32, #tpu.memory_space<vmem>>
    %dma_start3A_11 = arith.constant 0 : i32
    %dma_start3A_12 = tpu.memref_slice %arg7[%dma_start3A_5, %dma_start3A_11] : memref<40x128xi32, #tpu.memory_space<vmem>> -> memref<1x128xi32, #tpu.memory_space<vmem>>
    %dma_start3A_13 = tpu.memref_squeeze %dma_start3A_12 : memref<1x128xi32, #tpu.memory_space<vmem>> -> memref<128xi32, #tpu.memory_space<vmem>>
    %dma_start3A_14 = arith.constant 0 : i32
    %dma_start3A_15 = arith.constant 0 : i32
    %dma_start3A_16 = tpu.memref_slice %arg2[%dma_start3A, %dma_start3A_14, %dma_start3A_15] : memref<4x10000x128xf32, #tpu.memory_space<hbm>> -> memref<1x10000x128xf32, #tpu.memory_space<hbm>>
    %dma_start3A_17 = tpu.memref_squeeze %dma_start3A_16 : memref<1x10000x128xf32, #tpu.memory_space<hbm>> -> memref<10000x128xf32, #tpu.memory_space<hbm>>
    %dma_start3A_18 = arith.constant 0 : i32
    %dma_start3A_19 = arith.constant 0 : i32
    %dma_start3A_20 = tpu.memref_slice %dma_start3A_17[%dma_start3A_18, %dma_start3A_19] : memref<10000x128xf32, #tpu.memory_space<hbm>> -> memref<10000x128xf32, #tpu.memory_space<hbm>>
    tpu.enqueue_indirect_dma source(%dma_start3A_20 : memref<10000x128xf32, #tpu.memory_space<hbm>>) target(%dma_start3A_10 : memref<128x128xf32, #tpu.memory_space<vmem>>) offsets(%dma_start3A_13 : memref<128xi32, #tpu.memory_space<vmem>>) semaphore(%arg11 : memref<!tpu.dma_semaphore, #tpu.memory_space<semaphore_mem>>)
    %dma_start3A_21 = arith.constant 0 : i32
    %dma_start3A_22 = arith.constant 1 : i32
    %dma_start3A_23 = arith.constant 1 : i32
    %dma_start3A_24 = arith.constant 0 : i32
    %dma_start3A_25 = arith.constant 0 : i32
    %dma_start3A_26 = tpu.memref_slice %arg9[%dma_start3A_23, %dma_start3A_24, %dma_start3A_25] : memref<2x128x128xf32, #tpu.memory_space<vmem>> -> memref<1x128x128xf32, #tpu.memory_space<vmem>>
    %dma_start3A_27 = tpu.memref_squeeze %dma_start3A_26 : memref<1x128x128xf32, #tpu.memory_space<vmem>> -> memref<128x128xf32, #tpu.memory_space<vmem>>
    %dma_start3A_28 = arith.constant 0 : i32
    %dma_start3A_29 = tpu.memref_slice %arg7[%dma_start3A_22, %dma_start3A_28] : memref<40x128xi32, #tpu.memory_space<vmem>> -> memref<1x128xi32, #tpu.memory_space<vmem>>
    %dma_start3A_30 = tpu.memref_squeeze %dma_start3A_29 : memref<1x128xi32, #tpu.memory_space<vmem>> -> memref<128xi32, #tpu.memory_space<vmem>>
    %dma_start3A_31 = arith.constant 0 : i32
    %dma_start3A_32 = arith.constant 0 : i32
    %dma_start3A_33 = tpu.memref_slice %arg2[%dma_start3A_21, %dma_start3A_31, %dma_start3A_32] : memref<4x10000x128xf32, #tpu.memory_space<hbm>> -> memref<1x10000x128xf32, #tpu.memory_space<hbm>>
    %dma_start3A_34 = tpu.memref_squeeze %dma_start3A_33 : memref<1x10000x128xf32, #tpu.memory_space<hbm>> -> memref<10000x128xf32, #tpu.memory_space<hbm>>
    %dma_start3A_35 = arith.constant 0 : i32
    %dma_start3A_36 = arith.constant 0 : i32
    %dma_start3A_37 = tpu.memref_slice %dma_start3A_34[%dma_start3A_35, %dma_start3A_36] : memref<10000x128xf32, #tpu.memory_space<hbm>> -> memref<10000x128xf32, #tpu.memory_space<hbm>>
    tpu.enqueue_indirect_dma source(%dma_start3A_37 : memref<10000x128xf32, #tpu.memory_space<hbm>>) target(%dma_start3A_27 : memref<128x128xf32, #tpu.memory_space<vmem>>) offsets(%dma_start3A_30 : memref<128xi32, #tpu.memory_space<vmem>>) semaphore(%arg12 : memref<!tpu.dma_semaphore, #tpu.memory_space<semaphore_mem>>)
    %scan3A = arith.constant 0 : i32
    %scan3A_38 = arith.constant 0 : i32
    %scan3A_39 = arith.constant 0 : i32
    %scan3A_40 = arith.constant 20 : i32
    %scan3A_41 = arith.addi %scan3A_39, %scan3A_40 : i32
    %scan3A_42 = arith.constant 1 : i32
    scf.for %scan3A_369 = %scan3A_39 to %scan3A_41 step %scan3A_42  : i32 {
      %mul3A_370 = arith.constant 2 : i32
      %mul3A_371 = arith.muli %mul3A_370, %scan3A_369 : i32
      %dma_wait3A = arith.constant 0 : i32
      %dma_wait3A_372 = arith.constant 0 : i32
      %dma_wait3A_373 = arith.constant 0 : i32
      %dma_wait3A_374 = tpu.memref_slice %arg9[%dma_wait3A, %dma_wait3A_372, %dma_wait3A_373] : memref<2x128x128xf32, #tpu.memory_space<vmem>> -> memref<1x128x128xf32, #tpu.memory_space<vmem>>
      %dma_wait3A_375 = tpu.memref_squeeze %dma_wait3A_374 : memref<1x128x128xf32, #tpu.memory_space<vmem>> -> memref<128x128xf32, #tpu.memory_space<vmem>>
      %dma_wait3A_376 = arith.constant 0 : i32
      %dma_wait3A_377 = tpu.memref_slice %arg7[%mul3A_371, %dma_wait3A_376] : memref<40x128xi32, #tpu.memory_space<vmem>> -> memref<1x128xi32, #tpu.memory_space<vmem>>
      %dma_wait3A_378 = tpu.memref_squeeze %dma_wait3A_377 : memref<1x128xi32, #tpu.memory_space<vmem>> -> memref<128xi32, #tpu.memory_space<vmem>>
      %dma_wait3A_379 = arith.constant 0 : i32
      %dma_wait3A_380 = arith.constant 0 : i32
      %dma_wait3A_381 = tpu.memref_slice %arg2[%scan3A_38, %dma_wait3A_379, %dma_wait3A_380] : memref<4x10000x128xf32, #tpu.memory_space<hbm>> -> memref<1x10000x128xf32, #tpu.memory_space<hbm>>
      %dma_wait3A_382 = tpu.memref_squeeze %dma_wait3A_381 : memref<1x10000x128xf32, #tpu.memory_space<hbm>> -> memref<10000x128xf32, #tpu.memory_space<hbm>>
      %dma_wait3A_383 = arith.constant 0 : i32
      %dma_wait3A_384 = arith.constant 0 : i32
      %dma_wait3A_385 = tpu.memref_slice %dma_wait3A_382[%dma_wait3A_383, %dma_wait3A_384] : memref<10000x128xf32, #tpu.memory_space<hbm>> -> memref<10000x128xf32, #tpu.memory_space<hbm>>
      tpu.wait_indirect_dma semaphore(%arg11 : memref<!tpu.dma_semaphore, #tpu.memory_space<semaphore_mem>>) src(%dma_wait3A_385 : memref<10000x128xf32, #tpu.memory_space<hbm>>) dst(%dma_wait3A_375 : memref<128x128xf32, #tpu.memory_space<vmem>>)
      %run_scoped3A_386 = arith.constant 0 : i32
      "tpu.region"() ({
        %run_scoped3A_418 = tpu.sem_alloc : memref<!tpu.dma_semaphore, #tpu.memory_space<semaphore_mem>>
        %dma_start3A_419 = arith.constant 0 : i32
        %dma_start3A_420 = arith.constant 0 : i32
        %dma_start3A_421 = tpu.memref_slice %arg9[%run_scoped3A_386, %dma_start3A_419, %dma_start3A_420] : memref<2x128x128xf32, #tpu.memory_space<vmem>> -> memref<1x128x128xf32, #tpu.memory_space<vmem>>
        %dma_start3A_422 = tpu.memref_squeeze %dma_start3A_421 : memref<1x128x128xf32, #tpu.memory_space<vmem>> -> memref<128x128xf32, #tpu.memory_space<vmem>>
        %dma_start3A_423 = arith.constant 0 : i32
        %dma_start3A_424 = tpu.memref_slice %arg8[%mul3A_371, %dma_start3A_423] : memref<40x128xi32, #tpu.memory_space<vmem>> -> memref<1x128xi32, #tpu.memory_space<vmem>>
        %dma_start3A_425 = tpu.memref_squeeze %dma_start3A_424 : memref<1x128xi32, #tpu.memory_space<vmem>> -> memref<128xi32, #tpu.memory_space<vmem>>
        %dma_start3A_426 = arith.constant 0 : i32
        %dma_start3A_427 = arith.constant 0 : i32
        %dma_start3A_428 = tpu.memref_slice %arg10[%dma_start3A_426, %dma_start3A_427] : memref<10240x128xf32, #tpu.memory_space<vmem_shared>> -> memref<10240x128xf32, #tpu.memory_space<vmem_shared>>
        tpu.enqueue_indirect_dma source(%dma_start3A_422 : memref<128x128xf32, #tpu.memory_space<vmem>>) target(%dma_start3A_428 : memref<10240x128xf32, #tpu.memory_space<vmem_shared>>) offsets(%dma_start3A_425 : memref<128xi32, #tpu.memory_space<vmem>>) semaphore(%run_scoped3A_418 : memref<!tpu.dma_semaphore, #tpu.memory_space<semaphore_mem>>) {add = true}
        %dma_wait3A_429 = arith.constant 0 : i32
        %dma_wait3A_430 = arith.constant 0 : i32
        %dma_wait3A_431 = tpu.memref_slice %arg9[%run_scoped3A_386, %dma_wait3A_429, %dma_wait3A_430] : memref<2x128x128xf32, #tpu.memory_space<vmem>> -> memref<1x128x128xf32, #tpu.memory_space<vmem>>
        %dma_wait3A_432 = tpu.memref_squeeze %dma_wait3A_431 : memref<1x128x128xf32, #tpu.memory_space<vmem>> -> memref<128x128xf32, #tpu.memory_space<vmem>>
        %dma_wait3A_433 = arith.constant 0 : i32
        %dma_wait3A_434 = tpu.memref_slice %arg8[%mul3A_371, %dma_wait3A_433] : memref<40x128xi32, #tpu.memory_space<vmem>> -> memref<1x128xi32, #tpu.memory_space<vmem>>
        %dma_wait3A_435 = tpu.memref_squeeze %dma_wait3A_434 : memref<1x128xi32, #tpu.memory_space<vmem>> -> memref<128xi32, #tpu.memory_space<vmem>>
        %dma_wait3A_436 = arith.constant 0 : i32
        %dma_wait3A_437 = arith.constant 0 : i32
        %dma_wait3A_438 = tpu.memref_slice %arg10[%dma_wait3A_436, %dma_wait3A_437] : memref<10240x128xf32, #tpu.memory_space<vmem_shared>> -> memref<10240x128xf32, #tpu.memory_space<vmem_shared>>
        tpu.wait_indirect_dma semaphore(%run_scoped3A_418 : memref<!tpu.dma_semaphore, #tpu.memory_space<semaphore_mem>>) src(%dma_wait3A_432 : memref<128x128xf32, #tpu.memory_space<vmem>>) dst(%dma_wait3A_438 : memref<10240x128xf32, #tpu.memory_space<vmem_shared>>)
        tpu.yield
      }) : () -> ()
      %add3A_387 = arith.constant 2 : i32
      %add3A_388 = arith.addi %mul3A_371, %add3A_387 : i32
      %lt3A = arith.constant 40 : i32
      %lt3A_389 = arith.cmpi slt, %add3A_388, %lt3A : i32
      %convert_element_type3A = arith.extui %lt3A_389 : i1 to i32
      %cond3A = arith.constant 0 : i32
      %cond3A_390 = arith.cmpi ne, %convert_element_type3A, %cond3A : i32
      scf.if %cond3A_390 {
        %add3A_418 = arith.constant 2 : i32
        %add3A_419 = arith.addi %mul3A_371, %add3A_418 : i32
        %dma_start3A_420 = arith.constant 0 : i32
        %dma_start3A_421 = arith.constant 0 : i32
        %dma_start3A_422 = arith.constant 0 : i32
        %dma_start3A_423 = tpu.memref_slice %arg9[%dma_start3A_420, %dma_start3A_421, %dma_start3A_422] : memref<2x128x128xf32, #tpu.memory_space<vmem>> -> memref<1x128x128xf32, #tpu.memory_space<vmem>>
        %dma_start3A_424 = tpu.memref_squeeze %dma_start3A_423 : memref<1x128x128xf32, #tpu.memory_space<vmem>> -> memref<128x128xf32, #tpu.memory_space<vmem>>
        %dma_start3A_425 = arith.constant 0 : i32
        %dma_start3A_426 = tpu.memref_slice %arg7[%add3A_419, %dma_start3A_425] : memref<40x128xi32, #tpu.memory_space<vmem>> -> memref<1x128xi32, #tpu.memory_space<vmem>>
        %dma_start3A_427 = tpu.memref_squeeze %dma_start3A_426 : memref<1x128xi32, #tpu.memory_space<vmem>> -> memref<128xi32, #tpu.memory_space<vmem>>
        %dma_start3A_428 = arith.constant 0 : i32
        %dma_start3A_429 = arith.constant 0 : i32
        %dma_start3A_430 = tpu.memref_slice %arg2[%scan3A_38, %dma_start3A_428, %dma_start3A_429] : memref<4x10000x128xf32, #tpu.memory_space<hbm>> -> memref<1x10000x128xf32, #tpu.memory_space<hbm>>
        %dma_start3A_431 = tpu.memref_squeeze %dma_start3A_430 : memref<1x10000x128xf32, #tpu.memory_space<hbm>> -> memref<10000x128xf32, #tpu.memory_space<hbm>>
        %dma_start3A_432 = arith.constant 0 : i32
        %dma_start3A_433 = arith.constant 0 : i32
        %dma_start3A_434 = tpu.memref_slice %dma_start3A_431[%dma_start3A_432, %dma_start3A_433] : memref<10000x128xf32, #tpu.memory_space<hbm>> -> memref<10000x128xf32, #tpu.memory_space<hbm>>
        tpu.enqueue_indirect_dma source(%dma_start3A_434 : memref<10000x128xf32, #tpu.memory_space<hbm>>) target(%dma_start3A_424 : memref<128x128xf32, #tpu.memory_space<vmem>>) offsets(%dma_start3A_427 : memref<128xi32, #tpu.memory_space<vmem>>) semaphore(%arg11 : memref<!tpu.dma_semaphore, #tpu.memory_space<semaphore_mem>>)
      } else {
      }
      %add3A_391 = arith.constant 1 : i32
      %add3A_392 = arith.addi %mul3A_371, %add3A_391 : i32
      %dma_wait3A_393 = arith.constant 1 : i32
      %dma_wait3A_394 = arith.constant 0 : i32
      %dma_wait3A_395 = arith.constant 0 : i32
      %dma_wait3A_396 = tpu.memref_slice %arg9[%dma_wait3A_393, %dma_wait3A_394, %dma_wait3A_395] : memref<2x128x128xf32, #tpu.memory_space<vmem>> -> memref<1x128x128xf32, #tpu.memory_space<vmem>>
      %dma_wait3A_397 = tpu.memref_squeeze %dma_wait3A_396 : memref<1x128x128xf32, #tpu.memory_space<vmem>> -> memref<128x128xf32, #tpu.memory_space<vmem>>
      %dma_wait3A_398 = arith.constant 0 : i32
      %dma_wait3A_399 = tpu.memref_slice %arg7[%add3A_392, %dma_wait3A_398] : memref<40x128xi32, #tpu.memory_space<vmem>> -> memref<1x128xi32, #tpu.memory_space<vmem>>
      %dma_wait3A_400 = tpu.memref_squeeze %dma_wait3A_399 : memref<1x128xi32, #tpu.memory_space<vmem>> -> memref<128xi32, #tpu.memory_space<vmem>>
      %dma_wait3A_401 = arith.constant 0 : i32
      %dma_wait3A_402 = arith.constant 0 : i32
      %dma_wait3A_403 = tpu.memref_slice %arg2[%scan3A_38, %dma_wait3A_401, %dma_wait3A_402] : memref<4x10000x128xf32, #tpu.memory_space<hbm>> -> memref<1x10000x128xf32, #tpu.memory_space<hbm>>
      %dma_wait3A_404 = tpu.memref_squeeze %dma_wait3A_403 : memref<1x10000x128xf32, #tpu.memory_space<hbm>> -> memref<10000x128xf32, #tpu.memory_space<hbm>>
      %dma_wait3A_405 = arith.constant 0 : i32
      %dma_wait3A_406 = arith.constant 0 : i32
      %dma_wait3A_407 = tpu.memref_slice %dma_wait3A_404[%dma_wait3A_405, %dma_wait3A_406] : memref<10000x128xf32, #tpu.memory_space<hbm>> -> memref<10000x128xf32, #tpu.memory_space<hbm>>
      tpu.wait_indirect_dma semaphore(%arg12 : memref<!tpu.dma_semaphore, #tpu.memory_space<semaphore_mem>>) src(%dma_wait3A_407 : memref<10000x128xf32, #tpu.memory_space<hbm>>) dst(%dma_wait3A_397 : memref<128x128xf32, #tpu.memory_space<vmem>>)
      %add3A_408 = arith.constant 1 : i32
      %add3A_409 = arith.addi %mul3A_371, %add3A_408 : i32
      %run_scoped3A_410 = arith.constant 1 : i32
      "tpu.region"() ({
        %run_scoped3A_418 = tpu.sem_alloc : memref<!tpu.dma_semaphore, #tpu.memory_space<semaphore_mem>>
        %dma_start3A_419 = arith.constant 0 : i32
        %dma_start3A_420 = arith.constant 0 : i32
        %dma_start3A_421 = tpu.memref_slice %arg9[%run_scoped3A_410, %dma_start3A_419, %dma_start3A_420] : memref<2x128x128xf32, #tpu.memory_space<vmem>> -> memref<1x128x128xf32, #tpu.memory_space<vmem>>
        %dma_start3A_422 = tpu.memref_squeeze %dma_start3A_421 : memref<1x128x128xf32, #tpu.memory_space<vmem>> -> memref<128x128xf32, #tpu.memory_space<vmem>>
        %dma_start3A_423 = arith.constant 0 : i32
        %dma_start3A_424 = tpu.memref_slice %arg8[%add3A_409, %dma_start3A_423] : memref<40x128xi32, #tpu.memory_space<vmem>> -> memref<1x128xi32, #tpu.memory_space<vmem>>
        %dma_start3A_425 = tpu.memref_squeeze %dma_start3A_424 : memref<1x128xi32, #tpu.memory_space<vmem>> -> memref<128xi32, #tpu.memory_space<vmem>>
        %dma_start3A_426 = arith.constant 0 : i32
        %dma_start3A_427 = arith.constant 0 : i32
        %dma_start3A_428 = tpu.memref_slice %arg10[%dma_start3A_426, %dma_start3A_427] : memref<10240x128xf32, #tpu.memory_space<vmem_shared>> -> memref<10240x128xf32, #tpu.memory_space<vmem_shared>>
        tpu.enqueue_indirect_dma source(%dma_start3A_422 : memref<128x128xf32, #tpu.memory_space<vmem>>) target(%dma_start3A_428 : memref<10240x128xf32, #tpu.memory_space<vmem_shared>>) offsets(%dma_start3A_425 : memref<128xi32, #tpu.memory_space<vmem>>) semaphore(%run_scoped3A_418 : memref<!tpu.dma_semaphore, #tpu.memory_space<semaphore_mem>>) {add = true}
        %dma_wait3A_429 = arith.constant 0 : i32
        %dma_wait3A_430 = arith.constant 0 : i32
        %dma_wait3A_431 = tpu.memref_slice %arg9[%run_scoped3A_410, %dma_wait3A_429, %dma_wait3A_430] : memref<2x128x128xf32, #tpu.memory_space<vmem>> -> memref<1x128x128xf32, #tpu.memory_space<vmem>>
        %dma_wait3A_432 = tpu.memref_squeeze %dma_wait3A_431 : memref<1x128x128xf32, #tpu.memory_space<vmem>> -> memref<128x128xf32, #tpu.memory_space<vmem>>
        %dma_wait3A_433 = arith.constant 0 : i32
        %dma_wait3A_434 = tpu.memref_slice %arg8[%add3A_409, %dma_wait3A_433] : memref<40x128xi32, #tpu.memory_space<vmem>> -> memref<1x128xi32, #tpu.memory_space<vmem>>
        %dma_wait3A_435 = tpu.memref_squeeze %dma_wait3A_434 : memref<1x128xi32, #tpu.memory_space<vmem>> -> memref<128xi32, #tpu.memory_space<vmem>>
        %dma_wait3A_436 = arith.constant 0 : i32
        %dma_wait3A_437 = arith.constant 0 : i32
        %dma_wait3A_438 = tpu.memref_slice %arg10[%dma_wait3A_436, %dma_wait3A_437] : memref<10240x128xf32, #tpu.memory_space<vmem_shared>> -> memref<10240x128xf32, #tpu.memory_space<vmem_shared>>
        tpu.wait_indirect_dma semaphore(%run_scoped3A_418 : memref<!tpu.dma_semaphore, #tpu.memory_space<semaphore_mem>>) src(%dma_wait3A_432 : memref<128x128xf32, #tpu.memory_space<vmem>>) dst(%dma_wait3A_438 : memref<10240x128xf32, #tpu.memory_space<vmem_shared>>)
        tpu.yield
      }) : () -> ()
      %add3A_411 = arith.constant 3 : i32
      %add3A_412 = arith.addi %mul3A_371, %add3A_411 : i32
      %lt3A_413 = arith.constant 40 : i32
      %lt3A_414 = arith.cmpi slt, %add3A_412, %lt3A_413 : i32
      %convert_element_type3A_415 = arith.extui %lt3A_414 : i1 to i32
      %cond3A_416 = arith.constant 0 : i32
      %cond3A_417 = arith.cmpi ne, %convert_element_type3A_415, %cond3A_416 : i32
      scf.if %cond3A_417 {
        %add3A_418 = arith.constant 3 : i32
        %add3A_419 = arith.addi %mul3A_371, %add3A_418 : i32
        %dma_start3A_420 = arith.constant 1 : i32
        %dma_start3A_421 = arith.constant 0 : i32
        %dma_start3A_422 = arith.constant 0 : i32
        %dma_start3A_423 = tpu.memref_slice %arg9[%dma_start3A_420, %dma_start3A_421, %dma_start3A_422] : memref<2x128x128xf32, #tpu.memory_space<vmem>> -> memref<1x128x128xf32, #tpu.memory_space<vmem>>
        %dma_start3A_424 = tpu.memref_squeeze %dma_start3A_423 : memref<1x128x128xf32, #tpu.memory_space<vmem>> -> memref<128x128xf32, #tpu.memory_space<vmem>>
        %dma_start3A_425 = arith.constant 0 : i32
        %dma_start3A_426 = tpu.memref_slice %arg7[%add3A_419, %dma_start3A_425] : memref<40x128xi32, #tpu.memory_space<vmem>> -> memref<1x128xi32, #tpu.memory_space<vmem>>
        %dma_start3A_427 = tpu.memref_squeeze %dma_start3A_426 : memref<1x128xi32, #tpu.memory_space<vmem>> -> memref<128xi32, #tpu.memory_space<vmem>>
        %dma_start3A_428 = arith.constant 0 : i32
        %dma_start3A_429 = arith.constant 0 : i32
        %dma_start3A_430 = tpu.memref_slice %arg2[%scan3A_38, %dma_start3A_428, %dma_start3A_429] : memref<4x10000x128xf32, #tpu.memory_space<hbm>> -> memref<1x10000x128xf32, #tpu.memory_space<hbm>>
        %dma_start3A_431 = tpu.memref_squeeze %dma_start3A_430 : memref<1x10000x128xf32, #tpu.memory_space<hbm>> -> memref<10000x128xf32, #tpu.memory_space<hbm>>
        %dma_start3A_432 = arith.constant 0 : i32
        %dma_start3A_433 = arith.constant 0 : i32
        %dma_start3A_434 = tpu.memref_slice %dma_start3A_431[%dma_start3A_432, %dma_start3A_433] : memref<10000x128xf32, #tpu.memory_space<hbm>> -> memref<10000x128xf32, #tpu.memory_space<hbm>>
        tpu.enqueue_indirect_dma source(%dma_start3A_434 : memref<10000x128xf32, #tpu.memory_space<hbm>>) target(%dma_start3A_424 : memref<128x128xf32, #tpu.memory_space<vmem>>) offsets(%dma_start3A_427 : memref<128xi32, #tpu.memory_space<vmem>>) semaphore(%arg12 : memref<!tpu.dma_semaphore, #tpu.memory_space<semaphore_mem>>)
      } else {
      }
    }
    %scan3A_43 = arith.constant 20 : i32
    "tpu.region"() ({
      %run_scoped3A_369 = tpu.sem_alloc : memref<!tpu.dma_semaphore, #tpu.memory_space<semaphore_mem>>
      %dma_start3A_370 = arith.constant 40 : i32
      %dma_start3A_371 = arith.constant 0 : i32
      %dma_start3A_372 = tpu.memref_slice %arg3[%add3A, %dma_start3A_370, %dma_start3A_371] : memref<32x80x128xi32, #tpu.memory_space<hbm>> -> memref<1x40x128xi32, #tpu.memory_space<hbm>>
      %dma_start3A_373 = tpu.memref_squeeze %dma_start3A_372 : memref<1x40x128xi32, #tpu.memory_space<hbm>> -> memref<40x128xi32, #tpu.memory_space<hbm>>
      %dma_start3A_374 = arith.constant 40 : i32
      %dma_start3A_375 = arith.constant 0 : i32
      %dma_start3A_376 = tpu.memref_slice %arg3[%add3A, %dma_start3A_374, %dma_start3A_375] : memref<32x80x128xi32, #tpu.memory_space<hbm>> -> memref<1x40x128xi32, #tpu.memory_space<hbm>>
      %dma_start3A_377 = tpu.memref_squeeze %dma_start3A_376 : memref<1x40x128xi32, #tpu.memory_space<hbm>> -> memref<40x128xi32, #tpu.memory_space<hbm>>
      tpu.enqueue_dma source(%dma_start3A_377 : memref<40x128xi32, #tpu.memory_space<hbm>>) target(%arg7 : memref<40x128xi32, #tpu.memory_space<vmem>>) target_semaphore(%run_scoped3A_369 : memref<!tpu.dma_semaphore, #tpu.memory_space<semaphore_mem>>)
      %dma_wait3A = arith.constant 40 : i32
      %dma_wait3A_378 = arith.constant 0 : i32
      %dma_wait3A_379 = tpu.memref_slice %arg3[%add3A, %dma_wait3A, %dma_wait3A_378] : memref<32x80x128xi32, #tpu.memory_space<hbm>> -> memref<1x40x128xi32, #tpu.memory_space<hbm>>
      %dma_wait3A_380 = tpu.memref_squeeze %dma_wait3A_379 : memref<1x40x128xi32, #tpu.memory_space<hbm>> -> memref<40x128xi32, #tpu.memory_space<hbm>>
      %dma_wait3A_381 = arith.constant 40 : i32
      %dma_wait3A_382 = arith.constant 0 : i32
      %dma_wait3A_383 = tpu.memref_slice %arg3[%add3A, %dma_wait3A_381, %dma_wait3A_382] : memref<32x80x128xi32, #tpu.memory_space<hbm>> -> memref<1x40x128xi32, #tpu.memory_space<hbm>>
      %dma_wait3A_384 = tpu.memref_squeeze %dma_wait3A_383 : memref<1x40x128xi32, #tpu.memory_space<hbm>> -> memref<40x128xi32, #tpu.memory_space<hbm>>
      tpu.wait_dma2 semaphore(%run_scoped3A_369 : memref<!tpu.dma_semaphore, #tpu.memory_space<semaphore_mem>>) src(%dma_wait3A_384 : memref<40x128xi32, #tpu.memory_space<hbm>>) dst(%arg7 : memref<40x128xi32, #tpu.memory_space<vmem>>)
      tpu.yield
    }) : () -> ()
    "tpu.region"() ({
      %run_scoped3A_369 = tpu.sem_alloc : memref<!tpu.dma_semaphore, #tpu.memory_space<semaphore_mem>>
      %dma_start3A_370 = arith.constant 40 : i32
      %dma_start3A_371 = arith.constant 0 : i32
      %dma_start3A_372 = tpu.memref_slice %arg4[%add3A, %dma_start3A_370, %dma_start3A_371] : memref<32x80x128xi32, #tpu.memory_space<hbm>> -> memref<1x40x128xi32, #tpu.memory_space<hbm>>
      %dma_start3A_373 = tpu.memref_squeeze %dma_start3A_372 : memref<1x40x128xi32, #tpu.memory_space<hbm>> -> memref<40x128xi32, #tpu.memory_space<hbm>>
      %dma_start3A_374 = arith.constant 40 : i32
      %dma_start3A_375 = arith.constant 0 : i32
      %dma_start3A_376 = tpu.memref_slice %arg4[%add3A, %dma_start3A_374, %dma_start3A_375] : memref<32x80x128xi32, #tpu.memory_space<hbm>> -> memref<1x40x128xi32, #tpu.memory_space<hbm>>
      %dma_start3A_377 = tpu.memref_squeeze %dma_start3A_376 : memref<1x40x128xi32, #tpu.memory_space<hbm>> -> memref<40x128xi32, #tpu.memory_space<hbm>>
      tpu.enqueue_dma source(%dma_start3A_377 : memref<40x128xi32, #tpu.memory_space<hbm>>) target(%arg8 : memref<40x128xi32, #tpu.memory_space<vmem>>) target_semaphore(%run_scoped3A_369 : memref<!tpu.dma_semaphore, #tpu.memory_space<semaphore_mem>>)
      %dma_wait3A = arith.constant 40 : i32
      %dma_wait3A_378 = arith.constant 0 : i32
      %dma_wait3A_379 = tpu.memref_slice %arg4[%add3A, %dma_wait3A, %dma_wait3A_378] : memref<32x80x128xi32, #tpu.memory_space<hbm>> -> memref<1x40x128xi32, #tpu.memory_space<hbm>>
      %dma_wait3A_380 = tpu.memref_squeeze %dma_wait3A_379 : memref<1x40x128xi32, #tpu.memory_space<hbm>> -> memref<40x128xi32, #tpu.memory_space<hbm>>
      %dma_wait3A_381 = arith.constant 40 : i32
      %dma_wait3A_382 = arith.constant 0 : i32
      %dma_wait3A_383 = tpu.memref_slice %arg4[%add3A, %dma_wait3A_381, %dma_wait3A_382] : memref<32x80x128xi32, #tpu.memory_space<hbm>> -> memref<1x40x128xi32, #tpu.memory_space<hbm>>
      %dma_wait3A_384 = tpu.memref_squeeze %dma_wait3A_383 : memref<1x40x128xi32, #tpu.memory_space<hbm>> -> memref<40x128xi32, #tpu.memory_space<hbm>>
      tpu.wait_dma2 semaphore(%run_scoped3A_369 : memref<!tpu.dma_semaphore, #tpu.memory_space<semaphore_mem>>) src(%dma_wait3A_384 : memref<40x128xi32, #tpu.memory_space<hbm>>) dst(%arg8 : memref<40x128xi32, #tpu.memory_space<vmem>>)
      tpu.yield
    }) : () -> ()
    %dma_start3A_44 = arith.constant 0 : i32
    %dma_start3A_45 = arith.constant 0 : i32
    %dma_start3A_46 = arith.constant 0 : i32
    %dma_start3A_47 = arith.constant 0 : i32
    %dma_start3A_48 = arith.constant 0 : i32
    %dma_start3A_49 = tpu.memref_slice %arg9[%dma_start3A_46, %dma_start3A_47, %dma_start3A_48] : memref<2x128x128xf32, #tpu.memory_space<vmem>> -> memref<1x128x128xf32, #tpu.memory_space<vmem>>
    %dma_start3A_50 = tpu.memref_squeeze %dma_start3A_49 : memref<1x128x128xf32, #tpu.memory_space<vmem>> -> memref<128x128xf32, #tpu.memory_space<vmem>>
    %dma_start3A_51 = arith.constant 0 : i32
    %dma_start3A_52 = tpu.memref_slice %arg7[%dma_start3A_45, %dma_start3A_51] : memref<40x128xi32, #tpu.memory_space<vmem>> -> memref<1x128xi32, #tpu.memory_space<vmem>>
    %dma_start3A_53 = tpu.memref_squeeze %dma_start3A_52 : memref<1x128xi32, #tpu.memory_space<vmem>> -> memref<128xi32, #tpu.memory_space<vmem>>
    %dma_start3A_54 = arith.constant 0 : i32
    %dma_start3A_55 = arith.constant 0 : i32
    %dma_start3A_56 = tpu.memref_slice %arg2[%dma_start3A_44, %dma_start3A_54, %dma_start3A_55] : memref<4x10000x128xf32, #tpu.memory_space<hbm>> -> memref<1x10000x128xf32, #tpu.memory_space<hbm>>
    %dma_start3A_57 = tpu.memref_squeeze %dma_start3A_56 : memref<1x10000x128xf32, #tpu.memory_space<hbm>> -> memref<10000x128xf32, #tpu.memory_space<hbm>>
    %dma_start3A_58 = arith.constant 0 : i32
    %dma_start3A_59 = arith.constant 0 : i32
    %dma_start3A_60 = tpu.memref_slice %dma_start3A_57[%dma_start3A_58, %dma_start3A_59] : memref<10000x128xf32, #tpu.memory_space<hbm>> -> memref<10000x128xf32, #tpu.memory_space<hbm>>
    tpu.enqueue_indirect_dma source(%dma_start3A_60 : memref<10000x128xf32, #tpu.memory_space<hbm>>) target(%dma_start3A_50 : memref<128x128xf32, #tpu.memory_space<vmem>>) offsets(%dma_start3A_53 : memref<128xi32, #tpu.memory_space<vmem>>) semaphore(%arg11 : memref<!tpu.dma_semaphore, #tpu.memory_space<semaphore_mem>>)
    %dma_start3A_61 = arith.constant 0 : i32
    %dma_start3A_62 = arith.constant 1 : i32
    %dma_start3A_63 = arith.constant 1 : i32
    %dma_start3A_64 = arith.constant 0 : i32
    %dma_start3A_65 = arith.constant 0 : i32
    %dma_start3A_66 = tpu.memref_slice %arg9[%dma_start3A_63, %dma_start3A_64, %dma_start3A_65] : memref<2x128x128xf32, #tpu.memory_space<vmem>> -> memref<1x128x128xf32, #tpu.memory_space<vmem>>
    %dma_start3A_67 = tpu.memref_squeeze %dma_start3A_66 : memref<1x128x128xf32, #tpu.memory_space<vmem>> -> memref<128x128xf32, #tpu.memory_space<vmem>>
    %dma_start3A_68 = arith.constant 0 : i32
    %dma_start3A_69 = tpu.memref_slice %arg7[%dma_start3A_62, %dma_start3A_68] : memref<40x128xi32, #tpu.memory_space<vmem>> -> memref<1x128xi32, #tpu.memory_space<vmem>>
    %dma_start3A_70 = tpu.memref_squeeze %dma_start3A_69 : memref<1x128xi32, #tpu.memory_space<vmem>> -> memref<128xi32, #tpu.memory_space<vmem>>
    %dma_start3A_71 = arith.constant 0 : i32
    %dma_start3A_72 = arith.constant 0 : i32
    %dma_start3A_73 = tpu.memref_slice %arg2[%dma_start3A_61, %dma_start3A_71, %dma_start3A_72] : memref<4x10000x128xf32, #tpu.memory_space<hbm>> -> memref<1x10000x128xf32, #tpu.memory_space<hbm>>
    %dma_start3A_74 = tpu.memref_squeeze %dma_start3A_73 : memref<1x10000x128xf32, #tpu.memory_space<hbm>> -> memref<10000x128xf32, #tpu.memory_space<hbm>>
    %dma_start3A_75 = arith.constant 0 : i32
    %dma_start3A_76 = arith.constant 0 : i32
    %dma_start3A_77 = tpu.memref_slice %dma_start3A_74[%dma_start3A_75, %dma_start3A_76] : memref<10000x128xf32, #tpu.memory_space<hbm>> -> memref<10000x128xf32, #tpu.memory_space<hbm>>
    tpu.enqueue_indirect_dma source(%dma_start3A_77 : memref<10000x128xf32, #tpu.memory_space<hbm>>) target(%dma_start3A_67 : memref<128x128xf32, #tpu.memory_space<vmem>>) offsets(%dma_start3A_70 : memref<128xi32, #tpu.memory_space<vmem>>) semaphore(%arg12 : memref<!tpu.dma_semaphore, #tpu.memory_space<semaphore_mem>>)
    %scan3A_78 = arith.constant 0 : i32
    %scan3A_79 = arith.constant 0 : i32
    %scan3A_80 = arith.constant 0 : i32
    %scan3A_81 = arith.constant 20 : i32
    %scan3A_82 = arith.addi %scan3A_80, %scan3A_81 : i32
    %scan3A_83 = arith.constant 1 : i32
    scf.for %scan3A_369 = %scan3A_80 to %scan3A_82 step %scan3A_83  : i32 {
      %mul3A_370 = arith.constant 2 : i32
      %mul3A_371 = arith.muli %mul3A_370, %scan3A_369 : i32
      %dma_wait3A = arith.constant 0 : i32
      %dma_wait3A_372 = arith.constant 0 : i32
      %dma_wait3A_373 = arith.constant 0 : i32
      %dma_wait3A_374 = tpu.memref_slice %arg9[%dma_wait3A, %dma_wait3A_372, %dma_wait3A_373] : memref<2x128x128xf32, #tpu.memory_space<vmem>> -> memref<1x128x128xf32, #tpu.memory_space<vmem>>
      %dma_wait3A_375 = tpu.memref_squeeze %dma_wait3A_374 : memref<1x128x128xf32, #tpu.memory_space<vmem>> -> memref<128x128xf32, #tpu.memory_space<vmem>>
      %dma_wait3A_376 = arith.constant 0 : i32
      %dma_wait3A_377 = tpu.memref_slice %arg7[%mul3A_371, %dma_wait3A_376] : memref<40x128xi32, #tpu.memory_space<vmem>> -> memref<1x128xi32, #tpu.memory_space<vmem>>
      %dma_wait3A_378 = tpu.memref_squeeze %dma_wait3A_377 : memref<1x128xi32, #tpu.memory_space<vmem>> -> memref<128xi32, #tpu.memory_space<vmem>>
      %dma_wait3A_379 = arith.constant 0 : i32
      %dma_wait3A_380 = arith.constant 0 : i32
      %dma_wait3A_381 = tpu.memref_slice %arg2[%scan3A_79, %dma_wait3A_379, %dma_wait3A_380] : memref<4x10000x128xf32, #tpu.memory_space<hbm>> -> memref<1x10000x128xf32, #tpu.memory_space<hbm>>
      %dma_wait3A_382 = tpu.memref_squeeze %dma_wait3A_381 : memref<1x10000x128xf32, #tpu.memory_space<hbm>> -> memref<10000x128xf32, #tpu.memory_space<hbm>>
      %dma_wait3A_383 = arith.constant 0 : i32
      %dma_wait3A_384 = arith.constant 0 : i32
      %dma_wait3A_385 = tpu.memref_slice %dma_wait3A_382[%dma_wait3A_383, %dma_wait3A_384] : memref<10000x128xf32, #tpu.memory_space<hbm>> -> memref<10000x128xf32, #tpu.memory_space<hbm>>
      tpu.wait_indirect_dma semaphore(%arg11 : memref<!tpu.dma_semaphore, #tpu.memory_space<semaphore_mem>>) src(%dma_wait3A_385 : memref<10000x128xf32, #tpu.memory_space<hbm>>) dst(%dma_wait3A_375 : memref<128x128xf32, #tpu.memory_space<vmem>>)
      %run_scoped3A_386 = arith.constant 0 : i32
      "tpu.region"() ({
        %run_scoped3A_418 = tpu.sem_alloc : memref<!tpu.dma_semaphore, #tpu.memory_space<semaphore_mem>>
        %dma_start3A_419 = arith.constant 0 : i32
        %dma_start3A_420 = arith.constant 0 : i32
        %dma_start3A_421 = tpu.memref_slice %arg9[%run_scoped3A_386, %dma_start3A_419, %dma_start3A_420] : memref<2x128x128xf32, #tpu.memory_space<vmem>> -> memref<1x128x128xf32, #tpu.memory_space<vmem>>
        %dma_start3A_422 = tpu.memref_squeeze %dma_start3A_421 : memref<1x128x128xf32, #tpu.memory_space<vmem>> -> memref<128x128xf32, #tpu.memory_space<vmem>>
        %dma_start3A_423 = arith.constant 0 : i32
        %dma_start3A_424 = tpu.memref_slice %arg8[%mul3A_371, %dma_start3A_423] : memref<40x128xi32, #tpu.memory_space<vmem>> -> memref<1x128xi32, #tpu.memory_space<vmem>>
        %dma_start3A_425 = tpu.memref_squeeze %dma_start3A_424 : memref<1x128xi32, #tpu.memory_space<vmem>> -> memref<128xi32, #tpu.memory_space<vmem>>
        %dma_start3A_426 = arith.constant 0 : i32
        %dma_start3A_427 = arith.constant 0 : i32
        %dma_start3A_428 = tpu.memref_slice %arg10[%dma_start3A_426, %dma_start3A_427] : memref<10240x128xf32, #tpu.memory_space<vmem_shared>> -> memref<10240x128xf32, #tpu.memory_space<vmem_shared>>
        tpu.enqueue_indirect_dma source(%dma_start3A_422 : memref<128x128xf32, #tpu.memory_space<vmem>>) target(%dma_start3A_428 : memref<10240x128xf32, #tpu.memory_space<vmem_shared>>) offsets(%dma_start3A_425 : memref<128xi32, #tpu.memory_space<vmem>>) semaphore(%run_scoped3A_418 : memref<!tpu.dma_semaphore, #tpu.memory_space<semaphore_mem>>) {add = true}
        %dma_wait3A_429 = arith.constant 0 : i32
        %dma_wait3A_430 = arith.constant 0 : i32
        %dma_wait3A_431 = tpu.memref_slice %arg9[%run_scoped3A_386, %dma_wait3A_429, %dma_wait3A_430] : memref<2x128x128xf32, #tpu.memory_space<vmem>> -> memref<1x128x128xf32, #tpu.memory_space<vmem>>
        %dma_wait3A_432 = tpu.memref_squeeze %dma_wait3A_431 : memref<1x128x128xf32, #tpu.memory_space<vmem>> -> memref<128x128xf32, #tpu.memory_space<vmem>>
        %dma_wait3A_433 = arith.constant 0 : i32
        %dma_wait3A_434 = tpu.memref_slice %arg8[%mul3A_371, %dma_wait3A_433] : memref<40x128xi32, #tpu.memory_space<vmem>> -> memref<1x128xi32, #tpu.memory_space<vmem>>
        %dma_wait3A_435 = tpu.memref_squeeze %dma_wait3A_434 : memref<1x128xi32, #tpu.memory_space<vmem>> -> memref<128xi32, #tpu.memory_space<vmem>>
        %dma_wait3A_436 = arith.constant 0 : i32
        %dma_wait3A_437 = arith.constant 0 : i32
        %dma_wait3A_438 = tpu.memref_slice %arg10[%dma_wait3A_436, %dma_wait3A_437] : memref<10240x128xf32, #tpu.memory_space<vmem_shared>> -> memref<10240x128xf32, #tpu.memory_space<vmem_shared>>
        tpu.wait_indirect_dma semaphore(%run_scoped3A_418 : memref<!tpu.dma_semaphore, #tpu.memory_space<semaphore_mem>>) src(%dma_wait3A_432 : memref<128x128xf32, #tpu.memory_space<vmem>>) dst(%dma_wait3A_438 : memref<10240x128xf32, #tpu.memory_space<vmem_shared>>)
        tpu.yield
      }) : () -> ()
      %add3A_387 = arith.constant 2 : i32
      %add3A_388 = arith.addi %mul3A_371, %add3A_387 : i32
      %lt3A = arith.constant 40 : i32
      %lt3A_389 = arith.cmpi slt, %add3A_388, %lt3A : i32
      %convert_element_type3A = arith.extui %lt3A_389 : i1 to i32
      %cond3A = arith.constant 0 : i32
      %cond3A_390 = arith.cmpi ne, %convert_element_type3A, %cond3A : i32
      scf.if %cond3A_390 {
        %add3A_418 = arith.constant 2 : i32
        %add3A_419 = arith.addi %mul3A_371, %add3A_418 : i32
        %dma_start3A_420 = arith.constant 0 : i32
        %dma_start3A_421 = arith.constant 0 : i32
        %dma_start3A_422 = arith.constant 0 : i32
        %dma_start3A_423 = tpu.memref_slice %arg9[%dma_start3A_420, %dma_start3A_421, %dma_start3A_422] : memref<2x128x128xf32, #tpu.memory_space<vmem>> -> memref<1x128x128xf32, #tpu.memory_space<vmem>>
        %dma_start3A_424 = tpu.memref_squeeze %dma_start3A_423 : memref<1x128x128xf32, #tpu.memory_space<vmem>> -> memref<128x128xf32, #tpu.memory_space<vmem>>
        %dma_start3A_425 = arith.constant 0 : i32
        %dma_start3A_426 = tpu.memref_slice %arg7[%add3A_419, %dma_start3A_425] : memref<40x128xi32, #tpu.memory_space<vmem>> -> memref<1x128xi32, #tpu.memory_space<vmem>>
        %dma_start3A_427 = tpu.memref_squeeze %dma_start3A_426 : memref<1x128xi32, #tpu.memory_space<vmem>> -> memref<128xi32, #tpu.memory_space<vmem>>
        %dma_start3A_428 = arith.constant 0 : i32
        %dma_start3A_429 = arith.constant 0 : i32
        %dma_start3A_430 = tpu.memref_slice %arg2[%scan3A_79, %dma_start3A_428, %dma_start3A_429] : memref<4x10000x128xf32, #tpu.memory_space<hbm>> -> memref<1x10000x128xf32, #tpu.memory_space<hbm>>
        %dma_start3A_431 = tpu.memref_squeeze %dma_start3A_430 : memref<1x10000x128xf32, #tpu.memory_space<hbm>> -> memref<10000x128xf32, #tpu.memory_space<hbm>>
        %dma_start3A_432 = arith.constant 0 : i32
        %dma_start3A_433 = arith.constant 0 : i32
        %dma_start3A_434 = tpu.memref_slice %dma_start3A_431[%dma_start3A_432, %dma_start3A_433] : memref<10000x128xf32, #tpu.memory_space<hbm>> -> memref<10000x128xf32, #tpu.memory_space<hbm>>
        tpu.enqueue_indirect_dma source(%dma_start3A_434 : memref<10000x128xf32, #tpu.memory_space<hbm>>) target(%dma_start3A_424 : memref<128x128xf32, #tpu.memory_space<vmem>>) offsets(%dma_start3A_427 : memref<128xi32, #tpu.memory_space<vmem>>) semaphore(%arg11 : memref<!tpu.dma_semaphore, #tpu.memory_space<semaphore_mem>>)
      } else {
      }
      %add3A_391 = arith.constant 1 : i32
      %add3A_392 = arith.addi %mul3A_371, %add3A_391 : i32
      %dma_wait3A_393 = arith.constant 1 : i32
      %dma_wait3A_394 = arith.constant 0 : i32
      %dma_wait3A_395 = arith.constant 0 : i32
      %dma_wait3A_396 = tpu.memref_slice %arg9[%dma_wait3A_393, %dma_wait3A_394, %dma_wait3A_395] : memref<2x128x128xf32, #tpu.memory_space<vmem>> -> memref<1x128x128xf32, #tpu.memory_space<vmem>>
      %dma_wait3A_397 = tpu.memref_squeeze %dma_wait3A_396 : memref<1x128x128xf32, #tpu.memory_space<vmem>> -> memref<128x128xf32, #tpu.memory_space<vmem>>
      %dma_wait3A_398 = arith.constant 0 : i32
      %dma_wait3A_399 = tpu.memref_slice %arg7[%add3A_392, %dma_wait3A_398] : memref<40x128xi32, #tpu.memory_space<vmem>> -> memref<1x128xi32, #tpu.memory_space<vmem>>
      %dma_wait3A_400 = tpu.memref_squeeze %dma_wait3A_399 : memref<1x128xi32, #tpu.memory_space<vmem>> -> memref<128xi32, #tpu.memory_space<vmem>>
      %dma_wait3A_401 = arith.constant 0 : i32
      %dma_wait3A_402 = arith.constant 0 : i32
      %dma_wait3A_403 = tpu.memref_slice %arg2[%scan3A_79, %dma_wait3A_401, %dma_wait3A_402] : memref<4x10000x128xf32, #tpu.memory_space<hbm>> -> memref<1x10000x128xf32, #tpu.memory_space<hbm>>
      %dma_wait3A_404 = tpu.memref_squeeze %dma_wait3A_403 : memref<1x10000x128xf32, #tpu.memory_space<hbm>> -> memref<10000x128xf32, #tpu.memory_space<hbm>>
      %dma_wait3A_405 = arith.constant 0 : i32
      %dma_wait3A_406 = arith.constant 0 : i32
      %dma_wait3A_407 = tpu.memref_slice %dma_wait3A_404[%dma_wait3A_405, %dma_wait3A_406] : memref<10000x128xf32, #tpu.memory_space<hbm>> -> memref<10000x128xf32, #tpu.memory_space<hbm>>
      tpu.wait_indirect_dma semaphore(%arg12 : memref<!tpu.dma_semaphore, #tpu.memory_space<semaphore_mem>>) src(%dma_wait3A_407 : memref<10000x128xf32, #tpu.memory_space<hbm>>) dst(%dma_wait3A_397 : memref<128x128xf32, #tpu.memory_space<vmem>>)
      %add3A_408 = arith.constant 1 : i32
      %add3A_409 = arith.addi %mul3A_371, %add3A_408 : i32
      %run_scoped3A_410 = arith.constant 1 : i32
      "tpu.region"() ({
        %run_scoped3A_418 = tpu.sem_alloc : memref<!tpu.dma_semaphore, #tpu.memory_space<semaphore_mem>>
        %dma_start3A_419 = arith.constant 0 : i32
        %dma_start3A_420 = arith.constant 0 : i32
        %dma_start3A_421 = tpu.memref_slice %arg9[%run_scoped3A_410, %dma_start3A_419, %dma_start3A_420] : memref<2x128x128xf32, #tpu.memory_space<vmem>> -> memref<1x128x128xf32, #tpu.memory_space<vmem>>
        %dma_start3A_422 = tpu.memref_squeeze %dma_start3A_421 : memref<1x128x128xf32, #tpu.memory_space<vmem>> -> memref<128x128xf32, #tpu.memory_space<vmem>>
        %dma_start3A_423 = arith.constant 0 : i32
        %dma_start3A_424 = tpu.memref_slice %arg8[%add3A_409, %dma_start3A_423] : memref<40x128xi32, #tpu.memory_space<vmem>> -> memref<1x128xi32, #tpu.memory_space<vmem>>
        %dma_start3A_425 = tpu.memref_squeeze %dma_start3A_424 : memref<1x128xi32, #tpu.memory_space<vmem>> -> memref<128xi32, #tpu.memory_space<vmem>>
        %dma_start3A_426 = arith.constant 0 : i32
        %dma_start3A_427 = arith.constant 0 : i32
        %dma_start3A_428 = tpu.memref_slice %arg10[%dma_start3A_426, %dma_start3A_427] : memref<10240x128xf32, #tpu.memory_space<vmem_shared>> -> memref<10240x128xf32, #tpu.memory_space<vmem_shared>>
        tpu.enqueue_indirect_dma source(%dma_start3A_422 : memref<128x128xf32, #tpu.memory_space<vmem>>) target(%dma_start3A_428 : memref<10240x128xf32, #tpu.memory_space<vmem_shared>>) offsets(%dma_start3A_425 : memref<128xi32, #tpu.memory_space<vmem>>) semaphore(%run_scoped3A_418 : memref<!tpu.dma_semaphore, #tpu.memory_space<semaphore_mem>>) {add = true}
        %dma_wait3A_429 = arith.constant 0 : i32
        %dma_wait3A_430 = arith.constant 0 : i32
        %dma_wait3A_431 = tpu.memref_slice %arg9[%run_scoped3A_410, %dma_wait3A_429, %dma_wait3A_430] : memref<2x128x128xf32, #tpu.memory_space<vmem>> -> memref<1x128x128xf32, #tpu.memory_space<vmem>>
        %dma_wait3A_432 = tpu.memref_squeeze %dma_wait3A_431 : memref<1x128x128xf32, #tpu.memory_space<vmem>> -> memref<128x128xf32, #tpu.memory_space<vmem>>
        %dma_wait3A_433 = arith.constant 0 : i32
        %dma_wait3A_434 = tpu.memref_slice %arg8[%add3A_409, %dma_wait3A_433] : memref<40x128xi32, #tpu.memory_space<vmem>> -> memref<1x128xi32, #tpu.memory_space<vmem>>
        %dma_wait3A_435 = tpu.memref_squeeze %dma_wait3A_434 : memref<1x128xi32, #tpu.memory_space<vmem>> -> memref<128xi32, #tpu.memory_space<vmem>>
        %dma_wait3A_436 = arith.constant 0 : i32
        %dma_wait3A_437 = arith.constant 0 : i32
        %dma_wait3A_438 = tpu.memref_slice %arg10[%dma_wait3A_436, %dma_wait3A_437] : memref<10240x128xf32, #tpu.memory_space<vmem_shared>> -> memref<10240x128xf32, #tpu.memory_space<vmem_shared>>
        tpu.wait_indirect_dma semaphore(%run_scoped3A_418 : memref<!tpu.dma_semaphore, #tpu.memory_space<semaphore_mem>>) src(%dma_wait3A_432 : memref<128x128xf32, #tpu.memory_space<vmem>>) dst(%dma_wait3A_438 : memref<10240x128xf32, #tpu.memory_space<vmem_shared>>)
        tpu.yield
      }) : () -> ()
      %add3A_411 = arith.constant 3 : i32
      %add3A_412 = arith.addi %mul3A_371, %add3A_411 : i32
      %lt3A_413 = arith.constant 40 : i32
      %lt3A_414 = arith.cmpi slt, %add3A_412, %lt3A_413 : i32
      %convert_element_type3A_415 = arith.extui %lt3A_414 : i1 to i32
      %cond3A_416 = arith.constant 0 : i32
      %cond3A_417 = arith.cmpi ne, %convert_element_type3A_415, %cond3A_416 : i32
      scf.if %cond3A_417 {
        %add3A_418 = arith.constant 3 : i32
        %add3A_419 = arith.addi %mul3A_371, %add3A_418 : i32
        %dma_start3A_420 = arith.constant 1 : i32
        %dma_start3A_421 = arith.constant 0 : i32
        %dma_start3A_422 = arith.constant 0 : i32
        %dma_start3A_423 = tpu.memref_slice %arg9[%dma_start3A_420, %dma_start3A_421, %dma_start3A_422] : memref<2x128x128xf32, #tpu.memory_space<vmem>> -> memref<1x128x128xf32, #tpu.memory_space<vmem>>
        %dma_start3A_424 = tpu.memref_squeeze %dma_start3A_423 : memref<1x128x128xf32, #tpu.memory_space<vmem>> -> memref<128x128xf32, #tpu.memory_space<vmem>>
        %dma_start3A_425 = arith.constant 0 : i32
        %dma_start3A_426 = tpu.memref_slice %arg7[%add3A_419, %dma_start3A_425] : memref<40x128xi32, #tpu.memory_space<vmem>> -> memref<1x128xi32, #tpu.memory_space<vmem>>
        %dma_start3A_427 = tpu.memref_squeeze %dma_start3A_426 : memref<1x128xi32, #tpu.memory_space<vmem>> -> memref<128xi32, #tpu.memory_space<vmem>>
        %dma_start3A_428 = arith.constant 0 : i32
        %dma_start3A_429 = arith.constant 0 : i32
        %dma_start3A_430 = tpu.memref_slice %arg2[%scan3A_79, %dma_start3A_428, %dma_start3A_429] : memref<4x10000x128xf32, #tpu.memory_space<hbm>> -> memref<1x10000x128xf32, #tpu.memory_space<hbm>>
        %dma_start3A_431 = tpu.memref_squeeze %dma_start3A_430 : memref<1x10000x128xf32, #tpu.memory_space<hbm>> -> memref<10000x128xf32, #tpu.memory_space<hbm>>
        %dma_start3A_432 = arith.constant 0 : i32
        %dma_start3A_433 = arith.constant 0 : i32
        %dma_start3A_434 = tpu.memref_slice %dma_start3A_431[%dma_start3A_432, %dma_start3A_433] : memref<10000x128xf32, #tpu.memory_space<hbm>> -> memref<10000x128xf32, #tpu.memory_space<hbm>>
        tpu.enqueue_indirect_dma source(%dma_start3A_434 : memref<10000x128xf32, #tpu.memory_space<hbm>>) target(%dma_start3A_424 : memref<128x128xf32, #tpu.memory_space<vmem>>) offsets(%dma_start3A_427 : memref<128xi32, #tpu.memory_space<vmem>>) semaphore(%arg12 : memref<!tpu.dma_semaphore, #tpu.memory_space<semaphore_mem>>)
      } else {
      }
    }
    %scan3A_84 = arith.constant 20 : i32
    %barrier3A_85 = arith.constant 0 : index
    tpu.barrier barrier_id(%barrier3A_85)
    %mul3A_86 = arith.constant 640 : i32
    %mul3A_87 = arith.muli %arg1, %mul3A_86 : i32
    %mul3A_88 = arith.constant 640 : i32
    %mul3A_89 = arith.muli %arg1, %mul3A_88 : i32
    %run_scoped3A = arith.constant 0 : i32
    "tpu.region"() ({
      %run_scoped3A_369 = tpu.sem_alloc : memref<!tpu.dma_semaphore, #tpu.memory_space<semaphore_mem>>
      %dma_start3A_370 = arith.constant 0 : i32
      %dma_start3A_371 = tpu.memref_slice %arg6[%run_scoped3A, %arg0, %mul3A_89, %dma_start3A_370] : memref<4x2x10240x128xf32, #tpu.memory_space<hbm>> -> memref<1x1x640x128xf32, #tpu.memory_space<hbm>>
      %dma_start3A_372 = tpu.memref_squeeze %dma_start3A_371 : memref<1x1x640x128xf32, #tpu.memory_space<hbm>> -> memref<640x128xf32, #tpu.memory_space<hbm>>
      %dma_start3A_373 = arith.constant 0 : i32
      %dma_start3A_374 = tpu.memref_slice %arg10[%mul3A_87, %dma_start3A_373] : memref<10240x128xf32, #tpu.memory_space<vmem_shared>> -> memref<640x128xf32, #tpu.memory_space<vmem_shared>>
      tpu.enqueue_dma source(%dma_start3A_374 : memref<640x128xf32, #tpu.memory_space<vmem_shared>>) target(%dma_start3A_372 : memref<640x128xf32, #tpu.memory_space<hbm>>) target_semaphore(%run_scoped3A_369 : memref<!tpu.dma_semaphore, #tpu.memory_space<semaphore_mem>>)
      %dma_wait3A = arith.constant 0 : i32
      %dma_wait3A_375 = tpu.memref_slice %arg6[%run_scoped3A, %arg0, %mul3A_89, %dma_wait3A] : memref<4x2x10240x128xf32, #tpu.memory_space<hbm>> -> memref<1x1x640x128xf32, #tpu.memory_space<hbm>>
      %dma_wait3A_376 = tpu.memref_squeeze %dma_wait3A_375 : memref<1x1x640x128xf32, #tpu.memory_space<hbm>> -> memref<640x128xf32, #tpu.memory_space<hbm>>
      %dma_wait3A_377 = arith.constant 0 : i32
      %dma_wait3A_378 = tpu.memref_slice %arg10[%mul3A_87, %dma_wait3A_377] : memref<10240x128xf32, #tpu.memory_space<vmem_shared>> -> memref<640x128xf32, #tpu.memory_space<vmem_shared>>
      tpu.wait_dma2 semaphore(%run_scoped3A_369 : memref<!tpu.dma_semaphore, #tpu.memory_space<semaphore_mem>>) src(%dma_wait3A_378 : memref<640x128xf32, #tpu.memory_space<vmem_shared>>) dst(%dma_wait3A_376 : memref<640x128xf32, #tpu.memory_space<hbm>>)
      tpu.yield
    }) : () -> ()
    %mul3A_90 = arith.constant 640 : i32
    %mul3A_91 = arith.muli %arg1, %mul3A_90 : i32
    %mul3A_92 = arith.constant 640 : i32
    %mul3A_93 = arith.muli %arg1, %mul3A_92 : i32
    "tpu.region"() ({
      %run_scoped3A_369 = tpu.sem_alloc : memref<!tpu.dma_semaphore, #tpu.memory_space<semaphore_mem>>
      %dma_start3A_370 = arith.constant 0 : i32
      %dma_start3A_371 = tpu.memref_slice %arg10[%mul3A_93, %dma_start3A_370] : memref<10240x128xf32, #tpu.memory_space<vmem_shared>> -> memref<640x128xf32, #tpu.memory_space<vmem_shared>>
      %dma_start3A_372 = arith.constant 0 : i32
      %dma_start3A_373 = tpu.memref_slice %arg5[%mul3A_91, %dma_start3A_372] : memref<10240x128xf32, #tpu.memory_space<hbm>> -> memref<640x128xf32, #tpu.memory_space<hbm>>
      tpu.enqueue_dma source(%dma_start3A_373 : memref<640x128xf32, #tpu.memory_space<hbm>>) target(%dma_start3A_371 : memref<640x128xf32, #tpu.memory_space<vmem_shared>>) target_semaphore(%run_scoped3A_369 : memref<!tpu.dma_semaphore, #tpu.memory_space<semaphore_mem>>)
      %dma_wait3A = arith.constant 0 : i32
      %dma_wait3A_374 = tpu.memref_slice %arg10[%mul3A_93, %dma_wait3A] : memref<10240x128xf32, #tpu.memory_space<vmem_shared>> -> memref<640x128xf32, #tpu.memory_space<vmem_shared>>
      %dma_wait3A_375 = arith.constant 0 : i32
      %dma_wait3A_376 = tpu.memref_slice %arg5[%mul3A_91, %dma_wait3A_375] : memref<10240x128xf32, #tpu.memory_space<hbm>> -> memref<640x128xf32, #tpu.memory_space<hbm>>
      tpu.wait_dma2 semaphore(%run_scoped3A_369 : memref<!tpu.dma_semaphore, #tpu.memory_space<semaphore_mem>>) src(%dma_wait3A_376 : memref<640x128xf32, #tpu.memory_space<hbm>>) dst(%dma_wait3A_374 : memref<640x128xf32, #tpu.memory_space<vmem_shared>>)
      tpu.yield
    }) : () -> ()
    %barrier3A_94 = arith.constant 0 : index
    tpu.barrier barrier_id(%barrier3A_94)
    "tpu.region"() ({
      %run_scoped3A_369 = tpu.sem_alloc : memref<!tpu.dma_semaphore, #tpu.memory_space<semaphore_mem>>
      %dma_start3A_370 = arith.constant 0 : i32
      %dma_start3A_371 = arith.constant 0 : i32
      %dma_start3A_372 = tpu.memref_slice %arg3[%add3A, %dma_start3A_370, %dma_start3A_371] : memref<32x80x128xi32, #tpu.memory_space<hbm>> -> memref<1x40x128xi32, #tpu.memory_space<hbm>>
      %dma_start3A_373 = tpu.memref_squeeze %dma_start3A_372 : memref<1x40x128xi32, #tpu.memory_space<hbm>> -> memref<40x128xi32, #tpu.memory_space<hbm>>
      %dma_start3A_374 = arith.constant 0 : i32
      %dma_start3A_375 = arith.constant 0 : i32
      %dma_start3A_376 = tpu.memref_slice %arg3[%add3A, %dma_start3A_374, %dma_start3A_375] : memref<32x80x128xi32, #tpu.memory_space<hbm>> -> memref<1x40x128xi32, #tpu.memory_space<hbm>>
      %dma_start3A_377 = tpu.memref_squeeze %dma_start3A_376 : memref<1x40x128xi32, #tpu.memory_space<hbm>> -> memref<40x128xi32, #tpu.memory_space<hbm>>
      tpu.enqueue_dma source(%dma_start3A_377 : memref<40x128xi32, #tpu.memory_space<hbm>>) target(%arg7 : memref<40x128xi32, #tpu.memory_space<vmem>>) target_semaphore(%run_scoped3A_369 : memref<!tpu.dma_semaphore, #tpu.memory_space<semaphore_mem>>)
      %dma_wait3A = arith.constant 0 : i32
      %dma_wait3A_378 = arith.constant 0 : i32
      %dma_wait3A_379 = tpu.memref_slice %arg3[%add3A, %dma_wait3A, %dma_wait3A_378] : memref<32x80x128xi32, #tpu.memory_space<hbm>> -> memref<1x40x128xi32, #tpu.memory_space<hbm>>
      %dma_wait3A_380 = tpu.memref_squeeze %dma_wait3A_379 : memref<1x40x128xi32, #tpu.memory_space<hbm>> -> memref<40x128xi32, #tpu.memory_space<hbm>>
      %dma_wait3A_381 = arith.constant 0 : i32
      %dma_wait3A_382 = arith.constant 0 : i32
      %dma_wait3A_383 = tpu.memref_slice %arg3[%add3A, %dma_wait3A_381, %dma_wait3A_382] : memref<32x80x128xi32, #tpu.memory_space<hbm>> -> memref<1x40x128xi32, #tpu.memory_space<hbm>>
      %dma_wait3A_384 = tpu.memref_squeeze %dma_wait3A_383 : memref<1x40x128xi32, #tpu.memory_space<hbm>> -> memref<40x128xi32, #tpu.memory_space<hbm>>
      tpu.wait_dma2 semaphore(%run_scoped3A_369 : memref<!tpu.dma_semaphore, #tpu.memory_space<semaphore_mem>>) src(%dma_wait3A_384 : memref<40x128xi32, #tpu.memory_space<hbm>>) dst(%arg7 : memref<40x128xi32, #tpu.memory_space<vmem>>)
      tpu.yield
    }) : () -> ()
    "tpu.region"() ({
      %run_scoped3A_369 = tpu.sem_alloc : memref<!tpu.dma_semaphore, #tpu.memory_space<semaphore_mem>>
      %dma_start3A_370 = arith.constant 0 : i32
      %dma_start3A_371 = arith.constant 0 : i32
      %dma_start3A_372 = tpu.memref_slice %arg4[%add3A, %dma_start3A_370, %dma_start3A_371] : memref<32x80x128xi32, #tpu.memory_space<hbm>> -> memref<1x40x128xi32, #tpu.memory_space<hbm>>
      %dma_start3A_373 = tpu.memref_squeeze %dma_start3A_372 : memref<1x40x128xi32, #tpu.memory_space<hbm>> -> memref<40x128xi32, #tpu.memory_space<hbm>>
      %dma_start3A_374 = arith.constant 0 : i32
      %dma_start3A_375 = arith.constant 0 : i32
      %dma_start3A_376 = tpu.memref_slice %arg4[%add3A, %dma_start3A_374, %dma_start3A_375] : memref<32x80x128xi32, #tpu.memory_space<hbm>> -> memref<1x40x128xi32, #tpu.memory_space<hbm>>
      %dma_start3A_377 = tpu.memref_squeeze %dma_start3A_376 : memref<1x40x128xi32, #tpu.memory_space<hbm>> -> memref<40x128xi32, #tpu.memory_space<hbm>>
      tpu.enqueue_dma source(%dma_start3A_377 : memref<40x128xi32, #tpu.memory_space<hbm>>) target(%arg8 : memref<40x128xi32, #tpu.memory_space<vmem>>) target_semaphore(%run_scoped3A_369 : memref<!tpu.dma_semaphore, #tpu.memory_space<semaphore_mem>>)
      %dma_wait3A = arith.constant 0 : i32
      %dma_wait3A_378 = arith.constant 0 : i32
      %dma_wait3A_379 = tpu.memref_slice %arg4[%add3A, %dma_wait3A, %dma_wait3A_378] : memref<32x80x128xi32, #tpu.memory_space<hbm>> -> memref<1x40x128xi32, #tpu.memory_space<hbm>>
      %dma_wait3A_380 = tpu.memref_squeeze %dma_wait3A_379 : memref<1x40x128xi32, #tpu.memory_space<hbm>> -> memref<40x128xi32, #tpu.memory_space<hbm>>
      %dma_wait3A_381 = arith.constant 0 : i32
      %dma_wait3A_382 = arith.constant 0 : i32
      %dma_wait3A_383 = tpu.memref_slice %arg4[%add3A, %dma_wait3A_381, %dma_wait3A_382] : memref<32x80x128xi32, #tpu.memory_space<hbm>> -> memref<1x40x128xi32, #tpu.memory_space<hbm>>
      %dma_wait3A_384 = tpu.memref_squeeze %dma_wait3A_383 : memref<1x40x128xi32, #tpu.memory_space<hbm>> -> memref<40x128xi32, #tpu.memory_space<hbm>>
      tpu.wait_dma2 semaphore(%run_scoped3A_369 : memref<!tpu.dma_semaphore, #tpu.memory_space<semaphore_mem>>) src(%dma_wait3A_384 : memref<40x128xi32, #tpu.memory_space<hbm>>) dst(%arg8 : memref<40x128xi32, #tpu.memory_space<vmem>>)
      tpu.yield
    }) : () -> ()
    %dma_start3A_95 = arith.constant 1 : i32
    %dma_start3A_96 = arith.constant 0 : i32
    %dma_start3A_97 = arith.constant 0 : i32
    %dma_start3A_98 = arith.constant 0 : i32
    %dma_start3A_99 = arith.constant 0 : i32
    %dma_start3A_100 = tpu.memref_slice %arg9[%dma_start3A_97, %dma_start3A_98, %dma_start3A_99] : memref<2x128x128xf32, #tpu.memory_space<vmem>> -> memref<1x128x128xf32, #tpu.memory_space<vmem>>
    %dma_start3A_101 = tpu.memref_squeeze %dma_start3A_100 : memref<1x128x128xf32, #tpu.memory_space<vmem>> -> memref<128x128xf32, #tpu.memory_space<vmem>>
    %dma_start3A_102 = arith.constant 0 : i32
    %dma_start3A_103 = tpu.memref_slice %arg7[%dma_start3A_96, %dma_start3A_102] : memref<40x128xi32, #tpu.memory_space<vmem>> -> memref<1x128xi32, #tpu.memory_space<vmem>>
    %dma_start3A_104 = tpu.memref_squeeze %dma_start3A_103 : memref<1x128xi32, #tpu.memory_space<vmem>> -> memref<128xi32, #tpu.memory_space<vmem>>
    %dma_start3A_105 = arith.constant 0 : i32
    %dma_start3A_106 = arith.constant 0 : i32
    %dma_start3A_107 = tpu.memref_slice %arg2[%dma_start3A_95, %dma_start3A_105, %dma_start3A_106] : memref<4x10000x128xf32, #tpu.memory_space<hbm>> -> memref<1x10000x128xf32, #tpu.memory_space<hbm>>
    %dma_start3A_108 = tpu.memref_squeeze %dma_start3A_107 : memref<1x10000x128xf32, #tpu.memory_space<hbm>> -> memref<10000x128xf32, #tpu.memory_space<hbm>>
    %dma_start3A_109 = arith.constant 0 : i32
    %dma_start3A_110 = arith.constant 0 : i32
    %dma_start3A_111 = tpu.memref_slice %dma_start3A_108[%dma_start3A_109, %dma_start3A_110] : memref<10000x128xf32, #tpu.memory_space<hbm>> -> memref<10000x128xf32, #tpu.memory_space<hbm>>
    tpu.enqueue_indirect_dma source(%dma_start3A_111 : memref<10000x128xf32, #tpu.memory_space<hbm>>) target(%dma_start3A_101 : memref<128x128xf32, #tpu.memory_space<vmem>>) offsets(%dma_start3A_104 : memref<128xi32, #tpu.memory_space<vmem>>) semaphore(%arg11 : memref<!tpu.dma_semaphore, #tpu.memory_space<semaphore_mem>>)
    %dma_start3A_112 = arith.constant 1 : i32
    %dma_start3A_113 = arith.constant 1 : i32
    %dma_start3A_114 = arith.constant 1 : i32
    %dma_start3A_115 = arith.constant 0 : i32
    %dma_start3A_116 = arith.constant 0 : i32
    %dma_start3A_117 = tpu.memref_slice %arg9[%dma_start3A_114, %dma_start3A_115, %dma_start3A_116] : memref<2x128x128xf32, #tpu.memory_space<vmem>> -> memref<1x128x128xf32, #tpu.memory_space<vmem>>
    %dma_start3A_118 = tpu.memref_squeeze %dma_start3A_117 : memref<1x128x128xf32, #tpu.memory_space<vmem>> -> memref<128x128xf32, #tpu.memory_space<vmem>>
    %dma_start3A_119 = arith.constant 0 : i32
    %dma_start3A_120 = tpu.memref_slice %arg7[%dma_start3A_113, %dma_start3A_119] : memref<40x128xi32, #tpu.memory_space<vmem>> -> memref<1x128xi32, #tpu.memory_space<vmem>>
    %dma_start3A_121 = tpu.memref_squeeze %dma_start3A_120 : memref<1x128xi32, #tpu.memory_space<vmem>> -> memref<128xi32, #tpu.memory_space<vmem>>
    %dma_start3A_122 = arith.constant 0 : i32
    %dma_start3A_123 = arith.constant 0 : i32
    %dma_start3A_124 = tpu.memref_slice %arg2[%dma_start3A_112, %dma_start3A_122, %dma_start3A_123] : memref<4x10000x128xf32, #tpu.memory_space<hbm>> -> memref<1x10000x128xf32, #tpu.memory_space<hbm>>
    %dma_start3A_125 = tpu.memref_squeeze %dma_start3A_124 : memref<1x10000x128xf32, #tpu.memory_space<hbm>> -> memref<10000x128xf32, #tpu.memory_space<hbm>>
    %dma_start3A_126 = arith.constant 0 : i32
    %dma_start3A_127 = arith.constant 0 : i32
    %dma_start3A_128 = tpu.memref_slice %dma_start3A_125[%dma_start3A_126, %dma_start3A_127] : memref<10000x128xf32, #tpu.memory_space<hbm>> -> memref<10000x128xf32, #tpu.memory_space<hbm>>
    tpu.enqueue_indirect_dma source(%dma_start3A_128 : memref<10000x128xf32, #tpu.memory_space<hbm>>) target(%dma_start3A_118 : memref<128x128xf32, #tpu.memory_space<vmem>>) offsets(%dma_start3A_121 : memref<128xi32, #tpu.memory_space<vmem>>) semaphore(%arg12 : memref<!tpu.dma_semaphore, #tpu.memory_space<semaphore_mem>>)
    %scan3A_129 = arith.constant 0 : i32
    %scan3A_130 = arith.constant 1 : i32
    %scan3A_131 = arith.constant 0 : i32
    %scan3A_132 = arith.constant 20 : i32
    %scan3A_133 = arith.addi %scan3A_131, %scan3A_132 : i32
    %scan3A_134 = arith.constant 1 : i32
    scf.for %scan3A_369 = %scan3A_131 to %scan3A_133 step %scan3A_134  : i32 {
      %mul3A_370 = arith.constant 2 : i32
      %mul3A_371 = arith.muli %mul3A_370, %scan3A_369 : i32
      %dma_wait3A = arith.constant 0 : i32
      %dma_wait3A_372 = arith.constant 0 : i32
      %dma_wait3A_373 = arith.constant 0 : i32
      %dma_wait3A_374 = tpu.memref_slice %arg9[%dma_wait3A, %dma_wait3A_372, %dma_wait3A_373] : memref<2x128x128xf32, #tpu.memory_space<vmem>> -> memref<1x128x128xf32, #tpu.memory_space<vmem>>
      %dma_wait3A_375 = tpu.memref_squeeze %dma_wait3A_374 : memref<1x128x128xf32, #tpu.memory_space<vmem>> -> memref<128x128xf32, #tpu.memory_space<vmem>>
      %dma_wait3A_376 = arith.constant 0 : i32
      %dma_wait3A_377 = tpu.memref_slice %arg7[%mul3A_371, %dma_wait3A_376] : memref<40x128xi32, #tpu.memory_space<vmem>> -> memref<1x128xi32, #tpu.memory_space<vmem>>
      %dma_wait3A_378 = tpu.memref_squeeze %dma_wait3A_377 : memref<1x128xi32, #tpu.memory_space<vmem>> -> memref<128xi32, #tpu.memory_space<vmem>>
      %dma_wait3A_379 = arith.constant 0 : i32
      %dma_wait3A_380 = arith.constant 0 : i32
      %dma_wait3A_381 = tpu.memref_slice %arg2[%scan3A_130, %dma_wait3A_379, %dma_wait3A_380] : memref<4x10000x128xf32, #tpu.memory_space<hbm>> -> memref<1x10000x128xf32, #tpu.memory_space<hbm>>
      %dma_wait3A_382 = tpu.memref_squeeze %dma_wait3A_381 : memref<1x10000x128xf32, #tpu.memory_space<hbm>> -> memref<10000x128xf32, #tpu.memory_space<hbm>>
      %dma_wait3A_383 = arith.constant 0 : i32
      %dma_wait3A_384 = arith.constant 0 : i32
      %dma_wait3A_385 = tpu.memref_slice %dma_wait3A_382[%dma_wait3A_383, %dma_wait3A_384] : memref<10000x128xf32, #tpu.memory_space<hbm>> -> memref<10000x128xf32, #tpu.memory_space<hbm>>
      tpu.wait_indirect_dma semaphore(%arg11 : memref<!tpu.dma_semaphore, #tpu.memory_space<semaphore_mem>>) src(%dma_wait3A_385 : memref<10000x128xf32, #tpu.memory_space<hbm>>) dst(%dma_wait3A_375 : memref<128x128xf32, #tpu.memory_space<vmem>>)
      %run_scoped3A_386 = arith.constant 0 : i32
      "tpu.region"() ({
        %run_scoped3A_418 = tpu.sem_alloc : memref<!tpu.dma_semaphore, #tpu.memory_space<semaphore_mem>>
        %dma_start3A_419 = arith.constant 0 : i32
        %dma_start3A_420 = arith.constant 0 : i32
        %dma_start3A_421 = tpu.memref_slice %arg9[%run_scoped3A_386, %dma_start3A_419, %dma_start3A_420] : memref<2x128x128xf32, #tpu.memory_space<vmem>> -> memref<1x128x128xf32, #tpu.memory_space<vmem>>
        %dma_start3A_422 = tpu.memref_squeeze %dma_start3A_421 : memref<1x128x128xf32, #tpu.memory_space<vmem>> -> memref<128x128xf32, #tpu.memory_space<vmem>>
        %dma_start3A_423 = arith.constant 0 : i32
        %dma_start3A_424 = tpu.memref_slice %arg8[%mul3A_371, %dma_start3A_423] : memref<40x128xi32, #tpu.memory_space<vmem>> -> memref<1x128xi32, #tpu.memory_space<vmem>>
        %dma_start3A_425 = tpu.memref_squeeze %dma_start3A_424 : memref<1x128xi32, #tpu.memory_space<vmem>> -> memref<128xi32, #tpu.memory_space<vmem>>
        %dma_start3A_426 = arith.constant 0 : i32
        %dma_start3A_427 = arith.constant 0 : i32
        %dma_start3A_428 = tpu.memref_slice %arg10[%dma_start3A_426, %dma_start3A_427] : memref<10240x128xf32, #tpu.memory_space<vmem_shared>> -> memref<10240x128xf32, #tpu.memory_space<vmem_shared>>
        tpu.enqueue_indirect_dma source(%dma_start3A_422 : memref<128x128xf32, #tpu.memory_space<vmem>>) target(%dma_start3A_428 : memref<10240x128xf32, #tpu.memory_space<vmem_shared>>) offsets(%dma_start3A_425 : memref<128xi32, #tpu.memory_space<vmem>>) semaphore(%run_scoped3A_418 : memref<!tpu.dma_semaphore, #tpu.memory_space<semaphore_mem>>) {add = true}
        %dma_wait3A_429 = arith.constant 0 : i32
        %dma_wait3A_430 = arith.constant 0 : i32
        %dma_wait3A_431 = tpu.memref_slice %arg9[%run_scoped3A_386, %dma_wait3A_429, %dma_wait3A_430] : memref<2x128x128xf32, #tpu.memory_space<vmem>> -> memref<1x128x128xf32, #tpu.memory_space<vmem>>
        %dma_wait3A_432 = tpu.memref_squeeze %dma_wait3A_431 : memref<1x128x128xf32, #tpu.memory_space<vmem>> -> memref<128x128xf32, #tpu.memory_space<vmem>>
        %dma_wait3A_433 = arith.constant 0 : i32
        %dma_wait3A_434 = tpu.memref_slice %arg8[%mul3A_371, %dma_wait3A_433] : memref<40x128xi32, #tpu.memory_space<vmem>> -> memref<1x128xi32, #tpu.memory_space<vmem>>
        %dma_wait3A_435 = tpu.memref_squeeze %dma_wait3A_434 : memref<1x128xi32, #tpu.memory_space<vmem>> -> memref<128xi32, #tpu.memory_space<vmem>>
        %dma_wait3A_436 = arith.constant 0 : i32
        %dma_wait3A_437 = arith.constant 0 : i32
        %dma_wait3A_438 = tpu.memref_slice %arg10[%dma_wait3A_436, %dma_wait3A_437] : memref<10240x128xf32, #tpu.memory_space<vmem_shared>> -> memref<10240x128xf32, #tpu.memory_space<vmem_shared>>
        tpu.wait_indirect_dma semaphore(%run_scoped3A_418 : memref<!tpu.dma_semaphore, #tpu.memory_space<semaphore_mem>>) src(%dma_wait3A_432 : memref<128x128xf32, #tpu.memory_space<vmem>>) dst(%dma_wait3A_438 : memref<10240x128xf32, #tpu.memory_space<vmem_shared>>)
        tpu.yield
      }) : () -> ()
      %add3A_387 = arith.constant 2 : i32
      %add3A_388 = arith.addi %mul3A_371, %add3A_387 : i32
      %lt3A = arith.constant 40 : i32
      %lt3A_389 = arith.cmpi slt, %add3A_388, %lt3A : i32
      %convert_element_type3A = arith.extui %lt3A_389 : i1 to i32
      %cond3A = arith.constant 0 : i32
      %cond3A_390 = arith.cmpi ne, %convert_element_type3A, %cond3A : i32
      scf.if %cond3A_390 {
        %add3A_418 = arith.constant 2 : i32
        %add3A_419 = arith.addi %mul3A_371, %add3A_418 : i32
        %dma_start3A_420 = arith.constant 0 : i32
        %dma_start3A_421 = arith.constant 0 : i32
        %dma_start3A_422 = arith.constant 0 : i32
        %dma_start3A_423 = tpu.memref_slice %arg9[%dma_start3A_420, %dma_start3A_421, %dma_start3A_422] : memref<2x128x128xf32, #tpu.memory_space<vmem>> -> memref<1x128x128xf32, #tpu.memory_space<vmem>>
        %dma_start3A_424 = tpu.memref_squeeze %dma_start3A_423 : memref<1x128x128xf32, #tpu.memory_space<vmem>> -> memref<128x128xf32, #tpu.memory_space<vmem>>
        %dma_start3A_425 = arith.constant 0 : i32
        %dma_start3A_426 = tpu.memref_slice %arg7[%add3A_419, %dma_start3A_425] : memref<40x128xi32, #tpu.memory_space<vmem>> -> memref<1x128xi32, #tpu.memory_space<vmem>>
        %dma_start3A_427 = tpu.memref_squeeze %dma_start3A_426 : memref<1x128xi32, #tpu.memory_space<vmem>> -> memref<128xi32, #tpu.memory_space<vmem>>
        %dma_start3A_428 = arith.constant 0 : i32
        %dma_start3A_429 = arith.constant 0 : i32
        %dma_start3A_430 = tpu.memref_slice %arg2[%scan3A_130, %dma_start3A_428, %dma_start3A_429] : memref<4x10000x128xf32, #tpu.memory_space<hbm>> -> memref<1x10000x128xf32, #tpu.memory_space<hbm>>
        %dma_start3A_431 = tpu.memref_squeeze %dma_start3A_430 : memref<1x10000x128xf32, #tpu.memory_space<hbm>> -> memref<10000x128xf32, #tpu.memory_space<hbm>>
        %dma_start3A_432 = arith.constant 0 : i32
        %dma_start3A_433 = arith.constant 0 : i32
        %dma_start3A_434 = tpu.memref_slice %dma_start3A_431[%dma_start3A_432, %dma_start3A_433] : memref<10000x128xf32, #tpu.memory_space<hbm>> -> memref<10000x128xf32, #tpu.memory_space<hbm>>
        tpu.enqueue_indirect_dma source(%dma_start3A_434 : memref<10000x128xf32, #tpu.memory_space<hbm>>) target(%dma_start3A_424 : memref<128x128xf32, #tpu.memory_space<vmem>>) offsets(%dma_start3A_427 : memref<128xi32, #tpu.memory_space<vmem>>) semaphore(%arg11 : memref<!tpu.dma_semaphore, #tpu.memory_space<semaphore_mem>>)
      } else {
      }
      %add3A_391 = arith.constant 1 : i32
      %add3A_392 = arith.addi %mul3A_371, %add3A_391 : i32
      %dma_wait3A_393 = arith.constant 1 : i32
      %dma_wait3A_394 = arith.constant 0 : i32
      %dma_wait3A_395 = arith.constant 0 : i32
      %dma_wait3A_396 = tpu.memref_slice %arg9[%dma_wait3A_393, %dma_wait3A_394, %dma_wait3A_395] : memref<2x128x128xf32, #tpu.memory_space<vmem>> -> memref<1x128x128xf32, #tpu.memory_space<vmem>>
      %dma_wait3A_397 = tpu.memref_squeeze %dma_wait3A_396 : memref<1x128x128xf32, #tpu.memory_space<vmem>> -> memref<128x128xf32, #tpu.memory_space<vmem>>
      %dma_wait3A_398 = arith.constant 0 : i32
      %dma_wait3A_399 = tpu.memref_slice %arg7[%add3A_392, %dma_wait3A_398] : memref<40x128xi32, #tpu.memory_space<vmem>> -> memref<1x128xi32, #tpu.memory_space<vmem>>
      %dma_wait3A_400 = tpu.memref_squeeze %dma_wait3A_399 : memref<1x128xi32, #tpu.memory_space<vmem>> -> memref<128xi32, #tpu.memory_space<vmem>>
      %dma_wait3A_401 = arith.constant 0 : i32
      %dma_wait3A_402 = arith.constant 0 : i32
      %dma_wait3A_403 = tpu.memref_slice %arg2[%scan3A_130, %dma_wait3A_401, %dma_wait3A_402] : memref<4x10000x128xf32, #tpu.memory_space<hbm>> -> memref<1x10000x128xf32, #tpu.memory_space<hbm>>
      %dma_wait3A_404 = tpu.memref_squeeze %dma_wait3A_403 : memref<1x10000x128xf32, #tpu.memory_space<hbm>> -> memref<10000x128xf32, #tpu.memory_space<hbm>>
      %dma_wait3A_405 = arith.constant 0 : i32
      %dma_wait3A_406 = arith.constant 0 : i32
      %dma_wait3A_407 = tpu.memref_slice %dma_wait3A_404[%dma_wait3A_405, %dma_wait3A_406] : memref<10000x128xf32, #tpu.memory_space<hbm>> -> memref<10000x128xf32, #tpu.memory_space<hbm>>
      tpu.wait_indirect_dma semaphore(%arg12 : memref<!tpu.dma_semaphore, #tpu.memory_space<semaphore_mem>>) src(%dma_wait3A_407 : memref<10000x128xf32, #tpu.memory_space<hbm>>) dst(%dma_wait3A_397 : memref<128x128xf32, #tpu.memory_space<vmem>>)
      %add3A_408 = arith.constant 1 : i32
      %add3A_409 = arith.addi %mul3A_371, %add3A_408 : i32
      %run_scoped3A_410 = arith.constant 1 : i32
      "tpu.region"() ({
        %run_scoped3A_418 = tpu.sem_alloc : memref<!tpu.dma_semaphore, #tpu.memory_space<semaphore_mem>>
        %dma_start3A_419 = arith.constant 0 : i32
        %dma_start3A_420 = arith.constant 0 : i32
        %dma_start3A_421 = tpu.memref_slice %arg9[%run_scoped3A_410, %dma_start3A_419, %dma_start3A_420] : memref<2x128x128xf32, #tpu.memory_space<vmem>> -> memref<1x128x128xf32, #tpu.memory_space<vmem>>
        %dma_start3A_422 = tpu.memref_squeeze %dma_start3A_421 : memref<1x128x128xf32, #tpu.memory_space<vmem>> -> memref<128x128xf32, #tpu.memory_space<vmem>>
        %dma_start3A_423 = arith.constant 0 : i32
        %dma_start3A_424 = tpu.memref_slice %arg8[%add3A_409, %dma_start3A_423] : memref<40x128xi32, #tpu.memory_space<vmem>> -> memref<1x128xi32, #tpu.memory_space<vmem>>
        %dma_start3A_425 = tpu.memref_squeeze %dma_start3A_424 : memref<1x128xi32, #tpu.memory_space<vmem>> -> memref<128xi32, #tpu.memory_space<vmem>>
        %dma_start3A_426 = arith.constant 0 : i32
        %dma_start3A_427 = arith.constant 0 : i32
        %dma_start3A_428 = tpu.memref_slice %arg10[%dma_start3A_426, %dma_start3A_427] : memref<10240x128xf32, #tpu.memory_space<vmem_shared>> -> memref<10240x128xf32, #tpu.memory_space<vmem_shared>>
        tpu.enqueue_indirect_dma source(%dma_start3A_422 : memref<128x128xf32, #tpu.memory_space<vmem>>) target(%dma_start3A_428 : memref<10240x128xf32, #tpu.memory_space<vmem_shared>>) offsets(%dma_start3A_425 : memref<128xi32, #tpu.memory_space<vmem>>) semaphore(%run_scoped3A_418 : memref<!tpu.dma_semaphore, #tpu.memory_space<semaphore_mem>>) {add = true}
        %dma_wait3A_429 = arith.constant 0 : i32
        %dma_wait3A_430 = arith.constant 0 : i32
        %dma_wait3A_431 = tpu.memref_slice %arg9[%run_scoped3A_410, %dma_wait3A_429, %dma_wait3A_430] : memref<2x128x128xf32, #tpu.memory_space<vmem>> -> memref<1x128x128xf32, #tpu.memory_space<vmem>>
        %dma_wait3A_432 = tpu.memref_squeeze %dma_wait3A_431 : memref<1x128x128xf32, #tpu.memory_space<vmem>> -> memref<128x128xf32, #tpu.memory_space<vmem>>
        %dma_wait3A_433 = arith.constant 0 : i32
        %dma_wait3A_434 = tpu.memref_slice %arg8[%add3A_409, %dma_wait3A_433] : memref<40x128xi32, #tpu.memory_space<vmem>> -> memref<1x128xi32, #tpu.memory_space<vmem>>
        %dma_wait3A_435 = tpu.memref_squeeze %dma_wait3A_434 : memref<1x128xi32, #tpu.memory_space<vmem>> -> memref<128xi32, #tpu.memory_space<vmem>>
        %dma_wait3A_436 = arith.constant 0 : i32
        %dma_wait3A_437 = arith.constant 0 : i32
        %dma_wait3A_438 = tpu.memref_slice %arg10[%dma_wait3A_436, %dma_wait3A_437] : memref<10240x128xf32, #tpu.memory_space<vmem_shared>> -> memref<10240x128xf32, #tpu.memory_space<vmem_shared>>
        tpu.wait_indirect_dma semaphore(%run_scoped3A_418 : memref<!tpu.dma_semaphore, #tpu.memory_space<semaphore_mem>>) src(%dma_wait3A_432 : memref<128x128xf32, #tpu.memory_space<vmem>>) dst(%dma_wait3A_438 : memref<10240x128xf32, #tpu.memory_space<vmem_shared>>)
        tpu.yield
      }) : () -> ()
      %add3A_411 = arith.constant 3 : i32
      %add3A_412 = arith.addi %mul3A_371, %add3A_411 : i32
      %lt3A_413 = arith.constant 40 : i32
      %lt3A_414 = arith.cmpi slt, %add3A_412, %lt3A_413 : i32
      %convert_element_type3A_415 = arith.extui %lt3A_414 : i1 to i32
      %cond3A_416 = arith.constant 0 : i32
      %cond3A_417 = arith.cmpi ne, %convert_element_type3A_415, %cond3A_416 : i32
      scf.if %cond3A_417 {
        %add3A_418 = arith.constant 3 : i32
        %add3A_419 = arith.addi %mul3A_371, %add3A_418 : i32
        %dma_start3A_420 = arith.constant 1 : i32
        %dma_start3A_421 = arith.constant 0 : i32
        %dma_start3A_422 = arith.constant 0 : i32
        %dma_start3A_423 = tpu.memref_slice %arg9[%dma_start3A_420, %dma_start3A_421, %dma_start3A_422] : memref<2x128x128xf32, #tpu.memory_space<vmem>> -> memref<1x128x128xf32, #tpu.memory_space<vmem>>
        %dma_start3A_424 = tpu.memref_squeeze %dma_start3A_423 : memref<1x128x128xf32, #tpu.memory_space<vmem>> -> memref<128x128xf32, #tpu.memory_space<vmem>>
        %dma_start3A_425 = arith.constant 0 : i32
        %dma_start3A_426 = tpu.memref_slice %arg7[%add3A_419, %dma_start3A_425] : memref<40x128xi32, #tpu.memory_space<vmem>> -> memref<1x128xi32, #tpu.memory_space<vmem>>
        %dma_start3A_427 = tpu.memref_squeeze %dma_start3A_426 : memref<1x128xi32, #tpu.memory_space<vmem>> -> memref<128xi32, #tpu.memory_space<vmem>>
        %dma_start3A_428 = arith.constant 0 : i32
        %dma_start3A_429 = arith.constant 0 : i32
        %dma_start3A_430 = tpu.memref_slice %arg2[%scan3A_130, %dma_start3A_428, %dma_start3A_429] : memref<4x10000x128xf32, #tpu.memory_space<hbm>> -> memref<1x10000x128xf32, #tpu.memory_space<hbm>>
        %dma_start3A_431 = tpu.memref_squeeze %dma_start3A_430 : memref<1x10000x128xf32, #tpu.memory_space<hbm>> -> memref<10000x128xf32, #tpu.memory_space<hbm>>
        %dma_start3A_432 = arith.constant 0 : i32
        %dma_start3A_433 = arith.constant 0 : i32
        %dma_start3A_434 = tpu.memref_slice %dma_start3A_431[%dma_start3A_432, %dma_start3A_433] : memref<10000x128xf32, #tpu.memory_space<hbm>> -> memref<10000x128xf32, #tpu.memory_space<hbm>>
        tpu.enqueue_indirect_dma source(%dma_start3A_434 : memref<10000x128xf32, #tpu.memory_space<hbm>>) target(%dma_start3A_424 : memref<128x128xf32, #tpu.memory_space<vmem>>) offsets(%dma_start3A_427 : memref<128xi32, #tpu.memory_space<vmem>>) semaphore(%arg12 : memref<!tpu.dma_semaphore, #tpu.memory_space<semaphore_mem>>)
      } else {
      }
    }
    %scan3A_135 = arith.constant 20 : i32
    "tpu.region"() ({
      %run_scoped3A_369 = tpu.sem_alloc : memref<!tpu.dma_semaphore, #tpu.memory_space<semaphore_mem>>
      %dma_start3A_370 = arith.constant 40 : i32
      %dma_start3A_371 = arith.constant 0 : i32
      %dma_start3A_372 = tpu.memref_slice %arg3[%add3A, %dma_start3A_370, %dma_start3A_371] : memref<32x80x128xi32, #tpu.memory_space<hbm>> -> memref<1x40x128xi32, #tpu.memory_space<hbm>>
      %dma_start3A_373 = tpu.memref_squeeze %dma_start3A_372 : memref<1x40x128xi32, #tpu.memory_space<hbm>> -> memref<40x128xi32, #tpu.memory_space<hbm>>
      %dma_start3A_374 = arith.constant 40 : i32
      %dma_start3A_375 = arith.constant 0 : i32
      %dma_start3A_376 = tpu.memref_slice %arg3[%add3A, %dma_start3A_374, %dma_start3A_375] : memref<32x80x128xi32, #tpu.memory_space<hbm>> -> memref<1x40x128xi32, #tpu.memory_space<hbm>>
      %dma_start3A_377 = tpu.memref_squeeze %dma_start3A_376 : memref<1x40x128xi32, #tpu.memory_space<hbm>> -> memref<40x128xi32, #tpu.memory_space<hbm>>
      tpu.enqueue_dma source(%dma_start3A_377 : memref<40x128xi32, #tpu.memory_space<hbm>>) target(%arg7 : memref<40x128xi32, #tpu.memory_space<vmem>>) target_semaphore(%run_scoped3A_369 : memref<!tpu.dma_semaphore, #tpu.memory_space<semaphore_mem>>)
      %dma_wait3A = arith.constant 40 : i32
      %dma_wait3A_378 = arith.constant 0 : i32
      %dma_wait3A_379 = tpu.memref_slice %arg3[%add3A, %dma_wait3A, %dma_wait3A_378] : memref<32x80x128xi32, #tpu.memory_space<hbm>> -> memref<1x40x128xi32, #tpu.memory_space<hbm>>
      %dma_wait3A_380 = tpu.memref_squeeze %dma_wait3A_379 : memref<1x40x128xi32, #tpu.memory_space<hbm>> -> memref<40x128xi32, #tpu.memory_space<hbm>>
      %dma_wait3A_381 = arith.constant 40 : i32
      %dma_wait3A_382 = arith.constant 0 : i32
      %dma_wait3A_383 = tpu.memref_slice %arg3[%add3A, %dma_wait3A_381, %dma_wait3A_382] : memref<32x80x128xi32, #tpu.memory_space<hbm>> -> memref<1x40x128xi32, #tpu.memory_space<hbm>>
      %dma_wait3A_384 = tpu.memref_squeeze %dma_wait3A_383 : memref<1x40x128xi32, #tpu.memory_space<hbm>> -> memref<40x128xi32, #tpu.memory_space<hbm>>
      tpu.wait_dma2 semaphore(%run_scoped3A_369 : memref<!tpu.dma_semaphore, #tpu.memory_space<semaphore_mem>>) src(%dma_wait3A_384 : memref<40x128xi32, #tpu.memory_space<hbm>>) dst(%arg7 : memref<40x128xi32, #tpu.memory_space<vmem>>)
      tpu.yield
    }) : () -> ()
    "tpu.region"() ({
      %run_scoped3A_369 = tpu.sem_alloc : memref<!tpu.dma_semaphore, #tpu.memory_space<semaphore_mem>>
      %dma_start3A_370 = arith.constant 40 : i32
      %dma_start3A_371 = arith.constant 0 : i32
      %dma_start3A_372 = tpu.memref_slice %arg4[%add3A, %dma_start3A_370, %dma_start3A_371] : memref<32x80x128xi32, #tpu.memory_space<hbm>> -> memref<1x40x128xi32, #tpu.memory_space<hbm>>
      %dma_start3A_373 = tpu.memref_squeeze %dma_start3A_372 : memref<1x40x128xi32, #tpu.memory_space<hbm>> -> memref<40x128xi32, #tpu.memory_space<hbm>>
      %dma_start3A_374 = arith.constant 40 : i32
      %dma_start3A_375 = arith.constant 0 : i32
      %dma_start3A_376 = tpu.memref_slice %arg4[%add3A, %dma_start3A_374, %dma_start3A_375] : memref<32x80x128xi32, #tpu.memory_space<hbm>> -> memref<1x40x128xi32, #tpu.memory_space<hbm>>
      %dma_start3A_377 = tpu.memref_squeeze %dma_start3A_376 : memref<1x40x128xi32, #tpu.memory_space<hbm>> -> memref<40x128xi32, #tpu.memory_space<hbm>>
      tpu.enqueue_dma source(%dma_start3A_377 : memref<40x128xi32, #tpu.memory_space<hbm>>) target(%arg8 : memref<40x128xi32, #tpu.memory_space<vmem>>) target_semaphore(%run_scoped3A_369 : memref<!tpu.dma_semaphore, #tpu.memory_space<semaphore_mem>>)
      %dma_wait3A = arith.constant 40 : i32
      %dma_wait3A_378 = arith.constant 0 : i32
      %dma_wait3A_379 = tpu.memref_slice %arg4[%add3A, %dma_wait3A, %dma_wait3A_378] : memref<32x80x128xi32, #tpu.memory_space<hbm>> -> memref<1x40x128xi32, #tpu.memory_space<hbm>>
      %dma_wait3A_380 = tpu.memref_squeeze %dma_wait3A_379 : memref<1x40x128xi32, #tpu.memory_space<hbm>> -> memref<40x128xi32, #tpu.memory_space<hbm>>
      %dma_wait3A_381 = arith.constant 40 : i32
      %dma_wait3A_382 = arith.constant 0 : i32
      %dma_wait3A_383 = tpu.memref_slice %arg4[%add3A, %dma_wait3A_381, %dma_wait3A_382] : memref<32x80x128xi32, #tpu.memory_space<hbm>> -> memref<1x40x128xi32, #tpu.memory_space<hbm>>
      %dma_wait3A_384 = tpu.memref_squeeze %dma_wait3A_383 : memref<1x40x128xi32, #tpu.memory_space<hbm>> -> memref<40x128xi32, #tpu.memory_space<hbm>>
      tpu.wait_dma2 semaphore(%run_scoped3A_369 : memref<!tpu.dma_semaphore, #tpu.memory_space<semaphore_mem>>) src(%dma_wait3A_384 : memref<40x128xi32, #tpu.memory_space<hbm>>) dst(%arg8 : memref<40x128xi32, #tpu.memory_space<vmem>>)
      tpu.yield
    }) : () -> ()
    %dma_start3A_136 = arith.constant 1 : i32
    %dma_start3A_137 = arith.constant 0 : i32
    %dma_start3A_138 = arith.constant 0 : i32
    %dma_start3A_139 = arith.constant 0 : i32
    %dma_start3A_140 = arith.constant 0 : i32
    %dma_start3A_141 = tpu.memref_slice %arg9[%dma_start3A_138, %dma_start3A_139, %dma_start3A_140] : memref<2x128x128xf32, #tpu.memory_space<vmem>> -> memref<1x128x128xf32, #tpu.memory_space<vmem>>
    %dma_start3A_142 = tpu.memref_squeeze %dma_start3A_141 : memref<1x128x128xf32, #tpu.memory_space<vmem>> -> memref<128x128xf32, #tpu.memory_space<vmem>>
    %dma_start3A_143 = arith.constant 0 : i32
    %dma_start3A_144 = tpu.memref_slice %arg7[%dma_start3A_137, %dma_start3A_143] : memref<40x128xi32, #tpu.memory_space<vmem>> -> memref<1x128xi32, #tpu.memory_space<vmem>>
    %dma_start3A_145 = tpu.memref_squeeze %dma_start3A_144 : memref<1x128xi32, #tpu.memory_space<vmem>> -> memref<128xi32, #tpu.memory_space<vmem>>
    %dma_start3A_146 = arith.constant 0 : i32
    %dma_start3A_147 = arith.constant 0 : i32
    %dma_start3A_148 = tpu.memref_slice %arg2[%dma_start3A_136, %dma_start3A_146, %dma_start3A_147] : memref<4x10000x128xf32, #tpu.memory_space<hbm>> -> memref<1x10000x128xf32, #tpu.memory_space<hbm>>
    %dma_start3A_149 = tpu.memref_squeeze %dma_start3A_148 : memref<1x10000x128xf32, #tpu.memory_space<hbm>> -> memref<10000x128xf32, #tpu.memory_space<hbm>>
    %dma_start3A_150 = arith.constant 0 : i32
    %dma_start3A_151 = arith.constant 0 : i32
    %dma_start3A_152 = tpu.memref_slice %dma_start3A_149[%dma_start3A_150, %dma_start3A_151] : memref<10000x128xf32, #tpu.memory_space<hbm>> -> memref<10000x128xf32, #tpu.memory_space<hbm>>
    tpu.enqueue_indirect_dma source(%dma_start3A_152 : memref<10000x128xf32, #tpu.memory_space<hbm>>) target(%dma_start3A_142 : memref<128x128xf32, #tpu.memory_space<vmem>>) offsets(%dma_start3A_145 : memref<128xi32, #tpu.memory_space<vmem>>) semaphore(%arg11 : memref<!tpu.dma_semaphore, #tpu.memory_space<semaphore_mem>>)
    %dma_start3A_153 = arith.constant 1 : i32
    %dma_start3A_154 = arith.constant 1 : i32
    %dma_start3A_155 = arith.constant 1 : i32
    %dma_start3A_156 = arith.constant 0 : i32
    %dma_start3A_157 = arith.constant 0 : i32
    %dma_start3A_158 = tpu.memref_slice %arg9[%dma_start3A_155, %dma_start3A_156, %dma_start3A_157] : memref<2x128x128xf32, #tpu.memory_space<vmem>> -> memref<1x128x128xf32, #tpu.memory_space<vmem>>
    %dma_start3A_159 = tpu.memref_squeeze %dma_start3A_158 : memref<1x128x128xf32, #tpu.memory_space<vmem>> -> memref<128x128xf32, #tpu.memory_space<vmem>>
    %dma_start3A_160 = arith.constant 0 : i32
    %dma_start3A_161 = tpu.memref_slice %arg7[%dma_start3A_154, %dma_start3A_160] : memref<40x128xi32, #tpu.memory_space<vmem>> -> memref<1x128xi32, #tpu.memory_space<vmem>>
    %dma_start3A_162 = tpu.memref_squeeze %dma_start3A_161 : memref<1x128xi32, #tpu.memory_space<vmem>> -> memref<128xi32, #tpu.memory_space<vmem>>
    %dma_start3A_163 = arith.constant 0 : i32
    %dma_start3A_164 = arith.constant 0 : i32
    %dma_start3A_165 = tpu.memref_slice %arg2[%dma_start3A_153, %dma_start3A_163, %dma_start3A_164] : memref<4x10000x128xf32, #tpu.memory_space<hbm>> -> memref<1x10000x128xf32, #tpu.memory_space<hbm>>
    %dma_start3A_166 = tpu.memref_squeeze %dma_start3A_165 : memref<1x10000x128xf32, #tpu.memory_space<hbm>> -> memref<10000x128xf32, #tpu.memory_space<hbm>>
    %dma_start3A_167 = arith.constant 0 : i32
    %dma_start3A_168 = arith.constant 0 : i32
    %dma_start3A_169 = tpu.memref_slice %dma_start3A_166[%dma_start3A_167, %dma_start3A_168] : memref<10000x128xf32, #tpu.memory_space<hbm>> -> memref<10000x128xf32, #tpu.memory_space<hbm>>
    tpu.enqueue_indirect_dma source(%dma_start3A_169 : memref<10000x128xf32, #tpu.memory_space<hbm>>) target(%dma_start3A_159 : memref<128x128xf32, #tpu.memory_space<vmem>>) offsets(%dma_start3A_162 : memref<128xi32, #tpu.memory_space<vmem>>) semaphore(%arg12 : memref<!tpu.dma_semaphore, #tpu.memory_space<semaphore_mem>>)
    %scan3A_170 = arith.constant 0 : i32
    %scan3A_171 = arith.constant 1 : i32
    %scan3A_172 = arith.constant 0 : i32
    %scan3A_173 = arith.constant 20 : i32
    %scan3A_174 = arith.addi %scan3A_172, %scan3A_173 : i32
    %scan3A_175 = arith.constant 1 : i32
    scf.for %scan3A_369 = %scan3A_172 to %scan3A_174 step %scan3A_175  : i32 {
      %mul3A_370 = arith.constant 2 : i32
      %mul3A_371 = arith.muli %mul3A_370, %scan3A_369 : i32
      %dma_wait3A = arith.constant 0 : i32
      %dma_wait3A_372 = arith.constant 0 : i32
      %dma_wait3A_373 = arith.constant 0 : i32
      %dma_wait3A_374 = tpu.memref_slice %arg9[%dma_wait3A, %dma_wait3A_372, %dma_wait3A_373] : memref<2x128x128xf32, #tpu.memory_space<vmem>> -> memref<1x128x128xf32, #tpu.memory_space<vmem>>
      %dma_wait3A_375 = tpu.memref_squeeze %dma_wait3A_374 : memref<1x128x128xf32, #tpu.memory_space<vmem>> -> memref<128x128xf32, #tpu.memory_space<vmem>>
      %dma_wait3A_376 = arith.constant 0 : i32
      %dma_wait3A_377 = tpu.memref_slice %arg7[%mul3A_371, %dma_wait3A_376] : memref<40x128xi32, #tpu.memory_space<vmem>> -> memref<1x128xi32, #tpu.memory_space<vmem>>
      %dma_wait3A_378 = tpu.memref_squeeze %dma_wait3A_377 : memref<1x128xi32, #tpu.memory_space<vmem>> -> memref<128xi32, #tpu.memory_space<vmem>>
      %dma_wait3A_379 = arith.constant 0 : i32
      %dma_wait3A_380 = arith.constant 0 : i32
      %dma_wait3A_381 = tpu.memref_slice %arg2[%scan3A_171, %dma_wait3A_379, %dma_wait3A_380] : memref<4x10000x128xf32, #tpu.memory_space<hbm>> -> memref<1x10000x128xf32, #tpu.memory_space<hbm>>
      %dma_wait3A_382 = tpu.memref_squeeze %dma_wait3A_381 : memref<1x10000x128xf32, #tpu.memory_space<hbm>> -> memref<10000x128xf32, #tpu.memory_space<hbm>>
      %dma_wait3A_383 = arith.constant 0 : i32
      %dma_wait3A_384 = arith.constant 0 : i32
      %dma_wait3A_385 = tpu.memref_slice %dma_wait3A_382[%dma_wait3A_383, %dma_wait3A_384] : memref<10000x128xf32, #tpu.memory_space<hbm>> -> memref<10000x128xf32, #tpu.memory_space<hbm>>
      tpu.wait_indirect_dma semaphore(%arg11 : memref<!tpu.dma_semaphore, #tpu.memory_space<semaphore_mem>>) src(%dma_wait3A_385 : memref<10000x128xf32, #tpu.memory_space<hbm>>) dst(%dma_wait3A_375 : memref<128x128xf32, #tpu.memory_space<vmem>>)
      %run_scoped3A_386 = arith.constant 0 : i32
      "tpu.region"() ({
        %run_scoped3A_418 = tpu.sem_alloc : memref<!tpu.dma_semaphore, #tpu.memory_space<semaphore_mem>>
        %dma_start3A_419 = arith.constant 0 : i32
        %dma_start3A_420 = arith.constant 0 : i32
        %dma_start3A_421 = tpu.memref_slice %arg9[%run_scoped3A_386, %dma_start3A_419, %dma_start3A_420] : memref<2x128x128xf32, #tpu.memory_space<vmem>> -> memref<1x128x128xf32, #tpu.memory_space<vmem>>
        %dma_start3A_422 = tpu.memref_squeeze %dma_start3A_421 : memref<1x128x128xf32, #tpu.memory_space<vmem>> -> memref<128x128xf32, #tpu.memory_space<vmem>>
        %dma_start3A_423 = arith.constant 0 : i32
        %dma_start3A_424 = tpu.memref_slice %arg8[%mul3A_371, %dma_start3A_423] : memref<40x128xi32, #tpu.memory_space<vmem>> -> memref<1x128xi32, #tpu.memory_space<vmem>>
        %dma_start3A_425 = tpu.memref_squeeze %dma_start3A_424 : memref<1x128xi32, #tpu.memory_space<vmem>> -> memref<128xi32, #tpu.memory_space<vmem>>
        %dma_start3A_426 = arith.constant 0 : i32
        %dma_start3A_427 = arith.constant 0 : i32
        %dma_start3A_428 = tpu.memref_slice %arg10[%dma_start3A_426, %dma_start3A_427] : memref<10240x128xf32, #tpu.memory_space<vmem_shared>> -> memref<10240x128xf32, #tpu.memory_space<vmem_shared>>
        tpu.enqueue_indirect_dma source(%dma_start3A_422 : memref<128x128xf32, #tpu.memory_space<vmem>>) target(%dma_start3A_428 : memref<10240x128xf32, #tpu.memory_space<vmem_shared>>) offsets(%dma_start3A_425 : memref<128xi32, #tpu.memory_space<vmem>>) semaphore(%run_scoped3A_418 : memref<!tpu.dma_semaphore, #tpu.memory_space<semaphore_mem>>) {add = true}
        %dma_wait3A_429 = arith.constant 0 : i32
        %dma_wait3A_430 = arith.constant 0 : i32
        %dma_wait3A_431 = tpu.memref_slice %arg9[%run_scoped3A_386, %dma_wait3A_429, %dma_wait3A_430] : memref<2x128x128xf32, #tpu.memory_space<vmem>> -> memref<1x128x128xf32, #tpu.memory_space<vmem>>
        %dma_wait3A_432 = tpu.memref_squeeze %dma_wait3A_431 : memref<1x128x128xf32, #tpu.memory_space<vmem>> -> memref<128x128xf32, #tpu.memory_space<vmem>>
        %dma_wait3A_433 = arith.constant 0 : i32
        %dma_wait3A_434 = tpu.memref_slice %arg8[%mul3A_371, %dma_wait3A_433] : memref<40x128xi32, #tpu.memory_space<vmem>> -> memref<1x128xi32, #tpu.memory_space<vmem>>
        %dma_wait3A_435 = tpu.memref_squeeze %dma_wait3A_434 : memref<1x128xi32, #tpu.memory_space<vmem>> -> memref<128xi32, #tpu.memory_space<vmem>>
        %dma_wait3A_436 = arith.constant 0 : i32
        %dma_wait3A_437 = arith.constant 0 : i32
        %dma_wait3A_438 = tpu.memref_slice %arg10[%dma_wait3A_436, %dma_wait3A_437] : memref<10240x128xf32, #tpu.memory_space<vmem_shared>> -> memref<10240x128xf32, #tpu.memory_space<vmem_shared>>
        tpu.wait_indirect_dma semaphore(%run_scoped3A_418 : memref<!tpu.dma_semaphore, #tpu.memory_space<semaphore_mem>>) src(%dma_wait3A_432 : memref<128x128xf32, #tpu.memory_space<vmem>>) dst(%dma_wait3A_438 : memref<10240x128xf32, #tpu.memory_space<vmem_shared>>)
        tpu.yield
      }) : () -> ()
      %add3A_387 = arith.constant 2 : i32
      %add3A_388 = arith.addi %mul3A_371, %add3A_387 : i32
      %lt3A = arith.constant 40 : i32
      %lt3A_389 = arith.cmpi slt, %add3A_388, %lt3A : i32
      %convert_element_type3A = arith.extui %lt3A_389 : i1 to i32
      %cond3A = arith.constant 0 : i32
      %cond3A_390 = arith.cmpi ne, %convert_element_type3A, %cond3A : i32
      scf.if %cond3A_390 {
        %add3A_418 = arith.constant 2 : i32
        %add3A_419 = arith.addi %mul3A_371, %add3A_418 : i32
        %dma_start3A_420 = arith.constant 0 : i32
        %dma_start3A_421 = arith.constant 0 : i32
        %dma_start3A_422 = arith.constant 0 : i32
        %dma_start3A_423 = tpu.memref_slice %arg9[%dma_start3A_420, %dma_start3A_421, %dma_start3A_422] : memref<2x128x128xf32, #tpu.memory_space<vmem>> -> memref<1x128x128xf32, #tpu.memory_space<vmem>>
        %dma_start3A_424 = tpu.memref_squeeze %dma_start3A_423 : memref<1x128x128xf32, #tpu.memory_space<vmem>> -> memref<128x128xf32, #tpu.memory_space<vmem>>
        %dma_start3A_425 = arith.constant 0 : i32
        %dma_start3A_426 = tpu.memref_slice %arg7[%add3A_419, %dma_start3A_425] : memref<40x128xi32, #tpu.memory_space<vmem>> -> memref<1x128xi32, #tpu.memory_space<vmem>>
        %dma_start3A_427 = tpu.memref_squeeze %dma_start3A_426 : memref<1x128xi32, #tpu.memory_space<vmem>> -> memref<128xi32, #tpu.memory_space<vmem>>
        %dma_start3A_428 = arith.constant 0 : i32
        %dma_start3A_429 = arith.constant 0 : i32
        %dma_start3A_430 = tpu.memref_slice %arg2[%scan3A_171, %dma_start3A_428, %dma_start3A_429] : memref<4x10000x128xf32, #tpu.memory_space<hbm>> -> memref<1x10000x128xf32, #tpu.memory_space<hbm>>
        %dma_start3A_431 = tpu.memref_squeeze %dma_start3A_430 : memref<1x10000x128xf32, #tpu.memory_space<hbm>> -> memref<10000x128xf32, #tpu.memory_space<hbm>>
        %dma_start3A_432 = arith.constant 0 : i32
        %dma_start3A_433 = arith.constant 0 : i32
        %dma_start3A_434 = tpu.memref_slice %dma_start3A_431[%dma_start3A_432, %dma_start3A_433] : memref<10000x128xf32, #tpu.memory_space<hbm>> -> memref<10000x128xf32, #tpu.memory_space<hbm>>
        tpu.enqueue_indirect_dma source(%dma_start3A_434 : memref<10000x128xf32, #tpu.memory_space<hbm>>) target(%dma_start3A_424 : memref<128x128xf32, #tpu.memory_space<vmem>>) offsets(%dma_start3A_427 : memref<128xi32, #tpu.memory_space<vmem>>) semaphore(%arg11 : memref<!tpu.dma_semaphore, #tpu.memory_space<semaphore_mem>>)
      } else {
      }
      %add3A_391 = arith.constant 1 : i32
      %add3A_392 = arith.addi %mul3A_371, %add3A_391 : i32
      %dma_wait3A_393 = arith.constant 1 : i32
      %dma_wait3A_394 = arith.constant 0 : i32
      %dma_wait3A_395 = arith.constant 0 : i32
      %dma_wait3A_396 = tpu.memref_slice %arg9[%dma_wait3A_393, %dma_wait3A_394, %dma_wait3A_395] : memref<2x128x128xf32, #tpu.memory_space<vmem>> -> memref<1x128x128xf32, #tpu.memory_space<vmem>>
      %dma_wait3A_397 = tpu.memref_squeeze %dma_wait3A_396 : memref<1x128x128xf32, #tpu.memory_space<vmem>> -> memref<128x128xf32, #tpu.memory_space<vmem>>
      %dma_wait3A_398 = arith.constant 0 : i32
      %dma_wait3A_399 = tpu.memref_slice %arg7[%add3A_392, %dma_wait3A_398] : memref<40x128xi32, #tpu.memory_space<vmem>> -> memref<1x128xi32, #tpu.memory_space<vmem>>
      %dma_wait3A_400 = tpu.memref_squeeze %dma_wait3A_399 : memref<1x128xi32, #tpu.memory_space<vmem>> -> memref<128xi32, #tpu.memory_space<vmem>>
      %dma_wait3A_401 = arith.constant 0 : i32
      %dma_wait3A_402 = arith.constant 0 : i32
      %dma_wait3A_403 = tpu.memref_slice %arg2[%scan3A_171, %dma_wait3A_401, %dma_wait3A_402] : memref<4x10000x128xf32, #tpu.memory_space<hbm>> -> memref<1x10000x128xf32, #tpu.memory_space<hbm>>
      %dma_wait3A_404 = tpu.memref_squeeze %dma_wait3A_403 : memref<1x10000x128xf32, #tpu.memory_space<hbm>> -> memref<10000x128xf32, #tpu.memory_space<hbm>>
      %dma_wait3A_405 = arith.constant 0 : i32
      %dma_wait3A_406 = arith.constant 0 : i32
      %dma_wait3A_407 = tpu.memref_slice %dma_wait3A_404[%dma_wait3A_405, %dma_wait3A_406] : memref<10000x128xf32, #tpu.memory_space<hbm>> -> memref<10000x128xf32, #tpu.memory_space<hbm>>
      tpu.wait_indirect_dma semaphore(%arg12 : memref<!tpu.dma_semaphore, #tpu.memory_space<semaphore_mem>>) src(%dma_wait3A_407 : memref<10000x128xf32, #tpu.memory_space<hbm>>) dst(%dma_wait3A_397 : memref<128x128xf32, #tpu.memory_space<vmem>>)
      %add3A_408 = arith.constant 1 : i32
      %add3A_409 = arith.addi %mul3A_371, %add3A_408 : i32
      %run_scoped3A_410 = arith.constant 1 : i32
      "tpu.region"() ({
        %run_scoped3A_418 = tpu.sem_alloc : memref<!tpu.dma_semaphore, #tpu.memory_space<semaphore_mem>>
        %dma_start3A_419 = arith.constant 0 : i32
        %dma_start3A_420 = arith.constant 0 : i32
        %dma_start3A_421 = tpu.memref_slice %arg9[%run_scoped3A_410, %dma_start3A_419, %dma_start3A_420] : memref<2x128x128xf32, #tpu.memory_space<vmem>> -> memref<1x128x128xf32, #tpu.memory_space<vmem>>
        %dma_start3A_422 = tpu.memref_squeeze %dma_start3A_421 : memref<1x128x128xf32, #tpu.memory_space<vmem>> -> memref<128x128xf32, #tpu.memory_space<vmem>>
        %dma_start3A_423 = arith.constant 0 : i32
        %dma_start3A_424 = tpu.memref_slice %arg8[%add3A_409, %dma_start3A_423] : memref<40x128xi32, #tpu.memory_space<vmem>> -> memref<1x128xi32, #tpu.memory_space<vmem>>
        %dma_start3A_425 = tpu.memref_squeeze %dma_start3A_424 : memref<1x128xi32, #tpu.memory_space<vmem>> -> memref<128xi32, #tpu.memory_space<vmem>>
        %dma_start3A_426 = arith.constant 0 : i32
        %dma_start3A_427 = arith.constant 0 : i32
        %dma_start3A_428 = tpu.memref_slice %arg10[%dma_start3A_426, %dma_start3A_427] : memref<10240x128xf32, #tpu.memory_space<vmem_shared>> -> memref<10240x128xf32, #tpu.memory_space<vmem_shared>>
        tpu.enqueue_indirect_dma source(%dma_start3A_422 : memref<128x128xf32, #tpu.memory_space<vmem>>) target(%dma_start3A_428 : memref<10240x128xf32, #tpu.memory_space<vmem_shared>>) offsets(%dma_start3A_425 : memref<128xi32, #tpu.memory_space<vmem>>) semaphore(%run_scoped3A_418 : memref<!tpu.dma_semaphore, #tpu.memory_space<semaphore_mem>>) {add = true}
        %dma_wait3A_429 = arith.constant 0 : i32
        %dma_wait3A_430 = arith.constant 0 : i32
        %dma_wait3A_431 = tpu.memref_slice %arg9[%run_scoped3A_410, %dma_wait3A_429, %dma_wait3A_430] : memref<2x128x128xf32, #tpu.memory_space<vmem>> -> memref<1x128x128xf32, #tpu.memory_space<vmem>>
        %dma_wait3A_432 = tpu.memref_squeeze %dma_wait3A_431 : memref<1x128x128xf32, #tpu.memory_space<vmem>> -> memref<128x128xf32, #tpu.memory_space<vmem>>
        %dma_wait3A_433 = arith.constant 0 : i32
        %dma_wait3A_434 = tpu.memref_slice %arg8[%add3A_409, %dma_wait3A_433] : memref<40x128xi32, #tpu.memory_space<vmem>> -> memref<1x128xi32, #tpu.memory_space<vmem>>
        %dma_wait3A_435 = tpu.memref_squeeze %dma_wait3A_434 : memref<1x128xi32, #tpu.memory_space<vmem>> -> memref<128xi32, #tpu.memory_space<vmem>>
        %dma_wait3A_436 = arith.constant 0 : i32
        %dma_wait3A_437 = arith.constant 0 : i32
        %dma_wait3A_438 = tpu.memref_slice %arg10[%dma_wait3A_436, %dma_wait3A_437] : memref<10240x128xf32, #tpu.memory_space<vmem_shared>> -> memref<10240x128xf32, #tpu.memory_space<vmem_shared>>
        tpu.wait_indirect_dma semaphore(%run_scoped3A_418 : memref<!tpu.dma_semaphore, #tpu.memory_space<semaphore_mem>>) src(%dma_wait3A_432 : memref<128x128xf32, #tpu.memory_space<vmem>>) dst(%dma_wait3A_438 : memref<10240x128xf32, #tpu.memory_space<vmem_shared>>)
        tpu.yield
      }) : () -> ()
      %add3A_411 = arith.constant 3 : i32
      %add3A_412 = arith.addi %mul3A_371, %add3A_411 : i32
      %lt3A_413 = arith.constant 40 : i32
      %lt3A_414 = arith.cmpi slt, %add3A_412, %lt3A_413 : i32
      %convert_element_type3A_415 = arith.extui %lt3A_414 : i1 to i32
      %cond3A_416 = arith.constant 0 : i32
      %cond3A_417 = arith.cmpi ne, %convert_element_type3A_415, %cond3A_416 : i32
      scf.if %cond3A_417 {
        %add3A_418 = arith.constant 3 : i32
        %add3A_419 = arith.addi %mul3A_371, %add3A_418 : i32
        %dma_start3A_420 = arith.constant 1 : i32
        %dma_start3A_421 = arith.constant 0 : i32
        %dma_start3A_422 = arith.constant 0 : i32
        %dma_start3A_423 = tpu.memref_slice %arg9[%dma_start3A_420, %dma_start3A_421, %dma_start3A_422] : memref<2x128x128xf32, #tpu.memory_space<vmem>> -> memref<1x128x128xf32, #tpu.memory_space<vmem>>
        %dma_start3A_424 = tpu.memref_squeeze %dma_start3A_423 : memref<1x128x128xf32, #tpu.memory_space<vmem>> -> memref<128x128xf32, #tpu.memory_space<vmem>>
        %dma_start3A_425 = arith.constant 0 : i32
        %dma_start3A_426 = tpu.memref_slice %arg7[%add3A_419, %dma_start3A_425] : memref<40x128xi32, #tpu.memory_space<vmem>> -> memref<1x128xi32, #tpu.memory_space<vmem>>
        %dma_start3A_427 = tpu.memref_squeeze %dma_start3A_426 : memref<1x128xi32, #tpu.memory_space<vmem>> -> memref<128xi32, #tpu.memory_space<vmem>>
        %dma_start3A_428 = arith.constant 0 : i32
        %dma_start3A_429 = arith.constant 0 : i32
        %dma_start3A_430 = tpu.memref_slice %arg2[%scan3A_171, %dma_start3A_428, %dma_start3A_429] : memref<4x10000x128xf32, #tpu.memory_space<hbm>> -> memref<1x10000x128xf32, #tpu.memory_space<hbm>>
        %dma_start3A_431 = tpu.memref_squeeze %dma_start3A_430 : memref<1x10000x128xf32, #tpu.memory_space<hbm>> -> memref<10000x128xf32, #tpu.memory_space<hbm>>
        %dma_start3A_432 = arith.constant 0 : i32
        %dma_start3A_433 = arith.constant 0 : i32
        %dma_start3A_434 = tpu.memref_slice %dma_start3A_431[%dma_start3A_432, %dma_start3A_433] : memref<10000x128xf32, #tpu.memory_space<hbm>> -> memref<10000x128xf32, #tpu.memory_space<hbm>>
        tpu.enqueue_indirect_dma source(%dma_start3A_434 : memref<10000x128xf32, #tpu.memory_space<hbm>>) target(%dma_start3A_424 : memref<128x128xf32, #tpu.memory_space<vmem>>) offsets(%dma_start3A_427 : memref<128xi32, #tpu.memory_space<vmem>>) semaphore(%arg12 : memref<!tpu.dma_semaphore, #tpu.memory_space<semaphore_mem>>)
      } else {
      }
    }
    %scan3A_176 = arith.constant 20 : i32
    %barrier3A_177 = arith.constant 0 : index
    tpu.barrier barrier_id(%barrier3A_177)
    %mul3A_178 = arith.constant 640 : i32
    %mul3A_179 = arith.muli %arg1, %mul3A_178 : i32
    %mul3A_180 = arith.constant 640 : i32
    %mul3A_181 = arith.muli %arg1, %mul3A_180 : i32
    %run_scoped3A_182 = arith.constant 1 : i32
    "tpu.region"() ({
      %run_scoped3A_369 = tpu.sem_alloc : memref<!tpu.dma_semaphore, #tpu.memory_space<semaphore_mem>>
      %dma_start3A_370 = arith.constant 0 : i32
      %dma_start3A_371 = tpu.memref_slice %arg6[%run_scoped3A_182, %arg0, %mul3A_181, %dma_start3A_370] : memref<4x2x10240x128xf32, #tpu.memory_space<hbm>> -> memref<1x1x640x128xf32, #tpu.memory_space<hbm>>
      %dma_start3A_372 = tpu.memref_squeeze %dma_start3A_371 : memref<1x1x640x128xf32, #tpu.memory_space<hbm>> -> memref<640x128xf32, #tpu.memory_space<hbm>>
      %dma_start3A_373 = arith.constant 0 : i32
      %dma_start3A_374 = tpu.memref_slice %arg10[%mul3A_179, %dma_start3A_373] : memref<10240x128xf32, #tpu.memory_space<vmem_shared>> -> memref<640x128xf32, #tpu.memory_space<vmem_shared>>
      tpu.enqueue_dma source(%dma_start3A_374 : memref<640x128xf32, #tpu.memory_space<vmem_shared>>) target(%dma_start3A_372 : memref<640x128xf32, #tpu.memory_space<hbm>>) target_semaphore(%run_scoped3A_369 : memref<!tpu.dma_semaphore, #tpu.memory_space<semaphore_mem>>)
      %dma_wait3A = arith.constant 0 : i32
      %dma_wait3A_375 = tpu.memref_slice %arg6[%run_scoped3A_182, %arg0, %mul3A_181, %dma_wait3A] : memref<4x2x10240x128xf32, #tpu.memory_space<hbm>> -> memref<1x1x640x128xf32, #tpu.memory_space<hbm>>
      %dma_wait3A_376 = tpu.memref_squeeze %dma_wait3A_375 : memref<1x1x640x128xf32, #tpu.memory_space<hbm>> -> memref<640x128xf32, #tpu.memory_space<hbm>>
      %dma_wait3A_377 = arith.constant 0 : i32
      %dma_wait3A_378 = tpu.memref_slice %arg10[%mul3A_179, %dma_wait3A_377] : memref<10240x128xf32, #tpu.memory_space<vmem_shared>> -> memref<640x128xf32, #tpu.memory_space<vmem_shared>>
      tpu.wait_dma2 semaphore(%run_scoped3A_369 : memref<!tpu.dma_semaphore, #tpu.memory_space<semaphore_mem>>) src(%dma_wait3A_378 : memref<640x128xf32, #tpu.memory_space<vmem_shared>>) dst(%dma_wait3A_376 : memref<640x128xf32, #tpu.memory_space<hbm>>)
      tpu.yield
    }) : () -> ()
    %mul3A_183 = arith.constant 640 : i32
    %mul3A_184 = arith.muli %arg1, %mul3A_183 : i32
    %mul3A_185 = arith.constant 640 : i32
    %mul3A_186 = arith.muli %arg1, %mul3A_185 : i32
    "tpu.region"() ({
      %run_scoped3A_369 = tpu.sem_alloc : memref<!tpu.dma_semaphore, #tpu.memory_space<semaphore_mem>>
      %dma_start3A_370 = arith.constant 0 : i32
      %dma_start3A_371 = tpu.memref_slice %arg10[%mul3A_186, %dma_start3A_370] : memref<10240x128xf32, #tpu.memory_space<vmem_shared>> -> memref<640x128xf32, #tpu.memory_space<vmem_shared>>
      %dma_start3A_372 = arith.constant 0 : i32
      %dma_start3A_373 = tpu.memref_slice %arg5[%mul3A_184, %dma_start3A_372] : memref<10240x128xf32, #tpu.memory_space<hbm>> -> memref<640x128xf32, #tpu.memory_space<hbm>>
      tpu.enqueue_dma source(%dma_start3A_373 : memref<640x128xf32, #tpu.memory_space<hbm>>) target(%dma_start3A_371 : memref<640x128xf32, #tpu.memory_space<vmem_shared>>) target_semaphore(%run_scoped3A_369 : memref<!tpu.dma_semaphore, #tpu.memory_space<semaphore_mem>>)
      %dma_wait3A = arith.constant 0 : i32
      %dma_wait3A_374 = tpu.memref_slice %arg10[%mul3A_186, %dma_wait3A] : memref<10240x128xf32, #tpu.memory_space<vmem_shared>> -> memref<640x128xf32, #tpu.memory_space<vmem_shared>>
      %dma_wait3A_375 = arith.constant 0 : i32
      %dma_wait3A_376 = tpu.memref_slice %arg5[%mul3A_184, %dma_wait3A_375] : memref<10240x128xf32, #tpu.memory_space<hbm>> -> memref<640x128xf32, #tpu.memory_space<hbm>>
      tpu.wait_dma2 semaphore(%run_scoped3A_369 : memref<!tpu.dma_semaphore, #tpu.memory_space<semaphore_mem>>) src(%dma_wait3A_376 : memref<640x128xf32, #tpu.memory_space<hbm>>) dst(%dma_wait3A_374 : memref<640x128xf32, #tpu.memory_space<vmem_shared>>)
      tpu.yield
    }) : () -> ()
    %barrier3A_187 = arith.constant 0 : index
    tpu.barrier barrier_id(%barrier3A_187)
    "tpu.region"() ({
      %run_scoped3A_369 = tpu.sem_alloc : memref<!tpu.dma_semaphore, #tpu.memory_space<semaphore_mem>>
      %dma_start3A_370 = arith.constant 0 : i32
      %dma_start3A_371 = arith.constant 0 : i32
      %dma_start3A_372 = tpu.memref_slice %arg3[%add3A, %dma_start3A_370, %dma_start3A_371] : memref<32x80x128xi32, #tpu.memory_space<hbm>> -> memref<1x40x128xi32, #tpu.memory_space<hbm>>
      %dma_start3A_373 = tpu.memref_squeeze %dma_start3A_372 : memref<1x40x128xi32, #tpu.memory_space<hbm>> -> memref<40x128xi32, #tpu.memory_space<hbm>>
      %dma_start3A_374 = arith.constant 0 : i32
      %dma_start3A_375 = arith.constant 0 : i32
      %dma_start3A_376 = tpu.memref_slice %arg3[%add3A, %dma_start3A_374, %dma_start3A_375] : memref<32x80x128xi32, #tpu.memory_space<hbm>> -> memref<1x40x128xi32, #tpu.memory_space<hbm>>
      %dma_start3A_377 = tpu.memref_squeeze %dma_start3A_376 : memref<1x40x128xi32, #tpu.memory_space<hbm>> -> memref<40x128xi32, #tpu.memory_space<hbm>>
      tpu.enqueue_dma source(%dma_start3A_377 : memref<40x128xi32, #tpu.memory_space<hbm>>) target(%arg7 : memref<40x128xi32, #tpu.memory_space<vmem>>) target_semaphore(%run_scoped3A_369 : memref<!tpu.dma_semaphore, #tpu.memory_space<semaphore_mem>>)
      %dma_wait3A = arith.constant 0 : i32
      %dma_wait3A_378 = arith.constant 0 : i32
      %dma_wait3A_379 = tpu.memref_slice %arg3[%add3A, %dma_wait3A, %dma_wait3A_378] : memref<32x80x128xi32, #tpu.memory_space<hbm>> -> memref<1x40x128xi32, #tpu.memory_space<hbm>>
      %dma_wait3A_380 = tpu.memref_squeeze %dma_wait3A_379 : memref<1x40x128xi32, #tpu.memory_space<hbm>> -> memref<40x128xi32, #tpu.memory_space<hbm>>
      %dma_wait3A_381 = arith.constant 0 : i32
      %dma_wait3A_382 = arith.constant 0 : i32
      %dma_wait3A_383 = tpu.memref_slice %arg3[%add3A, %dma_wait3A_381, %dma_wait3A_382] : memref<32x80x128xi32, #tpu.memory_space<hbm>> -> memref<1x40x128xi32, #tpu.memory_space<hbm>>
      %dma_wait3A_384 = tpu.memref_squeeze %dma_wait3A_383 : memref<1x40x128xi32, #tpu.memory_space<hbm>> -> memref<40x128xi32, #tpu.memory_space<hbm>>
      tpu.wait_dma2 semaphore(%run_scoped3A_369 : memref<!tpu.dma_semaphore, #tpu.memory_space<semaphore_mem>>) src(%dma_wait3A_384 : memref<40x128xi32, #tpu.memory_space<hbm>>) dst(%arg7 : memref<40x128xi32, #tpu.memory_space<vmem>>)
      tpu.yield
    }) : () -> ()
    "tpu.region"() ({
      %run_scoped3A_369 = tpu.sem_alloc : memref<!tpu.dma_semaphore, #tpu.memory_space<semaphore_mem>>
      %dma_start3A_370 = arith.constant 0 : i32
      %dma_start3A_371 = arith.constant 0 : i32
      %dma_start3A_372 = tpu.memref_slice %arg4[%add3A, %dma_start3A_370, %dma_start3A_371] : memref<32x80x128xi32, #tpu.memory_space<hbm>> -> memref<1x40x128xi32, #tpu.memory_space<hbm>>
      %dma_start3A_373 = tpu.memref_squeeze %dma_start3A_372 : memref<1x40x128xi32, #tpu.memory_space<hbm>> -> memref<40x128xi32, #tpu.memory_space<hbm>>
      %dma_start3A_374 = arith.constant 0 : i32
      %dma_start3A_375 = arith.constant 0 : i32
      %dma_start3A_376 = tpu.memref_slice %arg4[%add3A, %dma_start3A_374, %dma_start3A_375] : memref<32x80x128xi32, #tpu.memory_space<hbm>> -> memref<1x40x128xi32, #tpu.memory_space<hbm>>
      %dma_start3A_377 = tpu.memref_squeeze %dma_start3A_376 : memref<1x40x128xi32, #tpu.memory_space<hbm>> -> memref<40x128xi32, #tpu.memory_space<hbm>>
      tpu.enqueue_dma source(%dma_start3A_377 : memref<40x128xi32, #tpu.memory_space<hbm>>) target(%arg8 : memref<40x128xi32, #tpu.memory_space<vmem>>) target_semaphore(%run_scoped3A_369 : memref<!tpu.dma_semaphore, #tpu.memory_space<semaphore_mem>>)
      %dma_wait3A = arith.constant 0 : i32
      %dma_wait3A_378 = arith.constant 0 : i32
      %dma_wait3A_379 = tpu.memref_slice %arg4[%add3A, %dma_wait3A, %dma_wait3A_378] : memref<32x80x128xi32, #tpu.memory_space<hbm>> -> memref<1x40x128xi32, #tpu.memory_space<hbm>>
      %dma_wait3A_380 = tpu.memref_squeeze %dma_wait3A_379 : memref<1x40x128xi32, #tpu.memory_space<hbm>> -> memref<40x128xi32, #tpu.memory_space<hbm>>
      %dma_wait3A_381 = arith.constant 0 : i32
      %dma_wait3A_382 = arith.constant 0 : i32
      %dma_wait3A_383 = tpu.memref_slice %arg4[%add3A, %dma_wait3A_381, %dma_wait3A_382] : memref<32x80x128xi32, #tpu.memory_space<hbm>> -> memref<1x40x128xi32, #tpu.memory_space<hbm>>
      %dma_wait3A_384 = tpu.memref_squeeze %dma_wait3A_383 : memref<1x40x128xi32, #tpu.memory_space<hbm>> -> memref<40x128xi32, #tpu.memory_space<hbm>>
      tpu.wait_dma2 semaphore(%run_scoped3A_369 : memref<!tpu.dma_semaphore, #tpu.memory_space<semaphore_mem>>) src(%dma_wait3A_384 : memref<40x128xi32, #tpu.memory_space<hbm>>) dst(%arg8 : memref<40x128xi32, #tpu.memory_space<vmem>>)
      tpu.yield
    }) : () -> ()
    %dma_start3A_188 = arith.constant 2 : i32
    %dma_start3A_189 = arith.constant 0 : i32
    %dma_start3A_190 = arith.constant 0 : i32
    %dma_start3A_191 = arith.constant 0 : i32
    %dma_start3A_192 = arith.constant 0 : i32
    %dma_start3A_193 = tpu.memref_slice %arg9[%dma_start3A_190, %dma_start3A_191, %dma_start3A_192] : memref<2x128x128xf32, #tpu.memory_space<vmem>> -> memref<1x128x128xf32, #tpu.memory_space<vmem>>
    %dma_start3A_194 = tpu.memref_squeeze %dma_start3A_193 : memref<1x128x128xf32, #tpu.memory_space<vmem>> -> memref<128x128xf32, #tpu.memory_space<vmem>>
    %dma_start3A_195 = arith.constant 0 : i32
    %dma_start3A_196 = tpu.memref_slice %arg7[%dma_start3A_189, %dma_start3A_195] : memref<40x128xi32, #tpu.memory_space<vmem>> -> memref<1x128xi32, #tpu.memory_space<vmem>>
    %dma_start3A_197 = tpu.memref_squeeze %dma_start3A_196 : memref<1x128xi32, #tpu.memory_space<vmem>> -> memref<128xi32, #tpu.memory_space<vmem>>
    %dma_start3A_198 = arith.constant 0 : i32
    %dma_start3A_199 = arith.constant 0 : i32
    %dma_start3A_200 = tpu.memref_slice %arg2[%dma_start3A_188, %dma_start3A_198, %dma_start3A_199] : memref<4x10000x128xf32, #tpu.memory_space<hbm>> -> memref<1x10000x128xf32, #tpu.memory_space<hbm>>
    %dma_start3A_201 = tpu.memref_squeeze %dma_start3A_200 : memref<1x10000x128xf32, #tpu.memory_space<hbm>> -> memref<10000x128xf32, #tpu.memory_space<hbm>>
    %dma_start3A_202 = arith.constant 0 : i32
    %dma_start3A_203 = arith.constant 0 : i32
    %dma_start3A_204 = tpu.memref_slice %dma_start3A_201[%dma_start3A_202, %dma_start3A_203] : memref<10000x128xf32, #tpu.memory_space<hbm>> -> memref<10000x128xf32, #tpu.memory_space<hbm>>
    tpu.enqueue_indirect_dma source(%dma_start3A_204 : memref<10000x128xf32, #tpu.memory_space<hbm>>) target(%dma_start3A_194 : memref<128x128xf32, #tpu.memory_space<vmem>>) offsets(%dma_start3A_197 : memref<128xi32, #tpu.memory_space<vmem>>) semaphore(%arg11 : memref<!tpu.dma_semaphore, #tpu.memory_space<semaphore_mem>>)
    %dma_start3A_205 = arith.constant 2 : i32
    %dma_start3A_206 = arith.constant 1 : i32
    %dma_start3A_207 = arith.constant 1 : i32
    %dma_start3A_208 = arith.constant 0 : i32
    %dma_start3A_209 = arith.constant 0 : i32
    %dma_start3A_210 = tpu.memref_slice %arg9[%dma_start3A_207, %dma_start3A_208, %dma_start3A_209] : memref<2x128x128xf32, #tpu.memory_space<vmem>> -> memref<1x128x128xf32, #tpu.memory_space<vmem>>
    %dma_start3A_211 = tpu.memref_squeeze %dma_start3A_210 : memref<1x128x128xf32, #tpu.memory_space<vmem>> -> memref<128x128xf32, #tpu.memory_space<vmem>>
    %dma_start3A_212 = arith.constant 0 : i32
    %dma_start3A_213 = tpu.memref_slice %arg7[%dma_start3A_206, %dma_start3A_212] : memref<40x128xi32, #tpu.memory_space<vmem>> -> memref<1x128xi32, #tpu.memory_space<vmem>>
    %dma_start3A_214 = tpu.memref_squeeze %dma_start3A_213 : memref<1x128xi32, #tpu.memory_space<vmem>> -> memref<128xi32, #tpu.memory_space<vmem>>
    %dma_start3A_215 = arith.constant 0 : i32
    %dma_start3A_216 = arith.constant 0 : i32
    %dma_start3A_217 = tpu.memref_slice %arg2[%dma_start3A_205, %dma_start3A_215, %dma_start3A_216] : memref<4x10000x128xf32, #tpu.memory_space<hbm>> -> memref<1x10000x128xf32, #tpu.memory_space<hbm>>
    %dma_start3A_218 = tpu.memref_squeeze %dma_start3A_217 : memref<1x10000x128xf32, #tpu.memory_space<hbm>> -> memref<10000x128xf32, #tpu.memory_space<hbm>>
    %dma_start3A_219 = arith.constant 0 : i32
    %dma_start3A_220 = arith.constant 0 : i32
    %dma_start3A_221 = tpu.memref_slice %dma_start3A_218[%dma_start3A_219, %dma_start3A_220] : memref<10000x128xf32, #tpu.memory_space<hbm>> -> memref<10000x128xf32, #tpu.memory_space<hbm>>
    tpu.enqueue_indirect_dma source(%dma_start3A_221 : memref<10000x128xf32, #tpu.memory_space<hbm>>) target(%dma_start3A_211 : memref<128x128xf32, #tpu.memory_space<vmem>>) offsets(%dma_start3A_214 : memref<128xi32, #tpu.memory_space<vmem>>) semaphore(%arg12 : memref<!tpu.dma_semaphore, #tpu.memory_space<semaphore_mem>>)
    %scan3A_222 = arith.constant 0 : i32
    %scan3A_223 = arith.constant 2 : i32
    %scan3A_224 = arith.constant 0 : i32
    %scan3A_225 = arith.constant 20 : i32
    %scan3A_226 = arith.addi %scan3A_224, %scan3A_225 : i32
    %scan3A_227 = arith.constant 1 : i32
    scf.for %scan3A_369 = %scan3A_224 to %scan3A_226 step %scan3A_227  : i32 {
      %mul3A_370 = arith.constant 2 : i32
      %mul3A_371 = arith.muli %mul3A_370, %scan3A_369 : i32
      %dma_wait3A = arith.constant 0 : i32
      %dma_wait3A_372 = arith.constant 0 : i32
      %dma_wait3A_373 = arith.constant 0 : i32
      %dma_wait3A_374 = tpu.memref_slice %arg9[%dma_wait3A, %dma_wait3A_372, %dma_wait3A_373] : memref<2x128x128xf32, #tpu.memory_space<vmem>> -> memref<1x128x128xf32, #tpu.memory_space<vmem>>
      %dma_wait3A_375 = tpu.memref_squeeze %dma_wait3A_374 : memref<1x128x128xf32, #tpu.memory_space<vmem>> -> memref<128x128xf32, #tpu.memory_space<vmem>>
      %dma_wait3A_376 = arith.constant 0 : i32
      %dma_wait3A_377 = tpu.memref_slice %arg7[%mul3A_371, %dma_wait3A_376] : memref<40x128xi32, #tpu.memory_space<vmem>> -> memref<1x128xi32, #tpu.memory_space<vmem>>
      %dma_wait3A_378 = tpu.memref_squeeze %dma_wait3A_377 : memref<1x128xi32, #tpu.memory_space<vmem>> -> memref<128xi32, #tpu.memory_space<vmem>>
      %dma_wait3A_379 = arith.constant 0 : i32
      %dma_wait3A_380 = arith.constant 0 : i32
      %dma_wait3A_381 = tpu.memref_slice %arg2[%scan3A_223, %dma_wait3A_379, %dma_wait3A_380] : memref<4x10000x128xf32, #tpu.memory_space<hbm>> -> memref<1x10000x128xf32, #tpu.memory_space<hbm>>
      %dma_wait3A_382 = tpu.memref_squeeze %dma_wait3A_381 : memref<1x10000x128xf32, #tpu.memory_space<hbm>> -> memref<10000x128xf32, #tpu.memory_space<hbm>>
      %dma_wait3A_383 = arith.constant 0 : i32
      %dma_wait3A_384 = arith.constant 0 : i32
      %dma_wait3A_385 = tpu.memref_slice %dma_wait3A_382[%dma_wait3A_383, %dma_wait3A_384] : memref<10000x128xf32, #tpu.memory_space<hbm>> -> memref<10000x128xf32, #tpu.memory_space<hbm>>
      tpu.wait_indirect_dma semaphore(%arg11 : memref<!tpu.dma_semaphore, #tpu.memory_space<semaphore_mem>>) src(%dma_wait3A_385 : memref<10000x128xf32, #tpu.memory_space<hbm>>) dst(%dma_wait3A_375 : memref<128x128xf32, #tpu.memory_space<vmem>>)
      %run_scoped3A_386 = arith.constant 0 : i32
      "tpu.region"() ({
        %run_scoped3A_418 = tpu.sem_alloc : memref<!tpu.dma_semaphore, #tpu.memory_space<semaphore_mem>>
        %dma_start3A_419 = arith.constant 0 : i32
        %dma_start3A_420 = arith.constant 0 : i32
        %dma_start3A_421 = tpu.memref_slice %arg9[%run_scoped3A_386, %dma_start3A_419, %dma_start3A_420] : memref<2x128x128xf32, #tpu.memory_space<vmem>> -> memref<1x128x128xf32, #tpu.memory_space<vmem>>
        %dma_start3A_422 = tpu.memref_squeeze %dma_start3A_421 : memref<1x128x128xf32, #tpu.memory_space<vmem>> -> memref<128x128xf32, #tpu.memory_space<vmem>>
        %dma_start3A_423 = arith.constant 0 : i32
        %dma_start3A_424 = tpu.memref_slice %arg8[%mul3A_371, %dma_start3A_423] : memref<40x128xi32, #tpu.memory_space<vmem>> -> memref<1x128xi32, #tpu.memory_space<vmem>>
        %dma_start3A_425 = tpu.memref_squeeze %dma_start3A_424 : memref<1x128xi32, #tpu.memory_space<vmem>> -> memref<128xi32, #tpu.memory_space<vmem>>
        %dma_start3A_426 = arith.constant 0 : i32
        %dma_start3A_427 = arith.constant 0 : i32
        %dma_start3A_428 = tpu.memref_slice %arg10[%dma_start3A_426, %dma_start3A_427] : memref<10240x128xf32, #tpu.memory_space<vmem_shared>> -> memref<10240x128xf32, #tpu.memory_space<vmem_shared>>
        tpu.enqueue_indirect_dma source(%dma_start3A_422 : memref<128x128xf32, #tpu.memory_space<vmem>>) target(%dma_start3A_428 : memref<10240x128xf32, #tpu.memory_space<vmem_shared>>) offsets(%dma_start3A_425 : memref<128xi32, #tpu.memory_space<vmem>>) semaphore(%run_scoped3A_418 : memref<!tpu.dma_semaphore, #tpu.memory_space<semaphore_mem>>) {add = true}
        %dma_wait3A_429 = arith.constant 0 : i32
        %dma_wait3A_430 = arith.constant 0 : i32
        %dma_wait3A_431 = tpu.memref_slice %arg9[%run_scoped3A_386, %dma_wait3A_429, %dma_wait3A_430] : memref<2x128x128xf32, #tpu.memory_space<vmem>> -> memref<1x128x128xf32, #tpu.memory_space<vmem>>
        %dma_wait3A_432 = tpu.memref_squeeze %dma_wait3A_431 : memref<1x128x128xf32, #tpu.memory_space<vmem>> -> memref<128x128xf32, #tpu.memory_space<vmem>>
        %dma_wait3A_433 = arith.constant 0 : i32
        %dma_wait3A_434 = tpu.memref_slice %arg8[%mul3A_371, %dma_wait3A_433] : memref<40x128xi32, #tpu.memory_space<vmem>> -> memref<1x128xi32, #tpu.memory_space<vmem>>
        %dma_wait3A_435 = tpu.memref_squeeze %dma_wait3A_434 : memref<1x128xi32, #tpu.memory_space<vmem>> -> memref<128xi32, #tpu.memory_space<vmem>>
        %dma_wait3A_436 = arith.constant 0 : i32
        %dma_wait3A_437 = arith.constant 0 : i32
        %dma_wait3A_438 = tpu.memref_slice %arg10[%dma_wait3A_436, %dma_wait3A_437] : memref<10240x128xf32, #tpu.memory_space<vmem_shared>> -> memref<10240x128xf32, #tpu.memory_space<vmem_shared>>
        tpu.wait_indirect_dma semaphore(%run_scoped3A_418 : memref<!tpu.dma_semaphore, #tpu.memory_space<semaphore_mem>>) src(%dma_wait3A_432 : memref<128x128xf32, #tpu.memory_space<vmem>>) dst(%dma_wait3A_438 : memref<10240x128xf32, #tpu.memory_space<vmem_shared>>)
        tpu.yield
      }) : () -> ()
      %add3A_387 = arith.constant 2 : i32
      %add3A_388 = arith.addi %mul3A_371, %add3A_387 : i32
      %lt3A = arith.constant 40 : i32
      %lt3A_389 = arith.cmpi slt, %add3A_388, %lt3A : i32
      %convert_element_type3A = arith.extui %lt3A_389 : i1 to i32
      %cond3A = arith.constant 0 : i32
      %cond3A_390 = arith.cmpi ne, %convert_element_type3A, %cond3A : i32
      scf.if %cond3A_390 {
        %add3A_418 = arith.constant 2 : i32
        %add3A_419 = arith.addi %mul3A_371, %add3A_418 : i32
        %dma_start3A_420 = arith.constant 0 : i32
        %dma_start3A_421 = arith.constant 0 : i32
        %dma_start3A_422 = arith.constant 0 : i32
        %dma_start3A_423 = tpu.memref_slice %arg9[%dma_start3A_420, %dma_start3A_421, %dma_start3A_422] : memref<2x128x128xf32, #tpu.memory_space<vmem>> -> memref<1x128x128xf32, #tpu.memory_space<vmem>>
        %dma_start3A_424 = tpu.memref_squeeze %dma_start3A_423 : memref<1x128x128xf32, #tpu.memory_space<vmem>> -> memref<128x128xf32, #tpu.memory_space<vmem>>
        %dma_start3A_425 = arith.constant 0 : i32
        %dma_start3A_426 = tpu.memref_slice %arg7[%add3A_419, %dma_start3A_425] : memref<40x128xi32, #tpu.memory_space<vmem>> -> memref<1x128xi32, #tpu.memory_space<vmem>>
        %dma_start3A_427 = tpu.memref_squeeze %dma_start3A_426 : memref<1x128xi32, #tpu.memory_space<vmem>> -> memref<128xi32, #tpu.memory_space<vmem>>
        %dma_start3A_428 = arith.constant 0 : i32
        %dma_start3A_429 = arith.constant 0 : i32
        %dma_start3A_430 = tpu.memref_slice %arg2[%scan3A_223, %dma_start3A_428, %dma_start3A_429] : memref<4x10000x128xf32, #tpu.memory_space<hbm>> -> memref<1x10000x128xf32, #tpu.memory_space<hbm>>
        %dma_start3A_431 = tpu.memref_squeeze %dma_start3A_430 : memref<1x10000x128xf32, #tpu.memory_space<hbm>> -> memref<10000x128xf32, #tpu.memory_space<hbm>>
        %dma_start3A_432 = arith.constant 0 : i32
        %dma_start3A_433 = arith.constant 0 : i32
        %dma_start3A_434 = tpu.memref_slice %dma_start3A_431[%dma_start3A_432, %dma_start3A_433] : memref<10000x128xf32, #tpu.memory_space<hbm>> -> memref<10000x128xf32, #tpu.memory_space<hbm>>
        tpu.enqueue_indirect_dma source(%dma_start3A_434 : memref<10000x128xf32, #tpu.memory_space<hbm>>) target(%dma_start3A_424 : memref<128x128xf32, #tpu.memory_space<vmem>>) offsets(%dma_start3A_427 : memref<128xi32, #tpu.memory_space<vmem>>) semaphore(%arg11 : memref<!tpu.dma_semaphore, #tpu.memory_space<semaphore_mem>>)
      } else {
      }
      %add3A_391 = arith.constant 1 : i32
      %add3A_392 = arith.addi %mul3A_371, %add3A_391 : i32
      %dma_wait3A_393 = arith.constant 1 : i32
      %dma_wait3A_394 = arith.constant 0 : i32
      %dma_wait3A_395 = arith.constant 0 : i32
      %dma_wait3A_396 = tpu.memref_slice %arg9[%dma_wait3A_393, %dma_wait3A_394, %dma_wait3A_395] : memref<2x128x128xf32, #tpu.memory_space<vmem>> -> memref<1x128x128xf32, #tpu.memory_space<vmem>>
      %dma_wait3A_397 = tpu.memref_squeeze %dma_wait3A_396 : memref<1x128x128xf32, #tpu.memory_space<vmem>> -> memref<128x128xf32, #tpu.memory_space<vmem>>
      %dma_wait3A_398 = arith.constant 0 : i32
      %dma_wait3A_399 = tpu.memref_slice %arg7[%add3A_392, %dma_wait3A_398] : memref<40x128xi32, #tpu.memory_space<vmem>> -> memref<1x128xi32, #tpu.memory_space<vmem>>
      %dma_wait3A_400 = tpu.memref_squeeze %dma_wait3A_399 : memref<1x128xi32, #tpu.memory_space<vmem>> -> memref<128xi32, #tpu.memory_space<vmem>>
      %dma_wait3A_401 = arith.constant 0 : i32
      %dma_wait3A_402 = arith.constant 0 : i32
      %dma_wait3A_403 = tpu.memref_slice %arg2[%scan3A_223, %dma_wait3A_401, %dma_wait3A_402] : memref<4x10000x128xf32, #tpu.memory_space<hbm>> -> memref<1x10000x128xf32, #tpu.memory_space<hbm>>
      %dma_wait3A_404 = tpu.memref_squeeze %dma_wait3A_403 : memref<1x10000x128xf32, #tpu.memory_space<hbm>> -> memref<10000x128xf32, #tpu.memory_space<hbm>>
      %dma_wait3A_405 = arith.constant 0 : i32
      %dma_wait3A_406 = arith.constant 0 : i32
      %dma_wait3A_407 = tpu.memref_slice %dma_wait3A_404[%dma_wait3A_405, %dma_wait3A_406] : memref<10000x128xf32, #tpu.memory_space<hbm>> -> memref<10000x128xf32, #tpu.memory_space<hbm>>
      tpu.wait_indirect_dma semaphore(%arg12 : memref<!tpu.dma_semaphore, #tpu.memory_space<semaphore_mem>>) src(%dma_wait3A_407 : memref<10000x128xf32, #tpu.memory_space<hbm>>) dst(%dma_wait3A_397 : memref<128x128xf32, #tpu.memory_space<vmem>>)
      %add3A_408 = arith.constant 1 : i32
      %add3A_409 = arith.addi %mul3A_371, %add3A_408 : i32
      %run_scoped3A_410 = arith.constant 1 : i32
      "tpu.region"() ({
        %run_scoped3A_418 = tpu.sem_alloc : memref<!tpu.dma_semaphore, #tpu.memory_space<semaphore_mem>>
        %dma_start3A_419 = arith.constant 0 : i32
        %dma_start3A_420 = arith.constant 0 : i32
        %dma_start3A_421 = tpu.memref_slice %arg9[%run_scoped3A_410, %dma_start3A_419, %dma_start3A_420] : memref<2x128x128xf32, #tpu.memory_space<vmem>> -> memref<1x128x128xf32, #tpu.memory_space<vmem>>
        %dma_start3A_422 = tpu.memref_squeeze %dma_start3A_421 : memref<1x128x128xf32, #tpu.memory_space<vmem>> -> memref<128x128xf32, #tpu.memory_space<vmem>>
        %dma_start3A_423 = arith.constant 0 : i32
        %dma_start3A_424 = tpu.memref_slice %arg8[%add3A_409, %dma_start3A_423] : memref<40x128xi32, #tpu.memory_space<vmem>> -> memref<1x128xi32, #tpu.memory_space<vmem>>
        %dma_start3A_425 = tpu.memref_squeeze %dma_start3A_424 : memref<1x128xi32, #tpu.memory_space<vmem>> -> memref<128xi32, #tpu.memory_space<vmem>>
        %dma_start3A_426 = arith.constant 0 : i32
        %dma_start3A_427 = arith.constant 0 : i32
        %dma_start3A_428 = tpu.memref_slice %arg10[%dma_start3A_426, %dma_start3A_427] : memref<10240x128xf32, #tpu.memory_space<vmem_shared>> -> memref<10240x128xf32, #tpu.memory_space<vmem_shared>>
        tpu.enqueue_indirect_dma source(%dma_start3A_422 : memref<128x128xf32, #tpu.memory_space<vmem>>) target(%dma_start3A_428 : memref<10240x128xf32, #tpu.memory_space<vmem_shared>>) offsets(%dma_start3A_425 : memref<128xi32, #tpu.memory_space<vmem>>) semaphore(%run_scoped3A_418 : memref<!tpu.dma_semaphore, #tpu.memory_space<semaphore_mem>>) {add = true}
        %dma_wait3A_429 = arith.constant 0 : i32
        %dma_wait3A_430 = arith.constant 0 : i32
        %dma_wait3A_431 = tpu.memref_slice %arg9[%run_scoped3A_410, %dma_wait3A_429, %dma_wait3A_430] : memref<2x128x128xf32, #tpu.memory_space<vmem>> -> memref<1x128x128xf32, #tpu.memory_space<vmem>>
        %dma_wait3A_432 = tpu.memref_squeeze %dma_wait3A_431 : memref<1x128x128xf32, #tpu.memory_space<vmem>> -> memref<128x128xf32, #tpu.memory_space<vmem>>
        %dma_wait3A_433 = arith.constant 0 : i32
        %dma_wait3A_434 = tpu.memref_slice %arg8[%add3A_409, %dma_wait3A_433] : memref<40x128xi32, #tpu.memory_space<vmem>> -> memref<1x128xi32, #tpu.memory_space<vmem>>
        %dma_wait3A_435 = tpu.memref_squeeze %dma_wait3A_434 : memref<1x128xi32, #tpu.memory_space<vmem>> -> memref<128xi32, #tpu.memory_space<vmem>>
        %dma_wait3A_436 = arith.constant 0 : i32
        %dma_wait3A_437 = arith.constant 0 : i32
        %dma_wait3A_438 = tpu.memref_slice %arg10[%dma_wait3A_436, %dma_wait3A_437] : memref<10240x128xf32, #tpu.memory_space<vmem_shared>> -> memref<10240x128xf32, #tpu.memory_space<vmem_shared>>
        tpu.wait_indirect_dma semaphore(%run_scoped3A_418 : memref<!tpu.dma_semaphore, #tpu.memory_space<semaphore_mem>>) src(%dma_wait3A_432 : memref<128x128xf32, #tpu.memory_space<vmem>>) dst(%dma_wait3A_438 : memref<10240x128xf32, #tpu.memory_space<vmem_shared>>)
        tpu.yield
      }) : () -> ()
      %add3A_411 = arith.constant 3 : i32
      %add3A_412 = arith.addi %mul3A_371, %add3A_411 : i32
      %lt3A_413 = arith.constant 40 : i32
      %lt3A_414 = arith.cmpi slt, %add3A_412, %lt3A_413 : i32
      %convert_element_type3A_415 = arith.extui %lt3A_414 : i1 to i32
      %cond3A_416 = arith.constant 0 : i32
      %cond3A_417 = arith.cmpi ne, %convert_element_type3A_415, %cond3A_416 : i32
      scf.if %cond3A_417 {
        %add3A_418 = arith.constant 3 : i32
        %add3A_419 = arith.addi %mul3A_371, %add3A_418 : i32
        %dma_start3A_420 = arith.constant 1 : i32
        %dma_start3A_421 = arith.constant 0 : i32
        %dma_start3A_422 = arith.constant 0 : i32
        %dma_start3A_423 = tpu.memref_slice %arg9[%dma_start3A_420, %dma_start3A_421, %dma_start3A_422] : memref<2x128x128xf32, #tpu.memory_space<vmem>> -> memref<1x128x128xf32, #tpu.memory_space<vmem>>
        %dma_start3A_424 = tpu.memref_squeeze %dma_start3A_423 : memref<1x128x128xf32, #tpu.memory_space<vmem>> -> memref<128x128xf32, #tpu.memory_space<vmem>>
        %dma_start3A_425 = arith.constant 0 : i32
        %dma_start3A_426 = tpu.memref_slice %arg7[%add3A_419, %dma_start3A_425] : memref<40x128xi32, #tpu.memory_space<vmem>> -> memref<1x128xi32, #tpu.memory_space<vmem>>
        %dma_start3A_427 = tpu.memref_squeeze %dma_start3A_426 : memref<1x128xi32, #tpu.memory_space<vmem>> -> memref<128xi32, #tpu.memory_space<vmem>>
        %dma_start3A_428 = arith.constant 0 : i32
        %dma_start3A_429 = arith.constant 0 : i32
        %dma_start3A_430 = tpu.memref_slice %arg2[%scan3A_223, %dma_start3A_428, %dma_start3A_429] : memref<4x10000x128xf32, #tpu.memory_space<hbm>> -> memref<1x10000x128xf32, #tpu.memory_space<hbm>>
        %dma_start3A_431 = tpu.memref_squeeze %dma_start3A_430 : memref<1x10000x128xf32, #tpu.memory_space<hbm>> -> memref<10000x128xf32, #tpu.memory_space<hbm>>
        %dma_start3A_432 = arith.constant 0 : i32
        %dma_start3A_433 = arith.constant 0 : i32
        %dma_start3A_434 = tpu.memref_slice %dma_start3A_431[%dma_start3A_432, %dma_start3A_433] : memref<10000x128xf32, #tpu.memory_space<hbm>> -> memref<10000x128xf32, #tpu.memory_space<hbm>>
        tpu.enqueue_indirect_dma source(%dma_start3A_434 : memref<10000x128xf32, #tpu.memory_space<hbm>>) target(%dma_start3A_424 : memref<128x128xf32, #tpu.memory_space<vmem>>) offsets(%dma_start3A_427 : memref<128xi32, #tpu.memory_space<vmem>>) semaphore(%arg12 : memref<!tpu.dma_semaphore, #tpu.memory_space<semaphore_mem>>)
      } else {
      }
    }
    %scan3A_228 = arith.constant 20 : i32
    "tpu.region"() ({
      %run_scoped3A_369 = tpu.sem_alloc : memref<!tpu.dma_semaphore, #tpu.memory_space<semaphore_mem>>
      %dma_start3A_370 = arith.constant 40 : i32
      %dma_start3A_371 = arith.constant 0 : i32
      %dma_start3A_372 = tpu.memref_slice %arg3[%add3A, %dma_start3A_370, %dma_start3A_371] : memref<32x80x128xi32, #tpu.memory_space<hbm>> -> memref<1x40x128xi32, #tpu.memory_space<hbm>>
      %dma_start3A_373 = tpu.memref_squeeze %dma_start3A_372 : memref<1x40x128xi32, #tpu.memory_space<hbm>> -> memref<40x128xi32, #tpu.memory_space<hbm>>
      %dma_start3A_374 = arith.constant 40 : i32
      %dma_start3A_375 = arith.constant 0 : i32
      %dma_start3A_376 = tpu.memref_slice %arg3[%add3A, %dma_start3A_374, %dma_start3A_375] : memref<32x80x128xi32, #tpu.memory_space<hbm>> -> memref<1x40x128xi32, #tpu.memory_space<hbm>>
      %dma_start3A_377 = tpu.memref_squeeze %dma_start3A_376 : memref<1x40x128xi32, #tpu.memory_space<hbm>> -> memref<40x128xi32, #tpu.memory_space<hbm>>
      tpu.enqueue_dma source(%dma_start3A_377 : memref<40x128xi32, #tpu.memory_space<hbm>>) target(%arg7 : memref<40x128xi32, #tpu.memory_space<vmem>>) target_semaphore(%run_scoped3A_369 : memref<!tpu.dma_semaphore, #tpu.memory_space<semaphore_mem>>)
      %dma_wait3A = arith.constant 40 : i32
      %dma_wait3A_378 = arith.constant 0 : i32
      %dma_wait3A_379 = tpu.memref_slice %arg3[%add3A, %dma_wait3A, %dma_wait3A_378] : memref<32x80x128xi32, #tpu.memory_space<hbm>> -> memref<1x40x128xi32, #tpu.memory_space<hbm>>
      %dma_wait3A_380 = tpu.memref_squeeze %dma_wait3A_379 : memref<1x40x128xi32, #tpu.memory_space<hbm>> -> memref<40x128xi32, #tpu.memory_space<hbm>>
      %dma_wait3A_381 = arith.constant 40 : i32
      %dma_wait3A_382 = arith.constant 0 : i32
      %dma_wait3A_383 = tpu.memref_slice %arg3[%add3A, %dma_wait3A_381, %dma_wait3A_382] : memref<32x80x128xi32, #tpu.memory_space<hbm>> -> memref<1x40x128xi32, #tpu.memory_space<hbm>>
      %dma_wait3A_384 = tpu.memref_squeeze %dma_wait3A_383 : memref<1x40x128xi32, #tpu.memory_space<hbm>> -> memref<40x128xi32, #tpu.memory_space<hbm>>
      tpu.wait_dma2 semaphore(%run_scoped3A_369 : memref<!tpu.dma_semaphore, #tpu.memory_space<semaphore_mem>>) src(%dma_wait3A_384 : memref<40x128xi32, #tpu.memory_space<hbm>>) dst(%arg7 : memref<40x128xi32, #tpu.memory_space<vmem>>)
      tpu.yield
    }) : () -> ()
    "tpu.region"() ({
      %run_scoped3A_369 = tpu.sem_alloc : memref<!tpu.dma_semaphore, #tpu.memory_space<semaphore_mem>>
      %dma_start3A_370 = arith.constant 40 : i32
      %dma_start3A_371 = arith.constant 0 : i32
      %dma_start3A_372 = tpu.memref_slice %arg4[%add3A, %dma_start3A_370, %dma_start3A_371] : memref<32x80x128xi32, #tpu.memory_space<hbm>> -> memref<1x40x128xi32, #tpu.memory_space<hbm>>
      %dma_start3A_373 = tpu.memref_squeeze %dma_start3A_372 : memref<1x40x128xi32, #tpu.memory_space<hbm>> -> memref<40x128xi32, #tpu.memory_space<hbm>>
      %dma_start3A_374 = arith.constant 40 : i32
      %dma_start3A_375 = arith.constant 0 : i32
      %dma_start3A_376 = tpu.memref_slice %arg4[%add3A, %dma_start3A_374, %dma_start3A_375] : memref<32x80x128xi32, #tpu.memory_space<hbm>> -> memref<1x40x128xi32, #tpu.memory_space<hbm>>
      %dma_start3A_377 = tpu.memref_squeeze %dma_start3A_376 : memref<1x40x128xi32, #tpu.memory_space<hbm>> -> memref<40x128xi32, #tpu.memory_space<hbm>>
      tpu.enqueue_dma source(%dma_start3A_377 : memref<40x128xi32, #tpu.memory_space<hbm>>) target(%arg8 : memref<40x128xi32, #tpu.memory_space<vmem>>) target_semaphore(%run_scoped3A_369 : memref<!tpu.dma_semaphore, #tpu.memory_space<semaphore_mem>>)
      %dma_wait3A = arith.constant 40 : i32
      %dma_wait3A_378 = arith.constant 0 : i32
      %dma_wait3A_379 = tpu.memref_slice %arg4[%add3A, %dma_wait3A, %dma_wait3A_378] : memref<32x80x128xi32, #tpu.memory_space<hbm>> -> memref<1x40x128xi32, #tpu.memory_space<hbm>>
      %dma_wait3A_380 = tpu.memref_squeeze %dma_wait3A_379 : memref<1x40x128xi32, #tpu.memory_space<hbm>> -> memref<40x128xi32, #tpu.memory_space<hbm>>
      %dma_wait3A_381 = arith.constant 40 : i32
      %dma_wait3A_382 = arith.constant 0 : i32
      %dma_wait3A_383 = tpu.memref_slice %arg4[%add3A, %dma_wait3A_381, %dma_wait3A_382] : memref<32x80x128xi32, #tpu.memory_space<hbm>> -> memref<1x40x128xi32, #tpu.memory_space<hbm>>
      %dma_wait3A_384 = tpu.memref_squeeze %dma_wait3A_383 : memref<1x40x128xi32, #tpu.memory_space<hbm>> -> memref<40x128xi32, #tpu.memory_space<hbm>>
      tpu.wait_dma2 semaphore(%run_scoped3A_369 : memref<!tpu.dma_semaphore, #tpu.memory_space<semaphore_mem>>) src(%dma_wait3A_384 : memref<40x128xi32, #tpu.memory_space<hbm>>) dst(%arg8 : memref<40x128xi32, #tpu.memory_space<vmem>>)
      tpu.yield
    }) : () -> ()
    %dma_start3A_229 = arith.constant 2 : i32
    %dma_start3A_230 = arith.constant 0 : i32
    %dma_start3A_231 = arith.constant 0 : i32
    %dma_start3A_232 = arith.constant 0 : i32
    %dma_start3A_233 = arith.constant 0 : i32
    %dma_start3A_234 = tpu.memref_slice %arg9[%dma_start3A_231, %dma_start3A_232, %dma_start3A_233] : memref<2x128x128xf32, #tpu.memory_space<vmem>> -> memref<1x128x128xf32, #tpu.memory_space<vmem>>
    %dma_start3A_235 = tpu.memref_squeeze %dma_start3A_234 : memref<1x128x128xf32, #tpu.memory_space<vmem>> -> memref<128x128xf32, #tpu.memory_space<vmem>>
    %dma_start3A_236 = arith.constant 0 : i32
    %dma_start3A_237 = tpu.memref_slice %arg7[%dma_start3A_230, %dma_start3A_236] : memref<40x128xi32, #tpu.memory_space<vmem>> -> memref<1x128xi32, #tpu.memory_space<vmem>>
    %dma_start3A_238 = tpu.memref_squeeze %dma_start3A_237 : memref<1x128xi32, #tpu.memory_space<vmem>> -> memref<128xi32, #tpu.memory_space<vmem>>
    %dma_start3A_239 = arith.constant 0 : i32
    %dma_start3A_240 = arith.constant 0 : i32
    %dma_start3A_241 = tpu.memref_slice %arg2[%dma_start3A_229, %dma_start3A_239, %dma_start3A_240] : memref<4x10000x128xf32, #tpu.memory_space<hbm>> -> memref<1x10000x128xf32, #tpu.memory_space<hbm>>
    %dma_start3A_242 = tpu.memref_squeeze %dma_start3A_241 : memref<1x10000x128xf32, #tpu.memory_space<hbm>> -> memref<10000x128xf32, #tpu.memory_space<hbm>>
    %dma_start3A_243 = arith.constant 0 : i32
    %dma_start3A_244 = arith.constant 0 : i32
    %dma_start3A_245 = tpu.memref_slice %dma_start3A_242[%dma_start3A_243, %dma_start3A_244] : memref<10000x128xf32, #tpu.memory_space<hbm>> -> memref<10000x128xf32, #tpu.memory_space<hbm>>
    tpu.enqueue_indirect_dma source(%dma_start3A_245 : memref<10000x128xf32, #tpu.memory_space<hbm>>) target(%dma_start3A_235 : memref<128x128xf32, #tpu.memory_space<vmem>>) offsets(%dma_start3A_238 : memref<128xi32, #tpu.memory_space<vmem>>) semaphore(%arg11 : memref<!tpu.dma_semaphore, #tpu.memory_space<semaphore_mem>>)
    %dma_start3A_246 = arith.constant 2 : i32
    %dma_start3A_247 = arith.constant 1 : i32
    %dma_start3A_248 = arith.constant 1 : i32
    %dma_start3A_249 = arith.constant 0 : i32
    %dma_start3A_250 = arith.constant 0 : i32
    %dma_start3A_251 = tpu.memref_slice %arg9[%dma_start3A_248, %dma_start3A_249, %dma_start3A_250] : memref<2x128x128xf32, #tpu.memory_space<vmem>> -> memref<1x128x128xf32, #tpu.memory_space<vmem>>
    %dma_start3A_252 = tpu.memref_squeeze %dma_start3A_251 : memref<1x128x128xf32, #tpu.memory_space<vmem>> -> memref<128x128xf32, #tpu.memory_space<vmem>>
    %dma_start3A_253 = arith.constant 0 : i32
    %dma_start3A_254 = tpu.memref_slice %arg7[%dma_start3A_247, %dma_start3A_253] : memref<40x128xi32, #tpu.memory_space<vmem>> -> memref<1x128xi32, #tpu.memory_space<vmem>>
    %dma_start3A_255 = tpu.memref_squeeze %dma_start3A_254 : memref<1x128xi32, #tpu.memory_space<vmem>> -> memref<128xi32, #tpu.memory_space<vmem>>
    %dma_start3A_256 = arith.constant 0 : i32
    %dma_start3A_257 = arith.constant 0 : i32
    %dma_start3A_258 = tpu.memref_slice %arg2[%dma_start3A_246, %dma_start3A_256, %dma_start3A_257] : memref<4x10000x128xf32, #tpu.memory_space<hbm>> -> memref<1x10000x128xf32, #tpu.memory_space<hbm>>
    %dma_start3A_259 = tpu.memref_squeeze %dma_start3A_258 : memref<1x10000x128xf32, #tpu.memory_space<hbm>> -> memref<10000x128xf32, #tpu.memory_space<hbm>>
    %dma_start3A_260 = arith.constant 0 : i32
    %dma_start3A_261 = arith.constant 0 : i32
    %dma_start3A_262 = tpu.memref_slice %dma_start3A_259[%dma_start3A_260, %dma_start3A_261] : memref<10000x128xf32, #tpu.memory_space<hbm>> -> memref<10000x128xf32, #tpu.memory_space<hbm>>
    tpu.enqueue_indirect_dma source(%dma_start3A_262 : memref<10000x128xf32, #tpu.memory_space<hbm>>) target(%dma_start3A_252 : memref<128x128xf32, #tpu.memory_space<vmem>>) offsets(%dma_start3A_255 : memref<128xi32, #tpu.memory_space<vmem>>) semaphore(%arg12 : memref<!tpu.dma_semaphore, #tpu.memory_space<semaphore_mem>>)
    %scan3A_263 = arith.constant 0 : i32
    %scan3A_264 = arith.constant 2 : i32
    %scan3A_265 = arith.constant 0 : i32
    %scan3A_266 = arith.constant 20 : i32
    %scan3A_267 = arith.addi %scan3A_265, %scan3A_266 : i32
    %scan3A_268 = arith.constant 1 : i32
    scf.for %scan3A_369 = %scan3A_265 to %scan3A_267 step %scan3A_268  : i32 {
      %mul3A_370 = arith.constant 2 : i32
      %mul3A_371 = arith.muli %mul3A_370, %scan3A_369 : i32
      %dma_wait3A = arith.constant 0 : i32
      %dma_wait3A_372 = arith.constant 0 : i32
      %dma_wait3A_373 = arith.constant 0 : i32
      %dma_wait3A_374 = tpu.memref_slice %arg9[%dma_wait3A, %dma_wait3A_372, %dma_wait3A_373] : memref<2x128x128xf32, #tpu.memory_space<vmem>> -> memref<1x128x128xf32, #tpu.memory_space<vmem>>
      %dma_wait3A_375 = tpu.memref_squeeze %dma_wait3A_374 : memref<1x128x128xf32, #tpu.memory_space<vmem>> -> memref<128x128xf32, #tpu.memory_space<vmem>>
      %dma_wait3A_376 = arith.constant 0 : i32
      %dma_wait3A_377 = tpu.memref_slice %arg7[%mul3A_371, %dma_wait3A_376] : memref<40x128xi32, #tpu.memory_space<vmem>> -> memref<1x128xi32, #tpu.memory_space<vmem>>
      %dma_wait3A_378 = tpu.memref_squeeze %dma_wait3A_377 : memref<1x128xi32, #tpu.memory_space<vmem>> -> memref<128xi32, #tpu.memory_space<vmem>>
      %dma_wait3A_379 = arith.constant 0 : i32
      %dma_wait3A_380 = arith.constant 0 : i32
      %dma_wait3A_381 = tpu.memref_slice %arg2[%scan3A_264, %dma_wait3A_379, %dma_wait3A_380] : memref<4x10000x128xf32, #tpu.memory_space<hbm>> -> memref<1x10000x128xf32, #tpu.memory_space<hbm>>
      %dma_wait3A_382 = tpu.memref_squeeze %dma_wait3A_381 : memref<1x10000x128xf32, #tpu.memory_space<hbm>> -> memref<10000x128xf32, #tpu.memory_space<hbm>>
      %dma_wait3A_383 = arith.constant 0 : i32
      %dma_wait3A_384 = arith.constant 0 : i32
      %dma_wait3A_385 = tpu.memref_slice %dma_wait3A_382[%dma_wait3A_383, %dma_wait3A_384] : memref<10000x128xf32, #tpu.memory_space<hbm>> -> memref<10000x128xf32, #tpu.memory_space<hbm>>
      tpu.wait_indirect_dma semaphore(%arg11 : memref<!tpu.dma_semaphore, #tpu.memory_space<semaphore_mem>>) src(%dma_wait3A_385 : memref<10000x128xf32, #tpu.memory_space<hbm>>) dst(%dma_wait3A_375 : memref<128x128xf32, #tpu.memory_space<vmem>>)
      %run_scoped3A_386 = arith.constant 0 : i32
      "tpu.region"() ({
        %run_scoped3A_418 = tpu.sem_alloc : memref<!tpu.dma_semaphore, #tpu.memory_space<semaphore_mem>>
        %dma_start3A_419 = arith.constant 0 : i32
        %dma_start3A_420 = arith.constant 0 : i32
        %dma_start3A_421 = tpu.memref_slice %arg9[%run_scoped3A_386, %dma_start3A_419, %dma_start3A_420] : memref<2x128x128xf32, #tpu.memory_space<vmem>> -> memref<1x128x128xf32, #tpu.memory_space<vmem>>
        %dma_start3A_422 = tpu.memref_squeeze %dma_start3A_421 : memref<1x128x128xf32, #tpu.memory_space<vmem>> -> memref<128x128xf32, #tpu.memory_space<vmem>>
        %dma_start3A_423 = arith.constant 0 : i32
        %dma_start3A_424 = tpu.memref_slice %arg8[%mul3A_371, %dma_start3A_423] : memref<40x128xi32, #tpu.memory_space<vmem>> -> memref<1x128xi32, #tpu.memory_space<vmem>>
        %dma_start3A_425 = tpu.memref_squeeze %dma_start3A_424 : memref<1x128xi32, #tpu.memory_space<vmem>> -> memref<128xi32, #tpu.memory_space<vmem>>
        %dma_start3A_426 = arith.constant 0 : i32
        %dma_start3A_427 = arith.constant 0 : i32
        %dma_start3A_428 = tpu.memref_slice %arg10[%dma_start3A_426, %dma_start3A_427] : memref<10240x128xf32, #tpu.memory_space<vmem_shared>> -> memref<10240x128xf32, #tpu.memory_space<vmem_shared>>
        tpu.enqueue_indirect_dma source(%dma_start3A_422 : memref<128x128xf32, #tpu.memory_space<vmem>>) target(%dma_start3A_428 : memref<10240x128xf32, #tpu.memory_space<vmem_shared>>) offsets(%dma_start3A_425 : memref<128xi32, #tpu.memory_space<vmem>>) semaphore(%run_scoped3A_418 : memref<!tpu.dma_semaphore, #tpu.memory_space<semaphore_mem>>) {add = true}
        %dma_wait3A_429 = arith.constant 0 : i32
        %dma_wait3A_430 = arith.constant 0 : i32
        %dma_wait3A_431 = tpu.memref_slice %arg9[%run_scoped3A_386, %dma_wait3A_429, %dma_wait3A_430] : memref<2x128x128xf32, #tpu.memory_space<vmem>> -> memref<1x128x128xf32, #tpu.memory_space<vmem>>
        %dma_wait3A_432 = tpu.memref_squeeze %dma_wait3A_431 : memref<1x128x128xf32, #tpu.memory_space<vmem>> -> memref<128x128xf32, #tpu.memory_space<vmem>>
        %dma_wait3A_433 = arith.constant 0 : i32
        %dma_wait3A_434 = tpu.memref_slice %arg8[%mul3A_371, %dma_wait3A_433] : memref<40x128xi32, #tpu.memory_space<vmem>> -> memref<1x128xi32, #tpu.memory_space<vmem>>
        %dma_wait3A_435 = tpu.memref_squeeze %dma_wait3A_434 : memref<1x128xi32, #tpu.memory_space<vmem>> -> memref<128xi32, #tpu.memory_space<vmem>>
        %dma_wait3A_436 = arith.constant 0 : i32
        %dma_wait3A_437 = arith.constant 0 : i32
        %dma_wait3A_438 = tpu.memref_slice %arg10[%dma_wait3A_436, %dma_wait3A_437] : memref<10240x128xf32, #tpu.memory_space<vmem_shared>> -> memref<10240x128xf32, #tpu.memory_space<vmem_shared>>
        tpu.wait_indirect_dma semaphore(%run_scoped3A_418 : memref<!tpu.dma_semaphore, #tpu.memory_space<semaphore_mem>>) src(%dma_wait3A_432 : memref<128x128xf32, #tpu.memory_space<vmem>>) dst(%dma_wait3A_438 : memref<10240x128xf32, #tpu.memory_space<vmem_shared>>)
        tpu.yield
      }) : () -> ()
      %add3A_387 = arith.constant 2 : i32
      %add3A_388 = arith.addi %mul3A_371, %add3A_387 : i32
      %lt3A = arith.constant 40 : i32
      %lt3A_389 = arith.cmpi slt, %add3A_388, %lt3A : i32
      %convert_element_type3A = arith.extui %lt3A_389 : i1 to i32
      %cond3A = arith.constant 0 : i32
      %cond3A_390 = arith.cmpi ne, %convert_element_type3A, %cond3A : i32
      scf.if %cond3A_390 {
        %add3A_418 = arith.constant 2 : i32
        %add3A_419 = arith.addi %mul3A_371, %add3A_418 : i32
        %dma_start3A_420 = arith.constant 0 : i32
        %dma_start3A_421 = arith.constant 0 : i32
        %dma_start3A_422 = arith.constant 0 : i32
        %dma_start3A_423 = tpu.memref_slice %arg9[%dma_start3A_420, %dma_start3A_421, %dma_start3A_422] : memref<2x128x128xf32, #tpu.memory_space<vmem>> -> memref<1x128x128xf32, #tpu.memory_space<vmem>>
        %dma_start3A_424 = tpu.memref_squeeze %dma_start3A_423 : memref<1x128x128xf32, #tpu.memory_space<vmem>> -> memref<128x128xf32, #tpu.memory_space<vmem>>
        %dma_start3A_425 = arith.constant 0 : i32
        %dma_start3A_426 = tpu.memref_slice %arg7[%add3A_419, %dma_start3A_425] : memref<40x128xi32, #tpu.memory_space<vmem>> -> memref<1x128xi32, #tpu.memory_space<vmem>>
        %dma_start3A_427 = tpu.memref_squeeze %dma_start3A_426 : memref<1x128xi32, #tpu.memory_space<vmem>> -> memref<128xi32, #tpu.memory_space<vmem>>
        %dma_start3A_428 = arith.constant 0 : i32
        %dma_start3A_429 = arith.constant 0 : i32
        %dma_start3A_430 = tpu.memref_slice %arg2[%scan3A_264, %dma_start3A_428, %dma_start3A_429] : memref<4x10000x128xf32, #tpu.memory_space<hbm>> -> memref<1x10000x128xf32, #tpu.memory_space<hbm>>
        %dma_start3A_431 = tpu.memref_squeeze %dma_start3A_430 : memref<1x10000x128xf32, #tpu.memory_space<hbm>> -> memref<10000x128xf32, #tpu.memory_space<hbm>>
        %dma_start3A_432 = arith.constant 0 : i32
        %dma_start3A_433 = arith.constant 0 : i32
        %dma_start3A_434 = tpu.memref_slice %dma_start3A_431[%dma_start3A_432, %dma_start3A_433] : memref<10000x128xf32, #tpu.memory_space<hbm>> -> memref<10000x128xf32, #tpu.memory_space<hbm>>
        tpu.enqueue_indirect_dma source(%dma_start3A_434 : memref<10000x128xf32, #tpu.memory_space<hbm>>) target(%dma_start3A_424 : memref<128x128xf32, #tpu.memory_space<vmem>>) offsets(%dma_start3A_427 : memref<128xi32, #tpu.memory_space<vmem>>) semaphore(%arg11 : memref<!tpu.dma_semaphore, #tpu.memory_space<semaphore_mem>>)
      } else {
      }
      %add3A_391 = arith.constant 1 : i32
      %add3A_392 = arith.addi %mul3A_371, %add3A_391 : i32
      %dma_wait3A_393 = arith.constant 1 : i32
      %dma_wait3A_394 = arith.constant 0 : i32
      %dma_wait3A_395 = arith.constant 0 : i32
      %dma_wait3A_396 = tpu.memref_slice %arg9[%dma_wait3A_393, %dma_wait3A_394, %dma_wait3A_395] : memref<2x128x128xf32, #tpu.memory_space<vmem>> -> memref<1x128x128xf32, #tpu.memory_space<vmem>>
      %dma_wait3A_397 = tpu.memref_squeeze %dma_wait3A_396 : memref<1x128x128xf32, #tpu.memory_space<vmem>> -> memref<128x128xf32, #tpu.memory_space<vmem>>
      %dma_wait3A_398 = arith.constant 0 : i32
      %dma_wait3A_399 = tpu.memref_slice %arg7[%add3A_392, %dma_wait3A_398] : memref<40x128xi32, #tpu.memory_space<vmem>> -> memref<1x128xi32, #tpu.memory_space<vmem>>
      %dma_wait3A_400 = tpu.memref_squeeze %dma_wait3A_399 : memref<1x128xi32, #tpu.memory_space<vmem>> -> memref<128xi32, #tpu.memory_space<vmem>>
      %dma_wait3A_401 = arith.constant 0 : i32
      %dma_wait3A_402 = arith.constant 0 : i32
      %dma_wait3A_403 = tpu.memref_slice %arg2[%scan3A_264, %dma_wait3A_401, %dma_wait3A_402] : memref<4x10000x128xf32, #tpu.memory_space<hbm>> -> memref<1x10000x128xf32, #tpu.memory_space<hbm>>
      %dma_wait3A_404 = tpu.memref_squeeze %dma_wait3A_403 : memref<1x10000x128xf32, #tpu.memory_space<hbm>> -> memref<10000x128xf32, #tpu.memory_space<hbm>>
      %dma_wait3A_405 = arith.constant 0 : i32
      %dma_wait3A_406 = arith.constant 0 : i32
      %dma_wait3A_407 = tpu.memref_slice %dma_wait3A_404[%dma_wait3A_405, %dma_wait3A_406] : memref<10000x128xf32, #tpu.memory_space<hbm>> -> memref<10000x128xf32, #tpu.memory_space<hbm>>
      tpu.wait_indirect_dma semaphore(%arg12 : memref<!tpu.dma_semaphore, #tpu.memory_space<semaphore_mem>>) src(%dma_wait3A_407 : memref<10000x128xf32, #tpu.memory_space<hbm>>) dst(%dma_wait3A_397 : memref<128x128xf32, #tpu.memory_space<vmem>>)
      %add3A_408 = arith.constant 1 : i32
      %add3A_409 = arith.addi %mul3A_371, %add3A_408 : i32
      %run_scoped3A_410 = arith.constant 1 : i32
      "tpu.region"() ({
        %run_scoped3A_418 = tpu.sem_alloc : memref<!tpu.dma_semaphore, #tpu.memory_space<semaphore_mem>>
        %dma_start3A_419 = arith.constant 0 : i32
        %dma_start3A_420 = arith.constant 0 : i32
        %dma_start3A_421 = tpu.memref_slice %arg9[%run_scoped3A_410, %dma_start3A_419, %dma_start3A_420] : memref<2x128x128xf32, #tpu.memory_space<vmem>> -> memref<1x128x128xf32, #tpu.memory_space<vmem>>
        %dma_start3A_422 = tpu.memref_squeeze %dma_start3A_421 : memref<1x128x128xf32, #tpu.memory_space<vmem>> -> memref<128x128xf32, #tpu.memory_space<vmem>>
        %dma_start3A_423 = arith.constant 0 : i32
        %dma_start3A_424 = tpu.memref_slice %arg8[%add3A_409, %dma_start3A_423] : memref<40x128xi32, #tpu.memory_space<vmem>> -> memref<1x128xi32, #tpu.memory_space<vmem>>
        %dma_start3A_425 = tpu.memref_squeeze %dma_start3A_424 : memref<1x128xi32, #tpu.memory_space<vmem>> -> memref<128xi32, #tpu.memory_space<vmem>>
        %dma_start3A_426 = arith.constant 0 : i32
        %dma_start3A_427 = arith.constant 0 : i32
        %dma_start3A_428 = tpu.memref_slice %arg10[%dma_start3A_426, %dma_start3A_427] : memref<10240x128xf32, #tpu.memory_space<vmem_shared>> -> memref<10240x128xf32, #tpu.memory_space<vmem_shared>>
        tpu.enqueue_indirect_dma source(%dma_start3A_422 : memref<128x128xf32, #tpu.memory_space<vmem>>) target(%dma_start3A_428 : memref<10240x128xf32, #tpu.memory_space<vmem_shared>>) offsets(%dma_start3A_425 : memref<128xi32, #tpu.memory_space<vmem>>) semaphore(%run_scoped3A_418 : memref<!tpu.dma_semaphore, #tpu.memory_space<semaphore_mem>>) {add = true}
        %dma_wait3A_429 = arith.constant 0 : i32
        %dma_wait3A_430 = arith.constant 0 : i32
        %dma_wait3A_431 = tpu.memref_slice %arg9[%run_scoped3A_410, %dma_wait3A_429, %dma_wait3A_430] : memref<2x128x128xf32, #tpu.memory_space<vmem>> -> memref<1x128x128xf32, #tpu.memory_space<vmem>>
        %dma_wait3A_432 = tpu.memref_squeeze %dma_wait3A_431 : memref<1x128x128xf32, #tpu.memory_space<vmem>> -> memref<128x128xf32, #tpu.memory_space<vmem>>
        %dma_wait3A_433 = arith.constant 0 : i32
        %dma_wait3A_434 = tpu.memref_slice %arg8[%add3A_409, %dma_wait3A_433] : memref<40x128xi32, #tpu.memory_space<vmem>> -> memref<1x128xi32, #tpu.memory_space<vmem>>
        %dma_wait3A_435 = tpu.memref_squeeze %dma_wait3A_434 : memref<1x128xi32, #tpu.memory_space<vmem>> -> memref<128xi32, #tpu.memory_space<vmem>>
        %dma_wait3A_436 = arith.constant 0 : i32
        %dma_wait3A_437 = arith.constant 0 : i32
        %dma_wait3A_438 = tpu.memref_slice %arg10[%dma_wait3A_436, %dma_wait3A_437] : memref<10240x128xf32, #tpu.memory_space<vmem_shared>> -> memref<10240x128xf32, #tpu.memory_space<vmem_shared>>
        tpu.wait_indirect_dma semaphore(%run_scoped3A_418 : memref<!tpu.dma_semaphore, #tpu.memory_space<semaphore_mem>>) src(%dma_wait3A_432 : memref<128x128xf32, #tpu.memory_space<vmem>>) dst(%dma_wait3A_438 : memref<10240x128xf32, #tpu.memory_space<vmem_shared>>)
        tpu.yield
      }) : () -> ()
      %add3A_411 = arith.constant 3 : i32
      %add3A_412 = arith.addi %mul3A_371, %add3A_411 : i32
      %lt3A_413 = arith.constant 40 : i32
      %lt3A_414 = arith.cmpi slt, %add3A_412, %lt3A_413 : i32
      %convert_element_type3A_415 = arith.extui %lt3A_414 : i1 to i32
      %cond3A_416 = arith.constant 0 : i32
      %cond3A_417 = arith.cmpi ne, %convert_element_type3A_415, %cond3A_416 : i32
      scf.if %cond3A_417 {
        %add3A_418 = arith.constant 3 : i32
        %add3A_419 = arith.addi %mul3A_371, %add3A_418 : i32
        %dma_start3A_420 = arith.constant 1 : i32
        %dma_start3A_421 = arith.constant 0 : i32
        %dma_start3A_422 = arith.constant 0 : i32
        %dma_start3A_423 = tpu.memref_slice %arg9[%dma_start3A_420, %dma_start3A_421, %dma_start3A_422] : memref<2x128x128xf32, #tpu.memory_space<vmem>> -> memref<1x128x128xf32, #tpu.memory_space<vmem>>
        %dma_start3A_424 = tpu.memref_squeeze %dma_start3A_423 : memref<1x128x128xf32, #tpu.memory_space<vmem>> -> memref<128x128xf32, #tpu.memory_space<vmem>>
        %dma_start3A_425 = arith.constant 0 : i32
        %dma_start3A_426 = tpu.memref_slice %arg7[%add3A_419, %dma_start3A_425] : memref<40x128xi32, #tpu.memory_space<vmem>> -> memref<1x128xi32, #tpu.memory_space<vmem>>
        %dma_start3A_427 = tpu.memref_squeeze %dma_start3A_426 : memref<1x128xi32, #tpu.memory_space<vmem>> -> memref<128xi32, #tpu.memory_space<vmem>>
        %dma_start3A_428 = arith.constant 0 : i32
        %dma_start3A_429 = arith.constant 0 : i32
        %dma_start3A_430 = tpu.memref_slice %arg2[%scan3A_264, %dma_start3A_428, %dma_start3A_429] : memref<4x10000x128xf32, #tpu.memory_space<hbm>> -> memref<1x10000x128xf32, #tpu.memory_space<hbm>>
        %dma_start3A_431 = tpu.memref_squeeze %dma_start3A_430 : memref<1x10000x128xf32, #tpu.memory_space<hbm>> -> memref<10000x128xf32, #tpu.memory_space<hbm>>
        %dma_start3A_432 = arith.constant 0 : i32
        %dma_start3A_433 = arith.constant 0 : i32
        %dma_start3A_434 = tpu.memref_slice %dma_start3A_431[%dma_start3A_432, %dma_start3A_433] : memref<10000x128xf32, #tpu.memory_space<hbm>> -> memref<10000x128xf32, #tpu.memory_space<hbm>>
        tpu.enqueue_indirect_dma source(%dma_start3A_434 : memref<10000x128xf32, #tpu.memory_space<hbm>>) target(%dma_start3A_424 : memref<128x128xf32, #tpu.memory_space<vmem>>) offsets(%dma_start3A_427 : memref<128xi32, #tpu.memory_space<vmem>>) semaphore(%arg12 : memref<!tpu.dma_semaphore, #tpu.memory_space<semaphore_mem>>)
      } else {
      }
    }
    %scan3A_269 = arith.constant 20 : i32
    %barrier3A_270 = arith.constant 0 : index
    tpu.barrier barrier_id(%barrier3A_270)
    %mul3A_271 = arith.constant 640 : i32
    %mul3A_272 = arith.muli %arg1, %mul3A_271 : i32
    %mul3A_273 = arith.constant 640 : i32
    %mul3A_274 = arith.muli %arg1, %mul3A_273 : i32
    %run_scoped3A_275 = arith.constant 2 : i32
    "tpu.region"() ({
      %run_scoped3A_369 = tpu.sem_alloc : memref<!tpu.dma_semaphore, #tpu.memory_space<semaphore_mem>>
      %dma_start3A_370 = arith.constant 0 : i32
      %dma_start3A_371 = tpu.memref_slice %arg6[%run_scoped3A_275, %arg0, %mul3A_274, %dma_start3A_370] : memref<4x2x10240x128xf32, #tpu.memory_space<hbm>> -> memref<1x1x640x128xf32, #tpu.memory_space<hbm>>
      %dma_start3A_372 = tpu.memref_squeeze %dma_start3A_371 : memref<1x1x640x128xf32, #tpu.memory_space<hbm>> -> memref<640x128xf32, #tpu.memory_space<hbm>>
      %dma_start3A_373 = arith.constant 0 : i32
      %dma_start3A_374 = tpu.memref_slice %arg10[%mul3A_272, %dma_start3A_373] : memref<10240x128xf32, #tpu.memory_space<vmem_shared>> -> memref<640x128xf32, #tpu.memory_space<vmem_shared>>
      tpu.enqueue_dma source(%dma_start3A_374 : memref<640x128xf32, #tpu.memory_space<vmem_shared>>) target(%dma_start3A_372 : memref<640x128xf32, #tpu.memory_space<hbm>>) target_semaphore(%run_scoped3A_369 : memref<!tpu.dma_semaphore, #tpu.memory_space<semaphore_mem>>)
      %dma_wait3A = arith.constant 0 : i32
      %dma_wait3A_375 = tpu.memref_slice %arg6[%run_scoped3A_275, %arg0, %mul3A_274, %dma_wait3A] : memref<4x2x10240x128xf32, #tpu.memory_space<hbm>> -> memref<1x1x640x128xf32, #tpu.memory_space<hbm>>
      %dma_wait3A_376 = tpu.memref_squeeze %dma_wait3A_375 : memref<1x1x640x128xf32, #tpu.memory_space<hbm>> -> memref<640x128xf32, #tpu.memory_space<hbm>>
      %dma_wait3A_377 = arith.constant 0 : i32
      %dma_wait3A_378 = tpu.memref_slice %arg10[%mul3A_272, %dma_wait3A_377] : memref<10240x128xf32, #tpu.memory_space<vmem_shared>> -> memref<640x128xf32, #tpu.memory_space<vmem_shared>>
      tpu.wait_dma2 semaphore(%run_scoped3A_369 : memref<!tpu.dma_semaphore, #tpu.memory_space<semaphore_mem>>) src(%dma_wait3A_378 : memref<640x128xf32, #tpu.memory_space<vmem_shared>>) dst(%dma_wait3A_376 : memref<640x128xf32, #tpu.memory_space<hbm>>)
      tpu.yield
    }) : () -> ()
    %mul3A_276 = arith.constant 640 : i32
    %mul3A_277 = arith.muli %arg1, %mul3A_276 : i32
    %mul3A_278 = arith.constant 640 : i32
    %mul3A_279 = arith.muli %arg1, %mul3A_278 : i32
    "tpu.region"() ({
      %run_scoped3A_369 = tpu.sem_alloc : memref<!tpu.dma_semaphore, #tpu.memory_space<semaphore_mem>>
      %dma_start3A_370 = arith.constant 0 : i32
      %dma_start3A_371 = tpu.memref_slice %arg10[%mul3A_279, %dma_start3A_370] : memref<10240x128xf32, #tpu.memory_space<vmem_shared>> -> memref<640x128xf32, #tpu.memory_space<vmem_shared>>
      %dma_start3A_372 = arith.constant 0 : i32
      %dma_start3A_373 = tpu.memref_slice %arg5[%mul3A_277, %dma_start3A_372] : memref<10240x128xf32, #tpu.memory_space<hbm>> -> memref<640x128xf32, #tpu.memory_space<hbm>>
      tpu.enqueue_dma source(%dma_start3A_373 : memref<640x128xf32, #tpu.memory_space<hbm>>) target(%dma_start3A_371 : memref<640x128xf32, #tpu.memory_space<vmem_shared>>) target_semaphore(%run_scoped3A_369 : memref<!tpu.dma_semaphore, #tpu.memory_space<semaphore_mem>>)
      %dma_wait3A = arith.constant 0 : i32
      %dma_wait3A_374 = tpu.memref_slice %arg10[%mul3A_279, %dma_wait3A] : memref<10240x128xf32, #tpu.memory_space<vmem_shared>> -> memref<640x128xf32, #tpu.memory_space<vmem_shared>>
      %dma_wait3A_375 = arith.constant 0 : i32
      %dma_wait3A_376 = tpu.memref_slice %arg5[%mul3A_277, %dma_wait3A_375] : memref<10240x128xf32, #tpu.memory_space<hbm>> -> memref<640x128xf32, #tpu.memory_space<hbm>>
      tpu.wait_dma2 semaphore(%run_scoped3A_369 : memref<!tpu.dma_semaphore, #tpu.memory_space<semaphore_mem>>) src(%dma_wait3A_376 : memref<640x128xf32, #tpu.memory_space<hbm>>) dst(%dma_wait3A_374 : memref<640x128xf32, #tpu.memory_space<vmem_shared>>)
      tpu.yield
    }) : () -> ()
    %barrier3A_280 = arith.constant 0 : index
    tpu.barrier barrier_id(%barrier3A_280)
    "tpu.region"() ({
      %run_scoped3A_369 = tpu.sem_alloc : memref<!tpu.dma_semaphore, #tpu.memory_space<semaphore_mem>>
      %dma_start3A_370 = arith.constant 0 : i32
      %dma_start3A_371 = arith.constant 0 : i32
      %dma_start3A_372 = tpu.memref_slice %arg3[%add3A, %dma_start3A_370, %dma_start3A_371] : memref<32x80x128xi32, #tpu.memory_space<hbm>> -> memref<1x40x128xi32, #tpu.memory_space<hbm>>
      %dma_start3A_373 = tpu.memref_squeeze %dma_start3A_372 : memref<1x40x128xi32, #tpu.memory_space<hbm>> -> memref<40x128xi32, #tpu.memory_space<hbm>>
      %dma_start3A_374 = arith.constant 0 : i32
      %dma_start3A_375 = arith.constant 0 : i32
      %dma_start3A_376 = tpu.memref_slice %arg3[%add3A, %dma_start3A_374, %dma_start3A_375] : memref<32x80x128xi32, #tpu.memory_space<hbm>> -> memref<1x40x128xi32, #tpu.memory_space<hbm>>
      %dma_start3A_377 = tpu.memref_squeeze %dma_start3A_376 : memref<1x40x128xi32, #tpu.memory_space<hbm>> -> memref<40x128xi32, #tpu.memory_space<hbm>>
      tpu.enqueue_dma source(%dma_start3A_377 : memref<40x128xi32, #tpu.memory_space<hbm>>) target(%arg7 : memref<40x128xi32, #tpu.memory_space<vmem>>) target_semaphore(%run_scoped3A_369 : memref<!tpu.dma_semaphore, #tpu.memory_space<semaphore_mem>>)
      %dma_wait3A = arith.constant 0 : i32
      %dma_wait3A_378 = arith.constant 0 : i32
      %dma_wait3A_379 = tpu.memref_slice %arg3[%add3A, %dma_wait3A, %dma_wait3A_378] : memref<32x80x128xi32, #tpu.memory_space<hbm>> -> memref<1x40x128xi32, #tpu.memory_space<hbm>>
      %dma_wait3A_380 = tpu.memref_squeeze %dma_wait3A_379 : memref<1x40x128xi32, #tpu.memory_space<hbm>> -> memref<40x128xi32, #tpu.memory_space<hbm>>
      %dma_wait3A_381 = arith.constant 0 : i32
      %dma_wait3A_382 = arith.constant 0 : i32
      %dma_wait3A_383 = tpu.memref_slice %arg3[%add3A, %dma_wait3A_381, %dma_wait3A_382] : memref<32x80x128xi32, #tpu.memory_space<hbm>> -> memref<1x40x128xi32, #tpu.memory_space<hbm>>
      %dma_wait3A_384 = tpu.memref_squeeze %dma_wait3A_383 : memref<1x40x128xi32, #tpu.memory_space<hbm>> -> memref<40x128xi32, #tpu.memory_space<hbm>>
      tpu.wait_dma2 semaphore(%run_scoped3A_369 : memref<!tpu.dma_semaphore, #tpu.memory_space<semaphore_mem>>) src(%dma_wait3A_384 : memref<40x128xi32, #tpu.memory_space<hbm>>) dst(%arg7 : memref<40x128xi32, #tpu.memory_space<vmem>>)
      tpu.yield
    }) : () -> ()
    "tpu.region"() ({
      %run_scoped3A_369 = tpu.sem_alloc : memref<!tpu.dma_semaphore, #tpu.memory_space<semaphore_mem>>
      %dma_start3A_370 = arith.constant 0 : i32
      %dma_start3A_371 = arith.constant 0 : i32
      %dma_start3A_372 = tpu.memref_slice %arg4[%add3A, %dma_start3A_370, %dma_start3A_371] : memref<32x80x128xi32, #tpu.memory_space<hbm>> -> memref<1x40x128xi32, #tpu.memory_space<hbm>>
      %dma_start3A_373 = tpu.memref_squeeze %dma_start3A_372 : memref<1x40x128xi32, #tpu.memory_space<hbm>> -> memref<40x128xi32, #tpu.memory_space<hbm>>
      %dma_start3A_374 = arith.constant 0 : i32
      %dma_start3A_375 = arith.constant 0 : i32
      %dma_start3A_376 = tpu.memref_slice %arg4[%add3A, %dma_start3A_374, %dma_start3A_375] : memref<32x80x128xi32, #tpu.memory_space<hbm>> -> memref<1x40x128xi32, #tpu.memory_space<hbm>>
      %dma_start3A_377 = tpu.memref_squeeze %dma_start3A_376 : memref<1x40x128xi32, #tpu.memory_space<hbm>> -> memref<40x128xi32, #tpu.memory_space<hbm>>
      tpu.enqueue_dma source(%dma_start3A_377 : memref<40x128xi32, #tpu.memory_space<hbm>>) target(%arg8 : memref<40x128xi32, #tpu.memory_space<vmem>>) target_semaphore(%run_scoped3A_369 : memref<!tpu.dma_semaphore, #tpu.memory_space<semaphore_mem>>)
      %dma_wait3A = arith.constant 0 : i32
      %dma_wait3A_378 = arith.constant 0 : i32
      %dma_wait3A_379 = tpu.memref_slice %arg4[%add3A, %dma_wait3A, %dma_wait3A_378] : memref<32x80x128xi32, #tpu.memory_space<hbm>> -> memref<1x40x128xi32, #tpu.memory_space<hbm>>
      %dma_wait3A_380 = tpu.memref_squeeze %dma_wait3A_379 : memref<1x40x128xi32, #tpu.memory_space<hbm>> -> memref<40x128xi32, #tpu.memory_space<hbm>>
      %dma_wait3A_381 = arith.constant 0 : i32
      %dma_wait3A_382 = arith.constant 0 : i32
      %dma_wait3A_383 = tpu.memref_slice %arg4[%add3A, %dma_wait3A_381, %dma_wait3A_382] : memref<32x80x128xi32, #tpu.memory_space<hbm>> -> memref<1x40x128xi32, #tpu.memory_space<hbm>>
      %dma_wait3A_384 = tpu.memref_squeeze %dma_wait3A_383 : memref<1x40x128xi32, #tpu.memory_space<hbm>> -> memref<40x128xi32, #tpu.memory_space<hbm>>
      tpu.wait_dma2 semaphore(%run_scoped3A_369 : memref<!tpu.dma_semaphore, #tpu.memory_space<semaphore_mem>>) src(%dma_wait3A_384 : memref<40x128xi32, #tpu.memory_space<hbm>>) dst(%arg8 : memref<40x128xi32, #tpu.memory_space<vmem>>)
      tpu.yield
    }) : () -> ()
    %dma_start3A_281 = arith.constant 3 : i32
    %dma_start3A_282 = arith.constant 0 : i32
    %dma_start3A_283 = arith.constant 0 : i32
    %dma_start3A_284 = arith.constant 0 : i32
    %dma_start3A_285 = arith.constant 0 : i32
    %dma_start3A_286 = tpu.memref_slice %arg9[%dma_start3A_283, %dma_start3A_284, %dma_start3A_285] : memref<2x128x128xf32, #tpu.memory_space<vmem>> -> memref<1x128x128xf32, #tpu.memory_space<vmem>>
    %dma_start3A_287 = tpu.memref_squeeze %dma_start3A_286 : memref<1x128x128xf32, #tpu.memory_space<vmem>> -> memref<128x128xf32, #tpu.memory_space<vmem>>
    %dma_start3A_288 = arith.constant 0 : i32
    %dma_start3A_289 = tpu.memref_slice %arg7[%dma_start3A_282, %dma_start3A_288] : memref<40x128xi32, #tpu.memory_space<vmem>> -> memref<1x128xi32, #tpu.memory_space<vmem>>
    %dma_start3A_290 = tpu.memref_squeeze %dma_start3A_289 : memref<1x128xi32, #tpu.memory_space<vmem>> -> memref<128xi32, #tpu.memory_space<vmem>>
    %dma_start3A_291 = arith.constant 0 : i32
    %dma_start3A_292 = arith.constant 0 : i32
    %dma_start3A_293 = tpu.memref_slice %arg2[%dma_start3A_281, %dma_start3A_291, %dma_start3A_292] : memref<4x10000x128xf32, #tpu.memory_space<hbm>> -> memref<1x10000x128xf32, #tpu.memory_space<hbm>>
    %dma_start3A_294 = tpu.memref_squeeze %dma_start3A_293 : memref<1x10000x128xf32, #tpu.memory_space<hbm>> -> memref<10000x128xf32, #tpu.memory_space<hbm>>
    %dma_start3A_295 = arith.constant 0 : i32
    %dma_start3A_296 = arith.constant 0 : i32
    %dma_start3A_297 = tpu.memref_slice %dma_start3A_294[%dma_start3A_295, %dma_start3A_296] : memref<10000x128xf32, #tpu.memory_space<hbm>> -> memref<10000x128xf32, #tpu.memory_space<hbm>>
    tpu.enqueue_indirect_dma source(%dma_start3A_297 : memref<10000x128xf32, #tpu.memory_space<hbm>>) target(%dma_start3A_287 : memref<128x128xf32, #tpu.memory_space<vmem>>) offsets(%dma_start3A_290 : memref<128xi32, #tpu.memory_space<vmem>>) semaphore(%arg11 : memref<!tpu.dma_semaphore, #tpu.memory_space<semaphore_mem>>)
    %dma_start3A_298 = arith.constant 3 : i32
    %dma_start3A_299 = arith.constant 1 : i32
    %dma_start3A_300 = arith.constant 1 : i32
    %dma_start3A_301 = arith.constant 0 : i32
    %dma_start3A_302 = arith.constant 0 : i32
    %dma_start3A_303 = tpu.memref_slice %arg9[%dma_start3A_300, %dma_start3A_301, %dma_start3A_302] : memref<2x128x128xf32, #tpu.memory_space<vmem>> -> memref<1x128x128xf32, #tpu.memory_space<vmem>>
    %dma_start3A_304 = tpu.memref_squeeze %dma_start3A_303 : memref<1x128x128xf32, #tpu.memory_space<vmem>> -> memref<128x128xf32, #tpu.memory_space<vmem>>
    %dma_start3A_305 = arith.constant 0 : i32
    %dma_start3A_306 = tpu.memref_slice %arg7[%dma_start3A_299, %dma_start3A_305] : memref<40x128xi32, #tpu.memory_space<vmem>> -> memref<1x128xi32, #tpu.memory_space<vmem>>
    %dma_start3A_307 = tpu.memref_squeeze %dma_start3A_306 : memref<1x128xi32, #tpu.memory_space<vmem>> -> memref<128xi32, #tpu.memory_space<vmem>>
    %dma_start3A_308 = arith.constant 0 : i32
    %dma_start3A_309 = arith.constant 0 : i32
    %dma_start3A_310 = tpu.memref_slice %arg2[%dma_start3A_298, %dma_start3A_308, %dma_start3A_309] : memref<4x10000x128xf32, #tpu.memory_space<hbm>> -> memref<1x10000x128xf32, #tpu.memory_space<hbm>>
    %dma_start3A_311 = tpu.memref_squeeze %dma_start3A_310 : memref<1x10000x128xf32, #tpu.memory_space<hbm>> -> memref<10000x128xf32, #tpu.memory_space<hbm>>
    %dma_start3A_312 = arith.constant 0 : i32
    %dma_start3A_313 = arith.constant 0 : i32
    %dma_start3A_314 = tpu.memref_slice %dma_start3A_311[%dma_start3A_312, %dma_start3A_313] : memref<10000x128xf32, #tpu.memory_space<hbm>> -> memref<10000x128xf32, #tpu.memory_space<hbm>>
    tpu.enqueue_indirect_dma source(%dma_start3A_314 : memref<10000x128xf32, #tpu.memory_space<hbm>>) target(%dma_start3A_304 : memref<128x128xf32, #tpu.memory_space<vmem>>) offsets(%dma_start3A_307 : memref<128xi32, #tpu.memory_space<vmem>>) semaphore(%arg12 : memref<!tpu.dma_semaphore, #tpu.memory_space<semaphore_mem>>)
    %scan3A_315 = arith.constant 0 : i32
    %scan3A_316 = arith.constant 3 : i32
    %scan3A_317 = arith.constant 0 : i32
    %scan3A_318 = arith.constant 20 : i32
    %scan3A_319 = arith.addi %scan3A_317, %scan3A_318 : i32
    %scan3A_320 = arith.constant 1 : i32
    scf.for %scan3A_369 = %scan3A_317 to %scan3A_319 step %scan3A_320  : i32 {
      %mul3A_370 = arith.constant 2 : i32
      %mul3A_371 = arith.muli %mul3A_370, %scan3A_369 : i32
      %dma_wait3A = arith.constant 0 : i32
      %dma_wait3A_372 = arith.constant 0 : i32
      %dma_wait3A_373 = arith.constant 0 : i32
      %dma_wait3A_374 = tpu.memref_slice %arg9[%dma_wait3A, %dma_wait3A_372, %dma_wait3A_373] : memref<2x128x128xf32, #tpu.memory_space<vmem>> -> memref<1x128x128xf32, #tpu.memory_space<vmem>>
      %dma_wait3A_375 = tpu.memref_squeeze %dma_wait3A_374 : memref<1x128x128xf32, #tpu.memory_space<vmem>> -> memref<128x128xf32, #tpu.memory_space<vmem>>
      %dma_wait3A_376 = arith.constant 0 : i32
      %dma_wait3A_377 = tpu.memref_slice %arg7[%mul3A_371, %dma_wait3A_376] : memref<40x128xi32, #tpu.memory_space<vmem>> -> memref<1x128xi32, #tpu.memory_space<vmem>>
      %dma_wait3A_378 = tpu.memref_squeeze %dma_wait3A_377 : memref<1x128xi32, #tpu.memory_space<vmem>> -> memref<128xi32, #tpu.memory_space<vmem>>
      %dma_wait3A_379 = arith.constant 0 : i32
      %dma_wait3A_380 = arith.constant 0 : i32
      %dma_wait3A_381 = tpu.memref_slice %arg2[%scan3A_316, %dma_wait3A_379, %dma_wait3A_380] : memref<4x10000x128xf32, #tpu.memory_space<hbm>> -> memref<1x10000x128xf32, #tpu.memory_space<hbm>>
      %dma_wait3A_382 = tpu.memref_squeeze %dma_wait3A_381 : memref<1x10000x128xf32, #tpu.memory_space<hbm>> -> memref<10000x128xf32, #tpu.memory_space<hbm>>
      %dma_wait3A_383 = arith.constant 0 : i32
      %dma_wait3A_384 = arith.constant 0 : i32
      %dma_wait3A_385 = tpu.memref_slice %dma_wait3A_382[%dma_wait3A_383, %dma_wait3A_384] : memref<10000x128xf32, #tpu.memory_space<hbm>> -> memref<10000x128xf32, #tpu.memory_space<hbm>>
      tpu.wait_indirect_dma semaphore(%arg11 : memref<!tpu.dma_semaphore, #tpu.memory_space<semaphore_mem>>) src(%dma_wait3A_385 : memref<10000x128xf32, #tpu.memory_space<hbm>>) dst(%dma_wait3A_375 : memref<128x128xf32, #tpu.memory_space<vmem>>)
      %run_scoped3A_386 = arith.constant 0 : i32
      "tpu.region"() ({
        %run_scoped3A_418 = tpu.sem_alloc : memref<!tpu.dma_semaphore, #tpu.memory_space<semaphore_mem>>
        %dma_start3A_419 = arith.constant 0 : i32
        %dma_start3A_420 = arith.constant 0 : i32
        %dma_start3A_421 = tpu.memref_slice %arg9[%run_scoped3A_386, %dma_start3A_419, %dma_start3A_420] : memref<2x128x128xf32, #tpu.memory_space<vmem>> -> memref<1x128x128xf32, #tpu.memory_space<vmem>>
        %dma_start3A_422 = tpu.memref_squeeze %dma_start3A_421 : memref<1x128x128xf32, #tpu.memory_space<vmem>> -> memref<128x128xf32, #tpu.memory_space<vmem>>
        %dma_start3A_423 = arith.constant 0 : i32
        %dma_start3A_424 = tpu.memref_slice %arg8[%mul3A_371, %dma_start3A_423] : memref<40x128xi32, #tpu.memory_space<vmem>> -> memref<1x128xi32, #tpu.memory_space<vmem>>
        %dma_start3A_425 = tpu.memref_squeeze %dma_start3A_424 : memref<1x128xi32, #tpu.memory_space<vmem>> -> memref<128xi32, #tpu.memory_space<vmem>>
        %dma_start3A_426 = arith.constant 0 : i32
        %dma_start3A_427 = arith.constant 0 : i32
        %dma_start3A_428 = tpu.memref_slice %arg10[%dma_start3A_426, %dma_start3A_427] : memref<10240x128xf32, #tpu.memory_space<vmem_shared>> -> memref<10240x128xf32, #tpu.memory_space<vmem_shared>>
        tpu.enqueue_indirect_dma source(%dma_start3A_422 : memref<128x128xf32, #tpu.memory_space<vmem>>) target(%dma_start3A_428 : memref<10240x128xf32, #tpu.memory_space<vmem_shared>>) offsets(%dma_start3A_425 : memref<128xi32, #tpu.memory_space<vmem>>) semaphore(%run_scoped3A_418 : memref<!tpu.dma_semaphore, #tpu.memory_space<semaphore_mem>>) {add = true}
        %dma_wait3A_429 = arith.constant 0 : i32
        %dma_wait3A_430 = arith.constant 0 : i32
        %dma_wait3A_431 = tpu.memref_slice %arg9[%run_scoped3A_386, %dma_wait3A_429, %dma_wait3A_430] : memref<2x128x128xf32, #tpu.memory_space<vmem>> -> memref<1x128x128xf32, #tpu.memory_space<vmem>>
        %dma_wait3A_432 = tpu.memref_squeeze %dma_wait3A_431 : memref<1x128x128xf32, #tpu.memory_space<vmem>> -> memref<128x128xf32, #tpu.memory_space<vmem>>
        %dma_wait3A_433 = arith.constant 0 : i32
        %dma_wait3A_434 = tpu.memref_slice %arg8[%mul3A_371, %dma_wait3A_433] : memref<40x128xi32, #tpu.memory_space<vmem>> -> memref<1x128xi32, #tpu.memory_space<vmem>>
        %dma_wait3A_435 = tpu.memref_squeeze %dma_wait3A_434 : memref<1x128xi32, #tpu.memory_space<vmem>> -> memref<128xi32, #tpu.memory_space<vmem>>
        %dma_wait3A_436 = arith.constant 0 : i32
        %dma_wait3A_437 = arith.constant 0 : i32
        %dma_wait3A_438 = tpu.memref_slice %arg10[%dma_wait3A_436, %dma_wait3A_437] : memref<10240x128xf32, #tpu.memory_space<vmem_shared>> -> memref<10240x128xf32, #tpu.memory_space<vmem_shared>>
        tpu.wait_indirect_dma semaphore(%run_scoped3A_418 : memref<!tpu.dma_semaphore, #tpu.memory_space<semaphore_mem>>) src(%dma_wait3A_432 : memref<128x128xf32, #tpu.memory_space<vmem>>) dst(%dma_wait3A_438 : memref<10240x128xf32, #tpu.memory_space<vmem_shared>>)
        tpu.yield
      }) : () -> ()
      %add3A_387 = arith.constant 2 : i32
      %add3A_388 = arith.addi %mul3A_371, %add3A_387 : i32
      %lt3A = arith.constant 40 : i32
      %lt3A_389 = arith.cmpi slt, %add3A_388, %lt3A : i32
      %convert_element_type3A = arith.extui %lt3A_389 : i1 to i32
      %cond3A = arith.constant 0 : i32
      %cond3A_390 = arith.cmpi ne, %convert_element_type3A, %cond3A : i32
      scf.if %cond3A_390 {
        %add3A_418 = arith.constant 2 : i32
        %add3A_419 = arith.addi %mul3A_371, %add3A_418 : i32
        %dma_start3A_420 = arith.constant 0 : i32
        %dma_start3A_421 = arith.constant 0 : i32
        %dma_start3A_422 = arith.constant 0 : i32
        %dma_start3A_423 = tpu.memref_slice %arg9[%dma_start3A_420, %dma_start3A_421, %dma_start3A_422] : memref<2x128x128xf32, #tpu.memory_space<vmem>> -> memref<1x128x128xf32, #tpu.memory_space<vmem>>
        %dma_start3A_424 = tpu.memref_squeeze %dma_start3A_423 : memref<1x128x128xf32, #tpu.memory_space<vmem>> -> memref<128x128xf32, #tpu.memory_space<vmem>>
        %dma_start3A_425 = arith.constant 0 : i32
        %dma_start3A_426 = tpu.memref_slice %arg7[%add3A_419, %dma_start3A_425] : memref<40x128xi32, #tpu.memory_space<vmem>> -> memref<1x128xi32, #tpu.memory_space<vmem>>
        %dma_start3A_427 = tpu.memref_squeeze %dma_start3A_426 : memref<1x128xi32, #tpu.memory_space<vmem>> -> memref<128xi32, #tpu.memory_space<vmem>>
        %dma_start3A_428 = arith.constant 0 : i32
        %dma_start3A_429 = arith.constant 0 : i32
        %dma_start3A_430 = tpu.memref_slice %arg2[%scan3A_316, %dma_start3A_428, %dma_start3A_429] : memref<4x10000x128xf32, #tpu.memory_space<hbm>> -> memref<1x10000x128xf32, #tpu.memory_space<hbm>>
        %dma_start3A_431 = tpu.memref_squeeze %dma_start3A_430 : memref<1x10000x128xf32, #tpu.memory_space<hbm>> -> memref<10000x128xf32, #tpu.memory_space<hbm>>
        %dma_start3A_432 = arith.constant 0 : i32
        %dma_start3A_433 = arith.constant 0 : i32
        %dma_start3A_434 = tpu.memref_slice %dma_start3A_431[%dma_start3A_432, %dma_start3A_433] : memref<10000x128xf32, #tpu.memory_space<hbm>> -> memref<10000x128xf32, #tpu.memory_space<hbm>>
        tpu.enqueue_indirect_dma source(%dma_start3A_434 : memref<10000x128xf32, #tpu.memory_space<hbm>>) target(%dma_start3A_424 : memref<128x128xf32, #tpu.memory_space<vmem>>) offsets(%dma_start3A_427 : memref<128xi32, #tpu.memory_space<vmem>>) semaphore(%arg11 : memref<!tpu.dma_semaphore, #tpu.memory_space<semaphore_mem>>)
      } else {
      }
      %add3A_391 = arith.constant 1 : i32
      %add3A_392 = arith.addi %mul3A_371, %add3A_391 : i32
      %dma_wait3A_393 = arith.constant 1 : i32
      %dma_wait3A_394 = arith.constant 0 : i32
      %dma_wait3A_395 = arith.constant 0 : i32
      %dma_wait3A_396 = tpu.memref_slice %arg9[%dma_wait3A_393, %dma_wait3A_394, %dma_wait3A_395] : memref<2x128x128xf32, #tpu.memory_space<vmem>> -> memref<1x128x128xf32, #tpu.memory_space<vmem>>
      %dma_wait3A_397 = tpu.memref_squeeze %dma_wait3A_396 : memref<1x128x128xf32, #tpu.memory_space<vmem>> -> memref<128x128xf32, #tpu.memory_space<vmem>>
      %dma_wait3A_398 = arith.constant 0 : i32
      %dma_wait3A_399 = tpu.memref_slice %arg7[%add3A_392, %dma_wait3A_398] : memref<40x128xi32, #tpu.memory_space<vmem>> -> memref<1x128xi32, #tpu.memory_space<vmem>>
      %dma_wait3A_400 = tpu.memref_squeeze %dma_wait3A_399 : memref<1x128xi32, #tpu.memory_space<vmem>> -> memref<128xi32, #tpu.memory_space<vmem>>
      %dma_wait3A_401 = arith.constant 0 : i32
      %dma_wait3A_402 = arith.constant 0 : i32
      %dma_wait3A_403 = tpu.memref_slice %arg2[%scan3A_316, %dma_wait3A_401, %dma_wait3A_402] : memref<4x10000x128xf32, #tpu.memory_space<hbm>> -> memref<1x10000x128xf32, #tpu.memory_space<hbm>>
      %dma_wait3A_404 = tpu.memref_squeeze %dma_wait3A_403 : memref<1x10000x128xf32, #tpu.memory_space<hbm>> -> memref<10000x128xf32, #tpu.memory_space<hbm>>
      %dma_wait3A_405 = arith.constant 0 : i32
      %dma_wait3A_406 = arith.constant 0 : i32
      %dma_wait3A_407 = tpu.memref_slice %dma_wait3A_404[%dma_wait3A_405, %dma_wait3A_406] : memref<10000x128xf32, #tpu.memory_space<hbm>> -> memref<10000x128xf32, #tpu.memory_space<hbm>>
      tpu.wait_indirect_dma semaphore(%arg12 : memref<!tpu.dma_semaphore, #tpu.memory_space<semaphore_mem>>) src(%dma_wait3A_407 : memref<10000x128xf32, #tpu.memory_space<hbm>>) dst(%dma_wait3A_397 : memref<128x128xf32, #tpu.memory_space<vmem>>)
      %add3A_408 = arith.constant 1 : i32
      %add3A_409 = arith.addi %mul3A_371, %add3A_408 : i32
      %run_scoped3A_410 = arith.constant 1 : i32
      "tpu.region"() ({
        %run_scoped3A_418 = tpu.sem_alloc : memref<!tpu.dma_semaphore, #tpu.memory_space<semaphore_mem>>
        %dma_start3A_419 = arith.constant 0 : i32
        %dma_start3A_420 = arith.constant 0 : i32
        %dma_start3A_421 = tpu.memref_slice %arg9[%run_scoped3A_410, %dma_start3A_419, %dma_start3A_420] : memref<2x128x128xf32, #tpu.memory_space<vmem>> -> memref<1x128x128xf32, #tpu.memory_space<vmem>>
        %dma_start3A_422 = tpu.memref_squeeze %dma_start3A_421 : memref<1x128x128xf32, #tpu.memory_space<vmem>> -> memref<128x128xf32, #tpu.memory_space<vmem>>
        %dma_start3A_423 = arith.constant 0 : i32
        %dma_start3A_424 = tpu.memref_slice %arg8[%add3A_409, %dma_start3A_423] : memref<40x128xi32, #tpu.memory_space<vmem>> -> memref<1x128xi32, #tpu.memory_space<vmem>>
        %dma_start3A_425 = tpu.memref_squeeze %dma_start3A_424 : memref<1x128xi32, #tpu.memory_space<vmem>> -> memref<128xi32, #tpu.memory_space<vmem>>
        %dma_start3A_426 = arith.constant 0 : i32
        %dma_start3A_427 = arith.constant 0 : i32
        %dma_start3A_428 = tpu.memref_slice %arg10[%dma_start3A_426, %dma_start3A_427] : memref<10240x128xf32, #tpu.memory_space<vmem_shared>> -> memref<10240x128xf32, #tpu.memory_space<vmem_shared>>
        tpu.enqueue_indirect_dma source(%dma_start3A_422 : memref<128x128xf32, #tpu.memory_space<vmem>>) target(%dma_start3A_428 : memref<10240x128xf32, #tpu.memory_space<vmem_shared>>) offsets(%dma_start3A_425 : memref<128xi32, #tpu.memory_space<vmem>>) semaphore(%run_scoped3A_418 : memref<!tpu.dma_semaphore, #tpu.memory_space<semaphore_mem>>) {add = true}
        %dma_wait3A_429 = arith.constant 0 : i32
        %dma_wait3A_430 = arith.constant 0 : i32
        %dma_wait3A_431 = tpu.memref_slice %arg9[%run_scoped3A_410, %dma_wait3A_429, %dma_wait3A_430] : memref<2x128x128xf32, #tpu.memory_space<vmem>> -> memref<1x128x128xf32, #tpu.memory_space<vmem>>
        %dma_wait3A_432 = tpu.memref_squeeze %dma_wait3A_431 : memref<1x128x128xf32, #tpu.memory_space<vmem>> -> memref<128x128xf32, #tpu.memory_space<vmem>>
        %dma_wait3A_433 = arith.constant 0 : i32
        %dma_wait3A_434 = tpu.memref_slice %arg8[%add3A_409, %dma_wait3A_433] : memref<40x128xi32, #tpu.memory_space<vmem>> -> memref<1x128xi32, #tpu.memory_space<vmem>>
        %dma_wait3A_435 = tpu.memref_squeeze %dma_wait3A_434 : memref<1x128xi32, #tpu.memory_space<vmem>> -> memref<128xi32, #tpu.memory_space<vmem>>
        %dma_wait3A_436 = arith.constant 0 : i32
        %dma_wait3A_437 = arith.constant 0 : i32
        %dma_wait3A_438 = tpu.memref_slice %arg10[%dma_wait3A_436, %dma_wait3A_437] : memref<10240x128xf32, #tpu.memory_space<vmem_shared>> -> memref<10240x128xf32, #tpu.memory_space<vmem_shared>>
        tpu.wait_indirect_dma semaphore(%run_scoped3A_418 : memref<!tpu.dma_semaphore, #tpu.memory_space<semaphore_mem>>) src(%dma_wait3A_432 : memref<128x128xf32, #tpu.memory_space<vmem>>) dst(%dma_wait3A_438 : memref<10240x128xf32, #tpu.memory_space<vmem_shared>>)
        tpu.yield
      }) : () -> ()
      %add3A_411 = arith.constant 3 : i32
      %add3A_412 = arith.addi %mul3A_371, %add3A_411 : i32
      %lt3A_413 = arith.constant 40 : i32
      %lt3A_414 = arith.cmpi slt, %add3A_412, %lt3A_413 : i32
      %convert_element_type3A_415 = arith.extui %lt3A_414 : i1 to i32
      %cond3A_416 = arith.constant 0 : i32
      %cond3A_417 = arith.cmpi ne, %convert_element_type3A_415, %cond3A_416 : i32
      scf.if %cond3A_417 {
        %add3A_418 = arith.constant 3 : i32
        %add3A_419 = arith.addi %mul3A_371, %add3A_418 : i32
        %dma_start3A_420 = arith.constant 1 : i32
        %dma_start3A_421 = arith.constant 0 : i32
        %dma_start3A_422 = arith.constant 0 : i32
        %dma_start3A_423 = tpu.memref_slice %arg9[%dma_start3A_420, %dma_start3A_421, %dma_start3A_422] : memref<2x128x128xf32, #tpu.memory_space<vmem>> -> memref<1x128x128xf32, #tpu.memory_space<vmem>>
        %dma_start3A_424 = tpu.memref_squeeze %dma_start3A_423 : memref<1x128x128xf32, #tpu.memory_space<vmem>> -> memref<128x128xf32, #tpu.memory_space<vmem>>
        %dma_start3A_425 = arith.constant 0 : i32
        %dma_start3A_426 = tpu.memref_slice %arg7[%add3A_419, %dma_start3A_425] : memref<40x128xi32, #tpu.memory_space<vmem>> -> memref<1x128xi32, #tpu.memory_space<vmem>>
        %dma_start3A_427 = tpu.memref_squeeze %dma_start3A_426 : memref<1x128xi32, #tpu.memory_space<vmem>> -> memref<128xi32, #tpu.memory_space<vmem>>
        %dma_start3A_428 = arith.constant 0 : i32
        %dma_start3A_429 = arith.constant 0 : i32
        %dma_start3A_430 = tpu.memref_slice %arg2[%scan3A_316, %dma_start3A_428, %dma_start3A_429] : memref<4x10000x128xf32, #tpu.memory_space<hbm>> -> memref<1x10000x128xf32, #tpu.memory_space<hbm>>
        %dma_start3A_431 = tpu.memref_squeeze %dma_start3A_430 : memref<1x10000x128xf32, #tpu.memory_space<hbm>> -> memref<10000x128xf32, #tpu.memory_space<hbm>>
        %dma_start3A_432 = arith.constant 0 : i32
        %dma_start3A_433 = arith.constant 0 : i32
        %dma_start3A_434 = tpu.memref_slice %dma_start3A_431[%dma_start3A_432, %dma_start3A_433] : memref<10000x128xf32, #tpu.memory_space<hbm>> -> memref<10000x128xf32, #tpu.memory_space<hbm>>
        tpu.enqueue_indirect_dma source(%dma_start3A_434 : memref<10000x128xf32, #tpu.memory_space<hbm>>) target(%dma_start3A_424 : memref<128x128xf32, #tpu.memory_space<vmem>>) offsets(%dma_start3A_427 : memref<128xi32, #tpu.memory_space<vmem>>) semaphore(%arg12 : memref<!tpu.dma_semaphore, #tpu.memory_space<semaphore_mem>>)
      } else {
      }
    }
    %scan3A_321 = arith.constant 20 : i32
    "tpu.region"() ({
      %run_scoped3A_369 = tpu.sem_alloc : memref<!tpu.dma_semaphore, #tpu.memory_space<semaphore_mem>>
      %dma_start3A_370 = arith.constant 40 : i32
      %dma_start3A_371 = arith.constant 0 : i32
      %dma_start3A_372 = tpu.memref_slice %arg3[%add3A, %dma_start3A_370, %dma_start3A_371] : memref<32x80x128xi32, #tpu.memory_space<hbm>> -> memref<1x40x128xi32, #tpu.memory_space<hbm>>
      %dma_start3A_373 = tpu.memref_squeeze %dma_start3A_372 : memref<1x40x128xi32, #tpu.memory_space<hbm>> -> memref<40x128xi32, #tpu.memory_space<hbm>>
      %dma_start3A_374 = arith.constant 40 : i32
      %dma_start3A_375 = arith.constant 0 : i32
      %dma_start3A_376 = tpu.memref_slice %arg3[%add3A, %dma_start3A_374, %dma_start3A_375] : memref<32x80x128xi32, #tpu.memory_space<hbm>> -> memref<1x40x128xi32, #tpu.memory_space<hbm>>
      %dma_start3A_377 = tpu.memref_squeeze %dma_start3A_376 : memref<1x40x128xi32, #tpu.memory_space<hbm>> -> memref<40x128xi32, #tpu.memory_space<hbm>>
      tpu.enqueue_dma source(%dma_start3A_377 : memref<40x128xi32, #tpu.memory_space<hbm>>) target(%arg7 : memref<40x128xi32, #tpu.memory_space<vmem>>) target_semaphore(%run_scoped3A_369 : memref<!tpu.dma_semaphore, #tpu.memory_space<semaphore_mem>>)
      %dma_wait3A = arith.constant 40 : i32
      %dma_wait3A_378 = arith.constant 0 : i32
      %dma_wait3A_379 = tpu.memref_slice %arg3[%add3A, %dma_wait3A, %dma_wait3A_378] : memref<32x80x128xi32, #tpu.memory_space<hbm>> -> memref<1x40x128xi32, #tpu.memory_space<hbm>>
      %dma_wait3A_380 = tpu.memref_squeeze %dma_wait3A_379 : memref<1x40x128xi32, #tpu.memory_space<hbm>> -> memref<40x128xi32, #tpu.memory_space<hbm>>
      %dma_wait3A_381 = arith.constant 40 : i32
      %dma_wait3A_382 = arith.constant 0 : i32
      %dma_wait3A_383 = tpu.memref_slice %arg3[%add3A, %dma_wait3A_381, %dma_wait3A_382] : memref<32x80x128xi32, #tpu.memory_space<hbm>> -> memref<1x40x128xi32, #tpu.memory_space<hbm>>
      %dma_wait3A_384 = tpu.memref_squeeze %dma_wait3A_383 : memref<1x40x128xi32, #tpu.memory_space<hbm>> -> memref<40x128xi32, #tpu.memory_space<hbm>>
      tpu.wait_dma2 semaphore(%run_scoped3A_369 : memref<!tpu.dma_semaphore, #tpu.memory_space<semaphore_mem>>) src(%dma_wait3A_384 : memref<40x128xi32, #tpu.memory_space<hbm>>) dst(%arg7 : memref<40x128xi32, #tpu.memory_space<vmem>>)
      tpu.yield
    }) : () -> ()
    "tpu.region"() ({
      %run_scoped3A_369 = tpu.sem_alloc : memref<!tpu.dma_semaphore, #tpu.memory_space<semaphore_mem>>
      %dma_start3A_370 = arith.constant 40 : i32
      %dma_start3A_371 = arith.constant 0 : i32
      %dma_start3A_372 = tpu.memref_slice %arg4[%add3A, %dma_start3A_370, %dma_start3A_371] : memref<32x80x128xi32, #tpu.memory_space<hbm>> -> memref<1x40x128xi32, #tpu.memory_space<hbm>>
      %dma_start3A_373 = tpu.memref_squeeze %dma_start3A_372 : memref<1x40x128xi32, #tpu.memory_space<hbm>> -> memref<40x128xi32, #tpu.memory_space<hbm>>
      %dma_start3A_374 = arith.constant 40 : i32
      %dma_start3A_375 = arith.constant 0 : i32
      %dma_start3A_376 = tpu.memref_slice %arg4[%add3A, %dma_start3A_374, %dma_start3A_375] : memref<32x80x128xi32, #tpu.memory_space<hbm>> -> memref<1x40x128xi32, #tpu.memory_space<hbm>>
      %dma_start3A_377 = tpu.memref_squeeze %dma_start3A_376 : memref<1x40x128xi32, #tpu.memory_space<hbm>> -> memref<40x128xi32, #tpu.memory_space<hbm>>
      tpu.enqueue_dma source(%dma_start3A_377 : memref<40x128xi32, #tpu.memory_space<hbm>>) target(%arg8 : memref<40x128xi32, #tpu.memory_space<vmem>>) target_semaphore(%run_scoped3A_369 : memref<!tpu.dma_semaphore, #tpu.memory_space<semaphore_mem>>)
      %dma_wait3A = arith.constant 40 : i32
      %dma_wait3A_378 = arith.constant 0 : i32
      %dma_wait3A_379 = tpu.memref_slice %arg4[%add3A, %dma_wait3A, %dma_wait3A_378] : memref<32x80x128xi32, #tpu.memory_space<hbm>> -> memref<1x40x128xi32, #tpu.memory_space<hbm>>
      %dma_wait3A_380 = tpu.memref_squeeze %dma_wait3A_379 : memref<1x40x128xi32, #tpu.memory_space<hbm>> -> memref<40x128xi32, #tpu.memory_space<hbm>>
      %dma_wait3A_381 = arith.constant 40 : i32
      %dma_wait3A_382 = arith.constant 0 : i32
      %dma_wait3A_383 = tpu.memref_slice %arg4[%add3A, %dma_wait3A_381, %dma_wait3A_382] : memref<32x80x128xi32, #tpu.memory_space<hbm>> -> memref<1x40x128xi32, #tpu.memory_space<hbm>>
      %dma_wait3A_384 = tpu.memref_squeeze %dma_wait3A_383 : memref<1x40x128xi32, #tpu.memory_space<hbm>> -> memref<40x128xi32, #tpu.memory_space<hbm>>
      tpu.wait_dma2 semaphore(%run_scoped3A_369 : memref<!tpu.dma_semaphore, #tpu.memory_space<semaphore_mem>>) src(%dma_wait3A_384 : memref<40x128xi32, #tpu.memory_space<hbm>>) dst(%arg8 : memref<40x128xi32, #tpu.memory_space<vmem>>)
      tpu.yield
    }) : () -> ()
    %dma_start3A_322 = arith.constant 3 : i32
    %dma_start3A_323 = arith.constant 0 : i32
    %dma_start3A_324 = arith.constant 0 : i32
    %dma_start3A_325 = arith.constant 0 : i32
    %dma_start3A_326 = arith.constant 0 : i32
    %dma_start3A_327 = tpu.memref_slice %arg9[%dma_start3A_324, %dma_start3A_325, %dma_start3A_326] : memref<2x128x128xf32, #tpu.memory_space<vmem>> -> memref<1x128x128xf32, #tpu.memory_space<vmem>>
    %dma_start3A_328 = tpu.memref_squeeze %dma_start3A_327 : memref<1x128x128xf32, #tpu.memory_space<vmem>> -> memref<128x128xf32, #tpu.memory_space<vmem>>
    %dma_start3A_329 = arith.constant 0 : i32
    %dma_start3A_330 = tpu.memref_slice %arg7[%dma_start3A_323, %dma_start3A_329] : memref<40x128xi32, #tpu.memory_space<vmem>> -> memref<1x128xi32, #tpu.memory_space<vmem>>
    %dma_start3A_331 = tpu.memref_squeeze %dma_start3A_330 : memref<1x128xi32, #tpu.memory_space<vmem>> -> memref<128xi32, #tpu.memory_space<vmem>>
    %dma_start3A_332 = arith.constant 0 : i32
    %dma_start3A_333 = arith.constant 0 : i32
    %dma_start3A_334 = tpu.memref_slice %arg2[%dma_start3A_322, %dma_start3A_332, %dma_start3A_333] : memref<4x10000x128xf32, #tpu.memory_space<hbm>> -> memref<1x10000x128xf32, #tpu.memory_space<hbm>>
    %dma_start3A_335 = tpu.memref_squeeze %dma_start3A_334 : memref<1x10000x128xf32, #tpu.memory_space<hbm>> -> memref<10000x128xf32, #tpu.memory_space<hbm>>
    %dma_start3A_336 = arith.constant 0 : i32
    %dma_start3A_337 = arith.constant 0 : i32
    %dma_start3A_338 = tpu.memref_slice %dma_start3A_335[%dma_start3A_336, %dma_start3A_337] : memref<10000x128xf32, #tpu.memory_space<hbm>> -> memref<10000x128xf32, #tpu.memory_space<hbm>>
    tpu.enqueue_indirect_dma source(%dma_start3A_338 : memref<10000x128xf32, #tpu.memory_space<hbm>>) target(%dma_start3A_328 : memref<128x128xf32, #tpu.memory_space<vmem>>) offsets(%dma_start3A_331 : memref<128xi32, #tpu.memory_space<vmem>>) semaphore(%arg11 : memref<!tpu.dma_semaphore, #tpu.memory_space<semaphore_mem>>)
    %dma_start3A_339 = arith.constant 3 : i32
    %dma_start3A_340 = arith.constant 1 : i32
    %dma_start3A_341 = arith.constant 1 : i32
    %dma_start3A_342 = arith.constant 0 : i32
    %dma_start3A_343 = arith.constant 0 : i32
    %dma_start3A_344 = tpu.memref_slice %arg9[%dma_start3A_341, %dma_start3A_342, %dma_start3A_343] : memref<2x128x128xf32, #tpu.memory_space<vmem>> -> memref<1x128x128xf32, #tpu.memory_space<vmem>>
    %dma_start3A_345 = tpu.memref_squeeze %dma_start3A_344 : memref<1x128x128xf32, #tpu.memory_space<vmem>> -> memref<128x128xf32, #tpu.memory_space<vmem>>
    %dma_start3A_346 = arith.constant 0 : i32
    %dma_start3A_347 = tpu.memref_slice %arg7[%dma_start3A_340, %dma_start3A_346] : memref<40x128xi32, #tpu.memory_space<vmem>> -> memref<1x128xi32, #tpu.memory_space<vmem>>
    %dma_start3A_348 = tpu.memref_squeeze %dma_start3A_347 : memref<1x128xi32, #tpu.memory_space<vmem>> -> memref<128xi32, #tpu.memory_space<vmem>>
    %dma_start3A_349 = arith.constant 0 : i32
    %dma_start3A_350 = arith.constant 0 : i32
    %dma_start3A_351 = tpu.memref_slice %arg2[%dma_start3A_339, %dma_start3A_349, %dma_start3A_350] : memref<4x10000x128xf32, #tpu.memory_space<hbm>> -> memref<1x10000x128xf32, #tpu.memory_space<hbm>>
    %dma_start3A_352 = tpu.memref_squeeze %dma_start3A_351 : memref<1x10000x128xf32, #tpu.memory_space<hbm>> -> memref<10000x128xf32, #tpu.memory_space<hbm>>
    %dma_start3A_353 = arith.constant 0 : i32
    %dma_start3A_354 = arith.constant 0 : i32
    %dma_start3A_355 = tpu.memref_slice %dma_start3A_352[%dma_start3A_353, %dma_start3A_354] : memref<10000x128xf32, #tpu.memory_space<hbm>> -> memref<10000x128xf32, #tpu.memory_space<hbm>>
    tpu.enqueue_indirect_dma source(%dma_start3A_355 : memref<10000x128xf32, #tpu.memory_space<hbm>>) target(%dma_start3A_345 : memref<128x128xf32, #tpu.memory_space<vmem>>) offsets(%dma_start3A_348 : memref<128xi32, #tpu.memory_space<vmem>>) semaphore(%arg12 : memref<!tpu.dma_semaphore, #tpu.memory_space<semaphore_mem>>)
    %scan3A_356 = arith.constant 0 : i32
    %scan3A_357 = arith.constant 3 : i32
    %scan3A_358 = arith.constant 0 : i32
    %scan3A_359 = arith.constant 20 : i32
    %scan3A_360 = arith.addi %scan3A_358, %scan3A_359 : i32
    %scan3A_361 = arith.constant 1 : i32
    scf.for %scan3A_369 = %scan3A_358 to %scan3A_360 step %scan3A_361  : i32 {
      %mul3A_370 = arith.constant 2 : i32
      %mul3A_371 = arith.muli %mul3A_370, %scan3A_369 : i32
      %dma_wait3A = arith.constant 0 : i32
      %dma_wait3A_372 = arith.constant 0 : i32
      %dma_wait3A_373 = arith.constant 0 : i32
      %dma_wait3A_374 = tpu.memref_slice %arg9[%dma_wait3A, %dma_wait3A_372, %dma_wait3A_373] : memref<2x128x128xf32, #tpu.memory_space<vmem>> -> memref<1x128x128xf32, #tpu.memory_space<vmem>>
      %dma_wait3A_375 = tpu.memref_squeeze %dma_wait3A_374 : memref<1x128x128xf32, #tpu.memory_space<vmem>> -> memref<128x128xf32, #tpu.memory_space<vmem>>
      %dma_wait3A_376 = arith.constant 0 : i32
      %dma_wait3A_377 = tpu.memref_slice %arg7[%mul3A_371, %dma_wait3A_376] : memref<40x128xi32, #tpu.memory_space<vmem>> -> memref<1x128xi32, #tpu.memory_space<vmem>>
      %dma_wait3A_378 = tpu.memref_squeeze %dma_wait3A_377 : memref<1x128xi32, #tpu.memory_space<vmem>> -> memref<128xi32, #tpu.memory_space<vmem>>
      %dma_wait3A_379 = arith.constant 0 : i32
      %dma_wait3A_380 = arith.constant 0 : i32
      %dma_wait3A_381 = tpu.memref_slice %arg2[%scan3A_357, %dma_wait3A_379, %dma_wait3A_380] : memref<4x10000x128xf32, #tpu.memory_space<hbm>> -> memref<1x10000x128xf32, #tpu.memory_space<hbm>>
      %dma_wait3A_382 = tpu.memref_squeeze %dma_wait3A_381 : memref<1x10000x128xf32, #tpu.memory_space<hbm>> -> memref<10000x128xf32, #tpu.memory_space<hbm>>
      %dma_wait3A_383 = arith.constant 0 : i32
      %dma_wait3A_384 = arith.constant 0 : i32
      %dma_wait3A_385 = tpu.memref_slice %dma_wait3A_382[%dma_wait3A_383, %dma_wait3A_384] : memref<10000x128xf32, #tpu.memory_space<hbm>> -> memref<10000x128xf32, #tpu.memory_space<hbm>>
      tpu.wait_indirect_dma semaphore(%arg11 : memref<!tpu.dma_semaphore, #tpu.memory_space<semaphore_mem>>) src(%dma_wait3A_385 : memref<10000x128xf32, #tpu.memory_space<hbm>>) dst(%dma_wait3A_375 : memref<128x128xf32, #tpu.memory_space<vmem>>)
      %run_scoped3A_386 = arith.constant 0 : i32
      "tpu.region"() ({
        %run_scoped3A_418 = tpu.sem_alloc : memref<!tpu.dma_semaphore, #tpu.memory_space<semaphore_mem>>
        %dma_start3A_419 = arith.constant 0 : i32
        %dma_start3A_420 = arith.constant 0 : i32
        %dma_start3A_421 = tpu.memref_slice %arg9[%run_scoped3A_386, %dma_start3A_419, %dma_start3A_420] : memref<2x128x128xf32, #tpu.memory_space<vmem>> -> memref<1x128x128xf32, #tpu.memory_space<vmem>>
        %dma_start3A_422 = tpu.memref_squeeze %dma_start3A_421 : memref<1x128x128xf32, #tpu.memory_space<vmem>> -> memref<128x128xf32, #tpu.memory_space<vmem>>
        %dma_start3A_423 = arith.constant 0 : i32
        %dma_start3A_424 = tpu.memref_slice %arg8[%mul3A_371, %dma_start3A_423] : memref<40x128xi32, #tpu.memory_space<vmem>> -> memref<1x128xi32, #tpu.memory_space<vmem>>
        %dma_start3A_425 = tpu.memref_squeeze %dma_start3A_424 : memref<1x128xi32, #tpu.memory_space<vmem>> -> memref<128xi32, #tpu.memory_space<vmem>>
        %dma_start3A_426 = arith.constant 0 : i32
        %dma_start3A_427 = arith.constant 0 : i32
        %dma_start3A_428 = tpu.memref_slice %arg10[%dma_start3A_426, %dma_start3A_427] : memref<10240x128xf32, #tpu.memory_space<vmem_shared>> -> memref<10240x128xf32, #tpu.memory_space<vmem_shared>>
        tpu.enqueue_indirect_dma source(%dma_start3A_422 : memref<128x128xf32, #tpu.memory_space<vmem>>) target(%dma_start3A_428 : memref<10240x128xf32, #tpu.memory_space<vmem_shared>>) offsets(%dma_start3A_425 : memref<128xi32, #tpu.memory_space<vmem>>) semaphore(%run_scoped3A_418 : memref<!tpu.dma_semaphore, #tpu.memory_space<semaphore_mem>>) {add = true}
        %dma_wait3A_429 = arith.constant 0 : i32
        %dma_wait3A_430 = arith.constant 0 : i32
        %dma_wait3A_431 = tpu.memref_slice %arg9[%run_scoped3A_386, %dma_wait3A_429, %dma_wait3A_430] : memref<2x128x128xf32, #tpu.memory_space<vmem>> -> memref<1x128x128xf32, #tpu.memory_space<vmem>>
        %dma_wait3A_432 = tpu.memref_squeeze %dma_wait3A_431 : memref<1x128x128xf32, #tpu.memory_space<vmem>> -> memref<128x128xf32, #tpu.memory_space<vmem>>
        %dma_wait3A_433 = arith.constant 0 : i32
        %dma_wait3A_434 = tpu.memref_slice %arg8[%mul3A_371, %dma_wait3A_433] : memref<40x128xi32, #tpu.memory_space<vmem>> -> memref<1x128xi32, #tpu.memory_space<vmem>>
        %dma_wait3A_435 = tpu.memref_squeeze %dma_wait3A_434 : memref<1x128xi32, #tpu.memory_space<vmem>> -> memref<128xi32, #tpu.memory_space<vmem>>
        %dma_wait3A_436 = arith.constant 0 : i32
        %dma_wait3A_437 = arith.constant 0 : i32
        %dma_wait3A_438 = tpu.memref_slice %arg10[%dma_wait3A_436, %dma_wait3A_437] : memref<10240x128xf32, #tpu.memory_space<vmem_shared>> -> memref<10240x128xf32, #tpu.memory_space<vmem_shared>>
        tpu.wait_indirect_dma semaphore(%run_scoped3A_418 : memref<!tpu.dma_semaphore, #tpu.memory_space<semaphore_mem>>) src(%dma_wait3A_432 : memref<128x128xf32, #tpu.memory_space<vmem>>) dst(%dma_wait3A_438 : memref<10240x128xf32, #tpu.memory_space<vmem_shared>>)
        tpu.yield
      }) : () -> ()
      %add3A_387 = arith.constant 2 : i32
      %add3A_388 = arith.addi %mul3A_371, %add3A_387 : i32
      %lt3A = arith.constant 40 : i32
      %lt3A_389 = arith.cmpi slt, %add3A_388, %lt3A : i32
      %convert_element_type3A = arith.extui %lt3A_389 : i1 to i32
      %cond3A = arith.constant 0 : i32
      %cond3A_390 = arith.cmpi ne, %convert_element_type3A, %cond3A : i32
      scf.if %cond3A_390 {
        %add3A_418 = arith.constant 2 : i32
        %add3A_419 = arith.addi %mul3A_371, %add3A_418 : i32
        %dma_start3A_420 = arith.constant 0 : i32
        %dma_start3A_421 = arith.constant 0 : i32
        %dma_start3A_422 = arith.constant 0 : i32
        %dma_start3A_423 = tpu.memref_slice %arg9[%dma_start3A_420, %dma_start3A_421, %dma_start3A_422] : memref<2x128x128xf32, #tpu.memory_space<vmem>> -> memref<1x128x128xf32, #tpu.memory_space<vmem>>
        %dma_start3A_424 = tpu.memref_squeeze %dma_start3A_423 : memref<1x128x128xf32, #tpu.memory_space<vmem>> -> memref<128x128xf32, #tpu.memory_space<vmem>>
        %dma_start3A_425 = arith.constant 0 : i32
        %dma_start3A_426 = tpu.memref_slice %arg7[%add3A_419, %dma_start3A_425] : memref<40x128xi32, #tpu.memory_space<vmem>> -> memref<1x128xi32, #tpu.memory_space<vmem>>
        %dma_start3A_427 = tpu.memref_squeeze %dma_start3A_426 : memref<1x128xi32, #tpu.memory_space<vmem>> -> memref<128xi32, #tpu.memory_space<vmem>>
        %dma_start3A_428 = arith.constant 0 : i32
        %dma_start3A_429 = arith.constant 0 : i32
        %dma_start3A_430 = tpu.memref_slice %arg2[%scan3A_357, %dma_start3A_428, %dma_start3A_429] : memref<4x10000x128xf32, #tpu.memory_space<hbm>> -> memref<1x10000x128xf32, #tpu.memory_space<hbm>>
        %dma_start3A_431 = tpu.memref_squeeze %dma_start3A_430 : memref<1x10000x128xf32, #tpu.memory_space<hbm>> -> memref<10000x128xf32, #tpu.memory_space<hbm>>
        %dma_start3A_432 = arith.constant 0 : i32
        %dma_start3A_433 = arith.constant 0 : i32
        %dma_start3A_434 = tpu.memref_slice %dma_start3A_431[%dma_start3A_432, %dma_start3A_433] : memref<10000x128xf32, #tpu.memory_space<hbm>> -> memref<10000x128xf32, #tpu.memory_space<hbm>>
        tpu.enqueue_indirect_dma source(%dma_start3A_434 : memref<10000x128xf32, #tpu.memory_space<hbm>>) target(%dma_start3A_424 : memref<128x128xf32, #tpu.memory_space<vmem>>) offsets(%dma_start3A_427 : memref<128xi32, #tpu.memory_space<vmem>>) semaphore(%arg11 : memref<!tpu.dma_semaphore, #tpu.memory_space<semaphore_mem>>)
      } else {
      }
      %add3A_391 = arith.constant 1 : i32
      %add3A_392 = arith.addi %mul3A_371, %add3A_391 : i32
      %dma_wait3A_393 = arith.constant 1 : i32
      %dma_wait3A_394 = arith.constant 0 : i32
      %dma_wait3A_395 = arith.constant 0 : i32
      %dma_wait3A_396 = tpu.memref_slice %arg9[%dma_wait3A_393, %dma_wait3A_394, %dma_wait3A_395] : memref<2x128x128xf32, #tpu.memory_space<vmem>> -> memref<1x128x128xf32, #tpu.memory_space<vmem>>
      %dma_wait3A_397 = tpu.memref_squeeze %dma_wait3A_396 : memref<1x128x128xf32, #tpu.memory_space<vmem>> -> memref<128x128xf32, #tpu.memory_space<vmem>>
      %dma_wait3A_398 = arith.constant 0 : i32
      %dma_wait3A_399 = tpu.memref_slice %arg7[%add3A_392, %dma_wait3A_398] : memref<40x128xi32, #tpu.memory_space<vmem>> -> memref<1x128xi32, #tpu.memory_space<vmem>>
      %dma_wait3A_400 = tpu.memref_squeeze %dma_wait3A_399 : memref<1x128xi32, #tpu.memory_space<vmem>> -> memref<128xi32, #tpu.memory_space<vmem>>
      %dma_wait3A_401 = arith.constant 0 : i32
      %dma_wait3A_402 = arith.constant 0 : i32
      %dma_wait3A_403 = tpu.memref_slice %arg2[%scan3A_357, %dma_wait3A_401, %dma_wait3A_402] : memref<4x10000x128xf32, #tpu.memory_space<hbm>> -> memref<1x10000x128xf32, #tpu.memory_space<hbm>>
      %dma_wait3A_404 = tpu.memref_squeeze %dma_wait3A_403 : memref<1x10000x128xf32, #tpu.memory_space<hbm>> -> memref<10000x128xf32, #tpu.memory_space<hbm>>
      %dma_wait3A_405 = arith.constant 0 : i32
      %dma_wait3A_406 = arith.constant 0 : i32
      %dma_wait3A_407 = tpu.memref_slice %dma_wait3A_404[%dma_wait3A_405, %dma_wait3A_406] : memref<10000x128xf32, #tpu.memory_space<hbm>> -> memref<10000x128xf32, #tpu.memory_space<hbm>>
      tpu.wait_indirect_dma semaphore(%arg12 : memref<!tpu.dma_semaphore, #tpu.memory_space<semaphore_mem>>) src(%dma_wait3A_407 : memref<10000x128xf32, #tpu.memory_space<hbm>>) dst(%dma_wait3A_397 : memref<128x128xf32, #tpu.memory_space<vmem>>)
      %add3A_408 = arith.constant 1 : i32
      %add3A_409 = arith.addi %mul3A_371, %add3A_408 : i32
      %run_scoped3A_410 = arith.constant 1 : i32
      "tpu.region"() ({
        %run_scoped3A_418 = tpu.sem_alloc : memref<!tpu.dma_semaphore, #tpu.memory_space<semaphore_mem>>
        %dma_start3A_419 = arith.constant 0 : i32
        %dma_start3A_420 = arith.constant 0 : i32
        %dma_start3A_421 = tpu.memref_slice %arg9[%run_scoped3A_410, %dma_start3A_419, %dma_start3A_420] : memref<2x128x128xf32, #tpu.memory_space<vmem>> -> memref<1x128x128xf32, #tpu.memory_space<vmem>>
        %dma_start3A_422 = tpu.memref_squeeze %dma_start3A_421 : memref<1x128x128xf32, #tpu.memory_space<vmem>> -> memref<128x128xf32, #tpu.memory_space<vmem>>
        %dma_start3A_423 = arith.constant 0 : i32
        %dma_start3A_424 = tpu.memref_slice %arg8[%add3A_409, %dma_start3A_423] : memref<40x128xi32, #tpu.memory_space<vmem>> -> memref<1x128xi32, #tpu.memory_space<vmem>>
        %dma_start3A_425 = tpu.memref_squeeze %dma_start3A_424 : memref<1x128xi32, #tpu.memory_space<vmem>> -> memref<128xi32, #tpu.memory_space<vmem>>
        %dma_start3A_426 = arith.constant 0 : i32
        %dma_start3A_427 = arith.constant 0 : i32
        %dma_start3A_428 = tpu.memref_slice %arg10[%dma_start3A_426, %dma_start3A_427] : memref<10240x128xf32, #tpu.memory_space<vmem_shared>> -> memref<10240x128xf32, #tpu.memory_space<vmem_shared>>
        tpu.enqueue_indirect_dma source(%dma_start3A_422 : memref<128x128xf32, #tpu.memory_space<vmem>>) target(%dma_start3A_428 : memref<10240x128xf32, #tpu.memory_space<vmem_shared>>) offsets(%dma_start3A_425 : memref<128xi32, #tpu.memory_space<vmem>>) semaphore(%run_scoped3A_418 : memref<!tpu.dma_semaphore, #tpu.memory_space<semaphore_mem>>) {add = true}
        %dma_wait3A_429 = arith.constant 0 : i32
        %dma_wait3A_430 = arith.constant 0 : i32
        %dma_wait3A_431 = tpu.memref_slice %arg9[%run_scoped3A_410, %dma_wait3A_429, %dma_wait3A_430] : memref<2x128x128xf32, #tpu.memory_space<vmem>> -> memref<1x128x128xf32, #tpu.memory_space<vmem>>
        %dma_wait3A_432 = tpu.memref_squeeze %dma_wait3A_431 : memref<1x128x128xf32, #tpu.memory_space<vmem>> -> memref<128x128xf32, #tpu.memory_space<vmem>>
        %dma_wait3A_433 = arith.constant 0 : i32
        %dma_wait3A_434 = tpu.memref_slice %arg8[%add3A_409, %dma_wait3A_433] : memref<40x128xi32, #tpu.memory_space<vmem>> -> memref<1x128xi32, #tpu.memory_space<vmem>>
        %dma_wait3A_435 = tpu.memref_squeeze %dma_wait3A_434 : memref<1x128xi32, #tpu.memory_space<vmem>> -> memref<128xi32, #tpu.memory_space<vmem>>
        %dma_wait3A_436 = arith.constant 0 : i32
        %dma_wait3A_437 = arith.constant 0 : i32
        %dma_wait3A_438 = tpu.memref_slice %arg10[%dma_wait3A_436, %dma_wait3A_437] : memref<10240x128xf32, #tpu.memory_space<vmem_shared>> -> memref<10240x128xf32, #tpu.memory_space<vmem_shared>>
        tpu.wait_indirect_dma semaphore(%run_scoped3A_418 : memref<!tpu.dma_semaphore, #tpu.memory_space<semaphore_mem>>) src(%dma_wait3A_432 : memref<128x128xf32, #tpu.memory_space<vmem>>) dst(%dma_wait3A_438 : memref<10240x128xf32, #tpu.memory_space<vmem_shared>>)
        tpu.yield
      }) : () -> ()
      %add3A_411 = arith.constant 3 : i32
      %add3A_412 = arith.addi %mul3A_371, %add3A_411 : i32
      %lt3A_413 = arith.constant 40 : i32
      %lt3A_414 = arith.cmpi slt, %add3A_412, %lt3A_413 : i32
      %convert_element_type3A_415 = arith.extui %lt3A_414 : i1 to i32
      %cond3A_416 = arith.constant 0 : i32
      %cond3A_417 = arith.cmpi ne, %convert_element_type3A_415, %cond3A_416 : i32
      scf.if %cond3A_417 {
        %add3A_418 = arith.constant 3 : i32
        %add3A_419 = arith.addi %mul3A_371, %add3A_418 : i32
        %dma_start3A_420 = arith.constant 1 : i32
        %dma_start3A_421 = arith.constant 0 : i32
        %dma_start3A_422 = arith.constant 0 : i32
        %dma_start3A_423 = tpu.memref_slice %arg9[%dma_start3A_420, %dma_start3A_421, %dma_start3A_422] : memref<2x128x128xf32, #tpu.memory_space<vmem>> -> memref<1x128x128xf32, #tpu.memory_space<vmem>>
        %dma_start3A_424 = tpu.memref_squeeze %dma_start3A_423 : memref<1x128x128xf32, #tpu.memory_space<vmem>> -> memref<128x128xf32, #tpu.memory_space<vmem>>
        %dma_start3A_425 = arith.constant 0 : i32
        %dma_start3A_426 = tpu.memref_slice %arg7[%add3A_419, %dma_start3A_425] : memref<40x128xi32, #tpu.memory_space<vmem>> -> memref<1x128xi32, #tpu.memory_space<vmem>>
        %dma_start3A_427 = tpu.memref_squeeze %dma_start3A_426 : memref<1x128xi32, #tpu.memory_space<vmem>> -> memref<128xi32, #tpu.memory_space<vmem>>
        %dma_start3A_428 = arith.constant 0 : i32
        %dma_start3A_429 = arith.constant 0 : i32
        %dma_start3A_430 = tpu.memref_slice %arg2[%scan3A_357, %dma_start3A_428, %dma_start3A_429] : memref<4x10000x128xf32, #tpu.memory_space<hbm>> -> memref<1x10000x128xf32, #tpu.memory_space<hbm>>
        %dma_start3A_431 = tpu.memref_squeeze %dma_start3A_430 : memref<1x10000x128xf32, #tpu.memory_space<hbm>> -> memref<10000x128xf32, #tpu.memory_space<hbm>>
        %dma_start3A_432 = arith.constant 0 : i32
        %dma_start3A_433 = arith.constant 0 : i32
        %dma_start3A_434 = tpu.memref_slice %dma_start3A_431[%dma_start3A_432, %dma_start3A_433] : memref<10000x128xf32, #tpu.memory_space<hbm>> -> memref<10000x128xf32, #tpu.memory_space<hbm>>
        tpu.enqueue_indirect_dma source(%dma_start3A_434 : memref<10000x128xf32, #tpu.memory_space<hbm>>) target(%dma_start3A_424 : memref<128x128xf32, #tpu.memory_space<vmem>>) offsets(%dma_start3A_427 : memref<128xi32, #tpu.memory_space<vmem>>) semaphore(%arg12 : memref<!tpu.dma_semaphore, #tpu.memory_space<semaphore_mem>>)
      } else {
      }
    }
    %scan3A_362 = arith.constant 20 : i32
    %barrier3A_363 = arith.constant 0 : index
    tpu.barrier barrier_id(%barrier3A_363)
    %mul3A_364 = arith.constant 640 : i32
    %mul3A_365 = arith.muli %arg1, %mul3A_364 : i32
    %mul3A_366 = arith.constant 640 : i32
    %mul3A_367 = arith.muli %arg1, %mul3A_366 : i32
    %run_scoped3A_368 = arith.constant 3 : i32
    "tpu.region"() ({
      %run_scoped3A_369 = tpu.sem_alloc : memref<!tpu.dma_semaphore, #tpu.memory_space<semaphore_mem>>
      %dma_start3A_370 = arith.constant 0 : i32
      %dma_start3A_371 = tpu.memref_slice %arg6[%run_scoped3A_368, %arg0, %mul3A_367, %dma_start3A_370] : memref<4x2x10240x128xf32, #tpu.memory_space<hbm>> -> memref<1x1x640x128xf32, #tpu.memory_space<hbm>>
      %dma_start3A_372 = tpu.memref_squeeze %dma_start3A_371 : memref<1x1x640x128xf32, #tpu.memory_space<hbm>> -> memref<640x128xf32, #tpu.memory_space<hbm>>
      %dma_start3A_373 = arith.constant 0 : i32
      %dma_start3A_374 = tpu.memref_slice %arg10[%mul3A_365, %dma_start3A_373] : memref<10240x128xf32, #tpu.memory_space<vmem_shared>> -> memref<640x128xf32, #tpu.memory_space<vmem_shared>>
      tpu.enqueue_dma source(%dma_start3A_374 : memref<640x128xf32, #tpu.memory_space<vmem_shared>>) target(%dma_start3A_372 : memref<640x128xf32, #tpu.memory_space<hbm>>) target_semaphore(%run_scoped3A_369 : memref<!tpu.dma_semaphore, #tpu.memory_space<semaphore_mem>>)
      %dma_wait3A = arith.constant 0 : i32
      %dma_wait3A_375 = tpu.memref_slice %arg6[%run_scoped3A_368, %arg0, %mul3A_367, %dma_wait3A] : memref<4x2x10240x128xf32, #tpu.memory_space<hbm>> -> memref<1x1x640x128xf32, #tpu.memory_space<hbm>>
      %dma_wait3A_376 = tpu.memref_squeeze %dma_wait3A_375 : memref<1x1x640x128xf32, #tpu.memory_space<hbm>> -> memref<640x128xf32, #tpu.memory_space<hbm>>
      %dma_wait3A_377 = arith.constant 0 : i32
      %dma_wait3A_378 = tpu.memref_slice %arg10[%mul3A_365, %dma_wait3A_377] : memref<10240x128xf32, #tpu.memory_space<vmem_shared>> -> memref<640x128xf32, #tpu.memory_space<vmem_shared>>
      tpu.wait_dma2 semaphore(%run_scoped3A_369 : memref<!tpu.dma_semaphore, #tpu.memory_space<semaphore_mem>>) src(%dma_wait3A_378 : memref<640x128xf32, #tpu.memory_space<vmem_shared>>) dst(%dma_wait3A_376 : memref<640x128xf32, #tpu.memory_space<hbm>>)
      tpu.yield
    }) : () -> ()
    return
  }
}

#map = affine_map<(d0, d1) -> (0, 0, 0)>
#map1 = affine_map<(d0, d1) -> (0, 0)>
module attributes {stable_mosaic.version = 14 : i64} {
  func.func @_deg_kernel(%arg0: i32, %arg1: i32, %arg2: memref<32x80x128xi32, #tpu.memory_space<hbm>>, %arg3: memref<2x10240xf32, #tpu.memory_space<hbm>>, %arg4: memref<80x128xi32, #tpu.memory_space<vmem>>, %arg5: memref<128xf32, #tpu.memory_space<vmem>>, %arg6: memref<640xf32, #tpu.memory_space<vmem>>, %arg7: memref<10240xf32, #tpu.memory_space<vmem_shared>>) attributes {dimension_semantics = [#tpu.dimension_semantics<core_parallel>, #tpu.dimension_semantics<subcore_parallel>], iteration_bounds = array<i64: 2, 16>, scalar_prefetch = 0 : i64, scratch_operands = 4 : i64, tpu.core_type = #tpu.core_type<sc_vector_subcore>, window_params = [{transform_indices = #map}, {transform_indices = #map1}]} {
    %mul3A = arith.constant 16 : i32
    %mul3A_0 = arith.muli %arg0, %mul3A : i32
    %add3A = arith.addi %mul3A_0, %arg1 : i32
    %broadcast_in_dim3A = arith.constant 1.000000e+00 : f32
    %broadcast_in_dim3A_1 = vector.broadcast %broadcast_in_dim3A : f32 to vector<16xf32>
    %swap3A = arith.constant 0 : index
    %swap3A_2 = tpu.vector_load %arg5[%swap3A] {strides = array<i32>} : memref<128xf32, #tpu.memory_space<vmem>>, vector<16xf32>,
    %swap3A_3 = vector.shape_cast %swap3A_2 : vector<16xf32> to vector<16xf32>
    %swap3A_4 = vector.shape_cast %broadcast_in_dim3A_1 : vector<16xf32> to vector<16xf32>
    tpu.vector_store %arg5[%swap3A], %swap3A_4 {strides = array<i32>} : memref<128xf32, #tpu.memory_space<vmem>>, vector<16xf32>,
    %broadcast_in_dim3A_5 = arith.constant 1.000000e+00 : f32
    %broadcast_in_dim3A_6 = vector.broadcast %broadcast_in_dim3A_5 : f32 to vector<16xf32>
    %swap3A_7 = arith.constant 16 : index
    %swap3A_8 = tpu.vector_load %arg5[%swap3A_7] {strides = array<i32>} : memref<128xf32, #tpu.memory_space<vmem>>, vector<16xf32>,
    %swap3A_9 = vector.shape_cast %swap3A_8 : vector<16xf32> to vector<16xf32>
    %swap3A_10 = vector.shape_cast %broadcast_in_dim3A_6 : vector<16xf32> to vector<16xf32>
    tpu.vector_store %arg5[%swap3A_7], %swap3A_10 {strides = array<i32>} : memref<128xf32, #tpu.memory_space<vmem>>, vector<16xf32>,
    %broadcast_in_dim3A_11 = arith.constant 1.000000e+00 : f32
    %broadcast_in_dim3A_12 = vector.broadcast %broadcast_in_dim3A_11 : f32 to vector<16xf32>
    %swap3A_13 = arith.constant 32 : index
    %swap3A_14 = tpu.vector_load %arg5[%swap3A_13] {strides = array<i32>} : memref<128xf32, #tpu.memory_space<vmem>>, vector<16xf32>,
    %swap3A_15 = vector.shape_cast %swap3A_14 : vector<16xf32> to vector<16xf32>
    %swap3A_16 = vector.shape_cast %broadcast_in_dim3A_12 : vector<16xf32> to vector<16xf32>
    tpu.vector_store %arg5[%swap3A_13], %swap3A_16 {strides = array<i32>} : memref<128xf32, #tpu.memory_space<vmem>>, vector<16xf32>,
    %broadcast_in_dim3A_17 = arith.constant 1.000000e+00 : f32
    %broadcast_in_dim3A_18 = vector.broadcast %broadcast_in_dim3A_17 : f32 to vector<16xf32>
    %swap3A_19 = arith.constant 48 : index
    %swap3A_20 = tpu.vector_load %arg5[%swap3A_19] {strides = array<i32>} : memref<128xf32, #tpu.memory_space<vmem>>, vector<16xf32>,
    %swap3A_21 = vector.shape_cast %swap3A_20 : vector<16xf32> to vector<16xf32>
    %swap3A_22 = vector.shape_cast %broadcast_in_dim3A_18 : vector<16xf32> to vector<16xf32>
    tpu.vector_store %arg5[%swap3A_19], %swap3A_22 {strides = array<i32>} : memref<128xf32, #tpu.memory_space<vmem>>, vector<16xf32>,
    %broadcast_in_dim3A_23 = arith.constant 1.000000e+00 : f32
    %broadcast_in_dim3A_24 = vector.broadcast %broadcast_in_dim3A_23 : f32 to vector<16xf32>
    %swap3A_25 = arith.constant 64 : index
    %swap3A_26 = tpu.vector_load %arg5[%swap3A_25] {strides = array<i32>} : memref<128xf32, #tpu.memory_space<vmem>>, vector<16xf32>,
    %swap3A_27 = vector.shape_cast %swap3A_26 : vector<16xf32> to vector<16xf32>
    %swap3A_28 = vector.shape_cast %broadcast_in_dim3A_24 : vector<16xf32> to vector<16xf32>
    tpu.vector_store %arg5[%swap3A_25], %swap3A_28 {strides = array<i32>} : memref<128xf32, #tpu.memory_space<vmem>>, vector<16xf32>,
    %broadcast_in_dim3A_29 = arith.constant 1.000000e+00 : f32
    %broadcast_in_dim3A_30 = vector.broadcast %broadcast_in_dim3A_29 : f32 to vector<16xf32>
    %swap3A_31 = arith.constant 80 : index
    %swap3A_32 = tpu.vector_load %arg5[%swap3A_31] {strides = array<i32>} : memref<128xf32, #tpu.memory_space<vmem>>, vector<16xf32>,
    %swap3A_33 = vector.shape_cast %swap3A_32 : vector<16xf32> to vector<16xf32>
    %swap3A_34 = vector.shape_cast %broadcast_in_dim3A_30 : vector<16xf32> to vector<16xf32>
    tpu.vector_store %arg5[%swap3A_31], %swap3A_34 {strides = array<i32>} : memref<128xf32, #tpu.memory_space<vmem>>, vector<16xf32>,
    %broadcast_in_dim3A_35 = arith.constant 1.000000e+00 : f32
    %broadcast_in_dim3A_36 = vector.broadcast %broadcast_in_dim3A_35 : f32 to vector<16xf32>
    %swap3A_37 = arith.constant 96 : index
    %swap3A_38 = tpu.vector_load %arg5[%swap3A_37] {strides = array<i32>} : memref<128xf32, #tpu.memory_space<vmem>>, vector<16xf32>,
    %swap3A_39 = vector.shape_cast %swap3A_38 : vector<16xf32> to vector<16xf32>
    %swap3A_40 = vector.shape_cast %broadcast_in_dim3A_36 : vector<16xf32> to vector<16xf32>
    tpu.vector_store %arg5[%swap3A_37], %swap3A_40 {strides = array<i32>} : memref<128xf32, #tpu.memory_space<vmem>>, vector<16xf32>,
    %broadcast_in_dim3A_41 = arith.constant 1.000000e+00 : f32
    %broadcast_in_dim3A_42 = vector.broadcast %broadcast_in_dim3A_41 : f32 to vector<16xf32>
    %swap3A_43 = arith.constant 112 : index
    %swap3A_44 = tpu.vector_load %arg5[%swap3A_43] {strides = array<i32>} : memref<128xf32, #tpu.memory_space<vmem>>, vector<16xf32>,
    %swap3A_45 = vector.shape_cast %swap3A_44 : vector<16xf32> to vector<16xf32>
    %swap3A_46 = vector.shape_cast %broadcast_in_dim3A_42 : vector<16xf32> to vector<16xf32>
    tpu.vector_store %arg5[%swap3A_43], %swap3A_46 {strides = array<i32>} : memref<128xf32, #tpu.memory_space<vmem>>, vector<16xf32>,
    %broadcast_in_dim3A_47 = arith.constant 0.000000e+00 : f32
    %broadcast_in_dim3A_48 = vector.broadcast %broadcast_in_dim3A_47 : f32 to vector<16xf32>
    %swap3A_49 = arith.constant 0 : index
    %swap3A_50 = tpu.vector_load %arg6[%swap3A_49] {strides = array<i32>} : memref<640xf32, #tpu.memory_space<vmem>>, vector<16xf32>,
    %swap3A_51 = vector.shape_cast %swap3A_50 : vector<16xf32> to vector<16xf32>
    %swap3A_52 = vector.shape_cast %broadcast_in_dim3A_48 : vector<16xf32> to vector<16xf32>
    tpu.vector_store %arg6[%swap3A_49], %swap3A_52 {strides = array<i32>} : memref<640xf32, #tpu.memory_space<vmem>>, vector<16xf32>,
    %broadcast_in_dim3A_53 = arith.constant 0.000000e+00 : f32
    %broadcast_in_dim3A_54 = vector.broadcast %broadcast_in_dim3A_53 : f32 to vector<16xf32>
    %swap3A_55 = arith.constant 16 : index
    %swap3A_56 = tpu.vector_load %arg6[%swap3A_55] {strides = array<i32>} : memref<640xf32, #tpu.memory_space<vmem>>, vector<16xf32>,
    %swap3A_57 = vector.shape_cast %swap3A_56 : vector<16xf32> to vector<16xf32>
    %swap3A_58 = vector.shape_cast %broadcast_in_dim3A_54 : vector<16xf32> to vector<16xf32>
    tpu.vector_store %arg6[%swap3A_55], %swap3A_58 {strides = array<i32>} : memref<640xf32, #tpu.memory_space<vmem>>, vector<16xf32>,
    %broadcast_in_dim3A_59 = arith.constant 0.000000e+00 : f32
    %broadcast_in_dim3A_60 = vector.broadcast %broadcast_in_dim3A_59 : f32 to vector<16xf32>
    %swap3A_61 = arith.constant 32 : index
    %swap3A_62 = tpu.vector_load %arg6[%swap3A_61] {strides = array<i32>} : memref<640xf32, #tpu.memory_space<vmem>>, vector<16xf32>,
    %swap3A_63 = vector.shape_cast %swap3A_62 : vector<16xf32> to vector<16xf32>
    %swap3A_64 = vector.shape_cast %broadcast_in_dim3A_60 : vector<16xf32> to vector<16xf32>
    tpu.vector_store %arg6[%swap3A_61], %swap3A_64 {strides = array<i32>} : memref<640xf32, #tpu.memory_space<vmem>>, vector<16xf32>,
    %broadcast_in_dim3A_65 = arith.constant 0.000000e+00 : f32
    %broadcast_in_dim3A_66 = vector.broadcast %broadcast_in_dim3A_65 : f32 to vector<16xf32>
    %swap3A_67 = arith.constant 48 : index
    %swap3A_68 = tpu.vector_load %arg6[%swap3A_67] {strides = array<i32>} : memref<640xf32, #tpu.memory_space<vmem>>, vector<16xf32>,
    %swap3A_69 = vector.shape_cast %swap3A_68 : vector<16xf32> to vector<16xf32>
    %swap3A_70 = vector.shape_cast %broadcast_in_dim3A_66 : vector<16xf32> to vector<16xf32>
    tpu.vector_store %arg6[%swap3A_67], %swap3A_70 {strides = array<i32>} : memref<640xf32, #tpu.memory_space<vmem>>, vector<16xf32>,
    %broadcast_in_dim3A_71 = arith.constant 0.000000e+00 : f32
    %broadcast_in_dim3A_72 = vector.broadcast %broadcast_in_dim3A_71 : f32 to vector<16xf32>
    %swap3A_73 = arith.constant 64 : index
    %swap3A_74 = tpu.vector_load %arg6[%swap3A_73] {strides = array<i32>} : memref<640xf32, #tpu.memory_space<vmem>>, vector<16xf32>,
    %swap3A_75 = vector.shape_cast %swap3A_74 : vector<16xf32> to vector<16xf32>
    %swap3A_76 = vector.shape_cast %broadcast_in_dim3A_72 : vector<16xf32> to vector<16xf32>
    tpu.vector_store %arg6[%swap3A_73], %swap3A_76 {strides = array<i32>} : memref<640xf32, #tpu.memory_space<vmem>>, vector<16xf32>,
    %broadcast_in_dim3A_77 = arith.constant 0.000000e+00 : f32
    %broadcast_in_dim3A_78 = vector.broadcast %broadcast_in_dim3A_77 : f32 to vector<16xf32>
    %swap3A_79 = arith.constant 80 : index
    %swap3A_80 = tpu.vector_load %arg6[%swap3A_79] {strides = array<i32>} : memref<640xf32, #tpu.memory_space<vmem>>, vector<16xf32>,
    %swap3A_81 = vector.shape_cast %swap3A_80 : vector<16xf32> to vector<16xf32>
    %swap3A_82 = vector.shape_cast %broadcast_in_dim3A_78 : vector<16xf32> to vector<16xf32>
    tpu.vector_store %arg6[%swap3A_79], %swap3A_82 {strides = array<i32>} : memref<640xf32, #tpu.memory_space<vmem>>, vector<16xf32>,
    %broadcast_in_dim3A_83 = arith.constant 0.000000e+00 : f32
    %broadcast_in_dim3A_84 = vector.broadcast %broadcast_in_dim3A_83 : f32 to vector<16xf32>
    %swap3A_85 = arith.constant 96 : index
    %swap3A_86 = tpu.vector_load %arg6[%swap3A_85] {strides = array<i32>} : memref<640xf32, #tpu.memory_space<vmem>>, vector<16xf32>,
    %swap3A_87 = vector.shape_cast %swap3A_86 : vector<16xf32> to vector<16xf32>
    %swap3A_88 = vector.shape_cast %broadcast_in_dim3A_84 : vector<16xf32> to vector<16xf32>
    tpu.vector_store %arg6[%swap3A_85], %swap3A_88 {strides = array<i32>} : memref<640xf32, #tpu.memory_space<vmem>>, vector<16xf32>,
    %broadcast_in_dim3A_89 = arith.constant 0.000000e+00 : f32
    %broadcast_in_dim3A_90 = vector.broadcast %broadcast_in_dim3A_89 : f32 to vector<16xf32>
    %swap3A_91 = arith.constant 112 : index
    %swap3A_92 = tpu.vector_load %arg6[%swap3A_91] {strides = array<i32>} : memref<640xf32, #tpu.memory_space<vmem>>, vector<16xf32>,
    %swap3A_93 = vector.shape_cast %swap3A_92 : vector<16xf32> to vector<16xf32>
    %swap3A_94 = vector.shape_cast %broadcast_in_dim3A_90 : vector<16xf32> to vector<16xf32>
    tpu.vector_store %arg6[%swap3A_91], %swap3A_94 {strides = array<i32>} : memref<640xf32, #tpu.memory_space<vmem>>, vector<16xf32>,
    %broadcast_in_dim3A_95 = arith.constant 0.000000e+00 : f32
    %broadcast_in_dim3A_96 = vector.broadcast %broadcast_in_dim3A_95 : f32 to vector<16xf32>
    %swap3A_97 = arith.constant 128 : index
    %swap3A_98 = tpu.vector_load %arg6[%swap3A_97] {strides = array<i32>} : memref<640xf32, #tpu.memory_space<vmem>>, vector<16xf32>,
    %swap3A_99 = vector.shape_cast %swap3A_98 : vector<16xf32> to vector<16xf32>
    %swap3A_100 = vector.shape_cast %broadcast_in_dim3A_96 : vector<16xf32> to vector<16xf32>
    tpu.vector_store %arg6[%swap3A_97], %swap3A_100 {strides = array<i32>} : memref<640xf32, #tpu.memory_space<vmem>>, vector<16xf32>,
    %broadcast_in_dim3A_101 = arith.constant 0.000000e+00 : f32
    %broadcast_in_dim3A_102 = vector.broadcast %broadcast_in_dim3A_101 : f32 to vector<16xf32>
    %swap3A_103 = arith.constant 144 : index
    %swap3A_104 = tpu.vector_load %arg6[%swap3A_103] {strides = array<i32>} : memref<640xf32, #tpu.memory_space<vmem>>, vector<16xf32>,
    %swap3A_105 = vector.shape_cast %swap3A_104 : vector<16xf32> to vector<16xf32>
    %swap3A_106 = vector.shape_cast %broadcast_in_dim3A_102 : vector<16xf32> to vector<16xf32>
    tpu.vector_store %arg6[%swap3A_103], %swap3A_106 {strides = array<i32>} : memref<640xf32, #tpu.memory_space<vmem>>, vector<16xf32>,
    %broadcast_in_dim3A_107 = arith.constant 0.000000e+00 : f32
    %broadcast_in_dim3A_108 = vector.broadcast %broadcast_in_dim3A_107 : f32 to vector<16xf32>
    %swap3A_109 = arith.constant 160 : index
    %swap3A_110 = tpu.vector_load %arg6[%swap3A_109] {strides = array<i32>} : memref<640xf32, #tpu.memory_space<vmem>>, vector<16xf32>,
    %swap3A_111 = vector.shape_cast %swap3A_110 : vector<16xf32> to vector<16xf32>
    %swap3A_112 = vector.shape_cast %broadcast_in_dim3A_108 : vector<16xf32> to vector<16xf32>
    tpu.vector_store %arg6[%swap3A_109], %swap3A_112 {strides = array<i32>} : memref<640xf32, #tpu.memory_space<vmem>>, vector<16xf32>,
    %broadcast_in_dim3A_113 = arith.constant 0.000000e+00 : f32
    %broadcast_in_dim3A_114 = vector.broadcast %broadcast_in_dim3A_113 : f32 to vector<16xf32>
    %swap3A_115 = arith.constant 176 : index
    %swap3A_116 = tpu.vector_load %arg6[%swap3A_115] {strides = array<i32>} : memref<640xf32, #tpu.memory_space<vmem>>, vector<16xf32>,
    %swap3A_117 = vector.shape_cast %swap3A_116 : vector<16xf32> to vector<16xf32>
    %swap3A_118 = vector.shape_cast %broadcast_in_dim3A_114 : vector<16xf32> to vector<16xf32>
    tpu.vector_store %arg6[%swap3A_115], %swap3A_118 {strides = array<i32>} : memref<640xf32, #tpu.memory_space<vmem>>, vector<16xf32>,
    %broadcast_in_dim3A_119 = arith.constant 0.000000e+00 : f32
    %broadcast_in_dim3A_120 = vector.broadcast %broadcast_in_dim3A_119 : f32 to vector<16xf32>
    %swap3A_121 = arith.constant 192 : index
    %swap3A_122 = tpu.vector_load %arg6[%swap3A_121] {strides = array<i32>} : memref<640xf32, #tpu.memory_space<vmem>>, vector<16xf32>,
    %swap3A_123 = vector.shape_cast %swap3A_122 : vector<16xf32> to vector<16xf32>
    %swap3A_124 = vector.shape_cast %broadcast_in_dim3A_120 : vector<16xf32> to vector<16xf32>
    tpu.vector_store %arg6[%swap3A_121], %swap3A_124 {strides = array<i32>} : memref<640xf32, #tpu.memory_space<vmem>>, vector<16xf32>,
    %broadcast_in_dim3A_125 = arith.constant 0.000000e+00 : f32
    %broadcast_in_dim3A_126 = vector.broadcast %broadcast_in_dim3A_125 : f32 to vector<16xf32>
    %swap3A_127 = arith.constant 208 : index
    %swap3A_128 = tpu.vector_load %arg6[%swap3A_127] {strides = array<i32>} : memref<640xf32, #tpu.memory_space<vmem>>, vector<16xf32>,
    %swap3A_129 = vector.shape_cast %swap3A_128 : vector<16xf32> to vector<16xf32>
    %swap3A_130 = vector.shape_cast %broadcast_in_dim3A_126 : vector<16xf32> to vector<16xf32>
    tpu.vector_store %arg6[%swap3A_127], %swap3A_130 {strides = array<i32>} : memref<640xf32, #tpu.memory_space<vmem>>, vector<16xf32>,
    %broadcast_in_dim3A_131 = arith.constant 0.000000e+00 : f32
    %broadcast_in_dim3A_132 = vector.broadcast %broadcast_in_dim3A_131 : f32 to vector<16xf32>
    %swap3A_133 = arith.constant 224 : index
    %swap3A_134 = tpu.vector_load %arg6[%swap3A_133] {strides = array<i32>} : memref<640xf32, #tpu.memory_space<vmem>>, vector<16xf32>,
    %swap3A_135 = vector.shape_cast %swap3A_134 : vector<16xf32> to vector<16xf32>
    %swap3A_136 = vector.shape_cast %broadcast_in_dim3A_132 : vector<16xf32> to vector<16xf32>
    tpu.vector_store %arg6[%swap3A_133], %swap3A_136 {strides = array<i32>} : memref<640xf32, #tpu.memory_space<vmem>>, vector<16xf32>,
    %broadcast_in_dim3A_137 = arith.constant 0.000000e+00 : f32
    %broadcast_in_dim3A_138 = vector.broadcast %broadcast_in_dim3A_137 : f32 to vector<16xf32>
    %swap3A_139 = arith.constant 240 : index
    %swap3A_140 = tpu.vector_load %arg6[%swap3A_139] {strides = array<i32>} : memref<640xf32, #tpu.memory_space<vmem>>, vector<16xf32>,
    %swap3A_141 = vector.shape_cast %swap3A_140 : vector<16xf32> to vector<16xf32>
    %swap3A_142 = vector.shape_cast %broadcast_in_dim3A_138 : vector<16xf32> to vector<16xf32>
    tpu.vector_store %arg6[%swap3A_139], %swap3A_142 {strides = array<i32>} : memref<640xf32, #tpu.memory_space<vmem>>, vector<16xf32>,
    %broadcast_in_dim3A_143 = arith.constant 0.000000e+00 : f32
    %broadcast_in_dim3A_144 = vector.broadcast %broadcast_in_dim3A_143 : f32 to vector<16xf32>
    %swap3A_145 = arith.constant 256 : index
    %swap3A_146 = tpu.vector_load %arg6[%swap3A_145] {strides = array<i32>} : memref<640xf32, #tpu.memory_space<vmem>>, vector<16xf32>,
    %swap3A_147 = vector.shape_cast %swap3A_146 : vector<16xf32> to vector<16xf32>
    %swap3A_148 = vector.shape_cast %broadcast_in_dim3A_144 : vector<16xf32> to vector<16xf32>
    tpu.vector_store %arg6[%swap3A_145], %swap3A_148 {strides = array<i32>} : memref<640xf32, #tpu.memory_space<vmem>>, vector<16xf32>,
    %broadcast_in_dim3A_149 = arith.constant 0.000000e+00 : f32
    %broadcast_in_dim3A_150 = vector.broadcast %broadcast_in_dim3A_149 : f32 to vector<16xf32>
    %swap3A_151 = arith.constant 272 : index
    %swap3A_152 = tpu.vector_load %arg6[%swap3A_151] {strides = array<i32>} : memref<640xf32, #tpu.memory_space<vmem>>, vector<16xf32>,
    %swap3A_153 = vector.shape_cast %swap3A_152 : vector<16xf32> to vector<16xf32>
    %swap3A_154 = vector.shape_cast %broadcast_in_dim3A_150 : vector<16xf32> to vector<16xf32>
    tpu.vector_store %arg6[%swap3A_151], %swap3A_154 {strides = array<i32>} : memref<640xf32, #tpu.memory_space<vmem>>, vector<16xf32>,
    %broadcast_in_dim3A_155 = arith.constant 0.000000e+00 : f32
    %broadcast_in_dim3A_156 = vector.broadcast %broadcast_in_dim3A_155 : f32 to vector<16xf32>
    %swap3A_157 = arith.constant 288 : index
    %swap3A_158 = tpu.vector_load %arg6[%swap3A_157] {strides = array<i32>} : memref<640xf32, #tpu.memory_space<vmem>>, vector<16xf32>,
    %swap3A_159 = vector.shape_cast %swap3A_158 : vector<16xf32> to vector<16xf32>
    %swap3A_160 = vector.shape_cast %broadcast_in_dim3A_156 : vector<16xf32> to vector<16xf32>
    tpu.vector_store %arg6[%swap3A_157], %swap3A_160 {strides = array<i32>} : memref<640xf32, #tpu.memory_space<vmem>>, vector<16xf32>,
    %broadcast_in_dim3A_161 = arith.constant 0.000000e+00 : f32
    %broadcast_in_dim3A_162 = vector.broadcast %broadcast_in_dim3A_161 : f32 to vector<16xf32>
    %swap3A_163 = arith.constant 304 : index
    %swap3A_164 = tpu.vector_load %arg6[%swap3A_163] {strides = array<i32>} : memref<640xf32, #tpu.memory_space<vmem>>, vector<16xf32>,
    %swap3A_165 = vector.shape_cast %swap3A_164 : vector<16xf32> to vector<16xf32>
    %swap3A_166 = vector.shape_cast %broadcast_in_dim3A_162 : vector<16xf32> to vector<16xf32>
    tpu.vector_store %arg6[%swap3A_163], %swap3A_166 {strides = array<i32>} : memref<640xf32, #tpu.memory_space<vmem>>, vector<16xf32>,
    %broadcast_in_dim3A_167 = arith.constant 0.000000e+00 : f32
    %broadcast_in_dim3A_168 = vector.broadcast %broadcast_in_dim3A_167 : f32 to vector<16xf32>
    %swap3A_169 = arith.constant 320 : index
    %swap3A_170 = tpu.vector_load %arg6[%swap3A_169] {strides = array<i32>} : memref<640xf32, #tpu.memory_space<vmem>>, vector<16xf32>,
    %swap3A_171 = vector.shape_cast %swap3A_170 : vector<16xf32> to vector<16xf32>
    %swap3A_172 = vector.shape_cast %broadcast_in_dim3A_168 : vector<16xf32> to vector<16xf32>
    tpu.vector_store %arg6[%swap3A_169], %swap3A_172 {strides = array<i32>} : memref<640xf32, #tpu.memory_space<vmem>>, vector<16xf32>,
    %broadcast_in_dim3A_173 = arith.constant 0.000000e+00 : f32
    %broadcast_in_dim3A_174 = vector.broadcast %broadcast_in_dim3A_173 : f32 to vector<16xf32>
    %swap3A_175 = arith.constant 336 : index
    %swap3A_176 = tpu.vector_load %arg6[%swap3A_175] {strides = array<i32>} : memref<640xf32, #tpu.memory_space<vmem>>, vector<16xf32>,
    %swap3A_177 = vector.shape_cast %swap3A_176 : vector<16xf32> to vector<16xf32>
    %swap3A_178 = vector.shape_cast %broadcast_in_dim3A_174 : vector<16xf32> to vector<16xf32>
    tpu.vector_store %arg6[%swap3A_175], %swap3A_178 {strides = array<i32>} : memref<640xf32, #tpu.memory_space<vmem>>, vector<16xf32>,
    %broadcast_in_dim3A_179 = arith.constant 0.000000e+00 : f32
    %broadcast_in_dim3A_180 = vector.broadcast %broadcast_in_dim3A_179 : f32 to vector<16xf32>
    %swap3A_181 = arith.constant 352 : index
    %swap3A_182 = tpu.vector_load %arg6[%swap3A_181] {strides = array<i32>} : memref<640xf32, #tpu.memory_space<vmem>>, vector<16xf32>,
    %swap3A_183 = vector.shape_cast %swap3A_182 : vector<16xf32> to vector<16xf32>
    %swap3A_184 = vector.shape_cast %broadcast_in_dim3A_180 : vector<16xf32> to vector<16xf32>
    tpu.vector_store %arg6[%swap3A_181], %swap3A_184 {strides = array<i32>} : memref<640xf32, #tpu.memory_space<vmem>>, vector<16xf32>,
    %broadcast_in_dim3A_185 = arith.constant 0.000000e+00 : f32
    %broadcast_in_dim3A_186 = vector.broadcast %broadcast_in_dim3A_185 : f32 to vector<16xf32>
    %swap3A_187 = arith.constant 368 : index
    %swap3A_188 = tpu.vector_load %arg6[%swap3A_187] {strides = array<i32>} : memref<640xf32, #tpu.memory_space<vmem>>, vector<16xf32>,
    %swap3A_189 = vector.shape_cast %swap3A_188 : vector<16xf32> to vector<16xf32>
    %swap3A_190 = vector.shape_cast %broadcast_in_dim3A_186 : vector<16xf32> to vector<16xf32>
    tpu.vector_store %arg6[%swap3A_187], %swap3A_190 {strides = array<i32>} : memref<640xf32, #tpu.memory_space<vmem>>, vector<16xf32>,
    %broadcast_in_dim3A_191 = arith.constant 0.000000e+00 : f32
    %broadcast_in_dim3A_192 = vector.broadcast %broadcast_in_dim3A_191 : f32 to vector<16xf32>
    %swap3A_193 = arith.constant 384 : index
    %swap3A_194 = tpu.vector_load %arg6[%swap3A_193] {strides = array<i32>} : memref<640xf32, #tpu.memory_space<vmem>>, vector<16xf32>,
    %swap3A_195 = vector.shape_cast %swap3A_194 : vector<16xf32> to vector<16xf32>
    %swap3A_196 = vector.shape_cast %broadcast_in_dim3A_192 : vector<16xf32> to vector<16xf32>
    tpu.vector_store %arg6[%swap3A_193], %swap3A_196 {strides = array<i32>} : memref<640xf32, #tpu.memory_space<vmem>>, vector<16xf32>,
    %broadcast_in_dim3A_197 = arith.constant 0.000000e+00 : f32
    %broadcast_in_dim3A_198 = vector.broadcast %broadcast_in_dim3A_197 : f32 to vector<16xf32>
    %swap3A_199 = arith.constant 400 : index
    %swap3A_200 = tpu.vector_load %arg6[%swap3A_199] {strides = array<i32>} : memref<640xf32, #tpu.memory_space<vmem>>, vector<16xf32>,
    %swap3A_201 = vector.shape_cast %swap3A_200 : vector<16xf32> to vector<16xf32>
    %swap3A_202 = vector.shape_cast %broadcast_in_dim3A_198 : vector<16xf32> to vector<16xf32>
    tpu.vector_store %arg6[%swap3A_199], %swap3A_202 {strides = array<i32>} : memref<640xf32, #tpu.memory_space<vmem>>, vector<16xf32>,
    %broadcast_in_dim3A_203 = arith.constant 0.000000e+00 : f32
    %broadcast_in_dim3A_204 = vector.broadcast %broadcast_in_dim3A_203 : f32 to vector<16xf32>
    %swap3A_205 = arith.constant 416 : index
    %swap3A_206 = tpu.vector_load %arg6[%swap3A_205] {strides = array<i32>} : memref<640xf32, #tpu.memory_space<vmem>>, vector<16xf32>,
    %swap3A_207 = vector.shape_cast %swap3A_206 : vector<16xf32> to vector<16xf32>
    %swap3A_208 = vector.shape_cast %broadcast_in_dim3A_204 : vector<16xf32> to vector<16xf32>
    tpu.vector_store %arg6[%swap3A_205], %swap3A_208 {strides = array<i32>} : memref<640xf32, #tpu.memory_space<vmem>>, vector<16xf32>,
    %broadcast_in_dim3A_209 = arith.constant 0.000000e+00 : f32
    %broadcast_in_dim3A_210 = vector.broadcast %broadcast_in_dim3A_209 : f32 to vector<16xf32>
    %swap3A_211 = arith.constant 432 : index
    %swap3A_212 = tpu.vector_load %arg6[%swap3A_211] {strides = array<i32>} : memref<640xf32, #tpu.memory_space<vmem>>, vector<16xf32>,
    %swap3A_213 = vector.shape_cast %swap3A_212 : vector<16xf32> to vector<16xf32>
    %swap3A_214 = vector.shape_cast %broadcast_in_dim3A_210 : vector<16xf32> to vector<16xf32>
    tpu.vector_store %arg6[%swap3A_211], %swap3A_214 {strides = array<i32>} : memref<640xf32, #tpu.memory_space<vmem>>, vector<16xf32>,
    %broadcast_in_dim3A_215 = arith.constant 0.000000e+00 : f32
    %broadcast_in_dim3A_216 = vector.broadcast %broadcast_in_dim3A_215 : f32 to vector<16xf32>
    %swap3A_217 = arith.constant 448 : index
    %swap3A_218 = tpu.vector_load %arg6[%swap3A_217] {strides = array<i32>} : memref<640xf32, #tpu.memory_space<vmem>>, vector<16xf32>,
    %swap3A_219 = vector.shape_cast %swap3A_218 : vector<16xf32> to vector<16xf32>
    %swap3A_220 = vector.shape_cast %broadcast_in_dim3A_216 : vector<16xf32> to vector<16xf32>
    tpu.vector_store %arg6[%swap3A_217], %swap3A_220 {strides = array<i32>} : memref<640xf32, #tpu.memory_space<vmem>>, vector<16xf32>,
    %broadcast_in_dim3A_221 = arith.constant 0.000000e+00 : f32
    %broadcast_in_dim3A_222 = vector.broadcast %broadcast_in_dim3A_221 : f32 to vector<16xf32>
    %swap3A_223 = arith.constant 464 : index
    %swap3A_224 = tpu.vector_load %arg6[%swap3A_223] {strides = array<i32>} : memref<640xf32, #tpu.memory_space<vmem>>, vector<16xf32>,
    %swap3A_225 = vector.shape_cast %swap3A_224 : vector<16xf32> to vector<16xf32>
    %swap3A_226 = vector.shape_cast %broadcast_in_dim3A_222 : vector<16xf32> to vector<16xf32>
    tpu.vector_store %arg6[%swap3A_223], %swap3A_226 {strides = array<i32>} : memref<640xf32, #tpu.memory_space<vmem>>, vector<16xf32>,
    %broadcast_in_dim3A_227 = arith.constant 0.000000e+00 : f32
    %broadcast_in_dim3A_228 = vector.broadcast %broadcast_in_dim3A_227 : f32 to vector<16xf32>
    %swap3A_229 = arith.constant 480 : index
    %swap3A_230 = tpu.vector_load %arg6[%swap3A_229] {strides = array<i32>} : memref<640xf32, #tpu.memory_space<vmem>>, vector<16xf32>,
    %swap3A_231 = vector.shape_cast %swap3A_230 : vector<16xf32> to vector<16xf32>
    %swap3A_232 = vector.shape_cast %broadcast_in_dim3A_228 : vector<16xf32> to vector<16xf32>
    tpu.vector_store %arg6[%swap3A_229], %swap3A_232 {strides = array<i32>} : memref<640xf32, #tpu.memory_space<vmem>>, vector<16xf32>,
    %broadcast_in_dim3A_233 = arith.constant 0.000000e+00 : f32
    %broadcast_in_dim3A_234 = vector.broadcast %broadcast_in_dim3A_233 : f32 to vector<16xf32>
    %swap3A_235 = arith.constant 496 : index
    %swap3A_236 = tpu.vector_load %arg6[%swap3A_235] {strides = array<i32>} : memref<640xf32, #tpu.memory_space<vmem>>, vector<16xf32>,
    %swap3A_237 = vector.shape_cast %swap3A_236 : vector<16xf32> to vector<16xf32>
    %swap3A_238 = vector.shape_cast %broadcast_in_dim3A_234 : vector<16xf32> to vector<16xf32>
    tpu.vector_store %arg6[%swap3A_235], %swap3A_238 {strides = array<i32>} : memref<640xf32, #tpu.memory_space<vmem>>, vector<16xf32>,
    %broadcast_in_dim3A_239 = arith.constant 0.000000e+00 : f32
    %broadcast_in_dim3A_240 = vector.broadcast %broadcast_in_dim3A_239 : f32 to vector<16xf32>
    %swap3A_241 = arith.constant 512 : index
    %swap3A_242 = tpu.vector_load %arg6[%swap3A_241] {strides = array<i32>} : memref<640xf32, #tpu.memory_space<vmem>>, vector<16xf32>,
    %swap3A_243 = vector.shape_cast %swap3A_242 : vector<16xf32> to vector<16xf32>
    %swap3A_244 = vector.shape_cast %broadcast_in_dim3A_240 : vector<16xf32> to vector<16xf32>
    tpu.vector_store %arg6[%swap3A_241], %swap3A_244 {strides = array<i32>} : memref<640xf32, #tpu.memory_space<vmem>>, vector<16xf32>,
    %broadcast_in_dim3A_245 = arith.constant 0.000000e+00 : f32
    %broadcast_in_dim3A_246 = vector.broadcast %broadcast_in_dim3A_245 : f32 to vector<16xf32>
    %swap3A_247 = arith.constant 528 : index
    %swap3A_248 = tpu.vector_load %arg6[%swap3A_247] {strides = array<i32>} : memref<640xf32, #tpu.memory_space<vmem>>, vector<16xf32>,
    %swap3A_249 = vector.shape_cast %swap3A_248 : vector<16xf32> to vector<16xf32>
    %swap3A_250 = vector.shape_cast %broadcast_in_dim3A_246 : vector<16xf32> to vector<16xf32>
    tpu.vector_store %arg6[%swap3A_247], %swap3A_250 {strides = array<i32>} : memref<640xf32, #tpu.memory_space<vmem>>, vector<16xf32>,
    %broadcast_in_dim3A_251 = arith.constant 0.000000e+00 : f32
    %broadcast_in_dim3A_252 = vector.broadcast %broadcast_in_dim3A_251 : f32 to vector<16xf32>
    %swap3A_253 = arith.constant 544 : index
    %swap3A_254 = tpu.vector_load %arg6[%swap3A_253] {strides = array<i32>} : memref<640xf32, #tpu.memory_space<vmem>>, vector<16xf32>,
    %swap3A_255 = vector.shape_cast %swap3A_254 : vector<16xf32> to vector<16xf32>
    %swap3A_256 = vector.shape_cast %broadcast_in_dim3A_252 : vector<16xf32> to vector<16xf32>
    tpu.vector_store %arg6[%swap3A_253], %swap3A_256 {strides = array<i32>} : memref<640xf32, #tpu.memory_space<vmem>>, vector<16xf32>,
    %broadcast_in_dim3A_257 = arith.constant 0.000000e+00 : f32
    %broadcast_in_dim3A_258 = vector.broadcast %broadcast_in_dim3A_257 : f32 to vector<16xf32>
    %swap3A_259 = arith.constant 560 : index
    %swap3A_260 = tpu.vector_load %arg6[%swap3A_259] {strides = array<i32>} : memref<640xf32, #tpu.memory_space<vmem>>, vector<16xf32>,
    %swap3A_261 = vector.shape_cast %swap3A_260 : vector<16xf32> to vector<16xf32>
    %swap3A_262 = vector.shape_cast %broadcast_in_dim3A_258 : vector<16xf32> to vector<16xf32>
    tpu.vector_store %arg6[%swap3A_259], %swap3A_262 {strides = array<i32>} : memref<640xf32, #tpu.memory_space<vmem>>, vector<16xf32>,
    %broadcast_in_dim3A_263 = arith.constant 0.000000e+00 : f32
    %broadcast_in_dim3A_264 = vector.broadcast %broadcast_in_dim3A_263 : f32 to vector<16xf32>
    %swap3A_265 = arith.constant 576 : index
    %swap3A_266 = tpu.vector_load %arg6[%swap3A_265] {strides = array<i32>} : memref<640xf32, #tpu.memory_space<vmem>>, vector<16xf32>,
    %swap3A_267 = vector.shape_cast %swap3A_266 : vector<16xf32> to vector<16xf32>
    %swap3A_268 = vector.shape_cast %broadcast_in_dim3A_264 : vector<16xf32> to vector<16xf32>
    tpu.vector_store %arg6[%swap3A_265], %swap3A_268 {strides = array<i32>} : memref<640xf32, #tpu.memory_space<vmem>>, vector<16xf32>,
    %broadcast_in_dim3A_269 = arith.constant 0.000000e+00 : f32
    %broadcast_in_dim3A_270 = vector.broadcast %broadcast_in_dim3A_269 : f32 to vector<16xf32>
    %swap3A_271 = arith.constant 592 : index
    %swap3A_272 = tpu.vector_load %arg6[%swap3A_271] {strides = array<i32>} : memref<640xf32, #tpu.memory_space<vmem>>, vector<16xf32>,
    %swap3A_273 = vector.shape_cast %swap3A_272 : vector<16xf32> to vector<16xf32>
    %swap3A_274 = vector.shape_cast %broadcast_in_dim3A_270 : vector<16xf32> to vector<16xf32>
    tpu.vector_store %arg6[%swap3A_271], %swap3A_274 {strides = array<i32>} : memref<640xf32, #tpu.memory_space<vmem>>, vector<16xf32>,
    %broadcast_in_dim3A_275 = arith.constant 0.000000e+00 : f32
    %broadcast_in_dim3A_276 = vector.broadcast %broadcast_in_dim3A_275 : f32 to vector<16xf32>
    %swap3A_277 = arith.constant 608 : index
    %swap3A_278 = tpu.vector_load %arg6[%swap3A_277] {strides = array<i32>} : memref<640xf32, #tpu.memory_space<vmem>>, vector<16xf32>,
    %swap3A_279 = vector.shape_cast %swap3A_278 : vector<16xf32> to vector<16xf32>
    %swap3A_280 = vector.shape_cast %broadcast_in_dim3A_276 : vector<16xf32> to vector<16xf32>
    tpu.vector_store %arg6[%swap3A_277], %swap3A_280 {strides = array<i32>} : memref<640xf32, #tpu.memory_space<vmem>>, vector<16xf32>,
    %broadcast_in_dim3A_281 = arith.constant 0.000000e+00 : f32
    %broadcast_in_dim3A_282 = vector.broadcast %broadcast_in_dim3A_281 : f32 to vector<16xf32>
    %swap3A_283 = arith.constant 624 : index
    %swap3A_284 = tpu.vector_load %arg6[%swap3A_283] {strides = array<i32>} : memref<640xf32, #tpu.memory_space<vmem>>, vector<16xf32>,
    %swap3A_285 = vector.shape_cast %swap3A_284 : vector<16xf32> to vector<16xf32>
    %swap3A_286 = vector.shape_cast %broadcast_in_dim3A_282 : vector<16xf32> to vector<16xf32>
    tpu.vector_store %arg6[%swap3A_283], %swap3A_286 {strides = array<i32>} : memref<640xf32, #tpu.memory_space<vmem>>, vector<16xf32>,
    "tpu.region"() ({
      %run_scoped3A = tpu.sem_alloc : memref<!tpu.dma_semaphore, #tpu.memory_space<semaphore_mem>>
      %dma_start3A = arith.constant 0 : i32
      %dma_start3A_299 = arith.constant 0 : i32
      %dma_start3A_300 = tpu.memref_slice %arg2[%add3A, %dma_start3A, %dma_start3A_299] : memref<32x80x128xi32, #tpu.memory_space<hbm>> -> memref<1x80x128xi32, #tpu.memory_space<hbm>>
      %dma_start3A_301 = tpu.memref_squeeze %dma_start3A_300 : memref<1x80x128xi32, #tpu.memory_space<hbm>> -> memref<80x128xi32, #tpu.memory_space<hbm>>
      %dma_start3A_302 = arith.constant 0 : i32
      %dma_start3A_303 = arith.constant 0 : i32
      %dma_start3A_304 = tpu.memref_slice %arg2[%add3A, %dma_start3A_302, %dma_start3A_303] : memref<32x80x128xi32, #tpu.memory_space<hbm>> -> memref<1x80x128xi32, #tpu.memory_space<hbm>>
      %dma_start3A_305 = tpu.memref_squeeze %dma_start3A_304 : memref<1x80x128xi32, #tpu.memory_space<hbm>> -> memref<80x128xi32, #tpu.memory_space<hbm>>
      tpu.enqueue_dma source(%dma_start3A_305 : memref<80x128xi32, #tpu.memory_space<hbm>>) target(%arg4 : memref<80x128xi32, #tpu.memory_space<vmem>>) target_semaphore(%run_scoped3A : memref<!tpu.dma_semaphore, #tpu.memory_space<semaphore_mem>>)
      %dma_wait3A = arith.constant 0 : i32
      %dma_wait3A_306 = arith.constant 0 : i32
      %dma_wait3A_307 = tpu.memref_slice %arg2[%add3A, %dma_wait3A, %dma_wait3A_306] : memref<32x80x128xi32, #tpu.memory_space<hbm>> -> memref<1x80x128xi32, #tpu.memory_space<hbm>>
      %dma_wait3A_308 = tpu.memref_squeeze %dma_wait3A_307 : memref<1x80x128xi32, #tpu.memory_space<hbm>> -> memref<80x128xi32, #tpu.memory_space<hbm>>
      %dma_wait3A_309 = arith.constant 0 : i32
      %dma_wait3A_310 = arith.constant 0 : i32
      %dma_wait3A_311 = tpu.memref_slice %arg2[%add3A, %dma_wait3A_309, %dma_wait3A_310] : memref<32x80x128xi32, #tpu.memory_space<hbm>> -> memref<1x80x128xi32, #tpu.memory_space<hbm>>
      %dma_wait3A_312 = tpu.memref_squeeze %dma_wait3A_311 : memref<1x80x128xi32, #tpu.memory_space<hbm>> -> memref<80x128xi32, #tpu.memory_space<hbm>>
      tpu.wait_dma2 semaphore(%run_scoped3A : memref<!tpu.dma_semaphore, #tpu.memory_space<semaphore_mem>>) src(%dma_wait3A_312 : memref<80x128xi32, #tpu.memory_space<hbm>>) dst(%arg4 : memref<80x128xi32, #tpu.memory_space<vmem>>)
      tpu.yield
    }) : () -> ()
    %mul3A_287 = arith.constant 640 : i32
    %mul3A_288 = arith.muli %arg1, %mul3A_287 : i32
    "tpu.region"() ({
      %run_scoped3A = tpu.sem_alloc : memref<!tpu.dma_semaphore, #tpu.memory_space<semaphore_mem>>
      %dma_start3A = tpu.memref_slice %arg7[%mul3A_288] : memref<10240xf32, #tpu.memory_space<vmem_shared>> -> memref<640xf32, #tpu.memory_space<vmem_shared>>
      %dma_start3A_299 = tpu.memref_slice %arg7[%mul3A_288] : memref<10240xf32, #tpu.memory_space<vmem_shared>> -> memref<640xf32, #tpu.memory_space<vmem_shared>>
      tpu.enqueue_dma source(%arg6 : memref<640xf32, #tpu.memory_space<vmem>>) target(%dma_start3A_299 : memref<640xf32, #tpu.memory_space<vmem_shared>>) target_semaphore(%run_scoped3A : memref<!tpu.dma_semaphore, #tpu.memory_space<semaphore_mem>>)
      %dma_wait3A = tpu.memref_slice %arg7[%mul3A_288] : memref<10240xf32, #tpu.memory_space<vmem_shared>> -> memref<640xf32, #tpu.memory_space<vmem_shared>>
      %dma_wait3A_300 = tpu.memref_slice %arg7[%mul3A_288] : memref<10240xf32, #tpu.memory_space<vmem_shared>> -> memref<640xf32, #tpu.memory_space<vmem_shared>>
      tpu.wait_dma2 semaphore(%run_scoped3A : memref<!tpu.dma_semaphore, #tpu.memory_space<semaphore_mem>>) src(%arg6 : memref<640xf32, #tpu.memory_space<vmem>>) dst(%dma_wait3A_300 : memref<640xf32, #tpu.memory_space<vmem_shared>>)
      tpu.yield
    }) : () -> ()
    %barrier3A = arith.constant 0 : index
    tpu.barrier barrier_id(%barrier3A)
    %scan3A = arith.constant 0 : i32
    %scan3A_289 = arith.constant 0 : i32
    %scan3A_290 = arith.constant 80 : i32
    %scan3A_291 = arith.addi %scan3A_289, %scan3A_290 : i32
    %scan3A_292 = arith.constant 1 : i32
    scf.for %scan3A_299 = %scan3A_289 to %scan3A_291 step %scan3A_292  : i32 {
      "tpu.region"() ({
        %run_scoped3A = tpu.sem_alloc : memref<!tpu.dma_semaphore, #tpu.memory_space<semaphore_mem>>
        %dma_start3A = arith.constant 0 : i32
        %dma_start3A_300 = tpu.memref_slice %arg4[%scan3A_299, %dma_start3A] : memref<80x128xi32, #tpu.memory_space<vmem>> -> memref<1x128xi32, #tpu.memory_space<vmem>>
        %dma_start3A_301 = tpu.memref_squeeze %dma_start3A_300 : memref<1x128xi32, #tpu.memory_space<vmem>> -> memref<128xi32, #tpu.memory_space<vmem>>
        %dma_start3A_302 = arith.constant 0 : i32
        %dma_start3A_303 = tpu.memref_slice %arg7[%dma_start3A_302] : memref<10240xf32, #tpu.memory_space<vmem_shared>> -> memref<10240xf32, #tpu.memory_space<vmem_shared>>
        tpu.enqueue_indirect_dma source(%arg5 : memref<128xf32, #tpu.memory_space<vmem>>) target(%dma_start3A_303 : memref<10240xf32, #tpu.memory_space<vmem_shared>>) offsets(%dma_start3A_301 : memref<128xi32, #tpu.memory_space<vmem>>) semaphore(%run_scoped3A : memref<!tpu.dma_semaphore, #tpu.memory_space<semaphore_mem>>) {add = true}
        %dma_wait3A = arith.constant 0 : i32
        %dma_wait3A_304 = tpu.memref_slice %arg4[%scan3A_299, %dma_wait3A] : memref<80x128xi32, #tpu.memory_space<vmem>> -> memref<1x128xi32, #tpu.memory_space<vmem>>
        %dma_wait3A_305 = tpu.memref_squeeze %dma_wait3A_304 : memref<1x128xi32, #tpu.memory_space<vmem>> -> memref<128xi32, #tpu.memory_space<vmem>>
        %dma_wait3A_306 = arith.constant 0 : i32
        %dma_wait3A_307 = tpu.memref_slice %arg7[%dma_wait3A_306] : memref<10240xf32, #tpu.memory_space<vmem_shared>> -> memref<10240xf32, #tpu.memory_space<vmem_shared>>
        tpu.wait_indirect_dma semaphore(%run_scoped3A : memref<!tpu.dma_semaphore, #tpu.memory_space<semaphore_mem>>) src(%arg5 : memref<128xf32, #tpu.memory_space<vmem>>) dst(%dma_wait3A_307 : memref<10240xf32, #tpu.memory_space<vmem_shared>>)
        tpu.yield
      }) : () -> ()
    }
    %scan3A_293 = arith.constant 80 : i32
    %barrier3A_294 = arith.constant 0 : index
    tpu.barrier barrier_id(%barrier3A_294)
    %mul3A_295 = arith.constant 640 : i32
    %mul3A_296 = arith.muli %arg1, %mul3A_295 : i32
    %mul3A_297 = arith.constant 640 : i32
    %mul3A_298 = arith.muli %arg1, %mul3A_297 : i32
    "tpu.region"() ({
      %run_scoped3A = tpu.sem_alloc : memref<!tpu.dma_semaphore, #tpu.memory_space<semaphore_mem>>
      %dma_start3A = tpu.memref_slice %arg3[%arg0, %mul3A_298] : memref<2x10240xf32, #tpu.memory_space<hbm>> -> memref<1x640xf32, #tpu.memory_space<hbm>>
      %dma_start3A_299 = tpu.memref_squeeze %dma_start3A : memref<1x640xf32, #tpu.memory_space<hbm>> -> memref<640xf32, #tpu.memory_space<hbm>>
      %dma_start3A_300 = tpu.memref_slice %arg7[%mul3A_296] : memref<10240xf32, #tpu.memory_space<vmem_shared>> -> memref<640xf32, #tpu.memory_space<vmem_shared>>
      tpu.enqueue_dma source(%dma_start3A_300 : memref<640xf32, #tpu.memory_space<vmem_shared>>) target(%dma_start3A_299 : memref<640xf32, #tpu.memory_space<hbm>>) target_semaphore(%run_scoped3A : memref<!tpu.dma_semaphore, #tpu.memory_space<semaphore_mem>>)
      %dma_wait3A = tpu.memref_slice %arg3[%arg0, %mul3A_298] : memref<2x10240xf32, #tpu.memory_space<hbm>> -> memref<1x640xf32, #tpu.memory_space<hbm>>
      %dma_wait3A_301 = tpu.memref_squeeze %dma_wait3A : memref<1x640xf32, #tpu.memory_space<hbm>> -> memref<640xf32, #tpu.memory_space<hbm>>
      %dma_wait3A_302 = tpu.memref_slice %arg7[%mul3A_296] : memref<10240xf32, #tpu.memory_space<vmem_shared>> -> memref<640xf32, #tpu.memory_space<vmem_shared>>
      tpu.wait_dma2 semaphore(%run_scoped3A : memref<!tpu.dma_semaphore, #tpu.memory_space<semaphore_mem>>) src(%dma_wait3A_302 : memref<640xf32, #tpu.memory_space<vmem_shared>>) dst(%dma_wait3A_301 : memref<640xf32, #tpu.memory_space<hbm>>)
      tpu.yield
    }) : () -> ()
    return
  }
}

#map = affine_map<(d0, d1) -> (0, 0, 0)>
#map1 = affine_map<(d0, d1) -> (0, 0)>
#map2 = affine_map<(d0, d1) -> (0, 0, 0, 0)>
module attributes {stable_mosaic.version = 14 : i64} {
  func.func @_spmv(%arg0: i32, %arg1: i32, %arg2: memref<1x10000x128xf32, #tpu.memory_space<hbm>>, %arg3: memref<32x80x128xi32, #tpu.memory_space<hbm>>, %arg4: memref<32x80x128xi32, #tpu.memory_space<hbm>>, %arg5: memref<10240x128xf32, #tpu.memory_space<hbm>>, %arg6: memref<1x2x10240x128xf32, #tpu.memory_space<hbm>>, %arg7: memref<40x128xi32, #tpu.memory_space<vmem>>, %arg8: memref<40x128xi32, #tpu.memory_space<vmem>>, %arg9: memref<2x128x128xf32, #tpu.memory_space<vmem>>, %arg10: memref<10240x128xf32, #tpu.memory_space<vmem_shared>>, %arg11: memref<!tpu.dma_semaphore, #tpu.memory_space<semaphore_mem>>, %arg12: memref<!tpu.dma_semaphore, #tpu.memory_space<semaphore_mem>>) attributes {dimension_semantics = [#tpu.dimension_semantics<core_parallel>, #tpu.dimension_semantics<subcore_parallel>], iteration_bounds = array<i64: 2, 16>, scalar_prefetch = 0 : i64, scratch_operands = 6 : i64, tpu.core_type = #tpu.core_type<sc_vector_subcore>, window_params = [{transform_indices = #map}, {transform_indices = #map}, {transform_indices = #map}, {transform_indices = #map1}, {transform_indices = #map2}]} {
    %mul3A = arith.constant 16 : i32
    %mul3A_0 = arith.muli %arg0, %mul3A : i32
    %add3A = arith.addi %mul3A_0, %arg1 : i32
    %mul3A_1 = arith.constant 640 : i32
    %mul3A_2 = arith.muli %arg1, %mul3A_1 : i32
    %mul3A_3 = arith.constant 640 : i32
    %mul3A_4 = arith.muli %arg1, %mul3A_3 : i32
    "tpu.region"() ({
      %run_scoped3A_90 = tpu.sem_alloc : memref<!tpu.dma_semaphore, #tpu.memory_space<semaphore_mem>>
      %dma_start3A_91 = arith.constant 0 : i32
      %dma_start3A_92 = tpu.memref_slice %arg10[%mul3A_4, %dma_start3A_91] : memref<10240x128xf32, #tpu.memory_space<vmem_shared>> -> memref<640x128xf32, #tpu.memory_space<vmem_shared>>
      %dma_start3A_93 = arith.constant 0 : i32
      %dma_start3A_94 = tpu.memref_slice %arg5[%mul3A_2, %dma_start3A_93] : memref<10240x128xf32, #tpu.memory_space<hbm>> -> memref<640x128xf32, #tpu.memory_space<hbm>>
      tpu.enqueue_dma source(%dma_start3A_94 : memref<640x128xf32, #tpu.memory_space<hbm>>) target(%dma_start3A_92 : memref<640x128xf32, #tpu.memory_space<vmem_shared>>) target_semaphore(%run_scoped3A_90 : memref<!tpu.dma_semaphore, #tpu.memory_space<semaphore_mem>>)
      %dma_wait3A = arith.constant 0 : i32
      %dma_wait3A_95 = tpu.memref_slice %arg10[%mul3A_4, %dma_wait3A] : memref<10240x128xf32, #tpu.memory_space<vmem_shared>> -> memref<640x128xf32, #tpu.memory_space<vmem_shared>>
      %dma_wait3A_96 = arith.constant 0 : i32
      %dma_wait3A_97 = tpu.memref_slice %arg5[%mul3A_2, %dma_wait3A_96] : memref<10240x128xf32, #tpu.memory_space<hbm>> -> memref<640x128xf32, #tpu.memory_space<hbm>>
      tpu.wait_dma2 semaphore(%run_scoped3A_90 : memref<!tpu.dma_semaphore, #tpu.memory_space<semaphore_mem>>) src(%dma_wait3A_97 : memref<640x128xf32, #tpu.memory_space<hbm>>) dst(%dma_wait3A_95 : memref<640x128xf32, #tpu.memory_space<vmem_shared>>)
      tpu.yield
    }) : () -> ()
    %barrier3A = arith.constant 0 : index
    tpu.barrier barrier_id(%barrier3A)
    "tpu.region"() ({
      %run_scoped3A_90 = tpu.sem_alloc : memref<!tpu.dma_semaphore, #tpu.memory_space<semaphore_mem>>
      %dma_start3A_91 = arith.constant 0 : i32
      %dma_start3A_92 = arith.constant 0 : i32
      %dma_start3A_93 = tpu.memref_slice %arg3[%add3A, %dma_start3A_91, %dma_start3A_92] : memref<32x80x128xi32, #tpu.memory_space<hbm>> -> memref<1x40x128xi32, #tpu.memory_space<hbm>>
      %dma_start3A_94 = tpu.memref_squeeze %dma_start3A_93 : memref<1x40x128xi32, #tpu.memory_space<hbm>> -> memref<40x128xi32, #tpu.memory_space<hbm>>
      %dma_start3A_95 = arith.constant 0 : i32
      %dma_start3A_96 = arith.constant 0 : i32
      %dma_start3A_97 = tpu.memref_slice %arg3[%add3A, %dma_start3A_95, %dma_start3A_96] : memref<32x80x128xi32, #tpu.memory_space<hbm>> -> memref<1x40x128xi32, #tpu.memory_space<hbm>>
      %dma_start3A_98 = tpu.memref_squeeze %dma_start3A_97 : memref<1x40x128xi32, #tpu.memory_space<hbm>> -> memref<40x128xi32, #tpu.memory_space<hbm>>
      tpu.enqueue_dma source(%dma_start3A_98 : memref<40x128xi32, #tpu.memory_space<hbm>>) target(%arg7 : memref<40x128xi32, #tpu.memory_space<vmem>>) target_semaphore(%run_scoped3A_90 : memref<!tpu.dma_semaphore, #tpu.memory_space<semaphore_mem>>)
      %dma_wait3A = arith.constant 0 : i32
      %dma_wait3A_99 = arith.constant 0 : i32
      %dma_wait3A_100 = tpu.memref_slice %arg3[%add3A, %dma_wait3A, %dma_wait3A_99] : memref<32x80x128xi32, #tpu.memory_space<hbm>> -> memref<1x40x128xi32, #tpu.memory_space<hbm>>
      %dma_wait3A_101 = tpu.memref_squeeze %dma_wait3A_100 : memref<1x40x128xi32, #tpu.memory_space<hbm>> -> memref<40x128xi32, #tpu.memory_space<hbm>>
      %dma_wait3A_102 = arith.constant 0 : i32
      %dma_wait3A_103 = arith.constant 0 : i32
      %dma_wait3A_104 = tpu.memref_slice %arg3[%add3A, %dma_wait3A_102, %dma_wait3A_103] : memref<32x80x128xi32, #tpu.memory_space<hbm>> -> memref<1x40x128xi32, #tpu.memory_space<hbm>>
      %dma_wait3A_105 = tpu.memref_squeeze %dma_wait3A_104 : memref<1x40x128xi32, #tpu.memory_space<hbm>> -> memref<40x128xi32, #tpu.memory_space<hbm>>
      tpu.wait_dma2 semaphore(%run_scoped3A_90 : memref<!tpu.dma_semaphore, #tpu.memory_space<semaphore_mem>>) src(%dma_wait3A_105 : memref<40x128xi32, #tpu.memory_space<hbm>>) dst(%arg7 : memref<40x128xi32, #tpu.memory_space<vmem>>)
      tpu.yield
    }) : () -> ()
    "tpu.region"() ({
      %run_scoped3A_90 = tpu.sem_alloc : memref<!tpu.dma_semaphore, #tpu.memory_space<semaphore_mem>>
      %dma_start3A_91 = arith.constant 0 : i32
      %dma_start3A_92 = arith.constant 0 : i32
      %dma_start3A_93 = tpu.memref_slice %arg4[%add3A, %dma_start3A_91, %dma_start3A_92] : memref<32x80x128xi32, #tpu.memory_space<hbm>> -> memref<1x40x128xi32, #tpu.memory_space<hbm>>
      %dma_start3A_94 = tpu.memref_squeeze %dma_start3A_93 : memref<1x40x128xi32, #tpu.memory_space<hbm>> -> memref<40x128xi32, #tpu.memory_space<hbm>>
      %dma_start3A_95 = arith.constant 0 : i32
      %dma_start3A_96 = arith.constant 0 : i32
      %dma_start3A_97 = tpu.memref_slice %arg4[%add3A, %dma_start3A_95, %dma_start3A_96] : memref<32x80x128xi32, #tpu.memory_space<hbm>> -> memref<1x40x128xi32, #tpu.memory_space<hbm>>
      %dma_start3A_98 = tpu.memref_squeeze %dma_start3A_97 : memref<1x40x128xi32, #tpu.memory_space<hbm>> -> memref<40x128xi32, #tpu.memory_space<hbm>>
      tpu.enqueue_dma source(%dma_start3A_98 : memref<40x128xi32, #tpu.memory_space<hbm>>) target(%arg8 : memref<40x128xi32, #tpu.memory_space<vmem>>) target_semaphore(%run_scoped3A_90 : memref<!tpu.dma_semaphore, #tpu.memory_space<semaphore_mem>>)
      %dma_wait3A = arith.constant 0 : i32
      %dma_wait3A_99 = arith.constant 0 : i32
      %dma_wait3A_100 = tpu.memref_slice %arg4[%add3A, %dma_wait3A, %dma_wait3A_99] : memref<32x80x128xi32, #tpu.memory_space<hbm>> -> memref<1x40x128xi32, #tpu.memory_space<hbm>>
      %dma_wait3A_101 = tpu.memref_squeeze %dma_wait3A_100 : memref<1x40x128xi32, #tpu.memory_space<hbm>> -> memref<40x128xi32, #tpu.memory_space<hbm>>
      %dma_wait3A_102 = arith.constant 0 : i32
      %dma_wait3A_103 = arith.constant 0 : i32
      %dma_wait3A_104 = tpu.memref_slice %arg4[%add3A, %dma_wait3A_102, %dma_wait3A_103] : memref<32x80x128xi32, #tpu.memory_space<hbm>> -> memref<1x40x128xi32, #tpu.memory_space<hbm>>
      %dma_wait3A_105 = tpu.memref_squeeze %dma_wait3A_104 : memref<1x40x128xi32, #tpu.memory_space<hbm>> -> memref<40x128xi32, #tpu.memory_space<hbm>>
      tpu.wait_dma2 semaphore(%run_scoped3A_90 : memref<!tpu.dma_semaphore, #tpu.memory_space<semaphore_mem>>) src(%dma_wait3A_105 : memref<40x128xi32, #tpu.memory_space<hbm>>) dst(%arg8 : memref<40x128xi32, #tpu.memory_space<vmem>>)
      tpu.yield
    }) : () -> ()
    %dma_start3A = arith.constant 0 : i32
    %dma_start3A_5 = arith.constant 0 : i32
    %dma_start3A_6 = arith.constant 0 : i32
    %dma_start3A_7 = arith.constant 0 : i32
    %dma_start3A_8 = arith.constant 0 : i32
    %dma_start3A_9 = tpu.memref_slice %arg9[%dma_start3A_6, %dma_start3A_7, %dma_start3A_8] : memref<2x128x128xf32, #tpu.memory_space<vmem>> -> memref<1x128x128xf32, #tpu.memory_space<vmem>>
    %dma_start3A_10 = tpu.memref_squeeze %dma_start3A_9 : memref<1x128x128xf32, #tpu.memory_space<vmem>> -> memref<128x128xf32, #tpu.memory_space<vmem>>
    %dma_start3A_11 = arith.constant 0 : i32
    %dma_start3A_12 = tpu.memref_slice %arg7[%dma_start3A_5, %dma_start3A_11] : memref<40x128xi32, #tpu.memory_space<vmem>> -> memref<1x128xi32, #tpu.memory_space<vmem>>
    %dma_start3A_13 = tpu.memref_squeeze %dma_start3A_12 : memref<1x128xi32, #tpu.memory_space<vmem>> -> memref<128xi32, #tpu.memory_space<vmem>>
    %dma_start3A_14 = arith.constant 0 : i32
    %dma_start3A_15 = arith.constant 0 : i32
    %dma_start3A_16 = tpu.memref_slice %arg2[%dma_start3A, %dma_start3A_14, %dma_start3A_15] : memref<1x10000x128xf32, #tpu.memory_space<hbm>> -> memref<1x10000x128xf32, #tpu.memory_space<hbm>>
    %dma_start3A_17 = tpu.memref_squeeze %dma_start3A_16 : memref<1x10000x128xf32, #tpu.memory_space<hbm>> -> memref<10000x128xf32, #tpu.memory_space<hbm>>
    %dma_start3A_18 = arith.constant 0 : i32
    %dma_start3A_19 = arith.constant 0 : i32
    %dma_start3A_20 = tpu.memref_slice %dma_start3A_17[%dma_start3A_18, %dma_start3A_19] : memref<10000x128xf32, #tpu.memory_space<hbm>> -> memref<10000x128xf32, #tpu.memory_space<hbm>>
    tpu.enqueue_indirect_dma source(%dma_start3A_20 : memref<10000x128xf32, #tpu.memory_space<hbm>>) target(%dma_start3A_10 : memref<128x128xf32, #tpu.memory_space<vmem>>) offsets(%dma_start3A_13 : memref<128xi32, #tpu.memory_space<vmem>>) semaphore(%arg11 : memref<!tpu.dma_semaphore, #tpu.memory_space<semaphore_mem>>)
    %dma_start3A_21 = arith.constant 0 : i32
    %dma_start3A_22 = arith.constant 1 : i32
    %dma_start3A_23 = arith.constant 1 : i32
    %dma_start3A_24 = arith.constant 0 : i32
    %dma_start3A_25 = arith.constant 0 : i32
    %dma_start3A_26 = tpu.memref_slice %arg9[%dma_start3A_23, %dma_start3A_24, %dma_start3A_25] : memref<2x128x128xf32, #tpu.memory_space<vmem>> -> memref<1x128x128xf32, #tpu.memory_space<vmem>>
    %dma_start3A_27 = tpu.memref_squeeze %dma_start3A_26 : memref<1x128x128xf32, #tpu.memory_space<vmem>> -> memref<128x128xf32, #tpu.memory_space<vmem>>
    %dma_start3A_28 = arith.constant 0 : i32
    %dma_start3A_29 = tpu.memref_slice %arg7[%dma_start3A_22, %dma_start3A_28] : memref<40x128xi32, #tpu.memory_space<vmem>> -> memref<1x128xi32, #tpu.memory_space<vmem>>
    %dma_start3A_30 = tpu.memref_squeeze %dma_start3A_29 : memref<1x128xi32, #tpu.memory_space<vmem>> -> memref<128xi32, #tpu.memory_space<vmem>>
    %dma_start3A_31 = arith.constant 0 : i32
    %dma_start3A_32 = arith.constant 0 : i32
    %dma_start3A_33 = tpu.memref_slice %arg2[%dma_start3A_21, %dma_start3A_31, %dma_start3A_32] : memref<1x10000x128xf32, #tpu.memory_space<hbm>> -> memref<1x10000x128xf32, #tpu.memory_space<hbm>>
    %dma_start3A_34 = tpu.memref_squeeze %dma_start3A_33 : memref<1x10000x128xf32, #tpu.memory_space<hbm>> -> memref<10000x128xf32, #tpu.memory_space<hbm>>
    %dma_start3A_35 = arith.constant 0 : i32
    %dma_start3A_36 = arith.constant 0 : i32
    %dma_start3A_37 = tpu.memref_slice %dma_start3A_34[%dma_start3A_35, %dma_start3A_36] : memref<10000x128xf32, #tpu.memory_space<hbm>> -> memref<10000x128xf32, #tpu.memory_space<hbm>>
    tpu.enqueue_indirect_dma source(%dma_start3A_37 : memref<10000x128xf32, #tpu.memory_space<hbm>>) target(%dma_start3A_27 : memref<128x128xf32, #tpu.memory_space<vmem>>) offsets(%dma_start3A_30 : memref<128xi32, #tpu.memory_space<vmem>>) semaphore(%arg12 : memref<!tpu.dma_semaphore, #tpu.memory_space<semaphore_mem>>)
    %scan3A = arith.constant 0 : i32
    %scan3A_38 = arith.constant 0 : i32
    %scan3A_39 = arith.constant 0 : i32
    %scan3A_40 = arith.constant 20 : i32
    %scan3A_41 = arith.addi %scan3A_39, %scan3A_40 : i32
    %scan3A_42 = arith.constant 1 : i32
    scf.for %scan3A_90 = %scan3A_39 to %scan3A_41 step %scan3A_42  : i32 {
      %mul3A_91 = arith.constant 2 : i32
      %mul3A_92 = arith.muli %mul3A_91, %scan3A_90 : i32
      %dma_wait3A = arith.constant 0 : i32
      %dma_wait3A_93 = arith.constant 0 : i32
      %dma_wait3A_94 = arith.constant 0 : i32
      %dma_wait3A_95 = tpu.memref_slice %arg9[%dma_wait3A, %dma_wait3A_93, %dma_wait3A_94] : memref<2x128x128xf32, #tpu.memory_space<vmem>> -> memref<1x128x128xf32, #tpu.memory_space<vmem>>
      %dma_wait3A_96 = tpu.memref_squeeze %dma_wait3A_95 : memref<1x128x128xf32, #tpu.memory_space<vmem>> -> memref<128x128xf32, #tpu.memory_space<vmem>>
      %dma_wait3A_97 = arith.constant 0 : i32
      %dma_wait3A_98 = tpu.memref_slice %arg7[%mul3A_92, %dma_wait3A_97] : memref<40x128xi32, #tpu.memory_space<vmem>> -> memref<1x128xi32, #tpu.memory_space<vmem>>
      %dma_wait3A_99 = tpu.memref_squeeze %dma_wait3A_98 : memref<1x128xi32, #tpu.memory_space<vmem>> -> memref<128xi32, #tpu.memory_space<vmem>>
      %dma_wait3A_100 = arith.constant 0 : i32
      %dma_wait3A_101 = arith.constant 0 : i32
      %dma_wait3A_102 = tpu.memref_slice %arg2[%scan3A_38, %dma_wait3A_100, %dma_wait3A_101] : memref<1x10000x128xf32, #tpu.memory_space<hbm>> -> memref<1x10000x128xf32, #tpu.memory_space<hbm>>
      %dma_wait3A_103 = tpu.memref_squeeze %dma_wait3A_102 : memref<1x10000x128xf32, #tpu.memory_space<hbm>> -> memref<10000x128xf32, #tpu.memory_space<hbm>>
      %dma_wait3A_104 = arith.constant 0 : i32
      %dma_wait3A_105 = arith.constant 0 : i32
      %dma_wait3A_106 = tpu.memref_slice %dma_wait3A_103[%dma_wait3A_104, %dma_wait3A_105] : memref<10000x128xf32, #tpu.memory_space<hbm>> -> memref<10000x128xf32, #tpu.memory_space<hbm>>
      tpu.wait_indirect_dma semaphore(%arg11 : memref<!tpu.dma_semaphore, #tpu.memory_space<semaphore_mem>>) src(%dma_wait3A_106 : memref<10000x128xf32, #tpu.memory_space<hbm>>) dst(%dma_wait3A_96 : memref<128x128xf32, #tpu.memory_space<vmem>>)
      %run_scoped3A_107 = arith.constant 0 : i32
      "tpu.region"() ({
        %run_scoped3A_139 = tpu.sem_alloc : memref<!tpu.dma_semaphore, #tpu.memory_space<semaphore_mem>>
        %dma_start3A_140 = arith.constant 0 : i32
        %dma_start3A_141 = arith.constant 0 : i32
        %dma_start3A_142 = tpu.memref_slice %arg9[%run_scoped3A_107, %dma_start3A_140, %dma_start3A_141] : memref<2x128x128xf32, #tpu.memory_space<vmem>> -> memref<1x128x128xf32, #tpu.memory_space<vmem>>
        %dma_start3A_143 = tpu.memref_squeeze %dma_start3A_142 : memref<1x128x128xf32, #tpu.memory_space<vmem>> -> memref<128x128xf32, #tpu.memory_space<vmem>>
        %dma_start3A_144 = arith.constant 0 : i32
        %dma_start3A_145 = tpu.memref_slice %arg8[%mul3A_92, %dma_start3A_144] : memref<40x128xi32, #tpu.memory_space<vmem>> -> memref<1x128xi32, #tpu.memory_space<vmem>>
        %dma_start3A_146 = tpu.memref_squeeze %dma_start3A_145 : memref<1x128xi32, #tpu.memory_space<vmem>> -> memref<128xi32, #tpu.memory_space<vmem>>
        %dma_start3A_147 = arith.constant 0 : i32
        %dma_start3A_148 = arith.constant 0 : i32
        %dma_start3A_149 = tpu.memref_slice %arg10[%dma_start3A_147, %dma_start3A_148] : memref<10240x128xf32, #tpu.memory_space<vmem_shared>> -> memref<10240x128xf32, #tpu.memory_space<vmem_shared>>
        tpu.enqueue_indirect_dma source(%dma_start3A_143 : memref<128x128xf32, #tpu.memory_space<vmem>>) target(%dma_start3A_149 : memref<10240x128xf32, #tpu.memory_space<vmem_shared>>) offsets(%dma_start3A_146 : memref<128xi32, #tpu.memory_space<vmem>>) semaphore(%run_scoped3A_139 : memref<!tpu.dma_semaphore, #tpu.memory_space<semaphore_mem>>) {add = true}
        %dma_wait3A_150 = arith.constant 0 : i32
        %dma_wait3A_151 = arith.constant 0 : i32
        %dma_wait3A_152 = tpu.memref_slice %arg9[%run_scoped3A_107, %dma_wait3A_150, %dma_wait3A_151] : memref<2x128x128xf32, #tpu.memory_space<vmem>> -> memref<1x128x128xf32, #tpu.memory_space<vmem>>
        %dma_wait3A_153 = tpu.memref_squeeze %dma_wait3A_152 : memref<1x128x128xf32, #tpu.memory_space<vmem>> -> memref<128x128xf32, #tpu.memory_space<vmem>>
        %dma_wait3A_154 = arith.constant 0 : i32
        %dma_wait3A_155 = tpu.memref_slice %arg8[%mul3A_92, %dma_wait3A_154] : memref<40x128xi32, #tpu.memory_space<vmem>> -> memref<1x128xi32, #tpu.memory_space<vmem>>
        %dma_wait3A_156 = tpu.memref_squeeze %dma_wait3A_155 : memref<1x128xi32, #tpu.memory_space<vmem>> -> memref<128xi32, #tpu.memory_space<vmem>>
        %dma_wait3A_157 = arith.constant 0 : i32
        %dma_wait3A_158 = arith.constant 0 : i32
        %dma_wait3A_159 = tpu.memref_slice %arg10[%dma_wait3A_157, %dma_wait3A_158] : memref<10240x128xf32, #tpu.memory_space<vmem_shared>> -> memref<10240x128xf32, #tpu.memory_space<vmem_shared>>
        tpu.wait_indirect_dma semaphore(%run_scoped3A_139 : memref<!tpu.dma_semaphore, #tpu.memory_space<semaphore_mem>>) src(%dma_wait3A_153 : memref<128x128xf32, #tpu.memory_space<vmem>>) dst(%dma_wait3A_159 : memref<10240x128xf32, #tpu.memory_space<vmem_shared>>)
        tpu.yield
      }) : () -> ()
      %add3A_108 = arith.constant 2 : i32
      %add3A_109 = arith.addi %mul3A_92, %add3A_108 : i32
      %lt3A = arith.constant 40 : i32
      %lt3A_110 = arith.cmpi slt, %add3A_109, %lt3A : i32
      %convert_element_type3A = arith.extui %lt3A_110 : i1 to i32
      %cond3A = arith.constant 0 : i32
      %cond3A_111 = arith.cmpi ne, %convert_element_type3A, %cond3A : i32
      scf.if %cond3A_111 {
        %add3A_139 = arith.constant 2 : i32
        %add3A_140 = arith.addi %mul3A_92, %add3A_139 : i32
        %dma_start3A_141 = arith.constant 0 : i32
        %dma_start3A_142 = arith.constant 0 : i32
        %dma_start3A_143 = arith.constant 0 : i32
        %dma_start3A_144 = tpu.memref_slice %arg9[%dma_start3A_141, %dma_start3A_142, %dma_start3A_143] : memref<2x128x128xf32, #tpu.memory_space<vmem>> -> memref<1x128x128xf32, #tpu.memory_space<vmem>>
        %dma_start3A_145 = tpu.memref_squeeze %dma_start3A_144 : memref<1x128x128xf32, #tpu.memory_space<vmem>> -> memref<128x128xf32, #tpu.memory_space<vmem>>
        %dma_start3A_146 = arith.constant 0 : i32
        %dma_start3A_147 = tpu.memref_slice %arg7[%add3A_140, %dma_start3A_146] : memref<40x128xi32, #tpu.memory_space<vmem>> -> memref<1x128xi32, #tpu.memory_space<vmem>>
        %dma_start3A_148 = tpu.memref_squeeze %dma_start3A_147 : memref<1x128xi32, #tpu.memory_space<vmem>> -> memref<128xi32, #tpu.memory_space<vmem>>
        %dma_start3A_149 = arith.constant 0 : i32
        %dma_start3A_150 = arith.constant 0 : i32
        %dma_start3A_151 = tpu.memref_slice %arg2[%scan3A_38, %dma_start3A_149, %dma_start3A_150] : memref<1x10000x128xf32, #tpu.memory_space<hbm>> -> memref<1x10000x128xf32, #tpu.memory_space<hbm>>
        %dma_start3A_152 = tpu.memref_squeeze %dma_start3A_151 : memref<1x10000x128xf32, #tpu.memory_space<hbm>> -> memref<10000x128xf32, #tpu.memory_space<hbm>>
        %dma_start3A_153 = arith.constant 0 : i32
        %dma_start3A_154 = arith.constant 0 : i32
        %dma_start3A_155 = tpu.memref_slice %dma_start3A_152[%dma_start3A_153, %dma_start3A_154] : memref<10000x128xf32, #tpu.memory_space<hbm>> -> memref<10000x128xf32, #tpu.memory_space<hbm>>
        tpu.enqueue_indirect_dma source(%dma_start3A_155 : memref<10000x128xf32, #tpu.memory_space<hbm>>) target(%dma_start3A_145 : memref<128x128xf32, #tpu.memory_space<vmem>>) offsets(%dma_start3A_148 : memref<128xi32, #tpu.memory_space<vmem>>) semaphore(%arg11 : memref<!tpu.dma_semaphore, #tpu.memory_space<semaphore_mem>>)
      } else {
      }
      %add3A_112 = arith.constant 1 : i32
      %add3A_113 = arith.addi %mul3A_92, %add3A_112 : i32
      %dma_wait3A_114 = arith.constant 1 : i32
      %dma_wait3A_115 = arith.constant 0 : i32
      %dma_wait3A_116 = arith.constant 0 : i32
      %dma_wait3A_117 = tpu.memref_slice %arg9[%dma_wait3A_114, %dma_wait3A_115, %dma_wait3A_116] : memref<2x128x128xf32, #tpu.memory_space<vmem>> -> memref<1x128x128xf32, #tpu.memory_space<vmem>>
      %dma_wait3A_118 = tpu.memref_squeeze %dma_wait3A_117 : memref<1x128x128xf32, #tpu.memory_space<vmem>> -> memref<128x128xf32, #tpu.memory_space<vmem>>
      %dma_wait3A_119 = arith.constant 0 : i32
      %dma_wait3A_120 = tpu.memref_slice %arg7[%add3A_113, %dma_wait3A_119] : memref<40x128xi32, #tpu.memory_space<vmem>> -> memref<1x128xi32, #tpu.memory_space<vmem>>
      %dma_wait3A_121 = tpu.memref_squeeze %dma_wait3A_120 : memref<1x128xi32, #tpu.memory_space<vmem>> -> memref<128xi32, #tpu.memory_space<vmem>>
      %dma_wait3A_122 = arith.constant 0 : i32
      %dma_wait3A_123 = arith.constant 0 : i32
      %dma_wait3A_124 = tpu.memref_slice %arg2[%scan3A_38, %dma_wait3A_122, %dma_wait3A_123] : memref<1x10000x128xf32, #tpu.memory_space<hbm>> -> memref<1x10000x128xf32, #tpu.memory_space<hbm>>
      %dma_wait3A_125 = tpu.memref_squeeze %dma_wait3A_124 : memref<1x10000x128xf32, #tpu.memory_space<hbm>> -> memref<10000x128xf32, #tpu.memory_space<hbm>>
      %dma_wait3A_126 = arith.constant 0 : i32
      %dma_wait3A_127 = arith.constant 0 : i32
      %dma_wait3A_128 = tpu.memref_slice %dma_wait3A_125[%dma_wait3A_126, %dma_wait3A_127] : memref<10000x128xf32, #tpu.memory_space<hbm>> -> memref<10000x128xf32, #tpu.memory_space<hbm>>
      tpu.wait_indirect_dma semaphore(%arg12 : memref<!tpu.dma_semaphore, #tpu.memory_space<semaphore_mem>>) src(%dma_wait3A_128 : memref<10000x128xf32, #tpu.memory_space<hbm>>) dst(%dma_wait3A_118 : memref<128x128xf32, #tpu.memory_space<vmem>>)
      %add3A_129 = arith.constant 1 : i32
      %add3A_130 = arith.addi %mul3A_92, %add3A_129 : i32
      %run_scoped3A_131 = arith.constant 1 : i32
      "tpu.region"() ({
        %run_scoped3A_139 = tpu.sem_alloc : memref<!tpu.dma_semaphore, #tpu.memory_space<semaphore_mem>>
        %dma_start3A_140 = arith.constant 0 : i32
        %dma_start3A_141 = arith.constant 0 : i32
        %dma_start3A_142 = tpu.memref_slice %arg9[%run_scoped3A_131, %dma_start3A_140, %dma_start3A_141] : memref<2x128x128xf32, #tpu.memory_space<vmem>> -> memref<1x128x128xf32, #tpu.memory_space<vmem>>
        %dma_start3A_143 = tpu.memref_squeeze %dma_start3A_142 : memref<1x128x128xf32, #tpu.memory_space<vmem>> -> memref<128x128xf32, #tpu.memory_space<vmem>>
        %dma_start3A_144 = arith.constant 0 : i32
        %dma_start3A_145 = tpu.memref_slice %arg8[%add3A_130, %dma_start3A_144] : memref<40x128xi32, #tpu.memory_space<vmem>> -> memref<1x128xi32, #tpu.memory_space<vmem>>
        %dma_start3A_146 = tpu.memref_squeeze %dma_start3A_145 : memref<1x128xi32, #tpu.memory_space<vmem>> -> memref<128xi32, #tpu.memory_space<vmem>>
        %dma_start3A_147 = arith.constant 0 : i32
        %dma_start3A_148 = arith.constant 0 : i32
        %dma_start3A_149 = tpu.memref_slice %arg10[%dma_start3A_147, %dma_start3A_148] : memref<10240x128xf32, #tpu.memory_space<vmem_shared>> -> memref<10240x128xf32, #tpu.memory_space<vmem_shared>>
        tpu.enqueue_indirect_dma source(%dma_start3A_143 : memref<128x128xf32, #tpu.memory_space<vmem>>) target(%dma_start3A_149 : memref<10240x128xf32, #tpu.memory_space<vmem_shared>>) offsets(%dma_start3A_146 : memref<128xi32, #tpu.memory_space<vmem>>) semaphore(%run_scoped3A_139 : memref<!tpu.dma_semaphore, #tpu.memory_space<semaphore_mem>>) {add = true}
        %dma_wait3A_150 = arith.constant 0 : i32
        %dma_wait3A_151 = arith.constant 0 : i32
        %dma_wait3A_152 = tpu.memref_slice %arg9[%run_scoped3A_131, %dma_wait3A_150, %dma_wait3A_151] : memref<2x128x128xf32, #tpu.memory_space<vmem>> -> memref<1x128x128xf32, #tpu.memory_space<vmem>>
        %dma_wait3A_153 = tpu.memref_squeeze %dma_wait3A_152 : memref<1x128x128xf32, #tpu.memory_space<vmem>> -> memref<128x128xf32, #tpu.memory_space<vmem>>
        %dma_wait3A_154 = arith.constant 0 : i32
        %dma_wait3A_155 = tpu.memref_slice %arg8[%add3A_130, %dma_wait3A_154] : memref<40x128xi32, #tpu.memory_space<vmem>> -> memref<1x128xi32, #tpu.memory_space<vmem>>
        %dma_wait3A_156 = tpu.memref_squeeze %dma_wait3A_155 : memref<1x128xi32, #tpu.memory_space<vmem>> -> memref<128xi32, #tpu.memory_space<vmem>>
        %dma_wait3A_157 = arith.constant 0 : i32
        %dma_wait3A_158 = arith.constant 0 : i32
        %dma_wait3A_159 = tpu.memref_slice %arg10[%dma_wait3A_157, %dma_wait3A_158] : memref<10240x128xf32, #tpu.memory_space<vmem_shared>> -> memref<10240x128xf32, #tpu.memory_space<vmem_shared>>
        tpu.wait_indirect_dma semaphore(%run_scoped3A_139 : memref<!tpu.dma_semaphore, #tpu.memory_space<semaphore_mem>>) src(%dma_wait3A_153 : memref<128x128xf32, #tpu.memory_space<vmem>>) dst(%dma_wait3A_159 : memref<10240x128xf32, #tpu.memory_space<vmem_shared>>)
        tpu.yield
      }) : () -> ()
      %add3A_132 = arith.constant 3 : i32
      %add3A_133 = arith.addi %mul3A_92, %add3A_132 : i32
      %lt3A_134 = arith.constant 40 : i32
      %lt3A_135 = arith.cmpi slt, %add3A_133, %lt3A_134 : i32
      %convert_element_type3A_136 = arith.extui %lt3A_135 : i1 to i32
      %cond3A_137 = arith.constant 0 : i32
      %cond3A_138 = arith.cmpi ne, %convert_element_type3A_136, %cond3A_137 : i32
      scf.if %cond3A_138 {
        %add3A_139 = arith.constant 3 : i32
        %add3A_140 = arith.addi %mul3A_92, %add3A_139 : i32
        %dma_start3A_141 = arith.constant 1 : i32
        %dma_start3A_142 = arith.constant 0 : i32
        %dma_start3A_143 = arith.constant 0 : i32
        %dma_start3A_144 = tpu.memref_slice %arg9[%dma_start3A_141, %dma_start3A_142, %dma_start3A_143] : memref<2x128x128xf32, #tpu.memory_space<vmem>> -> memref<1x128x128xf32, #tpu.memory_space<vmem>>
        %dma_start3A_145 = tpu.memref_squeeze %dma_start3A_144 : memref<1x128x128xf32, #tpu.memory_space<vmem>> -> memref<128x128xf32, #tpu.memory_space<vmem>>
        %dma_start3A_146 = arith.constant 0 : i32
        %dma_start3A_147 = tpu.memref_slice %arg7[%add3A_140, %dma_start3A_146] : memref<40x128xi32, #tpu.memory_space<vmem>> -> memref<1x128xi32, #tpu.memory_space<vmem>>
        %dma_start3A_148 = tpu.memref_squeeze %dma_start3A_147 : memref<1x128xi32, #tpu.memory_space<vmem>> -> memref<128xi32, #tpu.memory_space<vmem>>
        %dma_start3A_149 = arith.constant 0 : i32
        %dma_start3A_150 = arith.constant 0 : i32
        %dma_start3A_151 = tpu.memref_slice %arg2[%scan3A_38, %dma_start3A_149, %dma_start3A_150] : memref<1x10000x128xf32, #tpu.memory_space<hbm>> -> memref<1x10000x128xf32, #tpu.memory_space<hbm>>
        %dma_start3A_152 = tpu.memref_squeeze %dma_start3A_151 : memref<1x10000x128xf32, #tpu.memory_space<hbm>> -> memref<10000x128xf32, #tpu.memory_space<hbm>>
        %dma_start3A_153 = arith.constant 0 : i32
        %dma_start3A_154 = arith.constant 0 : i32
        %dma_start3A_155 = tpu.memref_slice %dma_start3A_152[%dma_start3A_153, %dma_start3A_154] : memref<10000x128xf32, #tpu.memory_space<hbm>> -> memref<10000x128xf32, #tpu.memory_space<hbm>>
        tpu.enqueue_indirect_dma source(%dma_start3A_155 : memref<10000x128xf32, #tpu.memory_space<hbm>>) target(%dma_start3A_145 : memref<128x128xf32, #tpu.memory_space<vmem>>) offsets(%dma_start3A_148 : memref<128xi32, #tpu.memory_space<vmem>>) semaphore(%arg12 : memref<!tpu.dma_semaphore, #tpu.memory_space<semaphore_mem>>)
      } else {
      }
    }
    %scan3A_43 = arith.constant 20 : i32
    "tpu.region"() ({
      %run_scoped3A_90 = tpu.sem_alloc : memref<!tpu.dma_semaphore, #tpu.memory_space<semaphore_mem>>
      %dma_start3A_91 = arith.constant 40 : i32
      %dma_start3A_92 = arith.constant 0 : i32
      %dma_start3A_93 = tpu.memref_slice %arg3[%add3A, %dma_start3A_91, %dma_start3A_92] : memref<32x80x128xi32, #tpu.memory_space<hbm>> -> memref<1x40x128xi32, #tpu.memory_space<hbm>>
      %dma_start3A_94 = tpu.memref_squeeze %dma_start3A_93 : memref<1x40x128xi32, #tpu.memory_space<hbm>> -> memref<40x128xi32, #tpu.memory_space<hbm>>
      %dma_start3A_95 = arith.constant 40 : i32
      %dma_start3A_96 = arith.constant 0 : i32
      %dma_start3A_97 = tpu.memref_slice %arg3[%add3A, %dma_start3A_95, %dma_start3A_96] : memref<32x80x128xi32, #tpu.memory_space<hbm>> -> memref<1x40x128xi32, #tpu.memory_space<hbm>>
      %dma_start3A_98 = tpu.memref_squeeze %dma_start3A_97 : memref<1x40x128xi32, #tpu.memory_space<hbm>> -> memref<40x128xi32, #tpu.memory_space<hbm>>
      tpu.enqueue_dma source(%dma_start3A_98 : memref<40x128xi32, #tpu.memory_space<hbm>>) target(%arg7 : memref<40x128xi32, #tpu.memory_space<vmem>>) target_semaphore(%run_scoped3A_90 : memref<!tpu.dma_semaphore, #tpu.memory_space<semaphore_mem>>)
      %dma_wait3A = arith.constant 40 : i32
      %dma_wait3A_99 = arith.constant 0 : i32
      %dma_wait3A_100 = tpu.memref_slice %arg3[%add3A, %dma_wait3A, %dma_wait3A_99] : memref<32x80x128xi32, #tpu.memory_space<hbm>> -> memref<1x40x128xi32, #tpu.memory_space<hbm>>
      %dma_wait3A_101 = tpu.memref_squeeze %dma_wait3A_100 : memref<1x40x128xi32, #tpu.memory_space<hbm>> -> memref<40x128xi32, #tpu.memory_space<hbm>>
      %dma_wait3A_102 = arith.constant 40 : i32
      %dma_wait3A_103 = arith.constant 0 : i32
      %dma_wait3A_104 = tpu.memref_slice %arg3[%add3A, %dma_wait3A_102, %dma_wait3A_103] : memref<32x80x128xi32, #tpu.memory_space<hbm>> -> memref<1x40x128xi32, #tpu.memory_space<hbm>>
      %dma_wait3A_105 = tpu.memref_squeeze %dma_wait3A_104 : memref<1x40x128xi32, #tpu.memory_space<hbm>> -> memref<40x128xi32, #tpu.memory_space<hbm>>
      tpu.wait_dma2 semaphore(%run_scoped3A_90 : memref<!tpu.dma_semaphore, #tpu.memory_space<semaphore_mem>>) src(%dma_wait3A_105 : memref<40x128xi32, #tpu.memory_space<hbm>>) dst(%arg7 : memref<40x128xi32, #tpu.memory_space<vmem>>)
      tpu.yield
    }) : () -> ()
    "tpu.region"() ({
      %run_scoped3A_90 = tpu.sem_alloc : memref<!tpu.dma_semaphore, #tpu.memory_space<semaphore_mem>>
      %dma_start3A_91 = arith.constant 40 : i32
      %dma_start3A_92 = arith.constant 0 : i32
      %dma_start3A_93 = tpu.memref_slice %arg4[%add3A, %dma_start3A_91, %dma_start3A_92] : memref<32x80x128xi32, #tpu.memory_space<hbm>> -> memref<1x40x128xi32, #tpu.memory_space<hbm>>
      %dma_start3A_94 = tpu.memref_squeeze %dma_start3A_93 : memref<1x40x128xi32, #tpu.memory_space<hbm>> -> memref<40x128xi32, #tpu.memory_space<hbm>>
      %dma_start3A_95 = arith.constant 40 : i32
      %dma_start3A_96 = arith.constant 0 : i32
      %dma_start3A_97 = tpu.memref_slice %arg4[%add3A, %dma_start3A_95, %dma_start3A_96] : memref<32x80x128xi32, #tpu.memory_space<hbm>> -> memref<1x40x128xi32, #tpu.memory_space<hbm>>
      %dma_start3A_98 = tpu.memref_squeeze %dma_start3A_97 : memref<1x40x128xi32, #tpu.memory_space<hbm>> -> memref<40x128xi32, #tpu.memory_space<hbm>>
      tpu.enqueue_dma source(%dma_start3A_98 : memref<40x128xi32, #tpu.memory_space<hbm>>) target(%arg8 : memref<40x128xi32, #tpu.memory_space<vmem>>) target_semaphore(%run_scoped3A_90 : memref<!tpu.dma_semaphore, #tpu.memory_space<semaphore_mem>>)
      %dma_wait3A = arith.constant 40 : i32
      %dma_wait3A_99 = arith.constant 0 : i32
      %dma_wait3A_100 = tpu.memref_slice %arg4[%add3A, %dma_wait3A, %dma_wait3A_99] : memref<32x80x128xi32, #tpu.memory_space<hbm>> -> memref<1x40x128xi32, #tpu.memory_space<hbm>>
      %dma_wait3A_101 = tpu.memref_squeeze %dma_wait3A_100 : memref<1x40x128xi32, #tpu.memory_space<hbm>> -> memref<40x128xi32, #tpu.memory_space<hbm>>
      %dma_wait3A_102 = arith.constant 40 : i32
      %dma_wait3A_103 = arith.constant 0 : i32
      %dma_wait3A_104 = tpu.memref_slice %arg4[%add3A, %dma_wait3A_102, %dma_wait3A_103] : memref<32x80x128xi32, #tpu.memory_space<hbm>> -> memref<1x40x128xi32, #tpu.memory_space<hbm>>
      %dma_wait3A_105 = tpu.memref_squeeze %dma_wait3A_104 : memref<1x40x128xi32, #tpu.memory_space<hbm>> -> memref<40x128xi32, #tpu.memory_space<hbm>>
      tpu.wait_dma2 semaphore(%run_scoped3A_90 : memref<!tpu.dma_semaphore, #tpu.memory_space<semaphore_mem>>) src(%dma_wait3A_105 : memref<40x128xi32, #tpu.memory_space<hbm>>) dst(%arg8 : memref<40x128xi32, #tpu.memory_space<vmem>>)
      tpu.yield
    }) : () -> ()
    %dma_start3A_44 = arith.constant 0 : i32
    %dma_start3A_45 = arith.constant 0 : i32
    %dma_start3A_46 = arith.constant 0 : i32
    %dma_start3A_47 = arith.constant 0 : i32
    %dma_start3A_48 = arith.constant 0 : i32
    %dma_start3A_49 = tpu.memref_slice %arg9[%dma_start3A_46, %dma_start3A_47, %dma_start3A_48] : memref<2x128x128xf32, #tpu.memory_space<vmem>> -> memref<1x128x128xf32, #tpu.memory_space<vmem>>
    %dma_start3A_50 = tpu.memref_squeeze %dma_start3A_49 : memref<1x128x128xf32, #tpu.memory_space<vmem>> -> memref<128x128xf32, #tpu.memory_space<vmem>>
    %dma_start3A_51 = arith.constant 0 : i32
    %dma_start3A_52 = tpu.memref_slice %arg7[%dma_start3A_45, %dma_start3A_51] : memref<40x128xi32, #tpu.memory_space<vmem>> -> memref<1x128xi32, #tpu.memory_space<vmem>>
    %dma_start3A_53 = tpu.memref_squeeze %dma_start3A_52 : memref<1x128xi32, #tpu.memory_space<vmem>> -> memref<128xi32, #tpu.memory_space<vmem>>
    %dma_start3A_54 = arith.constant 0 : i32
    %dma_start3A_55 = arith.constant 0 : i32
    %dma_start3A_56 = tpu.memref_slice %arg2[%dma_start3A_44, %dma_start3A_54, %dma_start3A_55] : memref<1x10000x128xf32, #tpu.memory_space<hbm>> -> memref<1x10000x128xf32, #tpu.memory_space<hbm>>
    %dma_start3A_57 = tpu.memref_squeeze %dma_start3A_56 : memref<1x10000x128xf32, #tpu.memory_space<hbm>> -> memref<10000x128xf32, #tpu.memory_space<hbm>>
    %dma_start3A_58 = arith.constant 0 : i32
    %dma_start3A_59 = arith.constant 0 : i32
    %dma_start3A_60 = tpu.memref_slice %dma_start3A_57[%dma_start3A_58, %dma_start3A_59] : memref<10000x128xf32, #tpu.memory_space<hbm>> -> memref<10000x128xf32, #tpu.memory_space<hbm>>
    tpu.enqueue_indirect_dma source(%dma_start3A_60 : memref<10000x128xf32, #tpu.memory_space<hbm>>) target(%dma_start3A_50 : memref<128x128xf32, #tpu.memory_space<vmem>>) offsets(%dma_start3A_53 : memref<128xi32, #tpu.memory_space<vmem>>) semaphore(%arg11 : memref<!tpu.dma_semaphore, #tpu.memory_space<semaphore_mem>>)
    %dma_start3A_61 = arith.constant 0 : i32
    %dma_start3A_62 = arith.constant 1 : i32
    %dma_start3A_63 = arith.constant 1 : i32
    %dma_start3A_64 = arith.constant 0 : i32
    %dma_start3A_65 = arith.constant 0 : i32
    %dma_start3A_66 = tpu.memref_slice %arg9[%dma_start3A_63, %dma_start3A_64, %dma_start3A_65] : memref<2x128x128xf32, #tpu.memory_space<vmem>> -> memref<1x128x128xf32, #tpu.memory_space<vmem>>
    %dma_start3A_67 = tpu.memref_squeeze %dma_start3A_66 : memref<1x128x128xf32, #tpu.memory_space<vmem>> -> memref<128x128xf32, #tpu.memory_space<vmem>>
    %dma_start3A_68 = arith.constant 0 : i32
    %dma_start3A_69 = tpu.memref_slice %arg7[%dma_start3A_62, %dma_start3A_68] : memref<40x128xi32, #tpu.memory_space<vmem>> -> memref<1x128xi32, #tpu.memory_space<vmem>>
    %dma_start3A_70 = tpu.memref_squeeze %dma_start3A_69 : memref<1x128xi32, #tpu.memory_space<vmem>> -> memref<128xi32, #tpu.memory_space<vmem>>
    %dma_start3A_71 = arith.constant 0 : i32
    %dma_start3A_72 = arith.constant 0 : i32
    %dma_start3A_73 = tpu.memref_slice %arg2[%dma_start3A_61, %dma_start3A_71, %dma_start3A_72] : memref<1x10000x128xf32, #tpu.memory_space<hbm>> -> memref<1x10000x128xf32, #tpu.memory_space<hbm>>
    %dma_start3A_74 = tpu.memref_squeeze %dma_start3A_73 : memref<1x10000x128xf32, #tpu.memory_space<hbm>> -> memref<10000x128xf32, #tpu.memory_space<hbm>>
    %dma_start3A_75 = arith.constant 0 : i32
    %dma_start3A_76 = arith.constant 0 : i32
    %dma_start3A_77 = tpu.memref_slice %dma_start3A_74[%dma_start3A_75, %dma_start3A_76] : memref<10000x128xf32, #tpu.memory_space<hbm>> -> memref<10000x128xf32, #tpu.memory_space<hbm>>
    tpu.enqueue_indirect_dma source(%dma_start3A_77 : memref<10000x128xf32, #tpu.memory_space<hbm>>) target(%dma_start3A_67 : memref<128x128xf32, #tpu.memory_space<vmem>>) offsets(%dma_start3A_70 : memref<128xi32, #tpu.memory_space<vmem>>) semaphore(%arg12 : memref<!tpu.dma_semaphore, #tpu.memory_space<semaphore_mem>>)
    %scan3A_78 = arith.constant 0 : i32
    %scan3A_79 = arith.constant 0 : i32
    %scan3A_80 = arith.constant 0 : i32
    %scan3A_81 = arith.constant 20 : i32
    %scan3A_82 = arith.addi %scan3A_80, %scan3A_81 : i32
    %scan3A_83 = arith.constant 1 : i32
    scf.for %scan3A_90 = %scan3A_80 to %scan3A_82 step %scan3A_83  : i32 {
      %mul3A_91 = arith.constant 2 : i32
      %mul3A_92 = arith.muli %mul3A_91, %scan3A_90 : i32
      %dma_wait3A = arith.constant 0 : i32
      %dma_wait3A_93 = arith.constant 0 : i32
      %dma_wait3A_94 = arith.constant 0 : i32
      %dma_wait3A_95 = tpu.memref_slice %arg9[%dma_wait3A, %dma_wait3A_93, %dma_wait3A_94] : memref<2x128x128xf32, #tpu.memory_space<vmem>> -> memref<1x128x128xf32, #tpu.memory_space<vmem>>
      %dma_wait3A_96 = tpu.memref_squeeze %dma_wait3A_95 : memref<1x128x128xf32, #tpu.memory_space<vmem>> -> memref<128x128xf32, #tpu.memory_space<vmem>>
      %dma_wait3A_97 = arith.constant 0 : i32
      %dma_wait3A_98 = tpu.memref_slice %arg7[%mul3A_92, %dma_wait3A_97] : memref<40x128xi32, #tpu.memory_space<vmem>> -> memref<1x128xi32, #tpu.memory_space<vmem>>
      %dma_wait3A_99 = tpu.memref_squeeze %dma_wait3A_98 : memref<1x128xi32, #tpu.memory_space<vmem>> -> memref<128xi32, #tpu.memory_space<vmem>>
      %dma_wait3A_100 = arith.constant 0 : i32
      %dma_wait3A_101 = arith.constant 0 : i32
      %dma_wait3A_102 = tpu.memref_slice %arg2[%scan3A_79, %dma_wait3A_100, %dma_wait3A_101] : memref<1x10000x128xf32, #tpu.memory_space<hbm>> -> memref<1x10000x128xf32, #tpu.memory_space<hbm>>
      %dma_wait3A_103 = tpu.memref_squeeze %dma_wait3A_102 : memref<1x10000x128xf32, #tpu.memory_space<hbm>> -> memref<10000x128xf32, #tpu.memory_space<hbm>>
      %dma_wait3A_104 = arith.constant 0 : i32
      %dma_wait3A_105 = arith.constant 0 : i32
      %dma_wait3A_106 = tpu.memref_slice %dma_wait3A_103[%dma_wait3A_104, %dma_wait3A_105] : memref<10000x128xf32, #tpu.memory_space<hbm>> -> memref<10000x128xf32, #tpu.memory_space<hbm>>
      tpu.wait_indirect_dma semaphore(%arg11 : memref<!tpu.dma_semaphore, #tpu.memory_space<semaphore_mem>>) src(%dma_wait3A_106 : memref<10000x128xf32, #tpu.memory_space<hbm>>) dst(%dma_wait3A_96 : memref<128x128xf32, #tpu.memory_space<vmem>>)
      %run_scoped3A_107 = arith.constant 0 : i32
      "tpu.region"() ({
        %run_scoped3A_139 = tpu.sem_alloc : memref<!tpu.dma_semaphore, #tpu.memory_space<semaphore_mem>>
        %dma_start3A_140 = arith.constant 0 : i32
        %dma_start3A_141 = arith.constant 0 : i32
        %dma_start3A_142 = tpu.memref_slice %arg9[%run_scoped3A_107, %dma_start3A_140, %dma_start3A_141] : memref<2x128x128xf32, #tpu.memory_space<vmem>> -> memref<1x128x128xf32, #tpu.memory_space<vmem>>
        %dma_start3A_143 = tpu.memref_squeeze %dma_start3A_142 : memref<1x128x128xf32, #tpu.memory_space<vmem>> -> memref<128x128xf32, #tpu.memory_space<vmem>>
        %dma_start3A_144 = arith.constant 0 : i32
        %dma_start3A_145 = tpu.memref_slice %arg8[%mul3A_92, %dma_start3A_144] : memref<40x128xi32, #tpu.memory_space<vmem>> -> memref<1x128xi32, #tpu.memory_space<vmem>>
        %dma_start3A_146 = tpu.memref_squeeze %dma_start3A_145 : memref<1x128xi32, #tpu.memory_space<vmem>> -> memref<128xi32, #tpu.memory_space<vmem>>
        %dma_start3A_147 = arith.constant 0 : i32
        %dma_start3A_148 = arith.constant 0 : i32
        %dma_start3A_149 = tpu.memref_slice %arg10[%dma_start3A_147, %dma_start3A_148] : memref<10240x128xf32, #tpu.memory_space<vmem_shared>> -> memref<10240x128xf32, #tpu.memory_space<vmem_shared>>
        tpu.enqueue_indirect_dma source(%dma_start3A_143 : memref<128x128xf32, #tpu.memory_space<vmem>>) target(%dma_start3A_149 : memref<10240x128xf32, #tpu.memory_space<vmem_shared>>) offsets(%dma_start3A_146 : memref<128xi32, #tpu.memory_space<vmem>>) semaphore(%run_scoped3A_139 : memref<!tpu.dma_semaphore, #tpu.memory_space<semaphore_mem>>) {add = true}
        %dma_wait3A_150 = arith.constant 0 : i32
        %dma_wait3A_151 = arith.constant 0 : i32
        %dma_wait3A_152 = tpu.memref_slice %arg9[%run_scoped3A_107, %dma_wait3A_150, %dma_wait3A_151] : memref<2x128x128xf32, #tpu.memory_space<vmem>> -> memref<1x128x128xf32, #tpu.memory_space<vmem>>
        %dma_wait3A_153 = tpu.memref_squeeze %dma_wait3A_152 : memref<1x128x128xf32, #tpu.memory_space<vmem>> -> memref<128x128xf32, #tpu.memory_space<vmem>>
        %dma_wait3A_154 = arith.constant 0 : i32
        %dma_wait3A_155 = tpu.memref_slice %arg8[%mul3A_92, %dma_wait3A_154] : memref<40x128xi32, #tpu.memory_space<vmem>> -> memref<1x128xi32, #tpu.memory_space<vmem>>
        %dma_wait3A_156 = tpu.memref_squeeze %dma_wait3A_155 : memref<1x128xi32, #tpu.memory_space<vmem>> -> memref<128xi32, #tpu.memory_space<vmem>>
        %dma_wait3A_157 = arith.constant 0 : i32
        %dma_wait3A_158 = arith.constant 0 : i32
        %dma_wait3A_159 = tpu.memref_slice %arg10[%dma_wait3A_157, %dma_wait3A_158] : memref<10240x128xf32, #tpu.memory_space<vmem_shared>> -> memref<10240x128xf32, #tpu.memory_space<vmem_shared>>
        tpu.wait_indirect_dma semaphore(%run_scoped3A_139 : memref<!tpu.dma_semaphore, #tpu.memory_space<semaphore_mem>>) src(%dma_wait3A_153 : memref<128x128xf32, #tpu.memory_space<vmem>>) dst(%dma_wait3A_159 : memref<10240x128xf32, #tpu.memory_space<vmem_shared>>)
        tpu.yield
      }) : () -> ()
      %add3A_108 = arith.constant 2 : i32
      %add3A_109 = arith.addi %mul3A_92, %add3A_108 : i32
      %lt3A = arith.constant 40 : i32
      %lt3A_110 = arith.cmpi slt, %add3A_109, %lt3A : i32
      %convert_element_type3A = arith.extui %lt3A_110 : i1 to i32
      %cond3A = arith.constant 0 : i32
      %cond3A_111 = arith.cmpi ne, %convert_element_type3A, %cond3A : i32
      scf.if %cond3A_111 {
        %add3A_139 = arith.constant 2 : i32
        %add3A_140 = arith.addi %mul3A_92, %add3A_139 : i32
        %dma_start3A_141 = arith.constant 0 : i32
        %dma_start3A_142 = arith.constant 0 : i32
        %dma_start3A_143 = arith.constant 0 : i32
        %dma_start3A_144 = tpu.memref_slice %arg9[%dma_start3A_141, %dma_start3A_142, %dma_start3A_143] : memref<2x128x128xf32, #tpu.memory_space<vmem>> -> memref<1x128x128xf32, #tpu.memory_space<vmem>>
        %dma_start3A_145 = tpu.memref_squeeze %dma_start3A_144 : memref<1x128x128xf32, #tpu.memory_space<vmem>> -> memref<128x128xf32, #tpu.memory_space<vmem>>
        %dma_start3A_146 = arith.constant 0 : i32
        %dma_start3A_147 = tpu.memref_slice %arg7[%add3A_140, %dma_start3A_146] : memref<40x128xi32, #tpu.memory_space<vmem>> -> memref<1x128xi32, #tpu.memory_space<vmem>>
        %dma_start3A_148 = tpu.memref_squeeze %dma_start3A_147 : memref<1x128xi32, #tpu.memory_space<vmem>> -> memref<128xi32, #tpu.memory_space<vmem>>
        %dma_start3A_149 = arith.constant 0 : i32
        %dma_start3A_150 = arith.constant 0 : i32
        %dma_start3A_151 = tpu.memref_slice %arg2[%scan3A_79, %dma_start3A_149, %dma_start3A_150] : memref<1x10000x128xf32, #tpu.memory_space<hbm>> -> memref<1x10000x128xf32, #tpu.memory_space<hbm>>
        %dma_start3A_152 = tpu.memref_squeeze %dma_start3A_151 : memref<1x10000x128xf32, #tpu.memory_space<hbm>> -> memref<10000x128xf32, #tpu.memory_space<hbm>>
        %dma_start3A_153 = arith.constant 0 : i32
        %dma_start3A_154 = arith.constant 0 : i32
        %dma_start3A_155 = tpu.memref_slice %dma_start3A_152[%dma_start3A_153, %dma_start3A_154] : memref<10000x128xf32, #tpu.memory_space<hbm>> -> memref<10000x128xf32, #tpu.memory_space<hbm>>
        tpu.enqueue_indirect_dma source(%dma_start3A_155 : memref<10000x128xf32, #tpu.memory_space<hbm>>) target(%dma_start3A_145 : memref<128x128xf32, #tpu.memory_space<vmem>>) offsets(%dma_start3A_148 : memref<128xi32, #tpu.memory_space<vmem>>) semaphore(%arg11 : memref<!tpu.dma_semaphore, #tpu.memory_space<semaphore_mem>>)
      } else {
      }
      %add3A_112 = arith.constant 1 : i32
      %add3A_113 = arith.addi %mul3A_92, %add3A_112 : i32
      %dma_wait3A_114 = arith.constant 1 : i32
      %dma_wait3A_115 = arith.constant 0 : i32
      %dma_wait3A_116 = arith.constant 0 : i32
      %dma_wait3A_117 = tpu.memref_slice %arg9[%dma_wait3A_114, %dma_wait3A_115, %dma_wait3A_116] : memref<2x128x128xf32, #tpu.memory_space<vmem>> -> memref<1x128x128xf32, #tpu.memory_space<vmem>>
      %dma_wait3A_118 = tpu.memref_squeeze %dma_wait3A_117 : memref<1x128x128xf32, #tpu.memory_space<vmem>> -> memref<128x128xf32, #tpu.memory_space<vmem>>
      %dma_wait3A_119 = arith.constant 0 : i32
      %dma_wait3A_120 = tpu.memref_slice %arg7[%add3A_113, %dma_wait3A_119] : memref<40x128xi32, #tpu.memory_space<vmem>> -> memref<1x128xi32, #tpu.memory_space<vmem>>
      %dma_wait3A_121 = tpu.memref_squeeze %dma_wait3A_120 : memref<1x128xi32, #tpu.memory_space<vmem>> -> memref<128xi32, #tpu.memory_space<vmem>>
      %dma_wait3A_122 = arith.constant 0 : i32
      %dma_wait3A_123 = arith.constant 0 : i32
      %dma_wait3A_124 = tpu.memref_slice %arg2[%scan3A_79, %dma_wait3A_122, %dma_wait3A_123] : memref<1x10000x128xf32, #tpu.memory_space<hbm>> -> memref<1x10000x128xf32, #tpu.memory_space<hbm>>
      %dma_wait3A_125 = tpu.memref_squeeze %dma_wait3A_124 : memref<1x10000x128xf32, #tpu.memory_space<hbm>> -> memref<10000x128xf32, #tpu.memory_space<hbm>>
      %dma_wait3A_126 = arith.constant 0 : i32
      %dma_wait3A_127 = arith.constant 0 : i32
      %dma_wait3A_128 = tpu.memref_slice %dma_wait3A_125[%dma_wait3A_126, %dma_wait3A_127] : memref<10000x128xf32, #tpu.memory_space<hbm>> -> memref<10000x128xf32, #tpu.memory_space<hbm>>
      tpu.wait_indirect_dma semaphore(%arg12 : memref<!tpu.dma_semaphore, #tpu.memory_space<semaphore_mem>>) src(%dma_wait3A_128 : memref<10000x128xf32, #tpu.memory_space<hbm>>) dst(%dma_wait3A_118 : memref<128x128xf32, #tpu.memory_space<vmem>>)
      %add3A_129 = arith.constant 1 : i32
      %add3A_130 = arith.addi %mul3A_92, %add3A_129 : i32
      %run_scoped3A_131 = arith.constant 1 : i32
      "tpu.region"() ({
        %run_scoped3A_139 = tpu.sem_alloc : memref<!tpu.dma_semaphore, #tpu.memory_space<semaphore_mem>>
        %dma_start3A_140 = arith.constant 0 : i32
        %dma_start3A_141 = arith.constant 0 : i32
        %dma_start3A_142 = tpu.memref_slice %arg9[%run_scoped3A_131, %dma_start3A_140, %dma_start3A_141] : memref<2x128x128xf32, #tpu.memory_space<vmem>> -> memref<1x128x128xf32, #tpu.memory_space<vmem>>
        %dma_start3A_143 = tpu.memref_squeeze %dma_start3A_142 : memref<1x128x128xf32, #tpu.memory_space<vmem>> -> memref<128x128xf32, #tpu.memory_space<vmem>>
        %dma_start3A_144 = arith.constant 0 : i32
        %dma_start3A_145 = tpu.memref_slice %arg8[%add3A_130, %dma_start3A_144] : memref<40x128xi32, #tpu.memory_space<vmem>> -> memref<1x128xi32, #tpu.memory_space<vmem>>
        %dma_start3A_146 = tpu.memref_squeeze %dma_start3A_145 : memref<1x128xi32, #tpu.memory_space<vmem>> -> memref<128xi32, #tpu.memory_space<vmem>>
        %dma_start3A_147 = arith.constant 0 : i32
        %dma_start3A_148 = arith.constant 0 : i32
        %dma_start3A_149 = tpu.memref_slice %arg10[%dma_start3A_147, %dma_start3A_148] : memref<10240x128xf32, #tpu.memory_space<vmem_shared>> -> memref<10240x128xf32, #tpu.memory_space<vmem_shared>>
        tpu.enqueue_indirect_dma source(%dma_start3A_143 : memref<128x128xf32, #tpu.memory_space<vmem>>) target(%dma_start3A_149 : memref<10240x128xf32, #tpu.memory_space<vmem_shared>>) offsets(%dma_start3A_146 : memref<128xi32, #tpu.memory_space<vmem>>) semaphore(%run_scoped3A_139 : memref<!tpu.dma_semaphore, #tpu.memory_space<semaphore_mem>>) {add = true}
        %dma_wait3A_150 = arith.constant 0 : i32
        %dma_wait3A_151 = arith.constant 0 : i32
        %dma_wait3A_152 = tpu.memref_slice %arg9[%run_scoped3A_131, %dma_wait3A_150, %dma_wait3A_151] : memref<2x128x128xf32, #tpu.memory_space<vmem>> -> memref<1x128x128xf32, #tpu.memory_space<vmem>>
        %dma_wait3A_153 = tpu.memref_squeeze %dma_wait3A_152 : memref<1x128x128xf32, #tpu.memory_space<vmem>> -> memref<128x128xf32, #tpu.memory_space<vmem>>
        %dma_wait3A_154 = arith.constant 0 : i32
        %dma_wait3A_155 = tpu.memref_slice %arg8[%add3A_130, %dma_wait3A_154] : memref<40x128xi32, #tpu.memory_space<vmem>> -> memref<1x128xi32, #tpu.memory_space<vmem>>
        %dma_wait3A_156 = tpu.memref_squeeze %dma_wait3A_155 : memref<1x128xi32, #tpu.memory_space<vmem>> -> memref<128xi32, #tpu.memory_space<vmem>>
        %dma_wait3A_157 = arith.constant 0 : i32
        %dma_wait3A_158 = arith.constant 0 : i32
        %dma_wait3A_159 = tpu.memref_slice %arg10[%dma_wait3A_157, %dma_wait3A_158] : memref<10240x128xf32, #tpu.memory_space<vmem_shared>> -> memref<10240x128xf32, #tpu.memory_space<vmem_shared>>
        tpu.wait_indirect_dma semaphore(%run_scoped3A_139 : memref<!tpu.dma_semaphore, #tpu.memory_space<semaphore_mem>>) src(%dma_wait3A_153 : memref<128x128xf32, #tpu.memory_space<vmem>>) dst(%dma_wait3A_159 : memref<10240x128xf32, #tpu.memory_space<vmem_shared>>)
        tpu.yield
      }) : () -> ()
      %add3A_132 = arith.constant 3 : i32
      %add3A_133 = arith.addi %mul3A_92, %add3A_132 : i32
      %lt3A_134 = arith.constant 40 : i32
      %lt3A_135 = arith.cmpi slt, %add3A_133, %lt3A_134 : i32
      %convert_element_type3A_136 = arith.extui %lt3A_135 : i1 to i32
      %cond3A_137 = arith.constant 0 : i32
      %cond3A_138 = arith.cmpi ne, %convert_element_type3A_136, %cond3A_137 : i32
      scf.if %cond3A_138 {
        %add3A_139 = arith.constant 3 : i32
        %add3A_140 = arith.addi %mul3A_92, %add3A_139 : i32
        %dma_start3A_141 = arith.constant 1 : i32
        %dma_start3A_142 = arith.constant 0 : i32
        %dma_start3A_143 = arith.constant 0 : i32
        %dma_start3A_144 = tpu.memref_slice %arg9[%dma_start3A_141, %dma_start3A_142, %dma_start3A_143] : memref<2x128x128xf32, #tpu.memory_space<vmem>> -> memref<1x128x128xf32, #tpu.memory_space<vmem>>
        %dma_start3A_145 = tpu.memref_squeeze %dma_start3A_144 : memref<1x128x128xf32, #tpu.memory_space<vmem>> -> memref<128x128xf32, #tpu.memory_space<vmem>>
        %dma_start3A_146 = arith.constant 0 : i32
        %dma_start3A_147 = tpu.memref_slice %arg7[%add3A_140, %dma_start3A_146] : memref<40x128xi32, #tpu.memory_space<vmem>> -> memref<1x128xi32, #tpu.memory_space<vmem>>
        %dma_start3A_148 = tpu.memref_squeeze %dma_start3A_147 : memref<1x128xi32, #tpu.memory_space<vmem>> -> memref<128xi32, #tpu.memory_space<vmem>>
        %dma_start3A_149 = arith.constant 0 : i32
        %dma_start3A_150 = arith.constant 0 : i32
        %dma_start3A_151 = tpu.memref_slice %arg2[%scan3A_79, %dma_start3A_149, %dma_start3A_150] : memref<1x10000x128xf32, #tpu.memory_space<hbm>> -> memref<1x10000x128xf32, #tpu.memory_space<hbm>>
        %dma_start3A_152 = tpu.memref_squeeze %dma_start3A_151 : memref<1x10000x128xf32, #tpu.memory_space<hbm>> -> memref<10000x128xf32, #tpu.memory_space<hbm>>
        %dma_start3A_153 = arith.constant 0 : i32
        %dma_start3A_154 = arith.constant 0 : i32
        %dma_start3A_155 = tpu.memref_slice %dma_start3A_152[%dma_start3A_153, %dma_start3A_154] : memref<10000x128xf32, #tpu.memory_space<hbm>> -> memref<10000x128xf32, #tpu.memory_space<hbm>>
        tpu.enqueue_indirect_dma source(%dma_start3A_155 : memref<10000x128xf32, #tpu.memory_space<hbm>>) target(%dma_start3A_145 : memref<128x128xf32, #tpu.memory_space<vmem>>) offsets(%dma_start3A_148 : memref<128xi32, #tpu.memory_space<vmem>>) semaphore(%arg12 : memref<!tpu.dma_semaphore, #tpu.memory_space<semaphore_mem>>)
      } else {
      }
    }
    %scan3A_84 = arith.constant 20 : i32
    %barrier3A_85 = arith.constant 0 : index
    tpu.barrier barrier_id(%barrier3A_85)
    %mul3A_86 = arith.constant 640 : i32
    %mul3A_87 = arith.muli %arg1, %mul3A_86 : i32
    %mul3A_88 = arith.constant 640 : i32
    %mul3A_89 = arith.muli %arg1, %mul3A_88 : i32
    %run_scoped3A = arith.constant 0 : i32
    "tpu.region"() ({
      %run_scoped3A_90 = tpu.sem_alloc : memref<!tpu.dma_semaphore, #tpu.memory_space<semaphore_mem>>
      %dma_start3A_91 = arith.constant 0 : i32
      %dma_start3A_92 = tpu.memref_slice %arg6[%run_scoped3A, %arg0, %mul3A_89, %dma_start3A_91] : memref<1x2x10240x128xf32, #tpu.memory_space<hbm>> -> memref<1x1x640x128xf32, #tpu.memory_space<hbm>>
      %dma_start3A_93 = tpu.memref_squeeze %dma_start3A_92 : memref<1x1x640x128xf32, #tpu.memory_space<hbm>> -> memref<640x128xf32, #tpu.memory_space<hbm>>
      %dma_start3A_94 = arith.constant 0 : i32
      %dma_start3A_95 = tpu.memref_slice %arg10[%mul3A_87, %dma_start3A_94] : memref<10240x128xf32, #tpu.memory_space<vmem_shared>> -> memref<640x128xf32, #tpu.memory_space<vmem_shared>>
      tpu.enqueue_dma source(%dma_start3A_95 : memref<640x128xf32, #tpu.memory_space<vmem_shared>>) target(%dma_start3A_93 : memref<640x128xf32, #tpu.memory_space<hbm>>) target_semaphore(%run_scoped3A_90 : memref<!tpu.dma_semaphore, #tpu.memory_space<semaphore_mem>>)
      %dma_wait3A = arith.constant 0 : i32
      %dma_wait3A_96 = tpu.memref_slice %arg6[%run_scoped3A, %arg0, %mul3A_89, %dma_wait3A] : memref<1x2x10240x128xf32, #tpu.memory_space<hbm>> -> memref<1x1x640x128xf32, #tpu.memory_space<hbm>>
      %dma_wait3A_97 = tpu.memref_squeeze %dma_wait3A_96 : memref<1x1x640x128xf32, #tpu.memory_space<hbm>> -> memref<640x128xf32, #tpu.memory_space<hbm>>
      %dma_wait3A_98 = arith.constant 0 : i32
      %dma_wait3A_99 = tpu.memref_slice %arg10[%mul3A_87, %dma_wait3A_98] : memref<10240x128xf32, #tpu.memory_space<vmem_shared>> -> memref<640x128xf32, #tpu.memory_space<vmem_shared>>
      tpu.wait_dma2 semaphore(%run_scoped3A_90 : memref<!tpu.dma_semaphore, #tpu.memory_space<semaphore_mem>>) src(%dma_wait3A_99 : memref<640x128xf32, #tpu.memory_space<vmem_shared>>) dst(%dma_wait3A_97 : memref<640x128xf32, #tpu.memory_space<hbm>>)
      tpu.yield
    }) : () -> ()
    return
  }
}

module attributes {stable_mosaic.version = 14 : i64} {
  func.func @_prescale_body(%arg0: memref<2x10240x1xf32, #tpu.memory_space<vmem>>, %arg1: memref<10000x128xf32, #tpu.memory_space<vmem>>, %arg2: memref<10000x128xf32, #tpu.memory_space<vmem>>, %arg3: memref<10240x1xf32, #tpu.memory_space<vmem>>) attributes {dimension_semantics = [], scalar_prefetch = 0 : i64, scratch_operands = 0 : i64, tpu.core_type = #tpu.core_type<tc>} {
    %get3A = arith.constant 0 : index
    %get3A_0 = arith.constant 0 : index
    %get3A_1 = arith.constant 0 : index
    %get3A_2 = vector.load %arg0[%get3A, %get3A_0, %get3A_1] : memref<2x10240x1xf32, #tpu.memory_space<vmem>>, vector<1x10240x1xf32>
    %get3A_3 = vector.shape_cast %get3A_2 : vector<1x10240x1xf32> to vector<10240x1xf32>
    %get3A_4 = arith.constant 1 : index
    %get3A_5 = arith.constant 0 : index
    %get3A_6 = arith.constant 0 : index
    %get3A_7 = vector.load %arg0[%get3A_4, %get3A_5, %get3A_6] : memref<2x10240x1xf32, #tpu.memory_space<vmem>>, vector<1x10240x1xf32>
    %get3A_8 = vector.shape_cast %get3A_7 : vector<1x10240x1xf32> to vector<10240x1xf32>
    %add3A = arith.addf %get3A_3, %get3A_8 : vector<10240x1xf32>
    %add3A_9 = arith.constant 1.000000e+00 : f32
    %add3A_10 = vector.broadcast %add3A_9 : f32 to vector<10240x1xf32>
    %add3A_11 = arith.addf %add3A, %add3A_10 : vector<10240x1xf32>
    %rsqrt3A = math.rsqrt %add3A_11 : vector<10240x1xf32>
    %swap3A = arith.constant 0 : index
    %swap3A_12 = arith.constant 0 : index
    %swap3A_13 = vector.load %arg3[%swap3A, %swap3A_12] : memref<10240x1xf32, #tpu.memory_space<vmem>>, vector<10240x1xf32>
    tpu.vector_store %arg3[%swap3A, %swap3A_12], %rsqrt3A {strides = array<i32>} : memref<10240x1xf32, #tpu.memory_space<vmem>>, vector<10240x1xf32>,
    %get3A_14 = arith.constant 0 : index
    %get3A_15 = arith.constant 0 : index
    %get3A_16 = vector.load %arg1[%get3A_14, %get3A_15] : memref<10000x128xf32, #tpu.memory_space<vmem>>, vector<10000x128xf32>
    %slice3A = vector.extract_strided_slice %rsqrt3A {offsets = [0, 0], sizes = [10000, 1], strides = [1, 1]} : vector<10240x1xf32> to vector<10000x1xf32>
    %mul3A = vector.broadcast %slice3A : vector<10000x1xf32> to vector<10000x128xf32>
    %mul3A_17 = arith.mulf %get3A_16, %mul3A : vector<10000x128xf32>
    %swap3A_18 = arith.constant 0 : index
    %swap3A_19 = arith.constant 0 : index
    %swap3A_20 = vector.load %arg2[%swap3A_18, %swap3A_19] : memref<10000x128xf32, #tpu.memory_space<vmem>>, vector<10000x128xf32>
    tpu.vector_store %arg2[%swap3A_18, %swap3A_19], %mul3A_17 {strides = array<i32>} : memref<10000x128xf32, #tpu.memory_space<vmem>>, vector<10000x128xf32>,
    return
  }
}

module attributes {stable_mosaic.version = 14 : i64} {
  func.func @_layer1_body(%arg0: i32, %arg1: memref<1000x1xf32, #tpu.memory_space<vmem>>, %arg2: memref<2x1000x128xf32, #tpu.memory_space<vmem>>, %arg3: memref<1000x128xf32, #tpu.memory_space<vmem>>, %arg4: memref<128x256xf32, #tpu.memory_space<vmem>>, %arg5: memref<1x256xf32, #tpu.memory_space<vmem>>, %arg6: memref<128x256xf32, #tpu.memory_space<vmem>>, %arg7: memref<1x256xf32, #tpu.memory_space<vmem>>, %arg8: memref<4x1000x128xf32, #tpu.memory_space<vmem>>) attributes {dimension_semantics = [#tpu.dimension_semantics<arbitrary>], iteration_bounds = array<i64: 10>, scalar_prefetch = 0 : i64, scratch_operands = 0 : i64, tpu.core_type = #tpu.core_type<tc>, window_params = [{transform_indices = @transform_0, window_bounds = array<i64: 1000, 1>}, {transform_indices = @transform_1, window_bounds = array<i64: 2, 1000, 128>}, {transform_indices = @transform_2, window_bounds = array<i64: 1000, 128>}, {pipeline_mode = #tpu.pipeline_mode<synchronous>, transform_indices = @transform_3, window_bounds = array<i64: 128, 256>}, {pipeline_mode = #tpu.pipeline_mode<synchronous>, transform_indices = @transform_4, window_bounds = array<i64: 1, 256>}, {pipeline_mode = #tpu.pipeline_mode<synchronous>, transform_indices = @transform_5, window_bounds = array<i64: 128, 256>}, {pipeline_mode = #tpu.pipeline_mode<synchronous>, transform_indices = @transform_6, window_bounds = array<i64: 1, 256>}, {transform_indices = @transform_7, window_bounds = array<i64: 4, 1000, 128>}]} {
    %get3A = arith.constant 0 : index
    %get3A_0 = arith.constant 0 : index
    %get3A_1 = vector.load %arg1[%get3A, %get3A_0] : memref<1000x1xf32, #tpu.memory_space<vmem>>, vector<1000x1xf32>
    %get3A_2 = arith.constant 0 : index
    %get3A_3 = arith.constant 0 : index
    %get3A_4 = arith.constant 0 : index
    %get3A_5 = vector.load %arg2[%get3A_2, %get3A_3, %get3A_4] : memref<2x1000x128xf32, #tpu.memory_space<vmem>>, vector<1x1000x128xf32>
    %get3A_6 = vector.shape_cast %get3A_5 : vector<1x1000x128xf32> to vector<1000x128xf32>
    %get3A_7 = arith.constant 1 : index
    %get3A_8 = arith.constant 0 : index
    %get3A_9 = arith.constant 0 : index
    %get3A_10 = vector.load %arg2[%get3A_7, %get3A_8, %get3A_9] : memref<2x1000x128xf32, #tpu.memory_space<vmem>>, vector<1x1000x128xf32>
    %get3A_11 = vector.shape_cast %get3A_10 : vector<1x1000x128xf32> to vector<1000x128xf32>
    %add3A = arith.addf %get3A_6, %get3A_11 : vector<1000x128xf32>
    %get3A_12 = arith.constant 0 : index
    %get3A_13 = arith.constant 0 : index
    %get3A_14 = vector.load %arg3[%get3A_12, %get3A_13] : memref<1000x128xf32, #tpu.memory_space<vmem>>, vector<1000x128xf32>
    %add3A_15 = arith.addf %add3A, %get3A_14 : vector<1000x128xf32>
    %mul3A = vector.broadcast %get3A_1 : vector<1000x1xf32> to vector<1000x128xf32>
    %mul3A_16 = arith.mulf %add3A_15, %mul3A : vector<1000x128xf32>
    %get3A_17 = arith.constant 0 : index
    %get3A_18 = arith.constant 0 : index
    %get3A_19 = vector.load %arg4[%get3A_17, %get3A_18] : memref<128x256xf32, #tpu.memory_space<vmem>>, vector<128x256xf32>
    %dot_general3A = arith.constant dense<0.000000e+00> : vector<1000x256xf32>
    %dot_general3A_20 = tpu.matmul %mul3A_16, %get3A_19, %dot_general3A {dimension_numbers = #tpu.dot_dimension_numbers<[1], [0], [0], [1], [0, 0, 1, 1], [], []>, transpose_lhs_hint = false} : vector<1000x128xf32>, vector<128x256xf32>, vector<1000x256xf32> -> vector<1000x256xf32>
    %get3A_21 = arith.constant 0 : index
    %get3A_22 = arith.constant 0 : index
    %get3A_23 = vector.load %arg5[%get3A_21, %get3A_22] : memref<1x256xf32, #tpu.memory_space<vmem>>, vector<1x256xf32>
    %add3A_24 = vector.broadcast %get3A_23 : vector<1x256xf32> to vector<1000x256xf32>
    %add3A_25 = arith.addf %dot_general3A_20, %add3A_24 : vector<1000x256xf32>
    %max3A = arith.constant 0.000000e+00 : f32
    %max3A_26 = vector.broadcast %max3A : f32 to vector<1000x256xf32>
    %max3A_27 = arith.maximumf %add3A_25, %max3A_26 : vector<1000x256xf32>
    %mul3A_28 = vector.broadcast %get3A_1 : vector<1000x1xf32> to vector<1000x256xf32>
    %mul3A_29 = arith.mulf %max3A_27, %mul3A_28 : vector<1000x256xf32>
    %get3A_30 = arith.constant 0 : index
    %get3A_31 = arith.constant 0 : index
    %get3A_32 = vector.load %arg6[%get3A_30, %get3A_31] : memref<128x256xf32, #tpu.memory_space<vmem>>, vector<128x256xf32>
    %dot_general3A_33 = arith.constant dense<0.000000e+00> : vector<1000x256xf32>
    %dot_general3A_34 = tpu.matmul %mul3A_16, %get3A_32, %dot_general3A_33 {dimension_numbers = #tpu.dot_dimension_numbers<[1], [0], [0], [1], [0, 0, 1, 1], [], []>, transpose_lhs_hint = false} : vector<1000x128xf32>, vector<128x256xf32>, vector<1000x256xf32> -> vector<1000x256xf32>
    %get3A_35 = arith.constant 0 : index
    %get3A_36 = arith.constant 0 : index
    %get3A_37 = vector.load %arg7[%get3A_35, %get3A_36] : memref<1x256xf32, #tpu.memory_space<vmem>>, vector<1x256xf32>
    %add3A_38 = vector.broadcast %get3A_37 : vector<1x256xf32> to vector<1000x256xf32>
    %add3A_39 = arith.addf %dot_general3A_34, %add3A_38 : vector<1000x256xf32>
    %max3A_40 = arith.constant 0.000000e+00 : f32
    %max3A_41 = vector.broadcast %max3A_40 : f32 to vector<1000x256xf32>
    %max3A_42 = arith.maximumf %add3A_39, %max3A_41 : vector<1000x256xf32>
    %mul3A_43 = vector.broadcast %get3A_1 : vector<1000x1xf32> to vector<1000x256xf32>
    %mul3A_44 = arith.mulf %max3A_42, %mul3A_43 : vector<1000x256xf32>
    %slice3A = vector.extract_strided_slice %mul3A_29 {offsets = [0, 0], sizes = [1000, 128], strides = [1, 1]} : vector<1000x256xf32> to vector<1000x128xf32>
    %swap3A = arith.constant 0 : index
    %swap3A_45 = arith.constant 0 : index
    %swap3A_46 = arith.constant 0 : index
    %swap3A_47 = vector.load %arg8[%swap3A, %swap3A_45, %swap3A_46] : memref<4x1000x128xf32, #tpu.memory_space<vmem>>, vector<1x1000x128xf32>
    %swap3A_48 = vector.shape_cast %swap3A_47 : vector<1x1000x128xf32> to vector<1000x128xf32>
    %swap3A_49 = vector.shape_cast %slice3A : vector<1000x128xf32> to vector<1x1000x128xf32>
    tpu.vector_store %arg8[%swap3A, %swap3A_45, %swap3A_46], %swap3A_49 {strides = array<i32>} : memref<4x1000x128xf32, #tpu.memory_space<vmem>>, vector<1x1000x128xf32>,
    %slice3A_50 = vector.extract_strided_slice %mul3A_29 {offsets = [0, 128], sizes = [1000, 128], strides = [1, 1]} : vector<1000x256xf32> to vector<1000x128xf32>
    %swap3A_51 = arith.constant 1 : index
    %swap3A_52 = arith.constant 0 : index
    %swap3A_53 = arith.constant 0 : index
    %swap3A_54 = vector.load %arg8[%swap3A_51, %swap3A_52, %swap3A_53] : memref<4x1000x128xf32, #tpu.memory_space<vmem>>, vector<1x1000x128xf32>
    %swap3A_55 = vector.shape_cast %swap3A_54 : vector<1x1000x128xf32> to vector<1000x128xf32>
    %swap3A_56 = vector.shape_cast %slice3A_50 : vector<1000x128xf32> to vector<1x1000x128xf32>
    tpu.vector_store %arg8[%swap3A_51, %swap3A_52, %swap3A_53], %swap3A_56 {strides = array<i32>} : memref<4x1000x128xf32, #tpu.memory_space<vmem>>, vector<1x1000x128xf32>,
    %slice3A_57 = vector.extract_strided_slice %mul3A_44 {offsets = [0, 0], sizes = [1000, 128], strides = [1, 1]} : vector<1000x256xf32> to vector<1000x128xf32>
    %swap3A_58 = arith.constant 2 : index
    %swap3A_59 = arith.constant 0 : index
    %swap3A_60 = arith.constant 0 : index
    %swap3A_61 = vector.load %arg8[%swap3A_58, %swap3A_59, %swap3A_60] : memref<4x1000x128xf32, #tpu.memory_space<vmem>>, vector<1x1000x128xf32>
    %swap3A_62 = vector.shape_cast %swap3A_61 : vector<1x1000x128xf32> to vector<1000x128xf32>
    %swap3A_63 = vector.shape_cast %slice3A_57 : vector<1000x128xf32> to vector<1x1000x128xf32>
    tpu.vector_store %arg8[%swap3A_58, %swap3A_59, %swap3A_60], %swap3A_63 {strides = array<i32>} : memref<4x1000x128xf32, #tpu.memory_space<vmem>>, vector<1x1000x128xf32>,
    %slice3A_64 = vector.extract_strided_slice %mul3A_44 {offsets = [0, 128], sizes = [1000, 128], strides = [1, 1]} : vector<1000x256xf32> to vector<1000x128xf32>
    %swap3A_65 = arith.constant 3 : index
    %swap3A_66 = arith.constant 0 : index
    %swap3A_67 = arith.constant 0 : index
    %swap3A_68 = vector.load %arg8[%swap3A_65, %swap3A_66, %swap3A_67] : memref<4x1000x128xf32, #tpu.memory_space<vmem>>, vector<1x1000x128xf32>
    %swap3A_69 = vector.shape_cast %swap3A_68 : vector<1x1000x128xf32> to vector<1000x128xf32>
    %swap3A_70 = vector.shape_cast %slice3A_64 : vector<1000x128xf32> to vector<1x1000x128xf32>
    tpu.vector_store %arg8[%swap3A_65, %swap3A_66, %swap3A_67], %swap3A_70 {strides = array<i32>} : memref<4x1000x128xf32, #tpu.memory_space<vmem>>, vector<1x1000x128xf32>,
    return
  }
  func.func @transform_0(%arg0: i32) -> (i32, i32) {
    %c0_i32 = arith.constant 0 : i32
    %c0_i32_0 = arith.constant 0 : i32
    return %arg0, %c0_i32 : i32, i32
  }
  func.func @transform_1(%arg0: i32) -> (i32, i32, i32) {
    %c0_i32 = arith.constant 0 : i32
    %c0_i32_0 = arith.constant 0 : i32
    %c0_i32_1 = arith.constant 0 : i32
    return %c0_i32, %arg0, %c0_i32_0 : i32, i32, i32
  }
  func.func @transform_2(%arg0: i32) -> (i32, i32) {
    %c0_i32 = arith.constant 0 : i32
    %c0_i32_0 = arith.constant 0 : i32
    return %arg0, %c0_i32 : i32, i32
  }
  func.func @transform_3(%arg0: i32) -> (i32, i32) {
    %c0_i32 = arith.constant 0 : i32
    %c0_i32_0 = arith.constant 0 : i32
    %c0_i32_1 = arith.constant 0 : i32
    return %c0_i32, %c0_i32_0 : i32, i32
  }
  func.func @transform_4(%arg0: i32) -> (i32, i32) {
    %c0_i32 = arith.constant 0 : i32
    %c0_i32_0 = arith.constant 0 : i32
    %c0_i32_1 = arith.constant 0 : i32
    return %c0_i32, %c0_i32_0 : i32, i32
  }
  func.func @transform_5(%arg0: i32) -> (i32, i32) {
    %c0_i32 = arith.constant 0 : i32
    %c0_i32_0 = arith.constant 0 : i32
    %c0_i32_1 = arith.constant 0 : i32
    return %c0_i32, %c0_i32_0 : i32, i32
  }
  func.func @transform_6(%arg0: i32) -> (i32, i32) {
    %c0_i32 = arith.constant 0 : i32
    %c0_i32_0 = arith.constant 0 : i32
    %c0_i32_1 = arith.constant 0 : i32
    return %c0_i32, %c0_i32_0 : i32, i32
  }
  func.func @transform_7(%arg0: i32) -> (i32, i32, i32) {
    %c0_i32 = arith.constant 0 : i32
    %c0_i32_0 = arith.constant 0 : i32
    %c0_i32_1 = arith.constant 0 : i32
    return %c0_i32, %arg0, %c0_i32_0 : i32, i32, i32
  }
}

module attributes {stable_mosaic.version = 14 : i64} {
  func.func @_heads_body(%arg0: i32, %arg1: memref<1000x1xf32, #tpu.memory_space<vmem>>, %arg2: memref<4x2x1000x128xf32, #tpu.memory_space<vmem>>, %arg3: memref<4x1000x128xf32, #tpu.memory_space<vmem>>, %arg4: memref<1000x1xi32, #tpu.memory_space<vmem>>, %arg5: memref<64x32xf32, #tpu.memory_space<vmem>>, %arg6: memref<256x256xf32, #tpu.memory_space<vmem>>, %arg7: memref<1x256xf32, #tpu.memory_space<vmem>>, %arg8: memref<288x1xf32, #tpu.memory_space<vmem>>, %arg9: memref<1x1xf32, #tpu.memory_space<vmem>>, %arg10: memref<256x256xf32, #tpu.memory_space<vmem>>, %arg11: memref<1x256xf32, #tpu.memory_space<vmem>>, %arg12: memref<288x1xf32, #tpu.memory_space<vmem>>, %arg13: memref<1x1xf32, #tpu.memory_space<vmem>>, %arg14: memref<64x1xf32, #tpu.memory_space<vmem>>, %arg15: memref<64x1xf32, #tpu.memory_space<vmem>>, %arg16: memref<64x256xf32, #tpu.memory_space<vmem>>, %arg17: memref<64x256xf32, #tpu.memory_space<vmem>>, %arg18: memref<64x1xf32, #tpu.memory_space<vmem>>) attributes {dimension_semantics = [#tpu.dimension_semantics<arbitrary>], iteration_bounds = array<i64: 10>, scalar_prefetch = 0 : i64, scratch_operands = 3 : i64, tpu.core_type = #tpu.core_type<tc>, window_params = [{transform_indices = @transform_0, window_bounds = array<i64: 1000, 1>}, {transform_indices = @transform_1, window_bounds = array<i64: 4, 2, 1000, 128>}, {transform_indices = @transform_2, window_bounds = array<i64: 4, 1000, 128>}, {transform_indices = @transform_3, window_bounds = array<i64: 1000, 1>}, {pipeline_mode = #tpu.pipeline_mode<synchronous>, transform_indices = @transform_4, window_bounds = array<i64: 64, 32>}, {pipeline_mode = #tpu.pipeline_mode<synchronous>, transform_indices = @transform_5, window_bounds = array<i64: 256, 256>}, {pipeline_mode = #tpu.pipeline_mode<synchronous>, transform_indices = @transform_6, window_bounds = array<i64: 1, 256>}, {pipeline_mode = #tpu.pipeline_mode<synchronous>, transform_indices = @transform_7, window_bounds = array<i64: 288, 1>}, {pipeline_mode = #tpu.pipeline_mode<synchronous>, transform_indices = @transform_8, window_bounds = array<i64: 1, 1>}, {pipeline_mode = #tpu.pipeline_mode<synchronous>, transform_indices = @transform_9, window_bounds = array<i64: 256, 256>}, {pipeline_mode = #tpu.pipeline_mode<synchronous>, transform_indices = @transform_10, window_bounds = array<i64: 1, 256>}, {pipeline_mode = #tpu.pipeline_mode<synchronous>, transform_indices = @transform_11, window_bounds = array<i64: 288, 1>}, {pipeline_mode = #tpu.pipeline_mode<synchronous>, transform_indices = @transform_12, window_bounds = array<i64: 1, 1>}, {pipeline_mode = #tpu.pipeline_mode<synchronous>, transform_indices = @transform_13, window_bounds = array<i64: 64, 1>}, {pipeline_mode = #tpu.pipeline_mode<synchronous>, transform_indices = @transform_14, window_bounds = array<i64: 64, 1>}]} {
    %get3A = arith.constant 0 : index
    %get3A_0 = arith.constant 0 : index
    %get3A_1 = vector.load %arg1[%get3A, %get3A_0] : memref<1000x1xf32, #tpu.memory_space<vmem>>, vector<1000x1xf32>
    %get3A_2 = arith.constant 0 : index
    %get3A_3 = arith.constant 0 : index
    %get3A_4 = vector.load %arg4[%get3A_2, %get3A_3] : memref<1000x1xi32, #tpu.memory_space<vmem>>, vector<1000x1xi32>
    %iota3A = tpu.iota {dimensions = array<i32: 1>} : vector<1x64xi32>
    %eq3A = vector.broadcast %get3A_4 : vector<1000x1xi32> to vector<1000x64xi32>
    %eq3A_5 = vector.broadcast %iota3A : vector<1x64xi32> to vector<1000x64xi32>
    %eq3A_6 = arith.cmpi eq, %eq3A, %eq3A_5 : vector<1000x64xi32>
    %convert_element_type3A = arith.extui %eq3A_6 : vector<1000x64xi1> to vector<1000x64xi32>
    %convert_element_type3A_7 = arith.sitofp %convert_element_type3A : vector<1000x64xi32> to vector<1000x64xf32>
    %get3A_8 = arith.constant 0 : index
    %get3A_9 = arith.constant 0 : index
    %get3A_10 = arith.constant 0 : index
    %get3A_11 = arith.constant 0 : index
    %get3A_12 = vector.load %arg2[%get3A_8, %get3A_9, %get3A_10, %get3A_11] : memref<4x2x1000x128xf32, #tpu.memory_space<vmem>>, vector<1x2x1000x128xf32>
    %get3A_13 = vector.shape_cast %get3A_12 : vector<1x2x1000x128xf32> to vector<2x1000x128xf32>
    %get3A_14 = arith.constant 1 : index
    %get3A_15 = arith.constant 0 : index
    %get3A_16 = arith.constant 0 : index
    %get3A_17 = arith.constant 0 : index
    %get3A_18 = vector.load %arg2[%get3A_14, %get3A_15, %get3A_16, %get3A_17] : memref<4x2x1000x128xf32, #tpu.memory_space<vmem>>, vector<1x2x1000x128xf32>
    %get3A_19 = vector.shape_cast %get3A_18 : vector<1x2x1000x128xf32> to vector<2x1000x128xf32>
    %get3A_20 = arith.constant 0 : index
    %get3A_21 = arith.constant 0 : index
    %get3A_22 = arith.constant 0 : index
    %get3A_23 = vector.load %arg3[%get3A_20, %get3A_21, %get3A_22] : memref<4x1000x128xf32, #tpu.memory_space<vmem>>, vector<1x1000x128xf32>
    %get3A_24 = vector.shape_cast %get3A_23 : vector<1x1000x128xf32> to vector<1000x128xf32>
    %get3A_25 = arith.constant 1 : index
    %get3A_26 = arith.constant 0 : index
    %get3A_27 = arith.constant 0 : index
    %get3A_28 = vector.load %arg3[%get3A_25, %get3A_26, %get3A_27] : memref<4x1000x128xf32, #tpu.memory_space<vmem>>, vector<1x1000x128xf32>
    %get3A_29 = vector.shape_cast %get3A_28 : vector<1x1000x128xf32> to vector<1000x128xf32>
    %slice3A = vector.extract_strided_slice %get3A_13 {offsets = [0, 0, 0], sizes = [1, 1000, 128], strides = [1, 1, 1]} : vector<2x1000x128xf32> to vector<1x1000x128xf32>
    %squeeze3A = vector.shape_cast %slice3A : vector<1x1000x128xf32> to vector<1000x128xf32>
    %slice3A_30 = vector.extract_strided_slice %get3A_13 {offsets = [1, 0, 0], sizes = [1, 1000, 128], strides = [1, 1, 1]} : vector<2x1000x128xf32> to vector<1x1000x128xf32>
    %squeeze3A_31 = vector.shape_cast %slice3A_30 : vector<1x1000x128xf32> to vector<1000x128xf32>
    %add3A = arith.addf %squeeze3A, %squeeze3A_31 : vector<1000x128xf32>
    %slice3A_32 = vector.extract_strided_slice %get3A_19 {offsets = [0, 0, 0], sizes = [1, 1000, 128], strides = [1, 1, 1]} : vector<2x1000x128xf32> to vector<1x1000x128xf32>
    %squeeze3A_33 = vector.shape_cast %slice3A_32 : vector<1x1000x128xf32> to vector<1000x128xf32>
    %slice3A_34 = vector.extract_strided_slice %get3A_19 {offsets = [1, 0, 0], sizes = [1, 1000, 128], strides = [1, 1, 1]} : vector<2x1000x128xf32> to vector<1x1000x128xf32>
    %squeeze3A_35 = vector.shape_cast %slice3A_34 : vector<1x1000x128xf32> to vector<1000x128xf32>
    %add3A_36 = arith.addf %squeeze3A_33, %squeeze3A_35 : vector<1000x128xf32>
    %concatenate3A = tpu.concatenate %add3A, %add3A_36 in 1 : vector<1000x128xf32>, vector<1000x128xf32> -> vector<1000x256xf32>
    %concatenate3A_37 = tpu.concatenate %get3A_24, %get3A_29 in 1 : vector<1000x128xf32>, vector<1000x128xf32> -> vector<1000x256xf32>
    %add3A_38 = arith.addf %concatenate3A, %concatenate3A_37 : vector<1000x256xf32>
    %mul3A = vector.broadcast %get3A_1 : vector<1000x1xf32> to vector<1000x256xf32>
    %mul3A_39 = arith.mulf %add3A_38, %mul3A : vector<1000x256xf32>
    %get3A_40 = arith.constant 0 : index
    %get3A_41 = arith.constant 0 : index
    %get3A_42 = vector.load %arg6[%get3A_40, %get3A_41] : memref<256x256xf32, #tpu.memory_space<vmem>>, vector<256x256xf32>
    %dot_general3A = arith.constant dense<0.000000e+00> : vector<1000x256xf32>
    %dot_general3A_43 = tpu.matmul %mul3A_39, %get3A_42, %dot_general3A {dimension_numbers = #tpu.dot_dimension_numbers<[1], [0], [0], [1], [0, 0, 1, 1], [], []>, transpose_lhs_hint = false} : vector<1000x256xf32>, vector<256x256xf32>, vector<1000x256xf32> -> vector<1000x256xf32>
    %get3A_44 = arith.constant 0 : index
    %get3A_45 = arith.constant 0 : index
    %get3A_46 = vector.load %arg7[%get3A_44, %get3A_45] : memref<1x256xf32, #tpu.memory_space<vmem>>, vector<1x256xf32>
    %add3A_47 = vector.broadcast %get3A_46 : vector<1x256xf32> to vector<1000x256xf32>
    %add3A_48 = arith.addf %dot_general3A_43, %add3A_47 : vector<1000x256xf32>
    %max3A = arith.constant 0.000000e+00 : f32
    %max3A_49 = vector.broadcast %max3A : f32 to vector<1000x256xf32>
    %max3A_50 = arith.maximumf %add3A_48, %max3A_49 : vector<1000x256xf32>
    %get3A_51 = arith.constant 2 : index
    %get3A_52 = arith.constant 0 : index
    %get3A_53 = arith.constant 0 : index
    %get3A_54 = arith.constant 0 : index
    %get3A_55 = vector.load %arg2[%get3A_51, %get3A_52, %get3A_53, %get3A_54] : memref<4x2x1000x128xf32, #tpu.memory_space<vmem>>, vector<1x2x1000x128xf32>
    %get3A_56 = vector.shape_cast %get3A_55 : vector<1x2x1000x128xf32> to vector<2x1000x128xf32>
    %get3A_57 = arith.constant 3 : index
    %get3A_58 = arith.constant 0 : index
    %get3A_59 = arith.constant 0 : index
    %get3A_60 = arith.constant 0 : index
    %get3A_61 = vector.load %arg2[%get3A_57, %get3A_58, %get3A_59, %get3A_60] : memref<4x2x1000x128xf32, #tpu.memory_space<vmem>>, vector<1x2x1000x128xf32>
    %get3A_62 = vector.shape_cast %get3A_61 : vector<1x2x1000x128xf32> to vector<2x1000x128xf32>
    %get3A_63 = arith.constant 2 : index
    %get3A_64 = arith.constant 0 : index
    %get3A_65 = arith.constant 0 : index
    %get3A_66 = vector.load %arg3[%get3A_63, %get3A_64, %get3A_65] : memref<4x1000x128xf32, #tpu.memory_space<vmem>>, vector<1x1000x128xf32>
    %get3A_67 = vector.shape_cast %get3A_66 : vector<1x1000x128xf32> to vector<1000x128xf32>
    %get3A_68 = arith.constant 3 : index
    %get3A_69 = arith.constant 0 : index
    %get3A_70 = arith.constant 0 : index
    %get3A_71 = vector.load %arg3[%get3A_68, %get3A_69, %get3A_70] : memref<4x1000x128xf32, #tpu.memory_space<vmem>>, vector<1x1000x128xf32>
    %get3A_72 = vector.shape_cast %get3A_71 : vector<1x1000x128xf32> to vector<1000x128xf32>
    %slice3A_73 = vector.extract_strided_slice %get3A_56 {offsets = [0, 0, 0], sizes = [1, 1000, 128], strides = [1, 1, 1]} : vector<2x1000x128xf32> to vector<1x1000x128xf32>
    %squeeze3A_74 = vector.shape_cast %slice3A_73 : vector<1x1000x128xf32> to vector<1000x128xf32>
    %slice3A_75 = vector.extract_strided_slice %get3A_56 {offsets = [1, 0, 0], sizes = [1, 1000, 128], strides = [1, 1, 1]} : vector<2x1000x128xf32> to vector<1x1000x128xf32>
    %squeeze3A_76 = vector.shape_cast %slice3A_75 : vector<1x1000x128xf32> to vector<1000x128xf32>
    %add3A_77 = arith.addf %squeeze3A_74, %squeeze3A_76 : vector<1000x128xf32>
    %slice3A_78 = vector.extract_strided_slice %get3A_62 {offsets = [0, 0, 0], sizes = [1, 1000, 128], strides = [1, 1, 1]} : vector<2x1000x128xf32> to vector<1x1000x128xf32>
    %squeeze3A_79 = vector.shape_cast %slice3A_78 : vector<1x1000x128xf32> to vector<1000x128xf32>
    %slice3A_80 = vector.extract_strided_slice %get3A_62 {offsets = [1, 0, 0], sizes = [1, 1000, 128], strides = [1, 1, 1]} : vector<2x1000x128xf32> to vector<1x1000x128xf32>
    %squeeze3A_81 = vector.shape_cast %slice3A_80 : vector<1x1000x128xf32> to vector<1000x128xf32>
    %add3A_82 = arith.addf %squeeze3A_79, %squeeze3A_81 : vector<1000x128xf32>
    %concatenate3A_83 = tpu.concatenate %add3A_77, %add3A_82 in 1 : vector<1000x128xf32>, vector<1000x128xf32> -> vector<1000x256xf32>
    %concatenate3A_84 = tpu.concatenate %get3A_67, %get3A_72 in 1 : vector<1000x128xf32>, vector<1000x128xf32> -> vector<1000x256xf32>
    %add3A_85 = arith.addf %concatenate3A_83, %concatenate3A_84 : vector<1000x256xf32>
    %mul3A_86 = vector.broadcast %get3A_1 : vector<1000x1xf32> to vector<1000x256xf32>
    %mul3A_87 = arith.mulf %add3A_85, %mul3A_86 : vector<1000x256xf32>
    %get3A_88 = arith.constant 0 : index
    %get3A_89 = arith.constant 0 : index
    %get3A_90 = vector.load %arg10[%get3A_88, %get3A_89] : memref<256x256xf32, #tpu.memory_space<vmem>>, vector<256x256xf32>
    %dot_general3A_91 = arith.constant dense<0.000000e+00> : vector<1000x256xf32>
    %dot_general3A_92 = tpu.matmul %mul3A_87, %get3A_90, %dot_general3A_91 {dimension_numbers = #tpu.dot_dimension_numbers<[1], [0], [0], [1], [0, 0, 1, 1], [], []>, transpose_lhs_hint = false} : vector<1000x256xf32>, vector<256x256xf32>, vector<1000x256xf32> -> vector<1000x256xf32>
    %get3A_93 = arith.constant 0 : index
    %get3A_94 = arith.constant 0 : index
    %get3A_95 = vector.load %arg11[%get3A_93, %get3A_94] : memref<1x256xf32, #tpu.memory_space<vmem>>, vector<1x256xf32>
    %add3A_96 = vector.broadcast %get3A_95 : vector<1x256xf32> to vector<1000x256xf32>
    %add3A_97 = arith.addf %dot_general3A_92, %add3A_96 : vector<1000x256xf32>
    %max3A_98 = arith.constant 0.000000e+00 : f32
    %max3A_99 = vector.broadcast %max3A_98 : f32 to vector<1000x256xf32>
    %max3A_100 = arith.maximumf %add3A_97, %max3A_99 : vector<1000x256xf32>
    %dot_general3A_101 = arith.constant dense<0.000000e+00> : vector<64x256xf32>
    %dot_general3A_102 = tpu.matmul %convert_element_type3A_7, %max3A_50, %dot_general3A_101 {dimension_numbers = #tpu.dot_dimension_numbers<[0], [0], [1], [1], [0, 1, 1, 1], [], []>, transpose_lhs_hint = false} : vector<1000x64xf32>, vector<1000x256xf32>, vector<64x256xf32> -> vector<64x256xf32>
    %dot_general3A_103 = arith.constant dense<0.000000e+00> : vector<64x256xf32>
    %dot_general3A_104 = tpu.matmul %convert_element_type3A_7, %max3A_100, %dot_general3A_103 {dimension_numbers = #tpu.dot_dimension_numbers<[0], [0], [1], [1], [0, 1, 1, 1], [], []>, transpose_lhs_hint = false} : vector<1000x64xf32>, vector<1000x256xf32>, vector<64x256xf32> -> vector<64x256xf32>
    %broadcast_in_dim3A = arith.constant 1.000000e+00 : f32
    %broadcast_in_dim3A_105 = vector.broadcast %broadcast_in_dim3A : f32 to vector<1000x1xf32>
    %dot_general3A_106 = arith.constant dense<0.000000e+00> : vector<64x1xf32>
    %dot_general3A_107 = tpu.matmul %convert_element_type3A_7, %broadcast_in_dim3A_105, %dot_general3A_106 {dimension_numbers = #tpu.dot_dimension_numbers<[0], [0], [1], [1], [0, 1, 1, 1], [], []>, transpose_lhs_hint = false} : vector<1000x64xf32>, vector<1000x1xf32>, vector<64x1xf32> -> vector<64x1xf32>
    %eq3A_108 = arith.constant 0 : i32
    %eq3A_109 = arith.cmpi eq, %arg0, %eq3A_108 : i32
    %convert_element_type3A_110 = arith.extui %eq3A_109 : i1 to i32
    %cond3A = arith.constant 0 : i32
    %cond3A_111 = arith.cmpi ne, %convert_element_type3A_110, %cond3A : i32
    scf.if %cond3A_111 {
      %broadcast_in_dim3A_137 = arith.constant 0.000000e+00 : f32
      %broadcast_in_dim3A_138 = vector.broadcast %broadcast_in_dim3A_137 : f32 to vector<64x256xf32>
      %swap3A_139 = arith.constant 0 : index
      %swap3A_140 = arith.constant 0 : index
      %swap3A_141 = vector.load %arg16[%swap3A_139, %swap3A_140] : memref<64x256xf32, #tpu.memory_space<vmem>>, vector<64x256xf32>
      tpu.vector_store %arg16[%swap3A_139, %swap3A_140], %broadcast_in_dim3A_138 {strides = array<i32>} : memref<64x256xf32, #tpu.memory_space<vmem>>, vector<64x256xf32>,
      %broadcast_in_dim3A_142 = arith.constant 0.000000e+00 : f32
      %broadcast_in_dim3A_143 = vector.broadcast %broadcast_in_dim3A_142 : f32 to vector<64x256xf32>
      %swap3A_144 = arith.constant 0 : index
      %swap3A_145 = arith.constant 0 : index
      %swap3A_146 = vector.load %arg17[%swap3A_144, %swap3A_145] : memref<64x256xf32, #tpu.memory_space<vmem>>, vector<64x256xf32>
      tpu.vector_store %arg17[%swap3A_144, %swap3A_145], %broadcast_in_dim3A_143 {strides = array<i32>} : memref<64x256xf32, #tpu.memory_space<vmem>>, vector<64x256xf32>,
      %broadcast_in_dim3A_147 = arith.constant 0.000000e+00 : f32
      %broadcast_in_dim3A_148 = vector.broadcast %broadcast_in_dim3A_147 : f32 to vector<64x1xf32>
      %swap3A_149 = arith.constant 0 : index
      %swap3A_150 = arith.constant 0 : index
      %swap3A_151 = vector.load %arg18[%swap3A_149, %swap3A_150] : memref<64x1xf32, #tpu.memory_space<vmem>>, vector<64x1xf32>
      tpu.vector_store %arg18[%swap3A_149, %swap3A_150], %broadcast_in_dim3A_148 {strides = array<i32>} : memref<64x1xf32, #tpu.memory_space<vmem>>, vector<64x1xf32>,
    } else {
    }
    %get3A_112 = arith.constant 0 : index
    %get3A_113 = arith.constant 0 : index
    %get3A_114 = vector.load %arg16[%get3A_112, %get3A_113] : memref<64x256xf32, #tpu.memory_space<vmem>>, vector<64x256xf32>
    %add3A_115 = arith.addf %get3A_114, %dot_general3A_102 : vector<64x256xf32>
    %swap3A = arith.constant 0 : index
    %swap3A_116 = arith.constant 0 : index
    %swap3A_117 = vector.load %arg16[%swap3A, %swap3A_116] : memref<64x256xf32, #tpu.memory_space<vmem>>, vector<64x256xf32>
    tpu.vector_store %arg16[%swap3A, %swap3A_116], %add3A_115 {strides = array<i32>} : memref<64x256xf32, #tpu.memory_space<vmem>>, vector<64x256xf32>,
    %get3A_118 = arith.constant 0 : index
    %get3A_119 = arith.constant 0 : index
    %get3A_120 = vector.load %arg17[%get3A_118, %get3A_119] : memref<64x256xf32, #tpu.memory_space<vmem>>, vector<64x256xf32>
    %add3A_121 = arith.addf %get3A_120, %dot_general3A_104 : vector<64x256xf32>
    %swap3A_122 = arith.constant 0 : index
    %swap3A_123 = arith.constant 0 : index
    %swap3A_124 = vector.load %arg17[%swap3A_122, %swap3A_123] : memref<64x256xf32, #tpu.memory_space<vmem>>, vector<64x256xf32>
    tpu.vector_store %arg17[%swap3A_122, %swap3A_123], %add3A_121 {strides = array<i32>} : memref<64x256xf32, #tpu.memory_space<vmem>>, vector<64x256xf32>,
    %get3A_125 = arith.constant 0 : index
    %get3A_126 = arith.constant 0 : index
    %get3A_127 = vector.load %arg18[%get3A_125, %get3A_126] : memref<64x1xf32, #tpu.memory_space<vmem>>, vector<64x1xf32>
    %add3A_128 = arith.addf %get3A_127, %dot_general3A_107 : vector<64x1xf32>
    %swap3A_129 = arith.constant 0 : index
    %swap3A_130 = arith.constant 0 : index
    %swap3A_131 = vector.load %arg18[%swap3A_129, %swap3A_130] : memref<64x1xf32, #tpu.memory_space<vmem>>, vector<64x1xf32>
    tpu.vector_store %arg18[%swap3A_129, %swap3A_130], %add3A_128 {strides = array<i32>} : memref<64x1xf32, #tpu.memory_space<vmem>>, vector<64x1xf32>,
    %eq3A_132 = arith.constant 9 : i32
    %eq3A_133 = arith.cmpi eq, %arg0, %eq3A_132 : i32
    %convert_element_type3A_134 = arith.extui %eq3A_133 : i1 to i32
    %cond3A_135 = arith.constant 0 : i32
    %cond3A_136 = arith.cmpi ne, %convert_element_type3A_134, %cond3A_135 : i32
    scf.if %cond3A_136 {
      %get3A_137 = arith.constant 0 : index
      %get3A_138 = arith.constant 0 : index
      %get3A_139 = vector.load %arg18[%get3A_137, %get3A_138] : memref<64x1xf32, #tpu.memory_space<vmem>>, vector<64x1xf32>
      %max3A_140 = arith.constant 1.000000e+00 : f32
      %max3A_141 = vector.broadcast %max3A_140 : f32 to vector<64x1xf32>
      %max3A_142 = arith.maximumf %get3A_139, %max3A_141 : vector<64x1xf32>
      %div3A = arith.constant 1.000000e+00 : f32
      %div3A_143 = vector.broadcast %div3A : f32 to vector<64x1xf32>
      %div3A_144 = arith.divf %div3A_143, %max3A_142 : vector<64x1xf32>
      %get3A_145 = arith.constant 0 : index
      %get3A_146 = arith.constant 0 : index
      %get3A_147 = vector.load %arg16[%get3A_145, %get3A_146] : memref<64x256xf32, #tpu.memory_space<vmem>>, vector<64x256xf32>
      %mul3A_148 = vector.broadcast %div3A_144 : vector<64x1xf32> to vector<64x256xf32>
      %mul3A_149 = arith.mulf %get3A_147, %mul3A_148 : vector<64x256xf32>
      %get3A_150 = arith.constant 0 : index
      %get3A_151 = arith.constant 0 : index
      %get3A_152 = vector.load %arg17[%get3A_150, %get3A_151] : memref<64x256xf32, #tpu.memory_space<vmem>>, vector<64x256xf32>
      %mul3A_153 = vector.broadcast %div3A_144 : vector<64x1xf32> to vector<64x256xf32>
      %mul3A_154 = arith.mulf %get3A_152, %mul3A_153 : vector<64x256xf32>
      %get3A_155 = arith.constant 0 : index
      %get3A_156 = arith.constant 0 : index
      %get3A_157 = vector.load %arg5[%get3A_155, %get3A_156] : memref<64x32xf32, #tpu.memory_space<vmem>>, vector<64x32xf32>
      %get3A_158 = arith.constant 0 : index
      %get3A_159 = arith.constant 0 : index
      %get3A_160 = vector.load %arg8[%get3A_158, %get3A_159] : memref<288x1xf32, #tpu.memory_space<vmem>>, vector<256x1xf32>
      %dot_general3A_161 = arith.constant dense<0.000000e+00> : vector<64x1xf32>
      %dot_general3A_162 = tpu.matmul %mul3A_149, %get3A_160, %dot_general3A_161 {dimension_numbers = #tpu.dot_dimension_numbers<[1], [0], [0], [1], [0, 0, 1, 1], [], []>, transpose_lhs_hint = false} : vector<64x256xf32>, vector<256x1xf32>, vector<64x1xf32> -> vector<64x1xf32>
      %get3A_163 = arith.constant 256 : index
      %get3A_164 = arith.constant 0 : index
      %get3A_165 = vector.load %arg8[%get3A_163, %get3A_164] : memref<288x1xf32, #tpu.memory_space<vmem>>, vector<32x1xf32>
      %dot_general3A_166 = arith.constant dense<0.000000e+00> : vector<64x1xf32>
      %dot_general3A_167 = tpu.matmul %get3A_157, %get3A_165, %dot_general3A_166 {dimension_numbers = #tpu.dot_dimension_numbers<[1], [0], [0], [1], [0, 0, 1, 1], [], []>, transpose_lhs_hint = false} : vector<64x32xf32>, vector<32x1xf32>, vector<64x1xf32> -> vector<64x1xf32>
      %add3A_168 = arith.addf %dot_general3A_162, %dot_general3A_167 : vector<64x1xf32>
      %get3A_169 = arith.constant 0 : index
      %get3A_170 = arith.constant 0 : index
      %get3A_171 = vector.load %arg9[%get3A_169, %get3A_170] : memref<1x1xf32, #tpu.memory_space<vmem>>, vector<1x1xf32>
      %add3A_172 = vector.broadcast %get3A_171 : vector<1x1xf32> to vector<64x1xf32>
      %add3A_173 = arith.addf %add3A_168, %add3A_172 : vector<64x1xf32>
      %swap3A_174 = arith.constant 0 : index
      %swap3A_175 = arith.constant 0 : index
      %swap3A_176 = vector.load %arg14[%swap3A_174, %swap3A_175] : memref<64x1xf32, #tpu.memory_space<vmem>>, vector<64x1xf32>
      tpu.vector_store %arg14[%swap3A_174, %swap3A_175], %add3A_173 {strides = array<i32>} : memref<64x1xf32, #tpu.memory_space<vmem>>, vector<64x1xf32>,
      %get3A_177 = arith.constant 0 : index
      %get3A_178 = arith.constant 0 : index
      %get3A_179 = vector.load %arg12[%get3A_177, %get3A_178] : memref<288x1xf32, #tpu.memory_space<vmem>>, vector<256x1xf32>
      %dot_general3A_180 = arith.constant dense<0.000000e+00> : vector<64x1xf32>
      %dot_general3A_181 = tpu.matmul %mul3A_154, %get3A_179, %dot_general3A_180 {dimension_numbers = #tpu.dot_dimension_numbers<[1], [0], [0], [1], [0, 0, 1, 1], [], []>, transpose_lhs_hint = false} : vector<64x256xf32>, vector<256x1xf32>, vector<64x1xf32> -> vector<64x1xf32>
      %get3A_182 = arith.constant 256 : index
      %get3A_183 = arith.constant 0 : index
      %get3A_184 = vector.load %arg12[%get3A_182, %get3A_183] : memref<288x1xf32, #tpu.memory_space<vmem>>, vector<32x1xf32>
      %dot_general3A_185 = arith.constant dense<0.000000e+00> : vector<64x1xf32>
      %dot_general3A_186 = tpu.matmul %get3A_157, %get3A_184, %dot_general3A_185 {dimension_numbers = #tpu.dot_dimension_numbers<[1], [0], [0], [1], [0, 0, 1, 1], [], []>, transpose_lhs_hint = false} : vector<64x32xf32>, vector<32x1xf32>, vector<64x1xf32> -> vector<64x1xf32>
      %add3A_187 = arith.addf %dot_general3A_181, %dot_general3A_186 : vector<64x1xf32>
      %get3A_188 = arith.constant 0 : index
      %get3A_189 = arith.constant 0 : index
      %get3A_190 = vector.load %arg13[%get3A_188, %get3A_189] : memref<1x1xf32, #tpu.memory_space<vmem>>, vector<1x1xf32>
      %add3A_191 = vector.broadcast %get3A_190 : vector<1x1xf32> to vector<64x1xf32>
      %add3A_192 = arith.addf %add3A_187, %add3A_191 : vector<64x1xf32>
      %swap3A_193 = arith.constant 0 : index
      %swap3A_194 = arith.constant 0 : index
      %swap3A_195 = vector.load %arg15[%swap3A_193, %swap3A_194] : memref<64x1xf32, #tpu.memory_space<vmem>>, vector<64x1xf32>
      tpu.vector_store %arg15[%swap3A_193, %swap3A_194], %add3A_192 {strides = array<i32>} : memref<64x1xf32, #tpu.memory_space<vmem>>, vector<64x1xf32>,
    } else {
    }
    return
  }
  func.func @transform_0(%arg0: i32) -> (i32, i32) {
    %c0_i32 = arith.constant 0 : i32
    %c0_i32_0 = arith.constant 0 : i32
    return %arg0, %c0_i32 : i32, i32
  }
  func.func @transform_1(%arg0: i32) -> (i32, i32, i32, i32) {
    %c0_i32 = arith.constant 0 : i32
    %c0_i32_0 = arith.constant 0 : i32
    %c0_i32_1 = arith.constant 0 : i32
    %c0_i32_2 = arith.constant 0 : i32
    return %c0_i32, %c0_i32_0, %arg0, %c0_i32_1 : i32, i32, i32, i32
  }
  func.func @transform_2(%arg0: i32) -> (i32, i32, i32) {
    %c0_i32 = arith.constant 0 : i32
    %c0_i32_0 = arith.constant 0 : i32
    %c0_i32_1 = arith.constant 0 : i32
    return %c0_i32, %arg0, %c0_i32_0 : i32, i32, i32
  }
  func.func @transform_3(%arg0: i32) -> (i32, i32) {
    %c0_i32 = arith.constant 0 : i32
    %c0_i32_0 = arith.constant 0 : i32
    return %arg0, %c0_i32 : i32, i32
  }
  func.func @transform_4(%arg0: i32) -> (i32, i32) {
    %c0_i32 = arith.constant 0 : i32
    %c0_i32_0 = arith.constant 0 : i32
    %c0_i32_1 = arith.constant 0 : i32
    return %c0_i32, %c0_i32_0 : i32, i32
  }
  func.func @transform_5(%arg0: i32) -> (i32, i32) {
    %c0_i32 = arith.constant 0 : i32
    %c0_i32_0 = arith.constant 0 : i32
    %c0_i32_1 = arith.constant 0 : i32
    return %c0_i32, %c0_i32_0 : i32, i32
  }
  func.func @transform_6(%arg0: i32) -> (i32, i32) {
    %c0_i32 = arith.constant 0 : i32
    %c0_i32_0 = arith.constant 0 : i32
    %c0_i32_1 = arith.constant 0 : i32
    return %c0_i32, %c0_i32_0 : i32, i32
  }
  func.func @transform_7(%arg0: i32) -> (i32, i32) {
    %c0_i32 = arith.constant 0 : i32
    %c0_i32_0 = arith.constant 0 : i32
    %c0_i32_1 = arith.constant 0 : i32
    return %c0_i32, %c0_i32_0 : i32, i32
  }
  func.func @transform_8(%arg0: i32) -> (i32, i32) {
    %c0_i32 = arith.constant 0 : i32
    %c0_i32_0 = arith.constant 0 : i32
    %c0_i32_1 = arith.constant 0 : i32
    return %c0_i32, %c0_i32_0 : i32, i32
  }
  func.func @transform_9(%arg0: i32) -> (i32, i32) {
    %c0_i32 = arith.constant 0 : i32
    %c0_i32_0 = arith.constant 0 : i32
    %c0_i32_1 = arith.constant 0 : i32
    return %c0_i32, %c0_i32_0 : i32, i32
  }
  func.func @transform_10(%arg0: i32) -> (i32, i32) {
    %c0_i32 = arith.constant 0 : i32
    %c0_i32_0 = arith.constant 0 : i32
    %c0_i32_1 = arith.constant 0 : i32
    return %c0_i32, %c0_i32_0 : i32, i32
  }
  func.func @transform_11(%arg0: i32) -> (i32, i32) {
    %c0_i32 = arith.constant 0 : i32
    %c0_i32_0 = arith.constant 0 : i32
    %c0_i32_1 = arith.constant 0 : i32
    return %c0_i32, %c0_i32_0 : i32, i32
  }
  func.func @transform_12(%arg0: i32) -> (i32, i32) {
    %c0_i32 = arith.constant 0 : i32
    %c0_i32_0 = arith.constant 0 : i32
    %c0_i32_1 = arith.constant 0 : i32
    return %c0_i32, %c0_i32_0 : i32, i32
  }
  func.func @transform_13(%arg0: i32) -> (i32, i32) {
    %c0_i32 = arith.constant 0 : i32
    %c0_i32_0 = arith.constant 0 : i32
    %c0_i32_1 = arith.constant 0 : i32
    return %c0_i32, %c0_i32_0 : i32, i32
  }
  func.func @transform_14(%arg0: i32) -> (i32, i32) {
    %c0_i32 = arith.constant 0 : i32
    %c0_i32_0 = arith.constant 0 : i32
    %c0_i32_1 = arith.constant 0 : i32
    return %c0_i32, %c0_i32_0 : i32, i32
  }
}

</mosaic_0001>

<sc_bundles>
// kernel: kernel.11.cloned.1.call-start
scs
__scs_entry_jumppad:
0x0: {  	(pc) =	sbr.rel $0x88, $3  }
0x1: {  	(tag) =	ssettag $0x0;
	lr =	simm.s32 $0x1  }
0x2: {  	[smem:$0x3F91] =	sst lr;
	_ =	strace $0xD0000000  }
0x3: {  	_ = 	snop  }
0x4: {  	_ = 	snop  }
0x5: {  	_ = 	snop  }
0x6: {  	_ = 	snop  }
0x7: {  	_ = 	snop  }
__scs_overlays_trampoline_lowered:
0x8: {  	[smem:$0x3FA0] =	sst s0  }
0x9: {  	[smem:$0x3FA1] =	sst s1  }
0xa: {  	[smem:$0x3FA2] =	sst s2  }
0xb: {  	[smem:$0x3FA3] =	sst s3  }
0xc: {  	[smem:$0x3FA4] =	sst s4  }
0xd: {  	[smem:$0x3FA5] =	sst s5  }
0xe: {  	[smem:$0x3FA6] =	sst s6  }
0xf: {  	[smem:$0x3FA7] =	sst s7  }
0x10: {  	[smem:$0x3FA8] =	sst s8  }
0x11: {  	[smem:$0x3FA9] =	sst s9;
	s0 =	simm.s32 @!p0 $0x0  }
0x12: {  	s1 =	sld [smem:$0x3F8F];
	s0 =	simm.s32 @p0 $0x1  }
0x13: {  	[smem:$0x3FAA] =	sst s0;
	s0 =	simm.s32 @!p1 $0x0  }
0x14: {  	s2 =	sld [smem:$0x3F8E];
	s0 =	simm.s32 @p1 $0x1  }
0x15: {  	[smem:$0x3FAB] =	sst s0;
	s0 =	simm.s32 @!p2 $0x0  }
0x16: {  	s3 =	sld [smem:$0x3FDB];
	s0 =	simm.s32 @p2 $0x1  }
0x17: {  	s4 =	simm.s32 $0x1BF5;
	[smem:$0x3FAD] =	sst s0  }
0x18: {  	s0 =	sld [smem:$0x3F90];
	_ =	swait.ge [sflag:s4], $0x0  }
0x19: {  	s7 =	sld [smem:$0x3F91]  }
0x1a: {  	s8 =	sadd.s32 $0xFFFFE003, lr  }
0x1b: {  	s9 =	sadd.s32 $0xFFFFFEF7, lr;
	s5 =	simm.s32 $0xFFFFFFFF;
	p2 =	slt.u32 s8, $0xFFFFF086  }
0x1c: {  	p1 =	slt.u32 s9, $0xF7A;
	s5 =	simm.s32 @!p2 $0x0  }
0x1d: {  	s5 =	simm.s32 @p1 $0x1;
	p0 =	seq.s32 s7, s2  }
0x1e: {  	s7 =	smul.u32 @!p0 $0xF7A, s2;
	p2 =	seq.s32 @!p0 s5, $0x0  }
0x1f: {  	s9 =	smul.u32 $0xF7A, s1;
	s8 =	simm.s32 @!p0 $0x1BF5;
	p2 =	por !p2, p0  }
0x20: {  	[sflag:s8] =	ssyncset.s32 @!p0 $0xFFFFF086;
	s6 =	sadd.s32 @!p0 s3, s7;
	s7 =	simm.s32 @!p0 $0x108  }
0x21: {  	s3 =	sadd.s32 s3, s9;
	s6 =	sadd.s32 @!p0 $0x88, s6;
	s7 =	simm.s32 @p2 $0x1082  }
0x22: {  	[simem:s7], [sflag:s8] =	dma.local @!p0 [hbm:s6], $0xF7A  }
0x23: {  	s9 =	sor.u32 $0xD0000000, s2;
	s6 =	simm.s32 $0x108;
	_ =	swait.ge @!p0 [sflag:s8], $0x0  }
0x24: {  	s3 =	sadd.s32 $0x88, s3;
	s6 =	simm.s32 @!p1 $0x1082;
	[sflag:s4] =	ssyncset.s32 $0xFFFFF086  }
0x25: {  	[simem:s6], [sflag:s4] =	dma.local [hbm:s3], $0xF7A  }
0x26: {  	[smem:$0x3F91] =	sst s1;
	(tag) =	ssettag s2;
	_ =	strace s9  }
0x27: {  	s1 =	sld [smem:$0x3FA1]  }
0x28: {  	s2 =	sld [smem:$0x3FA2]  }
0x29: {  	s4 =	sld [smem:$0x3FA4]  }
0x2a: {  	p0 =	seq.s32 s5, $0x0;
	s5 =	sld [smem:$0x3FA5]  }
0x2b: {  	s6 =	sld [smem:$0x3FA6]  }
0x2c: {  	s7 =	sld [smem:$0x3FA7]  }
0x2d: {  	s3 =	simm.s32 $0x108;
	s8 =	sld [smem:$0x3FA8]  }
0x2e: {  	s3 =	simm.s32 @!p0 $0x1082;
	s9 =	sld [smem:$0x3FA9]  }
0x2f: {  	lr =	sadd.s32 s0, s3;
	s0 =	sld [smem:$0x3FA0]  }
0x30: {  	s3 =	sld [smem:$0x3FA3]  }
0x31: {  	[smem:$0x3FAC] =	sst s10  }
0x32: {  	s10 =	sld [smem:$0x3FAA];
	_ =	sdelay $0x3  }
0x33: {  	p0 =	seq.s32 s10, $0x1;
	s10 =	sld [smem:$0x3FAC];
	_ =	sdelay $0x3  }
0x34: {  	[smem:$0x3FAC] =	sst s10  }
0x35: {  	s10 =	sld [smem:$0x3FAB];
	_ =	sdelay $0x3  }
0x36: {  	p1 =	seq.s32 s10, $0x1;
	s10 =	sld [smem:$0x3FAC];
	_ =	sdelay $0x3  }
0x37: {  	[smem:$0x3FAC] =	sst s10  }
0x38: {  	s10 =	sld [smem:$0x3FAD]  }
0x39: {  	_ = 	snop;
	(pc) =	sbr.ind lr, $3  }
0x3a: {  	_ = 	snop  }
0x3b: {  	_ = 	snop  }
0x3c: {  	p2 =	seq.s32 s10, $0x1;
	s10 =	sld [smem:$0x3FAC]  }
0x3d: {  	_ =	shalt  }
0x3e: {  	_ =	shalt  }
0x3f: {  	_ =	shalt  }
0x40: {  	_ =	shalt  }
0x41: {  	_ =	shalt  }
0x42: {  	_ =	shalt  }
0x43: {  	_ =	shalt  }
0x44: {  	_ =	shalt  }
0x45: {  	_ =	shalt  }
0x46: {  	_ =	shalt  }
0x47: {  	_ =	shalt  }
0x48: {  	_ =	shalt  }
0x49: {  	_ =	shalt  }
0x4a: {  	_ =	shalt  }
0x4b: {  	_ =	shalt  }
0x4c: {  	_ =	shalt  }
0x4d: {  	_ =	shalt  }
0x4e: {  	_ =	shalt  }
0x4f: {  	_ =	shalt  }
0x50: {  	_ =	shalt  }
0x51: {  	_ =	shalt  }
0x52: {  	_ =	shalt  }
0x53: {  	_ =	shalt  }
0x54: {  	_ =	shalt  }
0x55: {  	_ =	shalt  }
0x56: {  	_ =	shalt  }
0x57: {  	_ =	shalt  }
0x58: {  	_ =	shalt  }
0x59: {  	_ =	shalt  }
0x5a: {  	_ =	shalt  }
0x5b: {  	_ =	shalt  }
0x5c: {  	_ =	shalt  }
0x5d: {  	_ =	shalt  }
0x5e: {  	_ =	shalt  }
0x5f: {  	_ =	shalt  }
0x60: {  	_ =	shalt  }
0x61: {  	_ =	shalt  }
0x62: {  	_ =	shalt  }
0x63: {  	_ =	shalt  }
0x64: {  	_ =	shalt  }
0x65: {  	_ =	shalt  }
0x66: {  	_ =	shalt  }
0x67: {  	_ =	shalt  }
0x68: {  	_ =	shalt  }
0x69: {  	_ =	shalt  }
0x6a: {  	_ =	shalt  }
0x6b: {  	_ =	shalt  }
0x6c: {  	_ =	shalt  }
0x6d: {  	_ =	shalt  }
0x6e: {  	_ =	shalt  }
0x6f: {  	_ =	shalt  }
0x70: {  	_ =	shalt  }
0x71: {  	_ =	shalt  }
0x72: {  	_ =	shalt  }
0x73: {  	_ =	shalt  }
0x74: {  	_ =	shalt  }
0x75: {  	_ =	shalt  }
0x76: {  	_ =	shalt  }
0x77: {  	_ =	shalt  }
0x78: {  	_ =	shalt  }
0x79: {  	_ =	shalt  }
0x7a: {  	_ =	shalt  }
0x7b: {  	_ =	shalt  }
0x7c: {  	_ =	shalt  }
0x7d: {  	_ =	shalt  }
0x7e: {  	_ =	shalt  }
0x7f: {  	_ =	shalt  }
0x80: {  	_ =	shalt  }
0x81: {  	_ =	shalt  }
0x82: {  	_ =	shalt  }
0x83: {  	_ =	shalt  }
0x84: {  	_ =	shalt  }
0x85: {  	_ =	shalt  }
0x86: {  	_ =	shalt  }
0x87: {  	_ =	shalt  }
.Lfunc_end0:
.L_simem_size_0:
called_computation.1_lowered:
.L_overlay_start_0:
0x88: {  	s2 =	sld [smem:$0x3FD9]  }
0x89: {  	s3 =	sld [smem:$0x3FFE];
	_ =	sdelay $0x1  }
0x8a: {  	s1 =	srdreg.scid  }
0x8b: {  	s0 =	sand.u32 $0x1, s1  }
0x8c: {  	s16 =	sshll.u32 s0, $0xA;
	s2 =	sadd.s32 s3, s2  }
0x8d: {  	s2 =	sadd.s32 s2, s16  }
0x8e: {  	[smem:$0x3FB8] =	sst s2  }
0x8f: {  	_ = 	snop  }
0x90: {  	(tm) =	ssettm $0x1  }
0x91: {  	s17 =	sld [smem:$0x3FFB];
	_ =	sdelay $0x3  }
0x92: {  	_ =	strace s17  }
0x93: {  	s2 =	sld [smem:$0x3FFC];
	_ =	sdelay $0x3  }
0x94: {  	_ =	strace s2  }
0x95: {  	s2 =	sld [smem:$0x3FFD];
	_ =	sdelay $0x3  }
0x96: {  	_ =	strace s2  }
0x97: {  	_ =	strace $0x8FFFFFFF  }
0x98: {  	s18 =	sld [smem:$0x3FDB];
	_ =	sdelay $0x1  }
0x99: {  	s19 =	simm.s32 $_scs_section_size  }
0x9a: {  	s4 =	simm.s32 $_size__tile_overlayer_lowered;
	s5 =	simm.s32 $_tile_overlayer_lowered  }
0x9b: {  	s22 =	simm.s32 $0x1BFF;
	s21 =	sshll.u32 s5, $0x1;
	s2 =	sadd.s32 s19, s18  }
0x9c: {  	s6 =	simm.s32 $0x0;
	s20 =	sshll.u32 s4, $0x1;
	s4 =	sadd.s32 s21, s2  }
0x9d: {  	[timem:s6], [sflag:s22] =	dma.local [hbm:s4], s20  }
0x9e: {  	_ =	swait.ge [sflag:s22], s20  }
0x9f: {  	s3 =	ssub.s32 $0x0, s20;
	[sflag:s22] =	ssyncset.done $0x0  }
0xa0: {  	[sflag:s22] =	ssyncadd.s32 s3;
	_ =	sdelay $0x1  }
0xa1: {  	s23 =	simm.s32 $0x1B8B  }
0xa2: {  	_ =	swait.ge [sflag:s23], $0x1  }
0xa3: {  	[sflag:s23] =	ssyncset.done $0x0  }
0xa4: {  	s25 =	simm.s32 $0x1B8E;
	s24 =	sld [smem:$0x3FFE];
	[sflag:s23] =	ssyncadd.s32 $0xFFFFFFFF  }
0xa5: {  	s26 =	simm.s32 $execute0_lowered;
	[smem:$0x3FD2] =	sst s25  }
0xa6: {  	s4 =	sshll.u32 s26, $0x1;
	_ =	strace $0x80000049;
	[dreg:$0x1] =	wrdreg $0xFFFFFFFF  }
0xa7: {  	s28 =	simm.s32 $_size_execute0_lowered;
	s2 =	sadd.s32 s2, s4;
	[dreg:$0x0] =	wrdreg $0x0  }
0xa8: {  	s4 =	sshll.u32 s28, $0x1;
	[dreg:$0x2] =	wrdreg s2  }
0xa9: {  	[dreg:$0x3] =	wrdreg s4  }
0xaa: {  	[dreg:$0x4] =	wrdreg $0xC0  }
0xab: {  	_ =	task [dreg:s6], $0x5FFFF  }
0xac: {  	[dreg:$0x1] =	wrdreg $0xFFFFFFFF  }
0xad: {  	[dreg:$0x0] =	wrdreg $0x60  }
0xae: {  	[dreg:$0x2] =	wrdreg s24  }
0xaf: {  	[dreg:$0x3] =	wrdreg $0xA8000  }
0xb0: {  	[dreg:$0x4] =	wrdreg $0x9  }
0xb1: {  	_ =	task.clear_ibuf [dreg:s6], $0x5FFFF;
	_ =	strace $0x90000049  }
0xb2: {  	s29 =	simm.s32 $0x9;
	_ =	strace $0x8000004B  }
0xb3: {  	_ =	swait.ge [sflag:s29], $0x1  }
0xb4: {  	[sflag:s29] =	ssyncadd.s32 $0xFFFFFFFF  }
0xb5: {  	_ =	strace $0x9000004B  }
0xb6: {  	_ =	sfence  }
0xb7: {  	s30 =	sld [smem:$0x0];
	_ =	sdelay $0x2  }
0xb8: {  	s31 =	sshll.u32 s1, $0xD;
	s1 =	sshrl.u32 s1, $0x2  }
0xb9: {  	s3 =	sand.u32 $0x4000, s31;
	s1 =	sadd.s32 s1, s30  }
0xba: {  	s0 =	sor.u32 s3, s0;
	s1 =	sshll.u32 s1, $0x11  }
0xbb: {  	s0 =	sor.u32 s1, s0  }
0xbc: {  	s0 =	sadd.s32 $0x8F2B, s0  }
0xbd: {  	[sflag:s0] =	ssyncadd.remote.s32 $0x1  }
0xbe: {  	_ =	sfence.sel $0xFFFF  }
0xbf: {  	[dreg:$0x0] =	wrdreg $0xFFFFFFFF;
	(pc) =	sbr.abs _section_cstart, $3  }
0xc0: {  	[dreg:$0x1] =	wrdreg $0xFFFFFFFF  }
0xc1: {  	_ =	task.clear_ibuf [dreg:s6], $0x2FFFF;
	_ =	strace $0x9FFFFFFF  }
0xc2: {  	(tm) =	ssettm $0x7FFFFFFF  }
0xc3: {  	_ =	shalt  }
tec
execute0_lowered:
.L_overlay_start_1:
0x0: {  	(tag) =	ssettag $0x1  }
0x1: {  	s5 =	rddreg [dreg:$0x0]  }
0x2: {  	s2 =	rddreg [dreg:$0x1]  }
0x3: {  	s0 =	rddreg [dreg:$0x2];
	s3 =	simm.s32 $0x0;
	s1 =	stileid.u32  }
0x4: {  	s4 =	srdreg.scid;
	s16 =	simm.s32 $0x80;
	s17 =	simm.s32 $0x2800  }
0x5: {  	s18 =	simm.s32 $0x6800;
	s19 =	simm.s32 $0x1;
	s20 =	simm.s32 $0x2  }
0x6: {  	s21 =	simm.s32 $0x2700;
	s22 =	simm.s32 $0x2780;
	s23 =	simm.s32 $0x0  }
0x7: {  	[smem:$0x7FF] =	sst s3;
	s6 =	smul.u32 $0x14000, s1;
	s7 =	sand.u32 $0x1, s4  }
0x8: {  	s4 =	sadd.s32 $0x17800, s5;
	s9 =	sadd.s32 $0xD800, s5;
	s11 =	sadd.s32 $0x2E00, s5  }
0x9: {  	s26 =	smul.u32 $0x50000, s1;
	s30 =	sshll.u32 s1, $0x6;
	_ =	strace $0x8000004A  }
0xa: {  	s8 =	smul.u32 $0x140000, s7;
	s12 =	sshll.u32 s7, $0x4;
	s28 =	ssub.s32 $0x2, s7  }
0xb: {  	s10 =	sshrl.u32 s6, $0x3;
	s29 =	sor.u32 s1, s12;
	s7 =	sshrl.u32 s28, $0x1  }
0xc: {  	s10 =	sadd.s32 s10, s5;
	s6 =	sadd.s32 s6, s8;
	s8 =	sshrl.u32 s26, $0x2  }
0xd: {  	s12 =	smul.u32 $0x2800, s29;
	s14 =	ssub.s32 s28, s7;
	s6 =	sshrl.u32 s6, $0x3  }
0xe: {  	s15 =	sadd.s32 s8, s2;
	s13 =	sadd.s32 s6, s5;
	s5 =	sadd.s32 $0x3EA00, s10  }
0xf: {  	s6 =	sor.u32 $0x1C03, s30;
	s31 =	sshrl.u32 s12, $0x3;
	s12 =	smax.u32 s14, $0x1  }
0x10: {  	s14 =	simm.s32 $0x3;
	s7 =	sadd.s32 s9, s31;
	s10 =	sadd.s32 $0x280, s31  }
0x11: {  	s8 =	sadd.s32 s11, s31;
	s9 =	sadd.s32 s9, s10;
	s10 =	sadd.s32 s11, s10  }
0x12: {  	s11 =	sadd.s32 $0x66A00, s13;
	s13 =	sshrl.u32 s15, $0x3;
	s15 =	simm.s32 $0x1400  }
.LBB2_1:
0x13: {  	[spmem:s13], [sflag:s6] =	dma.local [hbm:s5], $0x2800  }
0x14: {  	_ =	swait.ge [sflag:s14], $0x2800  }
0x15: {  	[sflag:s14] =	ssyncset.done $0x0  }
0x16: {  	[sflag:s14] =	ssyncadd.s32 $0xFFFFD800  }
0x17: {  	[bflag:$0x0] =	sbarrier.arrive $0xFFFF  }
0x18: {  	[tilespmem:s3], [sflag:$0x3] =	stream.linear.gather [hbm4b:s7+s3], $0x1400, $0x38;
	[tilespmem:$0x1E800] =	vst v63  }
0x19: {  	_ =	swait.ge [sflag:s14], $0x1400  }
0x1a: {  	[sflag:s14] =	ssyncset.done $0x0  }
0x1b: {  	[sflag:s14] =	ssyncadd.s32 $0xFFFFEC00  }
0x1c: {  	[tilespmem:s15], [sflag:$0x3] =	stream.linear.gather [hbm4b:s8+s3], $0x1400, $0x38;
	[tilespmem:$0x1E800] =	vst v63  }
0x1d: {  	_ =	swait.ge [sflag:s14], $0x1400  }
0x1e: {  	[sflag:s14] =	ssyncset.done $0x0  }
0x1f: {  	[sflag:s14] =	ssyncadd.s32 $0xFFFFEC00  }
0x20: {  	[tilespmem:s17], [sflag:$0x1] =	stream.indirect.gather [hbm4b:s4+s16], $0x80, s3, s16, $0xb8;
	[tilespmem:$0x1E800] =	vst v63  }
0x21: {  	_ = 	snop  }
0x22: {  	[tilespmem:s18], [sflag:$0x2] =	stream.indirect.gather [hbm4b:s4+s16], $0x80, s16, s16, $0xb8;
	[tilespmem:$0x1E800] =	vst v63  }
0x23: {  	_ =	swait.ge [sflag:s19], $0x4000  }
0x24: {  	[sflag:s19] =	ssyncset.done $0x0  }
0x25: {  	s24 =	simm.s32 $0x1400;
	[sflag:s19] =	ssyncadd.s32 $0xFFFFC000  }
0x26: {  	[spmem:s2] =	stream.indirect.scatter.add.f32 [tilespmem:s17], [sflag:$0x3], $0x80, s24, s16, $0xb8;
	[tilespmem:$0x1E800] =	vst v63  }
0x27: {  	_ =	swait.ge [sflag:s14], $0x4000  }
0x28: {  	[sflag:s14] =	ssyncset.done $0x0  }
0x29: {  	s30 =	simm.s32 $0x100;
	[sflag:s14] =	ssyncadd.s32 $0xFFFFC000  }
0x2a: {  	[tilespmem:s17], [sflag:$0x1] =	stream.indirect.gather [hbm4b:s4+s16], $0x80, s30, s16, $0xb8;
	[tilespmem:$0x1E800] =	vst v63  }
0x2b: {  	_ =	swait.ge [sflag:s20], $0x4000  }
0x2c: {  	[sflag:s20] =	ssyncset.done $0x0  }
0x2d: {  	s31 =	simm.s32 $0x1480;
	[sflag:s20] =	ssyncadd.s32 $0xFFFFC000  }
0x2e: {  	[spmem:s2] =	stream.indirect.scatter.add.f32 [tilespmem:s18], [sflag:$0x3], $0x80, s31, s16, $0xb8;
	[tilespmem:$0x1E800] =	vst v63  }
0x2f: {  	_ =	swait.ge [sflag:s14], $0x4000  }
0x30: {  	[sflag:s14] =	ssyncset.done $0x0  }
0x31: {  	s25 =	simm.s32 $0x180;
	s24 =	simm.s32 $0x400;
	[sflag:s14] =	ssyncadd.s32 $0xFFFFC000  }
.LBB2_2:
0x32: {  	[tilespmem:s18], [sflag:$0x2] =	stream.indirect.gather [hbm4b:s4+s16], $0x80, s25, s16, $0xb8;
	[tilespmem:$0x1E800] =	vst v63  }
0x33: {  	s25 =	smov.u32 s24  }
0x34: {  	p0 =	sne.s32 s24, $0x4800;
	s24 =	sadd.s32 $0x400, s24;
	_ =	swait.ge [sflag:s19], $0x4000  }
0x35: {  	s25 =	sshra.s32 s25, $0x2;
	[sflag:s19] =	ssyncset.done $0x0  }
0x36: {  	s26 =	sadd.s32 $0x1400, s25;
	[sflag:s19] =	ssyncadd.s32 $0xFFFFC000  }
0x37: {  	[spmem:s2] =	stream.indirect.scatter.add.f32 [tilespmem:s17], [sflag:$0x3], $0x80, s26, s16, $0xb8;
	[tilespmem:$0x1E800] =	vst v63  }
0x38: {  	_ =	swait.ge [sflag:s14], $0x4000  }
0x39: {  	[sflag:s14] =	ssyncset.done $0x0  }
0x3a: {  	s26 =	sadd.s32 $0x100, s25;
	[sflag:s14] =	ssyncadd.s32 $0xFFFFC000  }
0x3b: {  	[tilespmem:s17], [sflag:$0x1] =	stream.indirect.gather [hbm4b:s4+s16], $0x80, s26, s16, $0xb8;
	[tilespmem:$0x1E800] =	vst v63  }
0x3c: {  	_ =	swait.ge [sflag:s20], $0x4000  }
0x3d: {  	[sflag:s20] =	ssyncset.done $0x0  }
.Ltmp0:
0x3e: {  	s26 =	sadd.s32 $0x1480, s25;
	[sflag:s20] =	ssyncadd.s32 $0xFFFFC000;
	(pc) =	sbr.rel @p0 .LBB2_2-.Ltmp0, $4  }
0x3f: {  	[spmem:s2] =	stream.indirect.scatter.add.f32 [tilespmem:s18], [sflag:$0x3], $0x80, s26, s16, $0xb8;
	[tilespmem:$0x1E800] =	vst v63  }
0x40: {  	_ =	swait.ge [sflag:s14], $0x4000  }
0x41: {  	[sflag:s14] =	ssyncset.done $0x0  }
0x42: {  	s25 =	sadd.s32 $0x180, s25;
	[sflag:s14] =	ssyncadd.s32 $0xFFFFC000  }
0x43: {  	[tilespmem:s18], [sflag:$0x2] =	stream.indirect.gather [hbm4b:s4+s16], $0x80, s25, s16, $0xb8;
	[tilespmem:$0x1E800] =	vst v63  }
0x44: {  	_ =	swait.ge [sflag:s19], $0x4000  }
0x45: {  	[sflag:s19] =	ssyncset.done $0x0  }
0x46: {  	[sflag:s19] =	ssyncadd.s32 $0xFFFFC000  }
0x47: {  	[spmem:s2] =	stream.indirect.scatter.add.f32 [tilespmem:s17], [sflag:$0x3], $0x80, s21, s16, $0xb8;
	[tilespmem:$0x1E800] =	vst v63  }
0x48: {  	_ =	swait.ge [sflag:s14], $0x4000  }
0x49: {  	[sflag:s14] =	ssyncset.done $0x0  }
0x4a: {  	[sflag:s14] =	ssyncadd.s32 $0xFFFFC000  }
0x4b: {  	_ =	swait.ge [sflag:s20], $0x4000  }
0x4c: {  	[sflag:s20] =	ssyncset.done $0x0  }
0x4d: {  	[sflag:s20] =	ssyncadd.s32 $0xFFFFC000  }
0x4e: {  	[spmem:s2] =	stream.indirect.scatter.add.f32 [tilespmem:s18], [sflag:$0x3], $0x80, s22, s16, $0xb8;
	[tilespmem:$0x1E800] =	vst v63  }
0x4f: {  	_ =	swait.ge [sflag:s14], $0x4000  }
0x50: {  	[sflag:s14] =	ssyncset.done $0x0  }
0x51: {  	s24 =	simm.s32 $0x0;
	[sflag:s14] =	ssyncadd.s32 $0xFFFFC000  }
0x52: {  	[tilespmem:s24], [sflag:$0x3] =	stream.linear.gather [hbm4b:s9+s24], $0x1400, $0x38;
	[tilespmem:$0x1E800] =	vst v63  }
0x53: {  	_ =	swait.ge [sflag:s14], $0x1400  }
0x54: {  	[sflag:s14] =	ssyncset.done $0x0  }
0x55: {  	[sflag:s14] =	ssyncadd.s32 $0xFFFFEC00  }
0x56: {  	[tilespmem:s15], [sflag:$0x3] =	stream.linear.gather [hbm4b:s10+s24], $0x1400, $0x38;
	[tilespmem:$0x1E800] =	vst v63  }
0x57: {  	_ =	swait.ge [sflag:s14], $0x1400  }
0x58: {  	[sflag:s14] =	ssyncset.done $0x0  }
0x59: {  	[sflag:s14] =	ssyncadd.s32 $0xFFFFEC00  }
0x5a: {  	[tilespmem:s17], [sflag:$0x1] =	stream.indirect.gather [hbm4b:s4+s16], $0x80, s24, s16, $0xb8;
	[tilespmem:$0x1E800] =	vst v63  }
0x5b: {  	_ = 	snop  }
0x5c: {  	[tilespmem:s18], [sflag:$0x2] =	stream.indirect.gather [hbm4b:s4+s16], $0x80, s16, s16, $0xb8;
	[tilespmem:$0x1E800] =	vst v63  }
0x5d: {  	_ =	swait.ge [sflag:s19], $0x4000  }
0x5e: {  	[sflag:s19] =	ssyncset.done $0x0  }
0x5f: {  	s29 =	simm.s32 $0x1400;
	[sflag:s19] =	ssyncadd.s32 $0xFFFFC000  }
0x60: {  	[spmem:s2] =	stream.indirect.scatter.add.f32 [tilespmem:s17], [sflag:$0x3], $0x80, s29, s16, $0xb8;
	[tilespmem:$0x1E800] =	vst v63  }
0x61: {  	_ =	swait.ge [sflag:s14], $0x4000  }
0x62: {  	[sflag:s14] =	ssyncset.done $0x0  }
0x63: {  	s30 =	simm.s32 $0x100;
	[sflag:s14] =	ssyncadd.s32 $0xFFFFC000  }
0x64: {  	[tilespmem:s17], [sflag:$0x1] =	stream.indirect.gather [hbm4b:s4+s16], $0x80, s30, s16, $0xb8;
	[tilespmem:$0x1E800] =	vst v63  }
0x65: {  	_ =	swait.ge [sflag:s20], $0x4000  }
0x66: {  	[sflag:s20] =	ssyncset.done $0x0  }
0x67: {  	s31 =	simm.s32 $0x1480;
	[sflag:s20] =	ssyncadd.s32 $0xFFFFC000  }
0x68: {  	[spmem:s2] =	stream.indirect.scatter.add.f32 [tilespmem:s18], [sflag:$0x3], $0x80, s31, s16, $0xb8;
	[tilespmem:$0x1E800] =	vst v63  }
0x69: {  	_ =	swait.ge [sflag:s14], $0x4000  }
0x6a: {  	[sflag:s14] =	ssyncset.done $0x0  }
0x6b: {  	s25 =	simm.s32 $0x180;
	s24 =	simm.s32 $0x400;
	[sflag:s14] =	ssyncadd.s32 $0xFFFFC000  }
.LBB2_4:
0x6c: {  	[tilespmem:s18], [sflag:$0x2] =	stream.indirect.gather [hbm4b:s4+s16], $0x80, s25, s16, $0xb8;
	[tilespmem:$0x1E800] =	vst v63  }
0x6d: {  	s25 =	smov.u32 s24  }
0x6e: {  	p0 =	sne.s32 s24, $0x4800;
	s24 =	sadd.s32 $0x400, s24;
	_ =	swait.ge [sflag:s19], $0x4000  }
0x6f: {  	s25 =	sshra.s32 s25, $0x2;
	[sflag:s19] =	ssyncset.done $0x0  }
0x70: {  	s26 =	sadd.s32 $0x1400, s25;
	[sflag:s19] =	ssyncadd.s32 $0xFFFFC000  }
0x71: {  	[spmem:s2] =	stream.indirect.scatter.add.f32 [tilespmem:s17], [sflag:$0x3], $0x80, s26, s16, $0xb8;
	[tilespmem:$0x1E800] =	vst v63  }
0x72: {  	_ =	swait.ge [sflag:s14], $0x4000  }
0x73: {  	[sflag:s14] =	ssyncset.done $0x0  }
0x74: {  	s26 =	sadd.s32 $0x100, s25;
	[sflag:s14] =	ssyncadd.s32 $0xFFFFC000  }
0x75: {  	[tilespmem:s17], [sflag:$0x1] =	stream.indirect.gather [hbm4b:s4+s16], $0x80, s26, s16, $0xb8;
	[tilespmem:$0x1E800] =	vst v63  }
0x76: {  	_ =	swait.ge [sflag:s20], $0x4000  }
0x77: {  	[sflag:s20] =	ssyncset.done $0x0  }
.Ltmp1:
0x78: {  	s26 =	sadd.s32 $0x1480, s25;
	[sflag:s20] =	ssyncadd.s32 $0xFFFFC000;
	(pc) =	sbr.rel @p0 .LBB2_4-.Ltmp1, $4  }
0x79: {  	[spmem:s2] =	stream.indirect.scatter.add.f32 [tilespmem:s18], [sflag:$0x3], $0x80, s26, s16, $0xb8;
	[tilespmem:$0x1E800] =	vst v63  }
0x7a: {  	_ =	swait.ge [sflag:s14], $0x4000  }
0x7b: {  	[sflag:s14] =	ssyncset.done $0x0  }
0x7c: {  	s25 =	sadd.s32 $0x180, s25;
	[sflag:s14] =	ssyncadd.s32 $0xFFFFC000  }
0x7d: {  	[tilespmem:s18], [sflag:$0x2] =	stream.indirect.gather [hbm4b:s4+s16], $0x80, s25, s16, $0xb8;
	[tilespmem:$0x1E800] =	vst v63  }
0x7e: {  	_ =	swait.ge [sflag:s19], $0x4000  }
0x7f: {  	[sflag:s19] =	ssyncset.done $0x0  }
0x80: {  	[sflag:s19] =	ssyncadd.s32 $0xFFFFC000  }
0x81: {  	[spmem:s2] =	stream.indirect.scatter.add.f32 [tilespmem:s17], [sflag:$0x3], $0x80, s21, s16, $0xb8;
	[tilespmem:$0x1E800] =	vst v63  }
0x82: {  	_ =	swait.ge [sflag:s14], $0x4000  }
0x83: {  	[sflag:s14] =	ssyncset.done $0x0  }
0x84: {  	[sflag:s14] =	ssyncadd.s32 $0xFFFFC000  }
0x85: {  	_ =	swait.ge [sflag:s20], $0x4000  }
0x86: {  	[sflag:s20] =	ssyncset.done $0x0  }
0x87: {  	[sflag:s20] =	ssyncadd.s32 $0xFFFFC000  }
0x88: {  	[spmem:s2] =	stream.indirect.scatter.add.f32 [tilespmem:s18], [sflag:$0x3], $0x80, s22, s16, $0xb8;
	[tilespmem:$0x1E800] =	vst v63  }
0x89: {  	_ =	swait.ge [sflag:s14], $0x4000  }
0x8a: {  	s23 =	sadd.s32 $0x1, s23;
	[sflag:s14] =	ssyncset.done $0x0  }
0x8b: {  	p0 =	sne.s32 s23, s12;
	[sflag:s14] =	ssyncadd.s32 $0xFFFFC000  }
.Ltmp2:
0x8c: {  	[bflag:$0x0] =	sbarrier.arrive $0xFFFF;
	(pc) =	sbr.rel @p0 .LBB2_1-.Ltmp2, $4  }
0x8d: {  	[hbm:s11], [sflag:s6] =	dma.local [spmem:s13], $0x2800  }
0x8e: {  	_ =	swait.ge [sflag:s14], $0x2800  }
0x8f: {  	[sflag:s14] =	ssyncset.done $0x0  }
0x90: {  	[sflag:s14] =	ssyncadd.s32 $0xFFFFD800  }
0x91: {  	_ =	sfence.sel $0x180000  }
0x92: {  	[bflag:$0x0] =	sbarrier.arrive $0xFFFF  }
0x93: {  	p0 =	sne.s32 s1, $0x0;
	_ =	strace $0x9000004A  }
0x94: {  	s0 =	sadd.s32 @!p0 $0x100000, s0;
	[bflag:$0x2] =	sbarrier.arrive $0xFFFF  }
0x95: {  	[sflag:s0] =	ssyncadd.tile.s32 @!p0 $0x1;
	_ =	shalt  }
.Lfunc_end2:
_tile_overlayer_lowered:
.L_overlay_start_2:
0x96: {  	(tag) =	ssettag $0x2  }
0x97: {  	s0 =	rddreg [dreg:$0x0];
	s2 =	stileid.u32  }
0x98: {  	s1 =	rddreg [dreg:$0x1];
	p0 =	sne.s32 s2, $0x0  }
0x99: {  	s3 =	rddreg [dreg:$0x2];
	[bflag:$0x3] =	sbarrier.arrive $0xFFFF;
	s2 =	simm.s32 @!p0 $0x1C03  }
0x9a: {  	[timem:s3], [sflag:s2] =	dma.local @!p0 [hbm:s0], s1  }
0x9b: {  	s0 =	simm.s32 @!p0 $0x3  }
0x9c: {  	_ =	swait.ge @!p0 [sflag:s0], s1  }
0x9d: {  	s1 =	ssub.s32 @!p0 $0x0, s1;
	[sflag:s0] =	ssyncset.done @!p0 $0x0  }
0x9e: {  	[sflag:s0] =	ssyncadd.s32 @!p0 s1  }
0x9f: {  	[bflag:$0x3] =	sbarrier.arrive $0xFFFF  }
0xa0: {  	_ =	shalt  }

// kernel: kernel.14.cloned.1.call-start
scs
__scs_entry_jumppad:
0x0: {  	(pc) =	sbr.rel $0x88, $3  }
0x1: {  	(tag) =	ssettag $0x0;
	lr =	simm.s32 $0x1  }
0x2: {  	[smem:$0x3F91] =	sst lr;
	_ =	strace $0xD0000000  }
0x3: {  	_ = 	snop  }
0x4: {  	_ = 	snop  }
0x5: {  	_ = 	snop  }
0x6: {  	_ = 	snop  }
0x7: {  	_ = 	snop  }
__scs_overlays_trampoline_lowered:
0x8: {  	[smem:$0x3FA0] =	sst s0  }
0x9: {  	[smem:$0x3FA1] =	sst s1  }
0xa: {  	[smem:$0x3FA2] =	sst s2  }
0xb: {  	[smem:$0x3FA3] =	sst s3  }
0xc: {  	[smem:$0x3FA4] =	sst s4  }
0xd: {  	[smem:$0x3FA5] =	sst s5  }
0xe: {  	[smem:$0x3FA6] =	sst s6  }
0xf: {  	[smem:$0x3FA7] =	sst s7  }
0x10: {  	[smem:$0x3FA8] =	sst s8  }
0x11: {  	[smem:$0x3FA9] =	sst s9;
	s0 =	simm.s32 @!p0 $0x0  }
0x12: {  	s1 =	sld [smem:$0x3F8F];
	s0 =	simm.s32 @p0 $0x1  }
0x13: {  	[smem:$0x3FAA] =	sst s0;
	s0 =	simm.s32 @!p1 $0x0  }
0x14: {  	s2 =	sld [smem:$0x3F8E];
	s0 =	simm.s32 @p1 $0x1  }
0x15: {  	[smem:$0x3FAB] =	sst s0;
	s0 =	simm.s32 @!p2 $0x0  }
0x16: {  	s3 =	sld [smem:$0x3FDB];
	s0 =	simm.s32 @p2 $0x1  }
0x17: {  	s4 =	simm.s32 $0x1BF5;
	[smem:$0x3FAD] =	sst s0  }
0x18: {  	s0 =	sld [smem:$0x3F90];
	_ =	swait.ge [sflag:s4], $0x0  }
0x19: {  	s7 =	sld [smem:$0x3F91]  }
0x1a: {  	s8 =	sadd.s32 $0xFFFFE003, lr  }
0x1b: {  	s9 =	sadd.s32 $0xFFFFFEF7, lr;
	s5 =	simm.s32 $0xFFFFFFFF;
	p2 =	slt.u32 s8, $0xFFFFF086  }
0x1c: {  	p1 =	slt.u32 s9, $0xF7A;
	s5 =	simm.s32 @!p2 $0x0  }
0x1d: {  	s5 =	simm.s32 @p1 $0x1;
	p0 =	seq.s32 s7, s2  }
0x1e: {  	s7 =	smul.u32 @!p0 $0xF7A, s2;
	p2 =	seq.s32 @!p0 s5, $0x0  }
0x1f: {  	s9 =	smul.u32 $0xF7A, s1;
	s8 =	simm.s32 @!p0 $0x1BF5;
	p2 =	por !p2, p0  }
0x20: {  	[sflag:s8] =	ssyncset.s32 @!p0 $0xFFFFF086;
	s6 =	sadd.s32 @!p0 s3, s7;
	s7 =	simm.s32 @!p0 $0x108  }
0x21: {  	s3 =	sadd.s32 s3, s9;
	s6 =	sadd.s32 @!p0 $0x88, s6;
	s7 =	simm.s32 @p2 $0x1082  }
0x22: {  	[simem:s7], [sflag:s8] =	dma.local @!p0 [hbm:s6], $0xF7A  }
0x23: {  	s9 =	sor.u32 $0xD0000000, s2;
	s6 =	simm.s32 $0x108;
	_ =	swait.ge @!p0 [sflag:s8], $0x0  }
0x24: {  	s3 =	sadd.s32 $0x88, s3;
	s6 =	simm.s32 @!p1 $0x1082;
	[sflag:s4] =	ssyncset.s32 $0xFFFFF086  }
0x25: {  	[simem:s6], [sflag:s4] =	dma.local [hbm:s3], $0xF7A  }
0x26: {  	[smem:$0x3F91] =	sst s1;
	(tag) =	ssettag s2;
	_ =	strace s9  }
0x27: {  	s1 =	sld [smem:$0x3FA1]  }
0x28: {  	s2 =	sld [smem:$0x3FA2]  }
0x29: {  	s4 =	sld [smem:$0x3FA4]  }
0x2a: {  	p0 =	seq.s32 s5, $0x0;
	s5 =	sld [smem:$0x3FA5]  }
0x2b: {  	s6 =	sld [smem:$0x3FA6]  }
0x2c: {  	s7 =	sld [smem:$0x3FA7]  }
0x2d: {  	s3 =	simm.s32 $0x108;
	s8 =	sld [smem:$0x3FA8]  }
0x2e: {  	s3 =	simm.s32 @!p0 $0x1082;
	s9 =	sld [smem:$0x3FA9]  }
0x2f: {  	lr =	sadd.s32 s0, s3;
	s0 =	sld [smem:$0x3FA0]  }
0x30: {  	s3 =	sld [smem:$0x3FA3]  }
0x31: {  	[smem:$0x3FAC] =	sst s10  }
0x32: {  	s10 =	sld [smem:$0x3FAA];
	_ =	sdelay $0x3  }
0x33: {  	p0 =	seq.s32 s10, $0x1;
	s10 =	sld [smem:$0x3FAC];
	_ =	sdelay $0x3  }
0x34: {  	[smem:$0x3FAC] =	sst s10  }
0x35: {  	s10 =	sld [smem:$0x3FAB];
	_ =	sdelay $0x3  }
0x36: {  	p1 =	seq.s32 s10, $0x1;
	s10 =	sld [smem:$0x3FAC];
	_ =	sdelay $0x3  }
0x37: {  	[smem:$0x3FAC] =	sst s10  }
0x38: {  	s10 =	sld [smem:$0x3FAD]  }
0x39: {  	_ = 	snop;
	(pc) =	sbr.ind lr, $3  }
0x3a: {  	_ = 	snop  }
0x3b: {  	_ = 	snop  }
0x3c: {  	p2 =	seq.s32 s10, $0x1;
	s10 =	sld [smem:$0x3FAC]  }
0x3d: {  	_ =	shalt  }
0x3e: {  	_ =	shalt  }
0x3f: {  	_ =	shalt  }
0x40: {  	_ =	shalt  }
0x41: {  	_ =	shalt  }
0x42: {  	_ =	shalt  }
0x43: {  	_ =	shalt  }
0x44: {  	_ =	shalt  }
0x45: {  	_ =	shalt  }
0x46: {  	_ =	shalt  }
0x47: {  	_ =	shalt  }
0x48: {  	_ =	shalt  }
0x49: {  	_ =	shalt  }
0x4a: {  	_ =	shalt  }
0x4b: {  	_ =	shalt  }
0x4c: {  	_ =	shalt  }
0x4d: {  	_ =	shalt  }
0x4e: {  	_ =	shalt  }
0x4f: {  	_ =	shalt  }
0x50: {  	_ =	shalt  }
0x51: {  	_ =	shalt  }
0x52: {  	_ =	shalt  }
0x53: {  	_ =	shalt  }
0x54: {  	_ =	shalt  }
0x55: {  	_ =	shalt  }
0x56: {  	_ =	shalt  }
0x57: {  	_ =	shalt  }
0x58: {  	_ =	shalt  }
0x59: {  	_ =	shalt  }
0x5a: {  	_ =	shalt  }
0x5b: {  	_ =	shalt  }
0x5c: {  	_ =	shalt  }
0x5d: {  	_ =	shalt  }
0x5e: {  	_ =	shalt  }
0x5f: {  	_ =	shalt  }
0x60: {  	_ =	shalt  }
0x61: {  	_ =	shalt  }
0x62: {  	_ =	shalt  }
0x63: {  	_ =	shalt  }
0x64: {  	_ =	shalt  }
0x65: {  	_ =	shalt  }
0x66: {  	_ =	shalt  }
0x67: {  	_ =	shalt  }
0x68: {  	_ =	shalt  }
0x69: {  	_ =	shalt  }
0x6a: {  	_ =	shalt  }
0x6b: {  	_ =	shalt  }
0x6c: {  	_ =	shalt  }
0x6d: {  	_ =	shalt  }
0x6e: {  	_ =	shalt  }
0x6f: {  	_ =	shalt  }
0x70: {  	_ =	shalt  }
0x71: {  	_ =	shalt  }
0x72: {  	_ =	shalt  }
0x73: {  	_ =	shalt  }
0x74: {  	_ =	shalt  }
0x75: {  	_ =	shalt  }
0x76: {  	_ =	shalt  }
0x77: {  	_ =	shalt  }
0x78: {  	_ =	shalt  }
0x79: {  	_ =	shalt  }
0x7a: {  	_ =	shalt  }
0x7b: {  	_ =	shalt  }
0x7c: {  	_ =	shalt  }
0x7d: {  	_ =	shalt  }
0x7e: {  	_ =	shalt  }
0x7f: {  	_ =	shalt  }
0x80: {  	_ =	shalt  }
0x81: {  	_ =	shalt  }
0x82: {  	_ =	shalt  }
0x83: {  	_ =	shalt  }
0x84: {  	_ =	shalt  }
0x85: {  	_ =	shalt  }
0x86: {  	_ =	shalt  }
0x87: {  	_ =	shalt  }
.Lfunc_end0:
.L_simem_size_0:
called_computation.2_lowered:
.L_overlay_start_0:
0x88: {  	s2 =	sld [smem:$0x3FD9]  }
0x89: {  	s3 =	sld [smem:$0x3FFE];
	_ =	sdelay $0x1  }
0x8a: {  	s1 =	srdreg.scid  }
0x8b: {  	s0 =	sand.u32 $0x1, s1  }
0x8c: {  	s16 =	sshll.u32 s0, $0xA;
	s2 =	sadd.s32 s3, s2  }
0x8d: {  	s2 =	sadd.s32 s2, s16  }
0x8e: {  	[smem:$0x3FB8] =	sst s2  }
0x8f: {  	_ = 	snop  }
0x90: {  	(tm) =	ssettm $0x1  }
0x91: {  	s17 =	sld [smem:$0x3FFB];
	_ =	sdelay $0x3  }
0x92: {  	_ =	strace s17  }
0x93: {  	s2 =	sld [smem:$0x3FFC];
	_ =	sdelay $0x3  }
0x94: {  	_ =	strace s2  }
0x95: {  	s2 =	sld [smem:$0x3FFD];
	_ =	sdelay $0x3  }
0x96: {  	_ =	strace s2  }
0x97: {  	_ =	strace $0x8FFFFFFF  }
0x98: {  	s18 =	sld [smem:$0x3FDB];
	_ =	sdelay $0x1  }
0x99: {  	s19 =	simm.s32 $_scs_section_size  }
0x9a: {  	s4 =	simm.s32 $_size__tile_overlayer_lowered;
	s5 =	simm.s32 $_tile_overlayer_lowered  }
0x9b: {  	s22 =	simm.s32 $0x1BFF;
	s21 =	sshll.u32 s5, $0x1;
	s2 =	sadd.s32 s19, s18  }
0x9c: {  	s6 =	simm.s32 $0x0;
	s20 =	sshll.u32 s4, $0x1;
	s4 =	sadd.s32 s21, s2  }
0x9d: {  	[timem:s6], [sflag:s22] =	dma.local [hbm:s4], s20  }
0x9e: {  	_ =	swait.ge [sflag:s22], s20  }
0x9f: {  	s3 =	ssub.s32 $0x0, s20;
	[sflag:s22] =	ssyncset.done $0x0  }
0xa0: {  	[sflag:s22] =	ssyncadd.s32 s3;
	_ =	sdelay $0x1  }
0xa1: {  	s23 =	simm.s32 $0x1B8B  }
0xa2: {  	_ =	swait.ge [sflag:s23], $0x1  }
0xa3: {  	[sflag:s23] =	ssyncset.done $0x0  }
0xa4: {  	s25 =	simm.s32 $0x1B8E;
	s24 =	sld [smem:$0x3FFE];
	[sflag:s23] =	ssyncadd.s32 $0xFFFFFFFF  }
0xa5: {  	s26 =	simm.s32 $execute0_lowered;
	[smem:$0x3FD2] =	sst s25  }
0xa6: {  	s4 =	sshll.u32 s26, $0x1;
	_ =	strace $0x8000004C;
	[dreg:$0x1] =	wrdreg $0xFFFFFFFF  }
0xa7: {  	s28 =	simm.s32 $_size_execute0_lowered;
	s2 =	sadd.s32 s2, s4;
	[dreg:$0x0] =	wrdreg $0x0  }
0xa8: {  	s4 =	sshll.u32 s28, $0x1;
	[dreg:$0x2] =	wrdreg s2  }
0xa9: {  	[dreg:$0x3] =	wrdreg s4  }
0xaa: {  	[dreg:$0x4] =	wrdreg $0xC0  }
0xab: {  	_ =	task [dreg:s6], $0x5FFFF  }
0xac: {  	[dreg:$0x1] =	wrdreg $0xFFFFFFFF  }
0xad: {  	[dreg:$0x0] =	wrdreg $0x60  }
0xae: {  	[dreg:$0x2] =	wrdreg s24  }
0xaf: {  	[dreg:$0x3] =	wrdreg $0xA8000  }
0xb0: {  	[dreg:$0x4] =	wrdreg $0x9  }
0xb1: {  	_ =	task.clear_ibuf [dreg:s6], $0x5FFFF;
	_ =	strace $0x9000004C  }
0xb2: {  	s29 =	simm.s32 $0x9;
	_ =	strace $0x8000004E  }
0xb3: {  	_ =	swait.ge [sflag:s29], $0x1  }
0xb4: {  	[sflag:s29] =	ssyncadd.s32 $0xFFFFFFFF  }
0xb5: {  	_ =	strace $0x9000004E  }
0xb6: {  	_ =	sfence  }
0xb7: {  	s30 =	sld [smem:$0x0];
	_ =	sdelay $0x2  }
0xb8: {  	s31 =	sshll.u32 s1, $0xD;
	s1 =	sshrl.u32 s1, $0x2  }
0xb9: {  	s3 =	sand.u32 $0x4000, s31;
	s1 =	sadd.s32 s1, s30  }
0xba: {  	s0 =	sor.u32 s3, s0;
	s1 =	sshll.u32 s1, $0x11  }
0xbb: {  	s0 =	sor.u32 s1, s0  }
0xbc: {  	s0 =	sadd.s32 $0x8F2B, s0  }
0xbd: {  	[sflag:s0] =	ssyncadd.remote.s32 $0x1  }
0xbe: {  	_ =	sfence.sel $0xFFFF  }
0xbf: {  	[dreg:$0x0] =	wrdreg $0xFFFFFFFF;
	(pc) =	sbr.abs _section_cstart, $3  }
0xc0: {  	[dreg:$0x1] =	wrdreg $0xFFFFFFFF  }
0xc1: {  	_ =	task.clear_ibuf [dreg:s6], $0x2FFFF;
	_ =	strace $0x9FFFFFFF  }
0xc2: {  	(tm) =	ssettm $0x7FFFFFFF  }
0xc3: {  	_ =	shalt  }
tec
execute0_lowered:
.L_overlay_start_1:
0x0: {  	(tag) =	ssettag $0x1  }
0x1: {  	s0 =	rddreg [dreg:$0x0]  }
0x2: {  	s2 =	rddreg [dreg:$0x1];
	s3 =	simm.s32 $0x0;
	s1 =	stileid.u32  }
0x3: {  	s4 =	srdreg.scid;
	s20 =	simm.s32 $0x3;
	s21 =	simm.s32 $0x1400  }
0x4: {  	s28 =	simm.s32 $0x2700;
	s29 =	simm.s32 $0x2780;
	s30 =	simm.s32 $0x0  }
0x5: {  	[smem:$0x7FF] =	sst s3;
	s5 =	smul.u32 $0x14000, s1;
	s6 =	sand.u32 $0x1, s4  }
0x6: {  	s4 =	sadd.s32 $0x66A00, s0;
	s9 =	sadd.s32 $0xD800, s0;
	s12 =	sadd.s32 $0x2E00, s0  }
0x7: {  	s22 =	smul.u32 $0x50000, s1;
	s26 =	sshll.u32 s1, $0x6;
	s15 =	sadd.s32 $0xB4C00, s0  }
0x8: {  	s16 =	sadd.s32 $0xDBD00, s0;
	_ =	strace $0x8000004D;
	s7 =	smul.u32 $0x140000, s6  }
0x9: {  	s10 =	sshll.u32 s6, $0x4;
	s23 =	ssub.s32 $0x2, s6;
	s6 =	sor.u32 $0x1C03, s26  }
0xa: {  	s26 =	simm.s32 $0x2;
	s8 =	sshrl.u32 s5, $0x3;
	s24 =	sor.u32 s1, s10  }
0xb: {  	s25 =	sshrl.u32 s23, $0x1;
	s8 =	sadd.s32 s8, s0;
	s5 =	sadd.s32 s5, s7  }
0xc: {  	s7 =	sshrl.u32 s22, $0x2;
	s11 =	smul.u32 $0x2800, s24;
	s18 =	ssub.s32 s23, s25  }
0xd: {  	s22 =	simm.s32 $0x80;
	s23 =	simm.s32 $0x2800;
	s24 =	simm.s32 $0x6800  }
0xe: {  	s25 =	simm.s32 $0x1;
	s5 =	sshrl.u32 s5, $0x3;
	s19 =	sadd.s32 s7, s2  }
0xf: {  	s18 =	smax.u32 s18, $0x1;
	s17 =	sadd.s32 s5, s0;
	s5 =	sadd.s32 $0x3EA00, s8  }
0x10: {  	s31 =	sshrl.u32 s11, $0x3;
	s11 =	sadd.s32 $0x8DB00, s0;
	s19 =	sshrl.u32 s19, $0x3  }
0x11: {  	s7 =	sadd.s32 s9, s31;
	s8 =	sadd.s32 s12, s31;
	s13 =	sadd.s32 $0x280, s31  }
0x12: {  	s10 =	sadd.s32 $0x102E00, s17;
	s14 =	sadd.s32 $0x1A2E00, s17;
	s9 =	sadd.s32 s9, s13  }
0x13: {  	s12 =	sadd.s32 s12, s13;
	s13 =	sadd.s32 $0x152E00, s17;
	s17 =	sadd.s32 $0x1F2E00, s17  }
.LBB2_1:
0x14: {  	[spmem:s19], [sflag:s6] =	dma.local [hbm:s5], $0x2800  }
0x15: {  	_ =	swait.ge [sflag:s20], $0x2800  }
0x16: {  	[sflag:s20] =	ssyncset.done $0x0  }
0x17: {  	[sflag:s20] =	ssyncadd.s32 $0xFFFFD800  }
0x18: {  	[bflag:$0x0] =	sbarrier.arrive $0xFFFF  }
0x19: {  	[tilespmem:s3], [sflag:$0x3] =	stream.linear.gather [hbm4b:s7+s3], $0x1400, $0x38;
	[tilespmem:$0x1E800] =	vst v63  }
0x1a: {  	_ =	swait.ge [sflag:s20], $0x1400  }
0x1b: {  	[sflag:s20] =	ssyncset.done $0x0  }
0x1c: {  	[sflag:s20] =	ssyncadd.s32 $0xFFFFEC00  }
0x1d: {  	[tilespmem:s21], [sflag:$0x3] =	stream.linear.gather [hbm4b:s8+s3], $0x1400, $0x38;
	[tilespmem:$0x1E800] =	vst v63  }
0x1e: {  	_ =	swait.ge [sflag:s20], $0x1400  }
0x1f: {  	[sflag:s20] =	ssyncset.done $0x0  }
0x20: {  	[sflag:s20] =	ssyncadd.s32 $0xFFFFEC00  }
0x21: {  	[tilespmem:s23], [sflag:$0x1] =	stream.indirect.gather [hbm4b:s4+s22], $0x80, s3, s22, $0xb8;
	[tilespmem:$0x1E800] =	vst v63  }
0x22: {  	_ = 	snop  }
0x23: {  	[tilespmem:s24], [sflag:$0x2] =	stream.indirect.gather [hbm4b:s4+s22], $0x80, s22, s22, $0xb8;
	[tilespmem:$0x1E800] =	vst v63  }
0x24: {  	_ =	swait.ge [sflag:s25], $0x4000  }
0x25: {  	[sflag:s25] =	ssyncset.done $0x0  }
0x26: {  	s0 =	simm.s32 $0x1400;
	[sflag:s25] =	ssyncadd.s32 $0xFFFFC000  }
0x27: {  	[spmem:s2] =	stream.indirect.scatter.add.f32 [tilespmem:s23], [sflag:$0x3], $0x80, s0, s22, $0xb8;
	[tilespmem:$0x1E800] =	vst v63  }
0x28: {  	_ =	swait.ge [sflag:s20], $0x4000  }
0x29: {  	[sflag:s20] =	ssyncset.done $0x0  }
0x2a: {  	s1 =	simm.s32 $0x100;
	[sflag:s20] =	ssyncadd.s32 $0xFFFFC000  }
0x2b: {  	[tilespmem:s23], [sflag:$0x1] =	stream.indirect.gather [hbm4b:s4+s22], $0x80, s1, s22, $0xb8;
	[tilespmem:$0x1E800] =	vst v63  }
0x2c: {  	_ =	swait.ge [sflag:s26], $0x4000  }
0x2d: {  	[sflag:s26] =	ssyncset.done $0x0  }
0x2e: {  	s1 =	simm.s32 $0x1480;
	[sflag:s26] =	ssyncadd.s32 $0xFFFFC000  }
0x2f: {  	[spmem:s2] =	stream.indirect.scatter.add.f32 [tilespmem:s24], [sflag:$0x3], $0x80, s1, s22, $0xb8;
	[tilespmem:$0x1E800] =	vst v63  }
0x30: {  	_ =	swait.ge [sflag:s20], $0x4000  }
0x31: {  	[sflag:s20] =	ssyncset.done $0x0  }
0x32: {  	s31 =	simm.s32 $0x400;
	s0 =	simm.s32 $0x180;
	[sflag:s20] =	ssyncadd.s32 $0xFFFFC000  }
.LBB2_2:
0x33: {  	[tilespmem:s24], [sflag:$0x2] =	stream.indirect.gather [hbm4b:s4+s22], $0x80, s0, s22, $0xb8;
	[tilespmem:$0x1E800] =	vst v63  }
0x34: {  	s0 =	smov.u32 s31  }
0x35: {  	p0 =	sne.s32 s31, $0x4800;
	s31 =	sadd.s32 $0x400, s31;
	_ =	swait.ge [sflag:s25], $0x4000  }
0x36: {  	s0 =	sshra.s32 s0, $0x2;
	[sflag:s25] =	ssyncset.done $0x0  }
0x37: {  	s1 =	sadd.s32 $0x1400, s0;
	[sflag:s25] =	ssyncadd.s32 $0xFFFFC000  }
0x38: {  	[spmem:s2] =	stream.indirect.scatter.add.f32 [tilespmem:s23], [sflag:$0x3], $0x80, s1, s22, $0xb8;
	[tilespmem:$0x1E800] =	vst v63  }
0x39: {  	_ =	swait.ge [sflag:s20], $0x4000  }
0x3a: {  	[sflag:s20] =	ssyncset.done $0x0  }
0x3b: {  	s1 =	sadd.s32 $0x100, s0;
	[sflag:s20] =	ssyncadd.s32 $0xFFFFC000  }
0x3c: {  	[tilespmem:s23], [sflag:$0x1] =	stream.indirect.gather [hbm4b:s4+s22], $0x80, s1, s22, $0xb8;
	[tilespmem:$0x1E800] =	vst v63  }
0x3d: {  	_ =	swait.ge [sflag:s26], $0x4000  }
0x3e: {  	[sflag:s26] =	ssyncset.done $0x0  }
.Ltmp0:
0x3f: {  	s1 =	sadd.s32 $0x1480, s0;
	[sflag:s26] =	ssyncadd.s32 $0xFFFFC000;
	(pc) =	sbr.rel @p0 .LBB2_2-.Ltmp0, $4  }
0x40: {  	[spmem:s2] =	stream.indirect.scatter.add.f32 [tilespmem:s24], [sflag:$0x3], $0x80, s1, s22, $0xb8;
	[tilespmem:$0x1E800] =	vst v63  }
0x41: {  	_ =	swait.ge [sflag:s20], $0x4000  }
0x42: {  	[sflag:s20] =	ssyncset.done $0x0  }
0x43: {  	s0 =	sadd.s32 $0x180, s0;
	[sflag:s20] =	ssyncadd.s32 $0xFFFFC000  }
0x44: {  	[tilespmem:s24], [sflag:$0x2] =	stream.indirect.gather [hbm4b:s4+s22], $0x80, s0, s22, $0xb8;
	[tilespmem:$0x1E800] =	vst v63  }
0x45: {  	_ =	swait.ge [sflag:s25], $0x4000  }
0x46: {  	[sflag:s25] =	ssyncset.done $0x0  }
0x47: {  	[sflag:s25] =	ssyncadd.s32 $0xFFFFC000  }
0x48: {  	[spmem:s2] =	stream.indirect.scatter.add.f32 [tilespmem:s23], [sflag:$0x3], $0x80, s28, s22, $0xb8;
	[tilespmem:$0x1E800] =	vst v63  }
0x49: {  	_ =	swait.ge [sflag:s20], $0x4000  }
0x4a: {  	[sflag:s20] =	ssyncset.done $0x0  }
0x4b: {  	[sflag:s20] =	ssyncadd.s32 $0xFFFFC000  }
0x4c: {  	_ =	swait.ge [sflag:s26], $0x4000  }
0x4d: {  	[sflag:s26] =	ssyncset.done $0x0  }
0x4e: {  	[sflag:s26] =	ssyncadd.s32 $0xFFFFC000  }
0x4f: {  	[spmem:s2] =	stream.indirect.scatter.add.f32 [tilespmem:s24], [sflag:$0x3], $0x80, s29, s22, $0xb8;
	[tilespmem:$0x1E800] =	vst v63  }
0x50: {  	_ =	swait.ge [sflag:s20], $0x4000  }
0x51: {  	[sflag:s20] =	ssyncset.done $0x0  }
0x52: {  	s1 =	simm.s32 $0x0;
	[sflag:s20] =	ssyncadd.s32 $0xFFFFC000  }
0x53: {  	[tilespmem:s1], [sflag:$0x3] =	stream.linear.gather [hbm4b:s9+s1], $0x1400, $0x38;
	[tilespmem:$0x1E800] =	vst v63  }
0x54: {  	_ =	swait.ge [sflag:s20], $0x1400  }
0x55: {  	[sflag:s20] =	ssyncset.done $0x0  }
0x56: {  	[sflag:s20] =	ssyncadd.s32 $0xFFFFEC00  }
0x57: {  	[tilespmem:s21], [sflag:$0x3] =	stream.linear.gather [hbm4b:s12+s1], $0x1400, $0x38;
	[tilespmem:$0x1E800] =	vst v63  }
0x58: {  	_ =	swait.ge [sflag:s20], $0x1400  }
0x59: {  	[sflag:s20] =	ssyncset.done $0x0  }
0x5a: {  	[sflag:s20] =	ssyncadd.s32 $0xFFFFEC00  }
0x5b: {  	[tilespmem:s23], [sflag:$0x1] =	stream.indirect.gather [hbm4b:s4+s22], $0x80, s1, s22, $0xb8;
	[tilespmem:$0x1E800] =	vst v63  }
0x5c: {  	_ = 	snop  }
0x5d: {  	[tilespmem:s24], [sflag:$0x2] =	stream.indirect.gather [hbm4b:s4+s22], $0x80, s22, s22, $0xb8;
	[tilespmem:$0x1E800] =	vst v63  }
0x5e: {  	_ =	swait.ge [sflag:s25], $0x4000  }
0x5f: {  	[sflag:s25] =	ssyncset.done $0x0  }
0x60: {  	s1 =	simm.s32 $0x1400;
	[sflag:s25] =	ssyncadd.s32 $0xFFFFC000  }
0x61: {  	[spmem:s2] =	stream.indirect.scatter.add.f32 [tilespmem:s23], [sflag:$0x3], $0x80, s1, s22, $0xb8;
	[tilespmem:$0x1E800] =	vst v63  }
0x62: {  	_ =	swait.ge [sflag:s20], $0x4000  }
0x63: {  	[sflag:s20] =	ssyncset.done $0x0  }
0x64: {  	s1 =	simm.s32 $0x100;
	[sflag:s20] =	ssyncadd.s32 $0xFFFFC000  }
0x65: {  	[tilespmem:s23], [sflag:$0x1] =	stream.indirect.gather [hbm4b:s4+s22], $0x80, s1, s22, $0xb8;
	[tilespmem:$0x1E800] =	vst v63  }
0x66: {  	_ =	swait.ge [sflag:s26], $0x4000  }
0x67: {  	[sflag:s26] =	ssyncset.done $0x0  }
0x68: {  	s1 =	simm.s32 $0x1480;
	[sflag:s26] =	ssyncadd.s32 $0xFFFFC000  }
0x69: {  	[spmem:s2] =	stream.indirect.scatter.add.f32 [tilespmem:s24], [sflag:$0x3], $0x80, s1, s22, $0xb8;
	[tilespmem:$0x1E800] =	vst v63  }
0x6a: {  	_ =	swait.ge [sflag:s20], $0x4000  }
0x6b: {  	[sflag:s20] =	ssyncset.done $0x0  }
0x6c: {  	s31 =	simm.s32 $0x400;
	s0 =	simm.s32 $0x180;
	[sflag:s20] =	ssyncadd.s32 $0xFFFFC000  }
.LBB2_4:
0x6d: {  	[tilespmem:s24], [sflag:$0x2] =	stream.indirect.gather [hbm4b:s4+s22], $0x80, s0, s22, $0xb8;
	[tilespmem:$0x1E800] =	vst v63  }
0x6e: {  	s0 =	smov.u32 s31  }
0x6f: {  	p0 =	sne.s32 s31, $0x4800;
	s31 =	sadd.s32 $0x400, s31;
	_ =	swait.ge [sflag:s25], $0x4000  }
0x70: {  	s0 =	sshra.s32 s0, $0x2;
	[sflag:s25] =	ssyncset.done $0x0  }
0x71: {  	s1 =	sadd.s32 $0x1400, s0;
	[sflag:s25] =	ssyncadd.s32 $0xFFFFC000  }
0x72: {  	[spmem:s2] =	stream.indirect.scatter.add.f32 [tilespmem:s23], [sflag:$0x3], $0x80, s1, s22, $0xb8;
	[tilespmem:$0x1E800] =	vst v63  }
0x73: {  	_ =	swait.ge [sflag:s20], $0x4000  }
0x74: {  	[sflag:s20] =	ssyncset.done $0x0  }
0x75: {  	s1 =	sadd.s32 $0x100, s0;
	[sflag:s20] =	ssyncadd.s32 $0xFFFFC000  }
0x76: {  	[tilespmem:s23], [sflag:$0x1] =	stream.indirect.gather [hbm4b:s4+s22], $0x80, s1, s22, $0xb8;
	[tilespmem:$0x1E800] =	vst v63  }
0x77: {  	_ =	swait.ge [sflag:s26], $0x4000  }
0x78: {  	[sflag:s26] =	ssyncset.done $0x0  }
.Ltmp1:
0x79: {  	s1 =	sadd.s32 $0x1480, s0;
	[sflag:s26] =	ssyncadd.s32 $0xFFFFC000;
	(pc) =	sbr.rel @p0 .LBB2_4-.Ltmp1, $4  }
0x7a: {  	[spmem:s2] =	stream.indirect.scatter.add.f32 [tilespmem:s24], [sflag:$0x3], $0x80, s1, s22, $0xb8;
	[tilespmem:$0x1E800] =	vst v63  }
0x7b: {  	_ =	swait.ge [sflag:s20], $0x4000  }
0x7c: {  	[sflag:s20] =	ssyncset.done $0x0  }
0x7d: {  	s0 =	sadd.s32 $0x180, s0;
	[sflag:s20] =	ssyncadd.s32 $0xFFFFC000  }
0x7e: {  	[tilespmem:s24], [sflag:$0x2] =	stream.indirect.gather [hbm4b:s4+s22], $0x80, s0, s22, $0xb8;
	[tilespmem:$0x1E800] =	vst v63  }
0x7f: {  	_ =	swait.ge [sflag:s25], $0x4000  }
0x80: {  	[sflag:s25] =	ssyncset.done $0x0  }
0x81: {  	[sflag:s25] =	ssyncadd.s32 $0xFFFFC000  }
0x82: {  	[spmem:s2] =	stream.indirect.scatter.add.f32 [tilespmem:s23], [sflag:$0x3], $0x80, s28, s22, $0xb8;
	[tilespmem:$0x1E800] =	vst v63  }
0x83: {  	_ =	swait.ge [sflag:s20], $0x4000  }
0x84: {  	[sflag:s20] =	ssyncset.done $0x0  }
0x85: {  	[sflag:s20] =	ssyncadd.s32 $0xFFFFC000  }
0x86: {  	_ =	swait.ge [sflag:s26], $0x4000  }
0x87: {  	[sflag:s26] =	ssyncset.done $0x0  }
0x88: {  	[sflag:s26] =	ssyncadd.s32 $0xFFFFC000  }
0x89: {  	[spmem:s2] =	stream.indirect.scatter.add.f32 [tilespmem:s24], [sflag:$0x3], $0x80, s29, s22, $0xb8;
	[tilespmem:$0x1E800] =	vst v63  }
0x8a: {  	_ =	swait.ge [sflag:s20], $0x4000  }
0x8b: {  	[sflag:s20] =	ssyncset.done $0x0  }
0x8c: {  	[sflag:s20] =	ssyncadd.s32 $0xFFFFC000  }
0x8d: {  	[bflag:$0x0] =	sbarrier.arrive $0xFFFF  }
0x8e: {  	[hbm:s10], [sflag:s6] =	dma.local [spmem:s19], $0x2800  }
0x8f: {  	_ =	swait.ge [sflag:s20], $0x2800  }
0x90: {  	[sflag:s20] =	ssyncset.done $0x0  }
0x91: {  	[sflag:s20] =	ssyncadd.s32 $0xFFFFD800  }
0x92: {  	[spmem:s19], [sflag:s6] =	dma.local [hbm:s5], $0x2800  }
0x93: {  	_ =	swait.ge [sflag:s20], $0x2800  }
0x94: {  	[sflag:s20] =	ssyncset.done $0x0  }
0x95: {  	[sflag:s20] =	ssyncadd.s32 $0xFFFFD800  }
0x96: {  	s1 =	simm.s32 $0x0;
	[bflag:$0x0] =	sbarrier.arrive $0xFFFF  }
0x97: {  	[tilespmem:s1], [sflag:$0x3] =	stream.linear.gather [hbm4b:s7+s1], $0x1400, $0x38;
	[tilespmem:$0x1E800] =	vst v63  }
0x98: {  	_ =	swait.ge [sflag:s20], $0x1400  }
0x99: {  	[sflag:s20] =	ssyncset.done $0x0  }
0x9a: {  	[sflag:s20] =	ssyncadd.s32 $0xFFFFEC00  }
0x9b: {  	[tilespmem:s21], [sflag:$0x3] =	stream.linear.gather [hbm4b:s8+s1], $0x1400, $0x38;
	[tilespmem:$0x1E800] =	vst v63  }
0x9c: {  	_ =	swait.ge [sflag:s20], $0x1400  }
0x9d: {  	[sflag:s20] =	ssyncset.done $0x0  }
0x9e: {  	[sflag:s20] =	ssyncadd.s32 $0xFFFFEC00  }
0x9f: {  	[tilespmem:s23], [sflag:$0x1] =	stream.indirect.gather [hbm4b:s11+s22], $0x80, s1, s22, $0xb8;
	[tilespmem:$0x1E800] =	vst v63  }
0xa0: {  	_ = 	snop  }
0xa1: {  	[tilespmem:s24], [sflag:$0x2] =	stream.indirect.gather [hbm4b:s11+s22], $0x80, s22, s22, $0xb8;
	[tilespmem:$0x1E800] =	vst v63  }
0xa2: {  	_ =	swait.ge [sflag:s25], $0x4000  }
0xa3: {  	[sflag:s25] =	ssyncset.done $0x0  }
0xa4: {  	s1 =	simm.s32 $0x1400;
	[sflag:s25] =	ssyncadd.s32 $0xFFFFC000  }
0xa5: {  	[spmem:s2] =	stream.indirect.scatter.add.f32 [tilespmem:s23], [sflag:$0x3], $0x80, s1, s22, $0xb8;
	[tilespmem:$0x1E800] =	vst v63  }
0xa6: {  	_ =	swait.ge [sflag:s20], $0x4000  }
0xa7: {  	[sflag:s20] =	ssyncset.done $0x0  }
0xa8: {  	s1 =	simm.s32 $0x100;
	[sflag:s20] =	ssyncadd.s32 $0xFFFFC000  }
0xa9: {  	[tilespmem:s23], [sflag:$0x1] =	stream.indirect.gather [hbm4b:s11+s22], $0x80, s1, s22, $0xb8;
	[tilespmem:$0x1E800] =	vst v63  }
0xaa: {  	_ =	swait.ge [sflag:s26], $0x4000  }
0xab: {  	[sflag:s26] =	ssyncset.done $0x0  }
0xac: {  	s1 =	simm.s32 $0x1480;
	[sflag:s26] =	ssyncadd.s32 $0xFFFFC000  }
0xad: {  	[spmem:s2] =	stream.indirect.scatter.add.f32 [tilespmem:s24], [sflag:$0x3], $0x80, s1, s22, $0xb8;
	[tilespmem:$0x1E800] =	vst v63  }
0xae: {  	_ =	swait.ge [sflag:s20], $0x4000  }
0xaf: {  	[sflag:s20] =	ssyncset.done $0x0  }
0xb0: {  	s31 =	simm.s32 $0x400;
	s0 =	simm.s32 $0x180;
	[sflag:s20] =	ssyncadd.s32 $0xFFFFC000  }
.LBB2_6:
0xb1: {  	[tilespmem:s24], [sflag:$0x2] =	stream.indirect.gather [hbm4b:s11+s22], $0x80, s0, s22, $0xb8;
	[tilespmem:$0x1E800] =	vst v63  }
0xb2: {  	s0 =	smov.u32 s31  }
0xb3: {  	p0 =	sne.s32 s31, $0x4800;
	s31 =	sadd.s32 $0x400, s31;
	_ =	swait.ge [sflag:s25], $0x4000  }
0xb4: {  	s0 =	sshra.s32 s0, $0x2;
	[sflag:s25] =	ssyncset.done $0x0  }
0xb5: {  	s1 =	sadd.s32 $0x1400, s0;
	[sflag:s25] =	ssyncadd.s32 $0xFFFFC000  }
0xb6: {  	[spmem:s2] =	stream.indirect.scatter.add.f32 [tilespmem:s23], [sflag:$0x3], $0x80, s1, s22, $0xb8;
	[tilespmem:$0x1E800] =	vst v63  }
0xb7: {  	_ =	swait.ge [sflag:s20], $0x4000  }
0xb8: {  	[sflag:s20] =	ssyncset.done $0x0  }
0xb9: {  	s1 =	sadd.s32 $0x100, s0;
	[sflag:s20] =	ssyncadd.s32 $0xFFFFC000  }
0xba: {  	[tilespmem:s23], [sflag:$0x1] =	stream.indirect.gather [hbm4b:s11+s22], $0x80, s1, s22, $0xb8;
	[tilespmem:$0x1E800] =	vst v63  }
0xbb: {  	_ =	swait.ge [sflag:s26], $0x4000  }
0xbc: {  	[sflag:s26] =	ssyncset.done $0x0  }
.Ltmp2:
0xbd: {  	s1 =	sadd.s32 $0x1480, s0;
	[sflag:s26] =	ssyncadd.s32 $0xFFFFC000;
	(pc) =	sbr.rel @p0 .LBB2_6-.Ltmp2, $4  }
0xbe: {  	[spmem:s2] =	stream.indirect.scatter.add.f32 [tilespmem:s24], [sflag:$0x3], $0x80, s1, s22, $0xb8;
	[tilespmem:$0x1E800] =	vst v63  }
0xbf: {  	_ =	swait.ge [sflag:s20], $0x4000  }
0xc0: {  	[sflag:s20] =	ssyncset.done $0x0  }
0xc1: {  	s0 =	sadd.s32 $0x180, s0;
	[sflag:s20] =	ssyncadd.s32 $0xFFFFC000  }
0xc2: {  	[tilespmem:s24], [sflag:$0x2] =	stream.indirect.gather [hbm4b:s11+s22], $0x80, s0, s22, $0xb8;
	[tilespmem:$0x1E800] =	vst v63  }
0xc3: {  	_ =	swait.ge [sflag:s25], $0x4000  }
0xc4: {  	[sflag:s25] =	ssyncset.done $0x0  }
0xc5: {  	[sflag:s25] =	ssyncadd.s32 $0xFFFFC000  }
0xc6: {  	[spmem:s2] =	stream.indirect.scatter.add.f32 [tilespmem:s23], [sflag:$0x3], $0x80, s28, s22, $0xb8;
	[tilespmem:$0x1E800] =	vst v63  }
0xc7: {  	_ =	swait.ge [sflag:s20], $0x4000  }
0xc8: {  	[sflag:s20] =	ssyncset.done $0x0  }
0xc9: {  	[sflag:s20] =	ssyncadd.s32 $0xFFFFC000  }
0xca: {  	_ =	swait.ge [sflag:s26], $0x4000  }
0xcb: {  	[sflag:s26] =	ssyncset.done $0x0  }
0xcc: {  	[sflag:s26] =	ssyncadd.s32 $0xFFFFC000  }
0xcd: {  	[spmem:s2] =	stream.indirect.scatter.add.f32 [tilespmem:s24], [sflag:$0x3], $0x80, s29, s22, $0xb8;
	[tilespmem:$0x1E800] =	vst v63  }
0xce: {  	_ =	swait.ge [sflag:s20], $0x4000  }
0xcf: {  	[sflag:s20] =	ssyncset.done $0x0  }
0xd0: {  	s1 =	simm.s32 $0x0;
	[sflag:s20] =	ssyncadd.s32 $0xFFFFC000  }
0xd1: {  	[tilespmem:s1], [sflag:$0x3] =	stream.linear.gather [hbm4b:s9+s1], $0x1400, $0x38;
	[tilespmem:$0x1E800] =	vst v63  }
0xd2: {  	_ =	swait.ge [sflag:s20], $0x1400  }
0xd3: {  	[sflag:s20] =	ssyncset.done $0x0  }
0xd4: {  	[sflag:s20] =	ssyncadd.s32 $0xFFFFEC00  }
0xd5: {  	[tilespmem:s21], [sflag:$0x3] =	stream.linear.gather [hbm4b:s12+s1], $0x1400, $0x38;
	[tilespmem:$0x1E800] =	vst v63  }
0xd6: {  	_ =	swait.ge [sflag:s20], $0x1400  }
0xd7: {  	[sflag:s20] =	ssyncset.done $0x0  }
0xd8: {  	[sflag:s20] =	ssyncadd.s32 $0xFFFFEC00  }
0xd9: {  	[tilespmem:s23], [sflag:$0x1] =	stream.indirect.gather [hbm4b:s11+s22], $0x80, s1, s22, $0xb8;
	[tilespmem:$0x1E800] =	vst v63  }
0xda: {  	_ = 	snop  }
0xdb: {  	[tilespmem:s24], [sflag:$0x2] =	stream.indirect.gather [hbm4b:s11+s22], $0x80, s22, s22, $0xb8;
	[tilespmem:$0x1E800] =	vst v63  }
0xdc: {  	_ =	swait.ge [sflag:s25], $0x4000  }
0xdd: {  	[sflag:s25] =	ssyncset.done $0x0  }
0xde: {  	s1 =	simm.s32 $0x1400;
	[sflag:s25] =	ssyncadd.s32 $0xFFFFC000  }
0xdf: {  	[spmem:s2] =	stream.indirect.scatter.add.f32 [tilespmem:s23], [sflag:$0x3], $0x80, s1, s22, $0xb8;
	[tilespmem:$0x1E800] =	vst v63  }
0xe0: {  	_ =	swait.ge [sflag:s20], $0x4000  }
0xe1: {  	[sflag:s20] =	ssyncset.done $0x0  }
0xe2: {  	s1 =	simm.s32 $0x100;
	[sflag:s20] =	ssyncadd.s32 $0xFFFFC000  }
0xe3: {  	[tilespmem:s23], [sflag:$0x1] =	stream.indirect.gather [hbm4b:s11+s22], $0x80, s1, s22, $0xb8;
	[tilespmem:$0x1E800] =	vst v63  }
0xe4: {  	_ =	swait.ge [sflag:s26], $0x4000  }
0xe5: {  	[sflag:s26] =	ssyncset.done $0x0  }
0xe6: {  	s1 =	simm.s32 $0x1480;
	[sflag:s26] =	ssyncadd.s32 $0xFFFFC000  }
0xe7: {  	[spmem:s2] =	stream.indirect.scatter.add.f32 [tilespmem:s24], [sflag:$0x3], $0x80, s1, s22, $0xb8;
	[tilespmem:$0x1E800] =	vst v63  }
0xe8: {  	_ =	swait.ge [sflag:s20], $0x4000  }
0xe9: {  	[sflag:s20] =	ssyncset.done $0x0  }
0xea: {  	s31 =	simm.s32 $0x400;
	s0 =	simm.s32 $0x180;
	[sflag:s20] =	ssyncadd.s32 $0xFFFFC000  }
.LBB2_8:
0xeb: {  	[tilespmem:s24], [sflag:$0x2] =	stream.indirect.gather [hbm4b:s11+s22], $0x80, s0, s22, $0xb8;
	[tilespmem:$0x1E800] =	vst v63  }
0xec: {  	s0 =	smov.u32 s31  }
0xed: {  	p0 =	sne.s32 s31, $0x4800;
	s31 =	sadd.s32 $0x400, s31;
	_ =	swait.ge [sflag:s25], $0x4000  }
0xee: {  	s0 =	sshra.s32 s0, $0x2;
	[sflag:s25] =	ssyncset.done $0x0  }
0xef: {  	s1 =	sadd.s32 $0x1400, s0;
	[sflag:s25] =	ssyncadd.s32 $0xFFFFC000  }
0xf0: {  	[spmem:s2] =	stream.indirect.scatter.add.f32 [tilespmem:s23], [sflag:$0x3], $0x80, s1, s22, $0xb8;
	[tilespmem:$0x1E800] =	vst v63  }
0xf1: {  	_ =	swait.ge [sflag:s20], $0x4000  }
0xf2: {  	[sflag:s20] =	ssyncset.done $0x0  }
0xf3: {  	s1 =	sadd.s32 $0x100, s0;
	[sflag:s20] =	ssyncadd.s32 $0xFFFFC000  }
0xf4: {  	[tilespmem:s23], [sflag:$0x1] =	stream.indirect.gather [hbm4b:s11+s22], $0x80, s1, s22, $0xb8;
	[tilespmem:$0x1E800] =	vst v63  }
0xf5: {  	_ =	swait.ge [sflag:s26], $0x4000  }
0xf6: {  	[sflag:s26] =	ssyncset.done $0x0  }
.Ltmp3:
0xf7: {  	s1 =	sadd.s32 $0x1480, s0;
	[sflag:s26] =	ssyncadd.s32 $0xFFFFC000;
	(pc) =	sbr.rel @p0 .LBB2_8-.Ltmp3, $4  }
0xf8: {  	[spmem:s2] =	stream.indirect.scatter.add.f32 [tilespmem:s24], [sflag:$0x3], $0x80, s1, s22, $0xb8;
	[tilespmem:$0x1E800] =	vst v63  }
0xf9: {  	_ =	swait.ge [sflag:s20], $0x4000  }
0xfa: {  	[sflag:s20] =	ssyncset.done $0x0  }
0xfb: {  	s0 =	sadd.s32 $0x180, s0;
	[sflag:s20] =	ssyncadd.s32 $0xFFFFC000  }
0xfc: {  	[tilespmem:s24], [sflag:$0x2] =	stream.indirect.gather [hbm4b:s11+s22], $0x80, s0, s22, $0xb8;
	[tilespmem:$0x1E800] =	vst v63  }
0xfd: {  	_ =	swait.ge [sflag:s25], $0x4000  }
0xfe: {  	[sflag:s25] =	ssyncset.done $0x0  }
0xff: {  	[sflag:s25] =	ssyncadd.s32 $0xFFFFC000  }
0x100: {  	[spmem:s2] =	stream.indirect.scatter.add.f32 [tilespmem:s23], [sflag:$0x3], $0x80, s28, s22, $0xb8;
	[tilespmem:$0x1E800] =	vst v63  }
0x101: {  	_ =	swait.ge [sflag:s20], $0x4000  }
0x102: {  	[sflag:s20] =	ssyncset.done $0x0  }
0x103: {  	[sflag:s20] =	ssyncadd.s32 $0xFFFFC000  }
0x104: {  	_ =	swait.ge [sflag:s26], $0x4000  }
0x105: {  	[sflag:s26] =	ssyncset.done $0x0  }
0x106: {  	[sflag:s26] =	ssyncadd.s32 $0xFFFFC000  }
0x107: {  	[spmem:s2] =	stream.indirect.scatter.add.f32 [tilespmem:s24], [sflag:$0x3], $0x80, s29, s22, $0xb8;
	[tilespmem:$0x1E800] =	vst v63  }
0x108: {  	_ =	swait.ge [sflag:s20], $0x4000  }
0x109: {  	[sflag:s20] =	ssyncset.done $0x0  }
0x10a: {  	[sflag:s20] =	ssyncadd.s32 $0xFFFFC000  }
0x10b: {  	[bflag:$0x0] =	sbarrier.arrive $0xFFFF  }
0x10c: {  	[hbm:s13], [sflag:s6] =	dma.local [spmem:s19], $0x2800  }
0x10d: {  	_ =	swait.ge [sflag:s20], $0x2800  }
0x10e: {  	[sflag:s20] =	ssyncset.done $0x0  }
0x10f: {  	[sflag:s20] =	ssyncadd.s32 $0xFFFFD800  }
0x110: {  	[spmem:s19], [sflag:s6] =	dma.local [hbm:s5], $0x2800  }
0x111: {  	_ =	swait.ge [sflag:s20], $0x2800  }
0x112: {  	[sflag:s20] =	ssyncset.done $0x0  }
0x113: {  	[sflag:s20] =	ssyncadd.s32 $0xFFFFD800  }
0x114: {  	s1 =	simm.s32 $0x0;
	[bflag:$0x0] =	sbarrier.arrive $0xFFFF  }
0x115: {  	[tilespmem:s1], [sflag:$0x3] =	stream.linear.gather [hbm4b:s7+s1], $0x1400, $0x38;
	[tilespmem:$0x1E800] =	vst v63  }
0x116: {  	_ =	swait.ge [sflag:s20], $0x1400  }
0x117: {  	[sflag:s20] =	ssyncset.done $0x0  }
0x118: {  	[sflag:s20] =	ssyncadd.s32 $0xFFFFEC00  }
0x119: {  	[tilespmem:s21], [sflag:$0x3] =	stream.linear.gather [hbm4b:s8+s1], $0x1400, $0x38;
	[tilespmem:$0x1E800] =	vst v63  }
0x11a: {  	_ =	swait.ge [sflag:s20], $0x1400  }
0x11b: {  	[sflag:s20] =	ssyncset.done $0x0  }
0x11c: {  	[sflag:s20] =	ssyncadd.s32 $0xFFFFEC00  }
0x11d: {  	[tilespmem:s23], [sflag:$0x1] =	stream.indirect.gather [hbm4b:s15+s22], $0x80, s1, s22, $0xb8;
	[tilespmem:$0x1E800] =	vst v63  }
0x11e: {  	_ = 	snop  }
0x11f: {  	[tilespmem:s24], [sflag:$0x2] =	stream.indirect.gather [hbm4b:s15+s22], $0x80, s22, s22, $0xb8;
	[tilespmem:$0x1E800] =	vst v63  }
0x120: {  	_ =	swait.ge [sflag:s25], $0x4000  }
0x121: {  	[sflag:s25] =	ssyncset.done $0x0  }
0x122: {  	s1 =	simm.s32 $0x1400;
	[sflag:s25] =	ssyncadd.s32 $0xFFFFC000  }
0x123: {  	[spmem:s2] =	stream.indirect.scatter.add.f32 [tilespmem:s23], [sflag:$0x3], $0x80, s1, s22, $0xb8;
	[tilespmem:$0x1E800] =	vst v63  }
0x124: {  	_ =	swait.ge [sflag:s20], $0x4000  }
0x125: {  	[sflag:s20] =	ssyncset.done $0x0  }
0x126: {  	s1 =	simm.s32 $0x100;
	[sflag:s20] =	ssyncadd.s32 $0xFFFFC000  }
0x127: {  	[tilespmem:s23], [sflag:$0x1] =	stream.indirect.gather [hbm4b:s15+s22], $0x80, s1, s22, $0xb8;
	[tilespmem:$0x1E800] =	vst v63  }
0x128: {  	_ =	swait.ge [sflag:s26], $0x4000  }
0x129: {  	[sflag:s26] =	ssyncset.done $0x0  }
0x12a: {  	s1 =	simm.s32 $0x1480;
	[sflag:s26] =	ssyncadd.s32 $0xFFFFC000  }
0x12b: {  	[spmem:s2] =	stream.indirect.scatter.add.f32 [tilespmem:s24], [sflag:$0x3], $0x80, s1, s22, $0xb8;
	[tilespmem:$0x1E800] =	vst v63  }
0x12c: {  	_ =	swait.ge [sflag:s20], $0x4000  }
0x12d: {  	[sflag:s20] =	ssyncset.done $0x0  }
0x12e: {  	s31 =	simm.s32 $0x400;
	s0 =	simm.s32 $0x180;
	[sflag:s20] =	ssyncadd.s32 $0xFFFFC000  }
.LBB2_10:
0x12f: {  	[tilespmem:s24], [sflag:$0x2] =	stream.indirect.gather [hbm4b:s15+s22], $0x80, s0, s22, $0xb8;
	[tilespmem:$0x1E800] =	vst v63  }
0x130: {  	s0 =	smov.u32 s31  }
0x131: {  	p0 =	sne.s32 s31, $0x4800;
	s31 =	sadd.s32 $0x400, s31;
	_ =	swait.ge [sflag:s25], $0x4000  }
0x132: {  	s0 =	sshra.s32 s0, $0x2;
	[sflag:s25] =	ssyncset.done $0x0  }
0x133: {  	s1 =	sadd.s32 $0x1400, s0;
	[sflag:s25] =	ssyncadd.s32 $0xFFFFC000  }
0x134: {  	[spmem:s2] =	stream.indirect.scatter.add.f32 [tilespmem:s23], [sflag:$0x3], $0x80, s1, s22, $0xb8;
	[tilespmem:$0x1E800] =	vst v63  }
0x135: {  	_ =	swait.ge [sflag:s20], $0x4000  }
0x136: {  	[sflag:s20] =	ssyncset.done $0x0  }
0x137: {  	s1 =	sadd.s32 $0x100, s0;
	[sflag:s20] =	ssyncadd.s32 $0xFFFFC000  }
0x138: {  	[tilespmem:s23], [sflag:$0x1] =	stream.indirect.gather [hbm4b:s15+s22], $0x80, s1, s22, $0xb8;
	[tilespmem:$0x1E800] =	vst v63  }
0x139: {  	_ =	swait.ge [sflag:s26], $0x4000  }
0x13a: {  	[sflag:s26] =	ssyncset.done $0x0  }
.Ltmp4:
0x13b: {  	s1 =	sadd.s32 $0x1480, s0;
	[sflag:s26] =	ssyncadd.s32 $0xFFFFC000;
	(pc) =	sbr.rel @p0 .LBB2_10-.Ltmp4, $4  }
0x13c: {  	[spmem:s2] =	stream.indirect.scatter.add.f32 [tilespmem:s24], [sflag:$0x3], $0x80, s1, s22, $0xb8;
	[tilespmem:$0x1E800] =	vst v63  }
0x13d: {  	_ =	swait.ge [sflag:s20], $0x4000  }
0x13e: {  	[sflag:s20] =	ssyncset.done $0x0  }
0x13f: {  	s0 =	sadd.s32 $0x180, s0;
	[sflag:s20] =	ssyncadd.s32 $0xFFFFC000  }
0x140: {  	[tilespmem:s24], [sflag:$0x2] =	stream.indirect.gather [hbm4b:s15+s22], $0x80, s0, s22, $0xb8;
	[tilespmem:$0x1E800] =	vst v63  }
0x141: {  	_ =	swait.ge [sflag:s25], $0x4000  }
0x142: {  	[sflag:s25] =	ssyncset.done $0x0  }
0x143: {  	[sflag:s25] =	ssyncadd.s32 $0xFFFFC000  }
0x144: {  	[spmem:s2] =	stream.indirect.scatter.add.f32 [tilespmem:s23], [sflag:$0x3], $0x80, s28, s22, $0xb8;
	[tilespmem:$0x1E800] =	vst v63  }
0x145: {  	_ =	swait.ge [sflag:s20], $0x4000  }
0x146: {  	[sflag:s20] =	ssyncset.done $0x0  }
0x147: {  	[sflag:s20] =	ssyncadd.s32 $0xFFFFC000  }
0x148: {  	_ =	swait.ge [sflag:s26], $0x4000  }
0x149: {  	[sflag:s26] =	ssyncset.done $0x0  }
0x14a: {  	[sflag:s26] =	ssyncadd.s32 $0xFFFFC000  }
0x14b: {  	[spmem:s2] =	stream.indirect.scatter.add.f32 [tilespmem:s24], [sflag:$0x3], $0x80, s29, s22, $0xb8;
	[tilespmem:$0x1E800] =	vst v63  }
0x14c: {  	_ =	swait.ge [sflag:s20], $0x4000  }
0x14d: {  	[sflag:s20] =	ssyncset.done $0x0  }
0x14e: {  	s1 =	simm.s32 $0x0;
	[sflag:s20] =	ssyncadd.s32 $0xFFFFC000  }
0x14f: {  	[tilespmem:s1], [sflag:$0x3] =	stream.linear.gather [hbm4b:s9+s1], $0x1400, $0x38;
	[tilespmem:$0x1E800] =	vst v63  }
0x150: {  	_ =	swait.ge [sflag:s20], $0x1400  }
0x151: {  	[sflag:s20] =	ssyncset.done $0x0  }
0x152: {  	[sflag:s20] =	ssyncadd.s32 $0xFFFFEC00  }
0x153: {  	[tilespmem:s21], [sflag:$0x3] =	stream.linear.gather [hbm4b:s12+s1], $0x1400, $0x38;
	[tilespmem:$0x1E800] =	vst v63  }
0x154: {  	_ =	swait.ge [sflag:s20], $0x1400  }
0x155: {  	[sflag:s20] =	ssyncset.done $0x0  }
0x156: {  	[sflag:s20] =	ssyncadd.s32 $0xFFFFEC00  }
0x157: {  	[tilespmem:s23], [sflag:$0x1] =	stream.indirect.gather [hbm4b:s15+s22], $0x80, s1, s22, $0xb8;
	[tilespmem:$0x1E800] =	vst v63  }
0x158: {  	_ = 	snop  }
0x159: {  	[tilespmem:s24], [sflag:$0x2] =	stream.indirect.gather [hbm4b:s15+s22], $0x80, s22, s22, $0xb8;
	[tilespmem:$0x1E800] =	vst v63  }
0x15a: {  	_ =	swait.ge [sflag:s25], $0x4000  }
0x15b: {  	[sflag:s25] =	ssyncset.done $0x0  }
0x15c: {  	s1 =	simm.s32 $0x1400;
	[sflag:s25] =	ssyncadd.s32 $0xFFFFC000  }
0x15d: {  	[spmem:s2] =	stream.indirect.scatter.add.f32 [tilespmem:s23], [sflag:$0x3], $0x80, s1, s22, $0xb8;
	[tilespmem:$0x1E800] =	vst v63  }
0x15e: {  	_ =	swait.ge [sflag:s20], $0x4000  }
0x15f: {  	[sflag:s20] =	ssyncset.done $0x0  }
0x160: {  	s1 =	simm.s32 $0x100;
	[sflag:s20] =	ssyncadd.s32 $0xFFFFC000  }
0x161: {  	[tilespmem:s23], [sflag:$0x1] =	stream.indirect.gather [hbm4b:s15+s22], $0x80, s1, s22, $0xb8;
	[tilespmem:$0x1E800] =	vst v63  }
0x162: {  	_ =	swait.ge [sflag:s26], $0x4000  }
0x163: {  	[sflag:s26] =	ssyncset.done $0x0  }
0x164: {  	s1 =	simm.s32 $0x1480;
	[sflag:s26] =	ssyncadd.s32 $0xFFFFC000  }
0x165: {  	[spmem:s2] =	stream.indirect.scatter.add.f32 [tilespmem:s24], [sflag:$0x3], $0x80, s1, s22, $0xb8;
	[tilespmem:$0x1E800] =	vst v63  }
0x166: {  	_ =	swait.ge [sflag:s20], $0x4000  }
0x167: {  	[sflag:s20] =	ssyncset.done $0x0  }
0x168: {  	s31 =	simm.s32 $0x400;
	s0 =	simm.s32 $0x180;
	[sflag:s20] =	ssyncadd.s32 $0xFFFFC000  }
.LBB2_12:
0x169: {  	[tilespmem:s24], [sflag:$0x2] =	stream.indirect.gather [hbm4b:s15+s22], $0x80, s0, s22, $0xb8;
	[tilespmem:$0x1E800] =	vst v63  }
0x16a: {  	s0 =	smov.u32 s31  }
0x16b: {  	p0 =	sne.s32 s31, $0x4800;
	s31 =	sadd.s32 $0x400, s31;
	_ =	swait.ge [sflag:s25], $0x4000  }
0x16c: {  	s0 =	sshra.s32 s0, $0x2;
	[sflag:s25] =	ssyncset.done $0x0  }
0x16d: {  	s1 =	sadd.s32 $0x1400, s0;
	[sflag:s25] =	ssyncadd.s32 $0xFFFFC000  }
0x16e: {  	[spmem:s2] =	stream.indirect.scatter.add.f32 [tilespmem:s23], [sflag:$0x3], $0x80, s1, s22, $0xb8;
	[tilespmem:$0x1E800] =	vst v63  }
0x16f: {  	_ =	swait.ge [sflag:s20], $0x4000  }
0x170: {  	[sflag:s20] =	ssyncset.done $0x0  }
0x171: {  	s1 =	sadd.s32 $0x100, s0;
	[sflag:s20] =	ssyncadd.s32 $0xFFFFC000  }
0x172: {  	[tilespmem:s23], [sflag:$0x1] =	stream.indirect.gather [hbm4b:s15+s22], $0x80, s1, s22, $0xb8;
	[tilespmem:$0x1E800] =	vst v63  }
0x173: {  	_ =	swait.ge [sflag:s26], $0x4000  }
0x174: {  	[sflag:s26] =	ssyncset.done $0x0  }
.Ltmp5:
0x175: {  	s1 =	sadd.s32 $0x1480, s0;
	[sflag:s26] =	ssyncadd.s32 $0xFFFFC000;
	(pc) =	sbr.rel @p0 .LBB2_12-.Ltmp5, $4  }
0x176: {  	[spmem:s2] =	stream.indirect.scatter.add.f32 [tilespmem:s24], [sflag:$0x3], $0x80, s1, s22, $0xb8;
	[tilespmem:$0x1E800] =	vst v63  }
0x177: {  	_ =	swait.ge [sflag:s20], $0x4000  }
0x178: {  	[sflag:s20] =	ssyncset.done $0x0  }
0x179: {  	s0 =	sadd.s32 $0x180, s0;
	[sflag:s20] =	ssyncadd.s32 $0xFFFFC000  }
0x17a: {  	[tilespmem:s24], [sflag:$0x2] =	stream.indirect.gather [hbm4b:s15+s22], $0x80, s0, s22, $0xb8;
	[tilespmem:$0x1E800] =	vst v63  }
0x17b: {  	_ =	swait.ge [sflag:s25], $0x4000  }
0x17c: {  	[sflag:s25] =	ssyncset.done $0x0  }
0x17d: {  	[sflag:s25] =	ssyncadd.s32 $0xFFFFC000  }
0x17e: {  	[spmem:s2] =	stream.indirect.scatter.add.f32 [tilespmem:s23], [sflag:$0x3], $0x80, s28, s22, $0xb8;
	[tilespmem:$0x1E800] =	vst v63  }
0x17f: {  	_ =	swait.ge [sflag:s20], $0x4000  }
0x180: {  	[sflag:s20] =	ssyncset.done $0x0  }
0x181: {  	[sflag:s20] =	ssyncadd.s32 $0xFFFFC000  }
0x182: {  	_ =	swait.ge [sflag:s26], $0x4000  }
0x183: {  	[sflag:s26] =	ssyncset.done $0x0  }
0x184: {  	[sflag:s26] =	ssyncadd.s32 $0xFFFFC000  }
0x185: {  	[spmem:s2] =	stream.indirect.scatter.add.f32 [tilespmem:s24], [sflag:$0x3], $0x80, s29, s22, $0xb8;
	[tilespmem:$0x1E800] =	vst v63  }
0x186: {  	_ =	swait.ge [sflag:s20], $0x4000  }
0x187: {  	[sflag:s20] =	ssyncset.done $0x0  }
0x188: {  	[sflag:s20] =	ssyncadd.s32 $0xFFFFC000  }
0x189: {  	[bflag:$0x0] =	sbarrier.arrive $0xFFFF  }
0x18a: {  	[hbm:s14], [sflag:s6] =	dma.local [spmem:s19], $0x2800  }
0x18b: {  	_ =	swait.ge [sflag:s20], $0x2800  }
0x18c: {  	[sflag:s20] =	ssyncset.done $0x0  }
0x18d: {  	[sflag:s20] =	ssyncadd.s32 $0xFFFFD800  }
0x18e: {  	[spmem:s19], [sflag:s6] =	dma.local [hbm:s5], $0x2800  }
0x18f: {  	_ =	swait.ge [sflag:s20], $0x2800  }
0x190: {  	[sflag:s20] =	ssyncset.done $0x0  }
0x191: {  	[sflag:s20] =	ssyncadd.s32 $0xFFFFD800  }
0x192: {  	s1 =	simm.s32 $0x0;
	[bflag:$0x0] =	sbarrier.arrive $0xFFFF  }
0x193: {  	[tilespmem:s1], [sflag:$0x3] =	stream.linear.gather [hbm4b:s7+s1], $0x1400, $0x38;
	[tilespmem:$0x1E800] =	vst v63  }
0x194: {  	_ =	swait.ge [sflag:s20], $0x1400  }
0x195: {  	[sflag:s20] =	ssyncset.done $0x0  }
0x196: {  	[sflag:s20] =	ssyncadd.s32 $0xFFFFEC00  }
0x197: {  	[tilespmem:s21], [sflag:$0x3] =	stream.linear.gather [hbm4b:s8+s1], $0x1400, $0x38;
	[tilespmem:$0x1E800] =	vst v63  }
0x198: {  	_ =	swait.ge [sflag:s20], $0x1400  }
0x199: {  	[sflag:s20] =	ssyncset.done $0x0  }
0x19a: {  	[sflag:s20] =	ssyncadd.s32 $0xFFFFEC00  }
0x19b: {  	[tilespmem:s23], [sflag:$0x1] =	stream.indirect.gather [hbm4b:s16+s22], $0x80, s1, s22, $0xb8;
	[tilespmem:$0x1E800] =	vst v63  }
0x19c: {  	_ = 	snop  }
0x19d: {  	[tilespmem:s24], [sflag:$0x2] =	stream.indirect.gather [hbm4b:s16+s22], $0x80, s22, s22, $0xb8;
	[tilespmem:$0x1E800] =	vst v63  }
0x19e: {  	_ =	swait.ge [sflag:s25], $0x4000  }
0x19f: {  	[sflag:s25] =	ssyncset.done $0x0  }
0x1a0: {  	s1 =	simm.s32 $0x1400;
	[sflag:s25] =	ssyncadd.s32 $0xFFFFC000  }
0x1a1: {  	[spmem:s2] =	stream.indirect.scatter.add.f32 [tilespmem:s23], [sflag:$0x3], $0x80, s1, s22, $0xb8;
	[tilespmem:$0x1E800] =	vst v63  }
0x1a2: {  	_ =	swait.ge [sflag:s20], $0x4000  }
0x1a3: {  	[sflag:s20] =	ssyncset.done $0x0  }
0x1a4: {  	s1 =	simm.s32 $0x100;
	[sflag:s20] =	ssyncadd.s32 $0xFFFFC000  }
0x1a5: {  	[tilespmem:s23], [sflag:$0x1] =	stream.indirect.gather [hbm4b:s16+s22], $0x80, s1, s22, $0xb8;
	[tilespmem:$0x1E800] =	vst v63  }
0x1a6: {  	_ =	swait.ge [sflag:s26], $0x4000  }
0x1a7: {  	[sflag:s26] =	ssyncset.done $0x0  }
0x1a8: {  	s1 =	simm.s32 $0x1480;
	[sflag:s26] =	ssyncadd.s32 $0xFFFFC000  }
0x1a9: {  	[spmem:s2] =	stream.indirect.scatter.add.f32 [tilespmem:s24], [sflag:$0x3], $0x80, s1, s22, $0xb8;
	[tilespmem:$0x1E800] =	vst v63  }
0x1aa: {  	_ =	swait.ge [sflag:s20], $0x4000  }
0x1ab: {  	[sflag:s20] =	ssyncset.done $0x0  }
0x1ac: {  	s31 =	simm.s32 $0x400;
	s0 =	simm.s32 $0x180;
	[sflag:s20] =	ssyncadd.s32 $0xFFFFC000  }
.LBB2_14:
0x1ad: {  	[tilespmem:s24], [sflag:$0x2] =	stream.indirect.gather [hbm4b:s16+s22], $0x80, s0, s22, $0xb8;
	[tilespmem:$0x1E800] =	vst v63  }
0x1ae: {  	s0 =	smov.u32 s31  }
0x1af: {  	p0 =	sne.s32 s31, $0x4800;
	s31 =	sadd.s32 $0x400, s31;
	_ =	swait.ge [sflag:s25], $0x4000  }
0x1b0: {  	s0 =	sshra.s32 s0, $0x2;
	[sflag:s25] =	ssyncset.done $0x0  }
0x1b1: {  	s1 =	sadd.s32 $0x1400, s0;
	[sflag:s25] =	ssyncadd.s32 $0xFFFFC000  }
0x1b2: {  	[spmem:s2] =	stream.indirect.scatter.add.f32 [tilespmem:s23], [sflag:$0x3], $0x80, s1, s22, $0xb8;
	[tilespmem:$0x1E800] =	vst v63  }
0x1b3: {  	_ =	swait.ge [sflag:s20], $0x4000  }
0x1b4: {  	[sflag:s20] =	ssyncset.done $0x0  }
0x1b5: {  	s1 =	sadd.s32 $0x100, s0;
	[sflag:s20] =	ssyncadd.s32 $0xFFFFC000  }
0x1b6: {  	[tilespmem:s23], [sflag:$0x1] =	stream.indirect.gather [hbm4b:s16+s22], $0x80, s1, s22, $0xb8;
	[tilespmem:$0x1E800] =	vst v63  }
0x1b7: {  	_ =	swait.ge [sflag:s26], $0x4000  }
0x1b8: {  	[sflag:s26] =	ssyncset.done $0x0  }
.Ltmp6:
0x1b9: {  	s1 =	sadd.s32 $0x1480, s0;
	[sflag:s26] =	ssyncadd.s32 $0xFFFFC000;
	(pc) =	sbr.rel @p0 .LBB2_14-.Ltmp6, $4  }
0x1ba: {  	[spmem:s2] =	stream.indirect.scatter.add.f32 [tilespmem:s24], [sflag:$0x3], $0x80, s1, s22, $0xb8;
	[tilespmem:$0x1E800] =	vst v63  }
0x1bb: {  	_ =	swait.ge [sflag:s20], $0x4000  }
0x1bc: {  	[sflag:s20] =	ssyncset.done $0x0  }
0x1bd: {  	s0 =	sadd.s32 $0x180, s0;
	[sflag:s20] =	ssyncadd.s32 $0xFFFFC000  }
0x1be: {  	[tilespmem:s24], [sflag:$0x2] =	stream.indirect.gather [hbm4b:s16+s22], $0x80, s0, s22, $0xb8;
	[tilespmem:$0x1E800] =	vst v63  }
0x1bf: {  	_ =	swait.ge [sflag:s25], $0x4000  }
0x1c0: {  	[sflag:s25] =	ssyncset.done $0x0  }
0x1c1: {  	[sflag:s25] =	ssyncadd.s32 $0xFFFFC000  }
0x1c2: {  	[spmem:s2] =	stream.indirect.scatter.add.f32 [tilespmem:s23], [sflag:$0x3], $0x80, s28, s22, $0xb8;
	[tilespmem:$0x1E800] =	vst v63  }
0x1c3: {  	_ =	swait.ge [sflag:s20], $0x4000  }
0x1c4: {  	[sflag:s20] =	ssyncset.done $0x0  }
0x1c5: {  	[sflag:s20] =	ssyncadd.s32 $0xFFFFC000  }
0x1c6: {  	_ =	swait.ge [sflag:s26], $0x4000  }
0x1c7: {  	[sflag:s26] =	ssyncset.done $0x0  }
0x1c8: {  	[sflag:s26] =	ssyncadd.s32 $0xFFFFC000  }
0x1c9: {  	[spmem:s2] =	stream.indirect.scatter.add.f32 [tilespmem:s24], [sflag:$0x3], $0x80, s29, s22, $0xb8;
	[tilespmem:$0x1E800] =	vst v63  }
0x1ca: {  	_ =	swait.ge [sflag:s20], $0x4000  }
0x1cb: {  	[sflag:s20] =	ssyncset.done $0x0  }
0x1cc: {  	s1 =	simm.s32 $0x0;
	[sflag:s20] =	ssyncadd.s32 $0xFFFFC000  }
0x1cd: {  	[tilespmem:s1], [sflag:$0x3] =	stream.linear.gather [hbm4b:s9+s1], $0x1400, $0x38;
	[tilespmem:$0x1E800] =	vst v63  }
0x1ce: {  	_ =	swait.ge [sflag:s20], $0x1400  }
0x1cf: {  	[sflag:s20] =	ssyncset.done $0x0  }
0x1d0: {  	[sflag:s20] =	ssyncadd.s32 $0xFFFFEC00  }
0x1d1: {  	[tilespmem:s21], [sflag:$0x3] =	stream.linear.gather [hbm4b:s12+s1], $0x1400, $0x38;
	[tilespmem:$0x1E800] =	vst v63  }
0x1d2: {  	_ =	swait.ge [sflag:s20], $0x1400  }
0x1d3: {  	[sflag:s20] =	ssyncset.done $0x0  }
0x1d4: {  	[sflag:s20] =	ssyncadd.s32 $0xFFFFEC00  }
0x1d5: {  	[tilespmem:s23], [sflag:$0x1] =	stream.indirect.gather [hbm4b:s16+s22], $0x80, s1, s22, $0xb8;
	[tilespmem:$0x1E800] =	vst v63  }
0x1d6: {  	_ = 	snop  }
0x1d7: {  	[tilespmem:s24], [sflag:$0x2] =	stream.indirect.gather [hbm4b:s16+s22], $0x80, s22, s22, $0xb8;
	[tilespmem:$0x1E800] =	vst v63  }
0x1d8: {  	_ =	swait.ge [sflag:s25], $0x4000  }
0x1d9: {  	[sflag:s25] =	ssyncset.done $0x0  }
0x1da: {  	s1 =	simm.s32 $0x1400;
	[sflag:s25] =	ssyncadd.s32 $0xFFFFC000  }
0x1db: {  	[spmem:s2] =	stream.indirect.scatter.add.f32 [tilespmem:s23], [sflag:$0x3], $0x80, s1, s22, $0xb8;
	[tilespmem:$0x1E800] =	vst v63  }
0x1dc: {  	_ =	swait.ge [sflag:s20], $0x4000  }
0x1dd: {  	[sflag:s20] =	ssyncset.done $0x0  }
0x1de: {  	s1 =	simm.s32 $0x100;
	[sflag:s20] =	ssyncadd.s32 $0xFFFFC000  }
0x1df: {  	[tilespmem:s23], [sflag:$0x1] =	stream.indirect.gather [hbm4b:s16+s22], $0x80, s1, s22, $0xb8;
	[tilespmem:$0x1E800] =	vst v63  }
0x1e0: {  	_ =	swait.ge [sflag:s26], $0x4000  }
0x1e1: {  	[sflag:s26] =	ssyncset.done $0x0  }
0x1e2: {  	s1 =	simm.s32 $0x1480;
	[sflag:s26] =	ssyncadd.s32 $0xFFFFC000  }
0x1e3: {  	[spmem:s2] =	stream.indirect.scatter.add.f32 [tilespmem:s24], [sflag:$0x3], $0x80, s1, s22, $0xb8;
	[tilespmem:$0x1E800] =	vst v63  }
0x1e4: {  	_ =	swait.ge [sflag:s20], $0x4000  }
0x1e5: {  	[sflag:s20] =	ssyncset.done $0x0  }
0x1e6: {  	s31 =	simm.s32 $0x400;
	s0 =	simm.s32 $0x180;
	[sflag:s20] =	ssyncadd.s32 $0xFFFFC000  }
.LBB2_16:
0x1e7: {  	[tilespmem:s24], [sflag:$0x2] =	stream.indirect.gather [hbm4b:s16+s22], $0x80, s0, s22, $0xb8;
	[tilespmem:$0x1E800] =	vst v63  }
0x1e8: {  	s0 =	smov.u32 s31  }
0x1e9: {  	p0 =	sne.s32 s31, $0x4800;
	s31 =	sadd.s32 $0x400, s31;
	_ =	swait.ge [sflag:s25], $0x4000  }
0x1ea: {  	s0 =	sshra.s32 s0, $0x2;
	[sflag:s25] =	ssyncset.done $0x0  }
0x1eb: {  	s1 =	sadd.s32 $0x1400, s0;
	[sflag:s25] =	ssyncadd.s32 $0xFFFFC000  }
0x1ec: {  	[spmem:s2] =	stream.indirect.scatter.add.f32 [tilespmem:s23], [sflag:$0x3], $0x80, s1, s22, $0xb8;
	[tilespmem:$0x1E800] =	vst v63  }
0x1ed: {  	_ =	swait.ge [sflag:s20], $0x4000  }
0x1ee: {  	[sflag:s20] =	ssyncset.done $0x0  }
0x1ef: {  	s1 =	sadd.s32 $0x100, s0;
	[sflag:s20] =	ssyncadd.s32 $0xFFFFC000  }
0x1f0: {  	[tilespmem:s23], [sflag:$0x1] =	stream.indirect.gather [hbm4b:s16+s22], $0x80, s1, s22, $0xb8;
	[tilespmem:$0x1E800] =	vst v63  }
0x1f1: {  	_ =	swait.ge [sflag:s26], $0x4000  }
0x1f2: {  	[sflag:s26] =	ssyncset.done $0x0  }
.Ltmp7:
0x1f3: {  	s1 =	sadd.s32 $0x1480, s0;
	[sflag:s26] =	ssyncadd.s32 $0xFFFFC000;
	(pc) =	sbr.rel @p0 .LBB2_16-.Ltmp7, $4  }
0x1f4: {  	[spmem:s2] =	stream.indirect.scatter.add.f32 [tilespmem:s24], [sflag:$0x3], $0x80, s1, s22, $0xb8;
	[tilespmem:$0x1E800] =	vst v63  }
0x1f5: {  	_ =	swait.ge [sflag:s20], $0x4000  }
0x1f6: {  	[sflag:s20] =	ssyncset.done $0x0  }
0x1f7: {  	s0 =	sadd.s32 $0x180, s0;
	[sflag:s20] =	ssyncadd.s32 $0xFFFFC000  }
0x1f8: {  	[tilespmem:s24], [sflag:$0x2] =	stream.indirect.gather [hbm4b:s16+s22], $0x80, s0, s22, $0xb8;
	[tilespmem:$0x1E800] =	vst v63  }
0x1f9: {  	_ =	swait.ge [sflag:s25], $0x4000  }
0x1fa: {  	[sflag:s25] =	ssyncset.done $0x0  }
0x1fb: {  	[sflag:s25] =	ssyncadd.s32 $0xFFFFC000  }
0x1fc: {  	[spmem:s2] =	stream.indirect.scatter.add.f32 [tilespmem:s23], [sflag:$0x3], $0x80, s28, s22, $0xb8;
	[tilespmem:$0x1E800] =	vst v63  }
0x1fd: {  	_ =	swait.ge [sflag:s20], $0x4000  }
0x1fe: {  	[sflag:s20] =	ssyncset.done $0x0  }
0x1ff: {  	[sflag:s20] =	ssyncadd.s32 $0xFFFFC000  }
0x200: {  	_ =	swait.ge [sflag:s26], $0x4000  }
0x201: {  	[sflag:s26] =	ssyncset.done $0x0  }
0x202: {  	[sflag:s26] =	ssyncadd.s32 $0xFFFFC000  }
0x203: {  	[spmem:s2] =	stream.indirect.scatter.add.f32 [tilespmem:s24], [sflag:$0x3], $0x80, s29, s22, $0xb8;
	[tilespmem:$0x1E800] =	vst v63  }
0x204: {  	_ =	swait.ge [sflag:s20], $0x4000  }
0x205: {  	s30 =	sadd.s32 $0x1, s30;
	[sflag:s20] =	ssyncset.done $0x0  }
0x206: {  	p0 =	sne.s32 s30, s18;
	[sflag:s20] =	ssyncadd.s32 $0xFFFFC000  }
.Ltmp8:
0x207: {  	[bflag:$0x0] =	sbarrier.arrive $0xFFFF;
	(pc) =	sbr.rel @p0 .LBB2_1-.Ltmp8, $4  }
0x208: {  	[hbm:s17], [sflag:s6] =	dma.local [spmem:s19], $0x2800  }
0x209: {  	_ =	swait.ge [sflag:s20], $0x2800  }
0x20a: {  	[sflag:s20] =	ssyncset.done $0x0  }
0x20b: {  	[sflag:s20] =	ssyncadd.s32 $0xFFFFD800  }
0x20c: {  	_ =	sfence.sel $0x180000  }
0x20d: {  	[bflag:$0x0] =	sbarrier.arrive $0xFFFF  }
0x20e: {  	_ =	strace $0x9000004D  }
0x20f: {  	s0 =	stileid.u32;
	[bflag:$0x2] =	sbarrier.arrive $0xFFFF  }
0x210: {  	p0 =	sne.s32 s0, $0x0;
	s0 =	rddreg [dreg:$0x2]  }
0x211: {  	s0 =	sadd.s32 @!p0 $0x100000, s0  }
0x212: {  	[sflag:s0] =	ssyncadd.tile.s32 @!p0 $0x1;
	_ =	shalt  }
.Lfunc_end2:
_tile_overlayer_lowered:
.L_overlay_start_2:
0x213: {  	(tag) =	ssettag $0x2  }
0x214: {  	s0 =	rddreg [dreg:$0x0];
	s2 =	stileid.u32  }
0x215: {  	s1 =	rddreg [dreg:$0x1];
	p0 =	sne.s32 s2, $0x0  }
0x216: {  	s3 =	rddreg [dreg:$0x2];
	[bflag:$0x3] =	sbarrier.arrive $0xFFFF;
	s2 =	simm.s32 @!p0 $0x1C03  }
0x217: {  	[timem:s3], [sflag:s2] =	dma.local @!p0 [hbm:s0], s1  }
0x218: {  	s0 =	simm.s32 @!p0 $0x3  }
0x219: {  	_ =	swait.ge @!p0 [sflag:s0], s1  }
0x21a: {  	s1 =	ssub.s32 @!p0 $0x0, s1;
	[sflag:s0] =	ssyncset.done @!p0 $0x0  }
0x21b: {  	[sflag:s0] =	ssyncadd.s32 @!p0 s1  }
0x21c: {  	[bflag:$0x3] =	sbarrier.arrive $0xFFFF  }
0x21d: {  	_ =	shalt  }

// kernel: kernel.8.cloned.1.call-start
scs
__scs_entry_jumppad:
0x0: {  	(pc) =	sbr.rel $0x88, $3  }
0x1: {  	(tag) =	ssettag $0x0;
	lr =	simm.s32 $0x1  }
0x2: {  	[smem:$0x3F91] =	sst lr;
	_ =	strace $0xD0000000  }
0x3: {  	_ = 	snop  }
0x4: {  	_ = 	snop  }
0x5: {  	_ = 	snop  }
0x6: {  	_ = 	snop  }
0x7: {  	_ = 	snop  }
__scs_overlays_trampoline_lowered:
0x8: {  	[smem:$0x3FA0] =	sst s0  }
0x9: {  	[smem:$0x3FA1] =	sst s1  }
0xa: {  	[smem:$0x3FA2] =	sst s2  }
0xb: {  	[smem:$0x3FA3] =	sst s3  }
0xc: {  	[smem:$0x3FA4] =	sst s4  }
0xd: {  	[smem:$0x3FA5] =	sst s5  }
0xe: {  	[smem:$0x3FA6] =	sst s6  }
0xf: {  	[smem:$0x3FA7] =	sst s7  }
0x10: {  	[smem:$0x3FA8] =	sst s8  }
0x11: {  	[smem:$0x3FA9] =	sst s9;
	s0 =	simm.s32 @!p0 $0x0  }
0x12: {  	s1 =	sld [smem:$0x3F8F];
	s0 =	simm.s32 @p0 $0x1  }
0x13: {  	[smem:$0x3FAA] =	sst s0;
	s0 =	simm.s32 @!p1 $0x0  }
0x14: {  	s2 =	sld [smem:$0x3F8E];
	s0 =	simm.s32 @p1 $0x1  }
0x15: {  	[smem:$0x3FAB] =	sst s0;
	s0 =	simm.s32 @!p2 $0x0  }
0x16: {  	s3 =	sld [smem:$0x3FDB];
	s0 =	simm.s32 @p2 $0x1  }
0x17: {  	s4 =	simm.s32 $0x1BF5;
	[smem:$0x3FAD] =	sst s0  }
0x18: {  	s0 =	sld [smem:$0x3F90];
	_ =	swait.ge [sflag:s4], $0x0  }
0x19: {  	s7 =	sld [smem:$0x3F91]  }
0x1a: {  	s8 =	sadd.s32 $0xFFFFE003, lr  }
0x1b: {  	s9 =	sadd.s32 $0xFFFFFEF7, lr;
	s5 =	simm.s32 $0xFFFFFFFF;
	p2 =	slt.u32 s8, $0xFFFFF086  }
0x1c: {  	p1 =	slt.u32 s9, $0xF7A;
	s5 =	simm.s32 @!p2 $0x0  }
0x1d: {  	s5 =	simm.s32 @p1 $0x1;
	p0 =	seq.s32 s7, s2  }
0x1e: {  	s7 =	smul.u32 @!p0 $0xF7A, s2;
	p2 =	seq.s32 @!p0 s5, $0x0  }
0x1f: {  	s9 =	smul.u32 $0xF7A, s1;
	s8 =	simm.s32 @!p0 $0x1BF5;
	p2 =	por !p2, p0  }
0x20: {  	[sflag:s8] =	ssyncset.s32 @!p0 $0xFFFFF086;
	s6 =	sadd.s32 @!p0 s3, s7;
	s7 =	simm.s32 @!p0 $0x108  }
0x21: {  	s3 =	sadd.s32 s3, s9;
	s6 =	sadd.s32 @!p0 $0x88, s6;
	s7 =	simm.s32 @p2 $0x1082  }
0x22: {  	[simem:s7], [sflag:s8] =	dma.local @!p0 [hbm:s6], $0xF7A  }
0x23: {  	s9 =	sor.u32 $0xD0000000, s2;
	s6 =	simm.s32 $0x108;
	_ =	swait.ge @!p0 [sflag:s8], $0x0  }
0x24: {  	s3 =	sadd.s32 $0x88, s3;
	s6 =	simm.s32 @!p1 $0x1082;
	[sflag:s4] =	ssyncset.s32 $0xFFFFF086  }
0x25: {  	[simem:s6], [sflag:s4] =	dma.local [hbm:s3], $0xF7A  }
0x26: {  	[smem:$0x3F91] =	sst s1;
	(tag) =	ssettag s2;
	_ =	strace s9  }
0x27: {  	s1 =	sld [smem:$0x3FA1]  }
0x28: {  	s2 =	sld [smem:$0x3FA2]  }
0x29: {  	s4 =	sld [smem:$0x3FA4]  }
0x2a: {  	p0 =	seq.s32 s5, $0x0;
	s5 =	sld [smem:$0x3FA5]  }
0x2b: {  	s6 =	sld [smem:$0x3FA6]  }
0x2c: {  	s7 =	sld [smem:$0x3FA7]  }
0x2d: {  	s3 =	simm.s32 $0x108;
	s8 =	sld [smem:$0x3FA8]  }
0x2e: {  	s3 =	simm.s32 @!p0 $0x1082;
	s9 =	sld [smem:$0x3FA9]  }
0x2f: {  	lr =	sadd.s32 s0, s3;
	s0 =	sld [smem:$0x3FA0]  }
0x30: {  	s3 =	sld [smem:$0x3FA3]  }
0x31: {  	[smem:$0x3FAC] =	sst s10  }
0x32: {  	s10 =	sld [smem:$0x3FAA];
	_ =	sdelay $0x3  }
0x33: {  	p0 =	seq.s32 s10, $0x1;
	s10 =	sld [smem:$0x3FAC];
	_ =	sdelay $0x3  }
0x34: {  	[smem:$0x3FAC] =	sst s10  }
0x35: {  	s10 =	sld [smem:$0x3FAB];
	_ =	sdelay $0x3  }
0x36: {  	p1 =	seq.s32 s10, $0x1;
	s10 =	sld [smem:$0x3FAC];
	_ =	sdelay $0x3  }
0x37: {  	[smem:$0x3FAC] =	sst s10  }
0x38: {  	s10 =	sld [smem:$0x3FAD]  }
0x39: {  	_ = 	snop;
	(pc) =	sbr.ind lr, $3  }
0x3a: {  	_ = 	snop  }
0x3b: {  	_ = 	snop  }
0x3c: {  	p2 =	seq.s32 s10, $0x1;
	s10 =	sld [smem:$0x3FAC]  }
0x3d: {  	_ =	shalt  }
0x3e: {  	_ =	shalt  }
0x3f: {  	_ =	shalt  }
0x40: {  	_ =	shalt  }
0x41: {  	_ =	shalt  }
0x42: {  	_ =	shalt  }
0x43: {  	_ =	shalt  }
0x44: {  	_ =	shalt  }
0x45: {  	_ =	shalt  }
0x46: {  	_ =	shalt  }
0x47: {  	_ =	shalt  }
0x48: {  	_ =	shalt  }
0x49: {  	_ =	shalt  }
0x4a: {  	_ =	shalt  }
0x4b: {  	_ =	shalt  }
0x4c: {  	_ =	shalt  }
0x4d: {  	_ =	shalt  }
0x4e: {  	_ =	shalt  }
0x4f: {  	_ =	shalt  }
0x50: {  	_ =	shalt  }
0x51: {  	_ =	shalt  }
0x52: {  	_ =	shalt  }
0x53: {  	_ =	shalt  }
0x54: {  	_ =	shalt  }
0x55: {  	_ =	shalt  }
0x56: {  	_ =	shalt  }
0x57: {  	_ =	shalt  }
0x58: {  	_ =	shalt  }
0x59: {  	_ =	shalt  }
0x5a: {  	_ =	shalt  }
0x5b: {  	_ =	shalt  }
0x5c: {  	_ =	shalt  }
0x5d: {  	_ =	shalt  }
0x5e: {  	_ =	shalt  }
0x5f: {  	_ =	shalt  }
0x60: {  	_ =	shalt  }
0x61: {  	_ =	shalt  }
0x62: {  	_ =	shalt  }
0x63: {  	_ =	shalt  }
0x64: {  	_ =	shalt  }
0x65: {  	_ =	shalt  }
0x66: {  	_ =	shalt  }
0x67: {  	_ =	shalt  }
0x68: {  	_ =	shalt  }
0x69: {  	_ =	shalt  }
0x6a: {  	_ =	shalt  }
0x6b: {  	_ =	shalt  }
0x6c: {  	_ =	shalt  }
0x6d: {  	_ =	shalt  }
0x6e: {  	_ =	shalt  }
0x6f: {  	_ =	shalt  }
0x70: {  	_ =	shalt  }
0x71: {  	_ =	shalt  }
0x72: {  	_ =	shalt  }
0x73: {  	_ =	shalt  }
0x74: {  	_ =	shalt  }
0x75: {  	_ =	shalt  }
0x76: {  	_ =	shalt  }
0x77: {  	_ =	shalt  }
0x78: {  	_ =	shalt  }
0x79: {  	_ =	shalt  }
0x7a: {  	_ =	shalt  }
0x7b: {  	_ =	shalt  }
0x7c: {  	_ =	shalt  }
0x7d: {  	_ =	shalt  }
0x7e: {  	_ =	shalt  }
0x7f: {  	_ =	shalt  }
0x80: {  	_ =	shalt  }
0x81: {  	_ =	shalt  }
0x82: {  	_ =	shalt  }
0x83: {  	_ =	shalt  }
0x84: {  	_ =	shalt  }
0x85: {  	_ =	shalt  }
0x86: {  	_ =	shalt  }
0x87: {  	_ =	shalt  }
.Lfunc_end0:
.L_simem_size_0:
called_computation_lowered:
.L_overlay_start_0:
0x88: {  	s2 =	sld [smem:$0x3FD9]  }
0x89: {  	s3 =	sld [smem:$0x3FFE];
	_ =	sdelay $0x1  }
0x8a: {  	s1 =	srdreg.scid  }
0x8b: {  	s0 =	sand.u32 $0x1, s1  }
0x8c: {  	s16 =	sshll.u32 s0, $0xA;
	s2 =	sadd.s32 s3, s2  }
0x8d: {  	s2 =	sadd.s32 s2, s16  }
0x8e: {  	[smem:$0x3FB8] =	sst s2  }
0x8f: {  	_ = 	snop  }
0x90: {  	(tm) =	ssettm $0x1  }
0x91: {  	s17 =	sld [smem:$0x3FFB];
	_ =	sdelay $0x3  }
0x92: {  	_ =	strace s17  }
0x93: {  	s2 =	sld [smem:$0x3FFC];
	_ =	sdelay $0x3  }
0x94: {  	_ =	strace s2  }
0x95: {  	s2 =	sld [smem:$0x3FFD];
	_ =	sdelay $0x3  }
0x96: {  	_ =	strace s2  }
0x97: {  	_ =	strace $0x8FFFFFFF  }
0x98: {  	s18 =	sld [smem:$0x3FDB];
	_ =	sdelay $0x1  }
0x99: {  	s19 =	simm.s32 $_scs_section_size  }
0x9a: {  	s4 =	simm.s32 $_size__tile_overlayer_lowered;
	s5 =	simm.s32 $_tile_overlayer_lowered  }
0x9b: {  	s22 =	simm.s32 $0x1BFF;
	s21 =	sshll.u32 s5, $0x1;
	s2 =	sadd.s32 s19, s18  }
0x9c: {  	s6 =	simm.s32 $0x0;
	s20 =	sshll.u32 s4, $0x1;
	s4 =	sadd.s32 s21, s2  }
0x9d: {  	[timem:s6], [sflag:s22] =	dma.local [hbm:s4], s20  }
0x9e: {  	_ =	swait.ge [sflag:s22], s20  }
0x9f: {  	s3 =	ssub.s32 $0x0, s20;
	[sflag:s22] =	ssyncset.done $0x0  }
0xa0: {  	[sflag:s22] =	ssyncadd.s32 s3;
	_ =	sdelay $0x1  }
0xa1: {  	s23 =	simm.s32 $0x1B8B  }
0xa2: {  	_ =	swait.ge [sflag:s23], $0x1  }
0xa3: {  	[sflag:s23] =	ssyncset.done $0x0  }
0xa4: {  	s25 =	simm.s32 $0x1B8E;
	s24 =	sld [smem:$0x3FFE];
	[sflag:s23] =	ssyncadd.s32 $0xFFFFFFFF  }
0xa5: {  	s26 =	simm.s32 $execute0_lowered;
	[smem:$0x3FD2] =	sst s25  }
0xa6: {  	s4 =	sshll.u32 s26, $0x1;
	_ =	strace $0x80000046;
	[dreg:$0x1] =	wrdreg $0xFFFFFFFF  }
0xa7: {  	s28 =	simm.s32 $_size_execute0_lowered;
	s2 =	sadd.s32 s2, s4;
	[dreg:$0x0] =	wrdreg $0x0  }
0xa8: {  	s4 =	sshll.u32 s28, $0x1;
	[dreg:$0x2] =	wrdreg s2  }
0xa9: {  	[dreg:$0x3] =	wrdreg s4  }
0xaa: {  	[dreg:$0x4] =	wrdreg $0xC0  }
0xab: {  	_ =	task [dreg:s6], $0x5FFFF  }
0xac: {  	[dreg:$0x1] =	wrdreg $0xFFFFFFFF  }
0xad: {  	[dreg:$0x0] =	wrdreg $0x60  }
0xae: {  	[dreg:$0x2] =	wrdreg s24  }
0xaf: {  	[dreg:$0x3] =	wrdreg $0x2B000  }
0xb0: {  	[dreg:$0x4] =	wrdreg $0x9  }
0xb1: {  	_ =	task.clear_ibuf [dreg:s6], $0x5FFFF;
	_ =	strace $0x90000046  }
0xb2: {  	s29 =	simm.s32 $0x9;
	_ =	strace $0x80000048  }
0xb3: {  	_ =	swait.ge [sflag:s29], $0x1  }
0xb4: {  	[sflag:s29] =	ssyncadd.s32 $0xFFFFFFFF  }
0xb5: {  	_ =	strace $0x90000048  }
0xb6: {  	_ =	sfence  }
0xb7: {  	s30 =	sld [smem:$0x0];
	_ =	sdelay $0x2  }
0xb8: {  	s31 =	sshll.u32 s1, $0xD;
	s1 =	sshrl.u32 s1, $0x2  }
0xb9: {  	s3 =	sand.u32 $0x4000, s31;
	s1 =	sadd.s32 s1, s30  }
0xba: {  	s0 =	sor.u32 s3, s0;
	s1 =	sshll.u32 s1, $0x11  }
0xbb: {  	s0 =	sor.u32 s1, s0  }
0xbc: {  	s0 =	sadd.s32 $0x8F2B, s0  }
0xbd: {  	[sflag:s0] =	ssyncadd.remote.s32 $0x1  }
0xbe: {  	_ =	sfence.sel $0xFFFF  }
0xbf: {  	[dreg:$0x0] =	wrdreg $0xFFFFFFFF;
	(pc) =	sbr.abs _section_cstart, $3  }
0xc0: {  	[dreg:$0x1] =	wrdreg $0xFFFFFFFF  }
0xc1: {  	_ =	task.clear_ibuf [dreg:s6], $0x2FFFF;
	_ =	strace $0x9FFFFFFF  }
0xc2: {  	(tm) =	ssettm $0x7FFFFFFF  }
0xc3: {  	_ =	shalt  }
tec
execute0_lowered:
.L_overlay_start_1:
0x0: {  	(tag) =	ssettag $0x1  }
0x1: {  	s4 =	rddreg [dreg:$0x0];
	s0 =	srdreg.scid  }
0x2: {  	s2 =	rddreg [dreg:$0x1];
	s1 =	stileid.u32  }
0x3: {  	s3 =	simm.s32 $0x0;
	s10 =	simm.s32 $0x80;
	s11 =	simm.s32 $0x2800  }
0x4: {  	s14 =	simm.s32 $0x20;
	s15 =	simm.s32 $0x10;
	s16 =	simm.s32 $0x0  }
0x5: {  	s5 =	sand.u32 $0x1, s0;
	s0 =	rddreg [dreg:$0x2];
	s7 =	smul.u32 $0x500, s1  }
0x6: {  	[smem:$0x7FF] =	sst s3;
	s30 =	smul.u32 $0xA00, s1;
	s12 =	sshll.u32 s1, $0x6  }
0x7: {  	s6 =	sshll.u32 s5, $0x4;
	s8 =	sshll.u32 s5, $0x7;
	_ =	strace $0x80000047  }
0x8: {  	s5 =	ssub.s32 $0x2, s5;
	s12 =	sor.u32 $0x1C01, s12;
	s6 =	sor.u32 s1, s6  }
0x9: {  	s7 =	sor.u32 s8, s7;
	s31 =	sshrl.u32 s5, $0x1;
	s6 =	smul.u32 $0x500, s6  }
0xa: {  	s8 =	sshrl.u32 s30, $0x2;
	s7 =	sshrl.u32 s7, $0x3;
	s9 =	ssub.s32 s5, s31  }
0xb: {  	s5 =	sadd.s32 s8, s2;
	s8 =	simm.s32 $0x1;
	s6 =	sadd.s32 s6, s4  }
0xc: {  	s7 =	sadd.s32 s7, s4;
	s13 =	sshrl.u32 s5, $0x3;
	s4 =	sadd.s32 $0x2E00, s6  }
0xd: {  	v0 =	vimm.f32 $1.000000000e+00;
	v1 =	vimm.f32 $0.0e+00;
	s6 =	sadd.s32 $0xCE00, s7;
	s7 =	smax.u32 s9, $0x1;
	s9 =	simm.s32 $0x2880  }
.LBB2_1:
0xe: {  	[tilespmem:$0x2800] =	vst v0  }
0xf: {  	[tilespmem:$0x2810] =	vst v0  }
0x10: {  	[tilespmem:$0x2820] =	vst v0  }
0x11: {  	[tilespmem:$0x2830] =	vst v0  }
0x12: {  	[tilespmem:$0x2840] =	vst v0  }
0x13: {  	[tilespmem:$0x2850] =	vst v0  }
0x14: {  	[tilespmem:$0x2860] =	vst v0  }
0x15: {  	[tilespmem:$0x2870] =	vst v0  }
0x16: {  	[tilespmem:$0x2880] =	vst v1  }
0x17: {  	[tilespmem:$0x2890] =	vst v1  }
0x18: {  	[tilespmem:$0x28A0] =	vst v1  }
0x19: {  	[tilespmem:$0x28B0] =	vst v1  }
0x1a: {  	[tilespmem:$0x28C0] =	vst v1  }
0x1b: {  	[tilespmem:$0x28D0] =	vst v1  }
0x1c: {  	[tilespmem:$0x28E0] =	vst v1  }
0x1d: {  	[tilespmem:$0x28F0] =	vst v1  }
0x1e: {  	[tilespmem:$0x2900] =	vst v1  }
0x1f: {  	[tilespmem:$0x2910] =	vst v1  }
0x20: {  	[tilespmem:$0x2920] =	vst v1  }
0x21: {  	[tilespmem:$0x2930] =	vst v1  }
0x22: {  	[tilespmem:$0x2940] =	vst v1  }
0x23: {  	[tilespmem:$0x2950] =	vst v1  }
0x24: {  	[tilespmem:$0x2960] =	vst v1  }
0x25: {  	[tilespmem:$0x2970] =	vst v1  }
0x26: {  	[tilespmem:$0x2980] =	vst v1  }
0x27: {  	[tilespmem:$0x2990] =	vst v1  }
0x28: {  	[tilespmem:$0x29A0] =	vst v1  }
0x29: {  	[tilespmem:$0x29B0] =	vst v1  }
0x2a: {  	[tilespmem:$0x29C0] =	vst v1  }
0x2b: {  	[tilespmem:$0x29D0] =	vst v1  }
0x2c: {  	[tilespmem:$0x29E0] =	vst v1  }
0x2d: {  	[tilespmem:$0x29F0] =	vst v1  }
0x2e: {  	[tilespmem:$0x2A00] =	vst v1  }
0x2f: {  	[tilespmem:$0x2A10] =	vst v1  }
0x30: {  	[tilespmem:$0x2A20] =	vst v1  }
0x31: {  	[tilespmem:$0x2A30] =	vst v1  }
0x32: {  	[tilespmem:$0x2A40] =	vst v1  }
0x33: {  	[tilespmem:$0x2A50] =	vst v1  }
0x34: {  	[tilespmem:$0x2A60] =	vst v1  }
0x35: {  	[tilespmem:$0x2A70] =	vst v1  }
0x36: {  	[tilespmem:$0x2A80] =	vst v1  }
0x37: {  	[tilespmem:$0x2A90] =	vst v1  }
0x38: {  	[tilespmem:$0x2AA0] =	vst v1  }
0x39: {  	[tilespmem:$0x2AB0] =	vst v1  }
0x3a: {  	[tilespmem:$0x2AC0] =	vst v1  }
0x3b: {  	[tilespmem:$0x2AD0] =	vst v1  }
0x3c: {  	[tilespmem:$0x2AE0] =	vst v1  }
0x3d: {  	[tilespmem:$0x2AF0] =	vst v1  }
0x3e: {  	[tilespmem:s3], [sflag:$0x1] =	stream.linear.gather [hbm4b:s4+s3], $0x2800, $0x38;
	[tilespmem:$0x2D80] =	vst v63  }
0x3f: {  	_ =	swait.ge [sflag:s8], $0x2800  }
0x40: {  	[sflag:s8] =	ssyncset.done $0x0  }
0x41: {  	[sflag:s8] =	ssyncadd.s32 $0xFFFFD800  }
0x42: {  	[spmem:s5] =	stream.linear.scatter [tilespmem:s9], [sflag:$0x1], $0x280, $0x38;
	[tilespmem:$0x2D80] =	vst v63  }
0x43: {  	_ =	swait.ge [sflag:s8], $0x280  }
0x44: {  	[sflag:s8] =	ssyncset.done $0x0  }
0x45: {  	[sflag:s8] =	ssyncadd.s32 $0xFFFFFD80  }
0x46: {  	s17 =	simm.s32 $0x0;
	[bflag:$0x0] =	sbarrier.arrive $0xFFFF  }
0x47: {  	[spmem:s2] =	stream.indirect.scatter.add.f32 [tilespmem:s11], [sflag:$0x1], $0x1, s17, s10, $0xb8;
	[tilespmem:$0x2D80] =	vst v63  }
0x48: {  	_ =	swait.ge [sflag:s8], $0x80  }
0x49: {  	s17 =	simm.s32 $0x200;
	[sflag:s8] =	ssyncset.done $0x0  }
.LBB2_2:
0x4a: {  	s18 =	sshra.s32 s17, $0x2;
	[sflag:s8] =	ssyncadd.s32 $0xFFFFFF80;
	p0 =	sne.s32 s17, $0x9E00  }
0x4b: {  	[spmem:s2] =	stream.indirect.scatter.add.f32 [tilespmem:s11], [sflag:$0x1], $0x1, s18, s10, $0xb8;
	[tilespmem:$0x2D80] =	vst v63  }
.Ltmp0:
0x4c: {  	_ = 	snop;
	(pc) =	sbr.rel @p0 .LBB2_2-.Ltmp0, $4  }
0x4d: {  	_ = 	snop  }
0x4e: {  	s17 =	sadd.s32 $0x200, s17  }
0x4f: {  	_ =	swait.ge [sflag:s8], $0x80  }
0x50: {  	[sflag:s8] =	ssyncset.done $0x0  }
0x51: {  	s16 =	sadd.s32 $0x1, s16  }
0x52: {  	[sflag:s8] =	ssyncadd.s32 $0xFFFFFF80;
	p0 =	sne.s32 s16, s7  }
.Ltmp1:
0x53: {  	[bflag:$0x0] =	sbarrier.arrive $0xFFFF;
	(pc) =	sbr.rel @p0 .LBB2_1-.Ltmp1, $4  }
0x54: {  	[hbm:s6@s14], [sflag:s12] =	dma.strided [spmem:s13@s15], $0x50, s8, $0x10   }
0x55: {  	_ =	swait.ge [sflag:s8], $0x50  }
0x56: {  	[sflag:s8] =	ssyncset.done $0x0  }
0x57: {  	[sflag:s8] =	ssyncadd.s32 $0xFFFFFFB0  }
0x58: {  	_ =	sfence.sel $0x180000  }
0x59: {  	[bflag:$0x0] =	sbarrier.arrive $0xFFFF  }
0x5a: {  	p0 =	sne.s32 s1, $0x0;
	_ =	strace $0x90000047  }
0x5b: {  	s0 =	sadd.s32 @!p0 $0x100000, s0;
	[bflag:$0x2] =	sbarrier.arrive $0xFFFF  }
0x5c: {  	[sflag:s0] =	ssyncadd.tile.s32 @!p0 $0x1;
	_ =	shalt  }
.Lfunc_end2:
_tile_overlayer_lowered:
.L_overlay_start_2:
0x5d: {  	(tag) =	ssettag $0x2  }
0x5e: {  	s0 =	rddreg [dreg:$0x0];
	s2 =	stileid.u32  }
0x5f: {  	s1 =	rddreg [dreg:$0x1];
	p0 =	sne.s32 s2, $0x0  }
0x60: {  	s3 =	rddreg [dreg:$0x2];
	[bflag:$0x3] =	sbarrier.arrive $0xFFFF;
	s2 =	simm.s32 @!p0 $0x1C01  }
0x61: {  	[timem:s3], [sflag:s2] =	dma.local @!p0 [hbm:s0], s1  }
0x62: {  	s0 =	simm.s32 @!p0 $0x1  }
0x63: {  	_ =	swait.ge @!p0 [sflag:s0], s1  }
0x64: {  	s1 =	ssub.s32 @!p0 $0x0, s1;
	[sflag:s0] =	ssyncset.done @!p0 $0x0  }
0x65: {  	[sflag:s0] =	ssyncadd.s32 @!p0 s1  }
0x66: {  	[bflag:$0x3] =	sbarrier.arrive $0xFFFF  }
0x67: {  	_ =	shalt  }

</sc_bundles>
